<compile_context>
chip_gen: v7x
topology: tpu7x:2x2x1
jax: 0.10.2.dev20260603
libtpu: 0.0.44.dev20260713+nightly
codegen_flags: <defaults>
</compile_context>

<pallas_src>
import functools

import jax
import jax.numpy as jnp
from jax import lax
from jax.experimental import pallas as pl
from jax.experimental.pallas import tpu as pltpu
from jax.experimental.pallas import tpu_sc as plsc

E = 320000
N = 10000
D = 128
C = 128
NCHUNK = E // C
NW = 32
MAX_ITER = -(-NCHUNK // NW)
L = 16


def _start(z_hbm, src_hbm, dst_hbm, c, idx_s, idx_d, rows_s, rows_d, sem):

    @pl.when(c < NCHUNK)
    def _():
        pltpu.sync_copy(src_hbm.at[c], idx_s)
        pltpu.sync_copy(dst_hbm.at[c], idx_d)
        pltpu.async_copy(z_hbm.at[idx_s], rows_s, sem)
        pltpu.async_copy(z_hbm.at[idx_d], rows_d, sem)


def _finish(z_hbm, out_hbm, c, idx_s, idx_d, rows_s, rows_d, sem, out_v):

    @pl.when(c < NCHUNK)
    def _():
        pltpu.make_async_copy(z_hbm.at[idx_s], rows_s, sem).wait()
        pltpu.make_async_copy(z_hbm.at[idx_d], rows_d, sem).wait()

        def group(g, _):
            rows = lax.iota(jnp.int32, L) + g * L
            acc = jnp.zeros((L,), jnp.float32)
            for d in range(D):
                col = jnp.full((L,), d, jnp.int32)
                s = plsc.load_gather(rows_s, [rows, col])
                t = plsc.load_gather(rows_d, [rows, col])
                acc = acc + s * t
            out_v[pl.ds(g * L, L)] = acc
            return 0

        lax.fori_loop(0, C // L, group, 0)
        pltpu.sync_copy(out_v, out_hbm.at[c])


def _sc_decoder(z, src2d, dst2d):
    mesh = plsc.VectorSubcoreMesh(core_axis_name="c", subcore_axis_name="s")

    @functools.partial(
        pl.kernel,
        mesh=mesh,
        compiler_params=pltpu.CompilerParams(needs_layout_passes=False),
        out_type=jax.ShapeDtypeStruct((NCHUNK, C), jnp.float32),
        scratch_types=[
            pltpu.VMEM((C,), jnp.int32),
            pltpu.VMEM((C,), jnp.int32),
            pltpu.VMEM((C,), jnp.int32),
            pltpu.VMEM((C,), jnp.int32),
            pltpu.VMEM((C, D), jnp.float32),
            pltpu.VMEM((C, D), jnp.float32),
            pltpu.VMEM((C, D), jnp.float32),
            pltpu.VMEM((C, D), jnp.float32),
            pltpu.VMEM((C,), jnp.float32),
            pltpu.SemaphoreType.DMA,
            pltpu.SemaphoreType.DMA,
        ],
    )
    def k(z_hbm, src_hbm, dst_hbm, out_hbm,
          is0, id0, is1, id1, rs0, rd0, rs1, rd1, out_v, sem0, sem1):
        wid = lax.axis_index("s") * 2 + lax.axis_index("c")

        buf0 = (is0, id0, rs0, rd0, sem0)
        buf1 = (is1, id1, rs1, rd1, sem1)

        _start(z_hbm, src_hbm, dst_hbm, wid, *buf0)

        def body(j, _):
            c0 = wid + NW * (2 * j)
            c1 = c0 + NW
            c2 = c1 + NW
            _start(z_hbm, src_hbm, dst_hbm, c1, *buf1)
            _finish(z_hbm, out_hbm, c0, *buf0, out_v)
            _start(z_hbm, src_hbm, dst_hbm, c2, *buf0)
            _finish(z_hbm, out_hbm, c1, *buf1, out_v)
            return 0

        lax.fori_loop(0, (MAX_ITER + 1) // 2, body, 0)

    return k(z, src2d, dst2d)


def kernel(z, edge_pairs):
    idx = edge_pairs.astype(jnp.int32)
    src2d = idx[:, 0].reshape(NCHUNK, C)
    dst2d = idx[:, 1].reshape(NCHUNK, C)
    out = _sc_decoder(z, src2d, dst2d)
    return out.reshape(E)

# --- scband reference (transcript-rebuilt; emitter-appended) ---
"""Pipeline reference for scband-inner-product-decoder-18528488915294 (READ-ONLY COPY).

The authoritative reference and input builder live on the scoring server;
editing this copy changes nothing except your own understanding.
"""

import jax, jax.numpy as jnp
import numpy as np


def setup_inputs(seed: int = 0) -> dict:
    key = jax.random.key(seed)
    k1, k2 = jax.random.split(key)
    z = jax.random.normal(k1, (10000, 128), dtype=jnp.float32)
    edge_pairs = jax.random.randint(k2, (320000, 2), 0, 10000, dtype=jnp.int64)
    return {"z": z, "edge_pairs": edge_pairs}


def reference(z, edge_pairs):
    src = edge_pairs[:, 0]
    dst = edge_pairs[:, 1]
    z_src = jnp.take(z, src, axis=0)
    z_dst = jnp.take(z, dst, axis=0)
    logits = jnp.sum(z_src * z_dst, axis=-1)
    return logits

if __name__ == "__main__":
    import jax
    _d = setup_inputs()
    print(jax.jit(kernel)(*tuple(_d.values())))

</pallas_src>

<mosaic_0001>
#map = affine_map<(d0, d1) -> (0, 0)>
module attributes {stable_mosaic.version = 14 : i64} {
  func.func @k(%arg0: i32, %arg1: i32, %arg2: memref<10000x128xf32, #tpu.memory_space<hbm>>, %arg3: memref<2500x128xi32, #tpu.memory_space<hbm>>, %arg4: memref<2500x128xi32, #tpu.memory_space<hbm>>, %arg5: memref<2500x128xf32, #tpu.memory_space<hbm>>, %arg6: memref<128xi32, #tpu.memory_space<vmem>>, %arg7: memref<128xi32, #tpu.memory_space<vmem>>, %arg8: memref<128xi32, #tpu.memory_space<vmem>>, %arg9: memref<128xi32, #tpu.memory_space<vmem>>, %arg10: memref<128x128xf32, #tpu.memory_space<vmem>>, %arg11: memref<128x128xf32, #tpu.memory_space<vmem>>, %arg12: memref<128x128xf32, #tpu.memory_space<vmem>>, %arg13: memref<128x128xf32, #tpu.memory_space<vmem>>, %arg14: memref<128xf32, #tpu.memory_space<vmem>>, %arg15: memref<!tpu.dma_semaphore, #tpu.memory_space<semaphore_mem>>, %arg16: memref<!tpu.dma_semaphore, #tpu.memory_space<semaphore_mem>>) attributes {dimension_semantics = [#tpu.dimension_semantics<core_parallel>, #tpu.dimension_semantics<subcore_parallel>], iteration_bounds = array<i64: 2, 16>, scalar_prefetch = 0 : i64, scratch_operands = 11 : i64, tpu.core_type = #tpu.core_type<sc_vector_subcore>, window_params = [{transform_indices = #map}, {transform_indices = #map}, {transform_indices = #map}, {transform_indices = #map}]} {
    %mul3A = arith.constant 2 : i32
    %mul3A_0 = arith.muli %arg1, %mul3A : i32
    %add3A = arith.addi %mul3A_0, %arg0 : i32
    %lt3A = arith.constant 2500 : i32
    %lt3A_1 = arith.cmpi slt, %add3A, %lt3A : i32
    %convert_element_type3A = arith.extui %lt3A_1 : i1 to i32
    %cond3A = arith.constant 0 : i32
    %cond3A_2 = arith.cmpi ne, %convert_element_type3A, %cond3A : i32
    scf.if %cond3A_2 {
      "tpu.region"() ({
        %run_scoped3A = tpu.sem_alloc : memref<!tpu.dma_semaphore, #tpu.memory_space<semaphore_mem>>
        %dma_start3A_14 = arith.constant 0 : i32
        %dma_start3A_15 = tpu.memref_slice %arg3[%add3A, %dma_start3A_14] : memref<2500x128xi32, #tpu.memory_space<hbm>> -> memref<1x128xi32, #tpu.memory_space<hbm>>
        %dma_start3A_16 = tpu.memref_squeeze %dma_start3A_15 : memref<1x128xi32, #tpu.memory_space<hbm>> -> memref<128xi32, #tpu.memory_space<hbm>>
        %dma_start3A_17 = arith.constant 0 : i32
        %dma_start3A_18 = tpu.memref_slice %arg3[%add3A, %dma_start3A_17] : memref<2500x128xi32, #tpu.memory_space<hbm>> -> memref<1x128xi32, #tpu.memory_space<hbm>>
        %dma_start3A_19 = tpu.memref_squeeze %dma_start3A_18 : memref<1x128xi32, #tpu.memory_space<hbm>> -> memref<128xi32, #tpu.memory_space<hbm>>
        tpu.enqueue_dma source(%dma_start3A_19 : memref<128xi32, #tpu.memory_space<hbm>>) target(%arg6 : memref<128xi32, #tpu.memory_space<vmem>>) target_semaphore(%run_scoped3A : memref<!tpu.dma_semaphore, #tpu.memory_space<semaphore_mem>>)
        %dma_wait3A = arith.constant 0 : i32
        %dma_wait3A_20 = tpu.memref_slice %arg3[%add3A, %dma_wait3A] : memref<2500x128xi32, #tpu.memory_space<hbm>> -> memref<1x128xi32, #tpu.memory_space<hbm>>
        %dma_wait3A_21 = tpu.memref_squeeze %dma_wait3A_20 : memref<1x128xi32, #tpu.memory_space<hbm>> -> memref<128xi32, #tpu.memory_space<hbm>>
        %dma_wait3A_22 = arith.constant 0 : i32
        %dma_wait3A_23 = tpu.memref_slice %arg3[%add3A, %dma_wait3A_22] : memref<2500x128xi32, #tpu.memory_space<hbm>> -> memref<1x128xi32, #tpu.memory_space<hbm>>
        %dma_wait3A_24 = tpu.memref_squeeze %dma_wait3A_23 : memref<1x128xi32, #tpu.memory_space<hbm>> -> memref<128xi32, #tpu.memory_space<hbm>>
        tpu.wait_dma2 semaphore(%run_scoped3A : memref<!tpu.dma_semaphore, #tpu.memory_space<semaphore_mem>>) src(%dma_wait3A_24 : memref<128xi32, #tpu.memory_space<hbm>>) dst(%arg6 : memref<128xi32, #tpu.memory_space<vmem>>)
        tpu.yield
      }) : () -> ()
      "tpu.region"() ({
        %run_scoped3A = tpu.sem_alloc : memref<!tpu.dma_semaphore, #tpu.memory_space<semaphore_mem>>
        %dma_start3A_14 = arith.constant 0 : i32
        %dma_start3A_15 = tpu.memref_slice %arg4[%add3A, %dma_start3A_14] : memref<2500x128xi32, #tpu.memory_space<hbm>> -> memref<1x128xi32, #tpu.memory_space<hbm>>
        %dma_start3A_16 = tpu.memref_squeeze %dma_start3A_15 : memref<1x128xi32, #tpu.memory_space<hbm>> -> memref<128xi32, #tpu.memory_space<hbm>>
        %dma_start3A_17 = arith.constant 0 : i32
        %dma_start3A_18 = tpu.memref_slice %arg4[%add3A, %dma_start3A_17] : memref<2500x128xi32, #tpu.memory_space<hbm>> -> memref<1x128xi32, #tpu.memory_space<hbm>>
        %dma_start3A_19 = tpu.memref_squeeze %dma_start3A_18 : memref<1x128xi32, #tpu.memory_space<hbm>> -> memref<128xi32, #tpu.memory_space<hbm>>
        tpu.enqueue_dma source(%dma_start3A_19 : memref<128xi32, #tpu.memory_space<hbm>>) target(%arg7 : memref<128xi32, #tpu.memory_space<vmem>>) target_semaphore(%run_scoped3A : memref<!tpu.dma_semaphore, #tpu.memory_space<semaphore_mem>>)
        %dma_wait3A = arith.constant 0 : i32
        %dma_wait3A_20 = tpu.memref_slice %arg4[%add3A, %dma_wait3A] : memref<2500x128xi32, #tpu.memory_space<hbm>> -> memref<1x128xi32, #tpu.memory_space<hbm>>
        %dma_wait3A_21 = tpu.memref_squeeze %dma_wait3A_20 : memref<1x128xi32, #tpu.memory_space<hbm>> -> memref<128xi32, #tpu.memory_space<hbm>>
        %dma_wait3A_22 = arith.constant 0 : i32
        %dma_wait3A_23 = tpu.memref_slice %arg4[%add3A, %dma_wait3A_22] : memref<2500x128xi32, #tpu.memory_space<hbm>> -> memref<1x128xi32, #tpu.memory_space<hbm>>
        %dma_wait3A_24 = tpu.memref_squeeze %dma_wait3A_23 : memref<1x128xi32, #tpu.memory_space<hbm>> -> memref<128xi32, #tpu.memory_space<hbm>>
        tpu.wait_dma2 semaphore(%run_scoped3A : memref<!tpu.dma_semaphore, #tpu.memory_space<semaphore_mem>>) src(%dma_wait3A_24 : memref<128xi32, #tpu.memory_space<hbm>>) dst(%arg7 : memref<128xi32, #tpu.memory_space<vmem>>)
        tpu.yield
      }) : () -> ()
      %dma_start3A = arith.constant 0 : i32
      %dma_start3A_9 = arith.constant 0 : i32
      %dma_start3A_10 = tpu.memref_slice %arg2[%dma_start3A, %dma_start3A_9] : memref<10000x128xf32, #tpu.memory_space<hbm>> -> memref<10000x128xf32, #tpu.memory_space<hbm>>
      tpu.enqueue_indirect_dma source(%dma_start3A_10 : memref<10000x128xf32, #tpu.memory_space<hbm>>) target(%arg10 : memref<128x128xf32, #tpu.memory_space<vmem>>) offsets(%arg6 : memref<128xi32, #tpu.memory_space<vmem>>) semaphore(%arg15 : memref<!tpu.dma_semaphore, #tpu.memory_space<semaphore_mem>>)
      %dma_start3A_11 = arith.constant 0 : i32
      %dma_start3A_12 = arith.constant 0 : i32
      %dma_start3A_13 = tpu.memref_slice %arg2[%dma_start3A_11, %dma_start3A_12] : memref<10000x128xf32, #tpu.memory_space<hbm>> -> memref<10000x128xf32, #tpu.memory_space<hbm>>
      tpu.enqueue_indirect_dma source(%dma_start3A_13 : memref<10000x128xf32, #tpu.memory_space<hbm>>) target(%arg11 : memref<128x128xf32, #tpu.memory_space<vmem>>) offsets(%arg7 : memref<128xi32, #tpu.memory_space<vmem>>) semaphore(%arg15 : memref<!tpu.dma_semaphore, #tpu.memory_space<semaphore_mem>>)
    } else {
    }
    %scan3A = arith.constant 0 : i32
    %scan3A_3 = arith.constant 0 : i32
    %scan3A_4 = arith.constant 40 : i32
    %scan3A_5 = arith.addi %scan3A_3, %scan3A_4 : i32
    %scan3A_6 = arith.constant 1 : i32
    %scan3A_7 = scf.for %scan3A_9 = %scan3A_3 to %scan3A_5 step %scan3A_6 iter_args(%scan3A_10 = %scan3A) -> (i32)  : i32 {
      %mul3A_11 = arith.constant 2 : i32
      %mul3A_12 = arith.muli %mul3A_11, %scan3A_9 : i32
      %mul3A_13 = arith.constant 32 : i32
      %mul3A_14 = arith.muli %mul3A_13, %mul3A_12 : i32
      %add3A_15 = arith.addi %add3A, %mul3A_14 : i32
      %add3A_16 = arith.constant 32 : i32
      %add3A_17 = arith.addi %add3A_15, %add3A_16 : i32
      %add3A_18 = arith.constant 32 : i32
      %add3A_19 = arith.addi %add3A_17, %add3A_18 : i32
      %lt3A_20 = arith.constant 2500 : i32
      %lt3A_21 = arith.cmpi slt, %add3A_17, %lt3A_20 : i32
      %convert_element_type3A_22 = arith.extui %lt3A_21 : i1 to i32
      %cond3A_23 = arith.constant 0 : i32
      %cond3A_24 = arith.cmpi ne, %convert_element_type3A_22, %cond3A_23 : i32
      scf.if %cond3A_24 {
        "tpu.region"() ({
          %run_scoped3A = tpu.sem_alloc : memref<!tpu.dma_semaphore, #tpu.memory_space<semaphore_mem>>
          %dma_start3A_46 = arith.constant 0 : i32
          %dma_start3A_47 = tpu.memref_slice %arg3[%add3A_17, %dma_start3A_46] : memref<2500x128xi32, #tpu.memory_space<hbm>> -> memref<1x128xi32, #tpu.memory_space<hbm>>
          %dma_start3A_48 = tpu.memref_squeeze %dma_start3A_47 : memref<1x128xi32, #tpu.memory_space<hbm>> -> memref<128xi32, #tpu.memory_space<hbm>>
          %dma_start3A_49 = arith.constant 0 : i32
          %dma_start3A_50 = tpu.memref_slice %arg3[%add3A_17, %dma_start3A_49] : memref<2500x128xi32, #tpu.memory_space<hbm>> -> memref<1x128xi32, #tpu.memory_space<hbm>>
          %dma_start3A_51 = tpu.memref_squeeze %dma_start3A_50 : memref<1x128xi32, #tpu.memory_space<hbm>> -> memref<128xi32, #tpu.memory_space<hbm>>
          tpu.enqueue_dma source(%dma_start3A_51 : memref<128xi32, #tpu.memory_space<hbm>>) target(%arg8 : memref<128xi32, #tpu.memory_space<vmem>>) target_semaphore(%run_scoped3A : memref<!tpu.dma_semaphore, #tpu.memory_space<semaphore_mem>>)
          %dma_wait3A = arith.constant 0 : i32
          %dma_wait3A_52 = tpu.memref_slice %arg3[%add3A_17, %dma_wait3A] : memref<2500x128xi32, #tpu.memory_space<hbm>> -> memref<1x128xi32, #tpu.memory_space<hbm>>
          %dma_wait3A_53 = tpu.memref_squeeze %dma_wait3A_52 : memref<1x128xi32, #tpu.memory_space<hbm>> -> memref<128xi32, #tpu.memory_space<hbm>>
          %dma_wait3A_54 = arith.constant 0 : i32
          %dma_wait3A_55 = tpu.memref_slice %arg3[%add3A_17, %dma_wait3A_54] : memref<2500x128xi32, #tpu.memory_space<hbm>> -> memref<1x128xi32, #tpu.memory_space<hbm>>
          %dma_wait3A_56 = tpu.memref_squeeze %dma_wait3A_55 : memref<1x128xi32, #tpu.memory_space<hbm>> -> memref<128xi32, #tpu.memory_space<hbm>>
          tpu.wait_dma2 semaphore(%run_scoped3A : memref<!tpu.dma_semaphore, #tpu.memory_space<semaphore_mem>>) src(%dma_wait3A_56 : memref<128xi32, #tpu.memory_space<hbm>>) dst(%arg8 : memref<128xi32, #tpu.memory_space<vmem>>)
          tpu.yield
        }) : () -> ()
        "tpu.region"() ({
          %run_scoped3A = tpu.sem_alloc : memref<!tpu.dma_semaphore, #tpu.memory_space<semaphore_mem>>
          %dma_start3A_46 = arith.constant 0 : i32
          %dma_start3A_47 = tpu.memref_slice %arg4[%add3A_17, %dma_start3A_46] : memref<2500x128xi32, #tpu.memory_space<hbm>> -> memref<1x128xi32, #tpu.memory_space<hbm>>
          %dma_start3A_48 = tpu.memref_squeeze %dma_start3A_47 : memref<1x128xi32, #tpu.memory_space<hbm>> -> memref<128xi32, #tpu.memory_space<hbm>>
          %dma_start3A_49 = arith.constant 0 : i32
          %dma_start3A_50 = tpu.memref_slice %arg4[%add3A_17, %dma_start3A_49] : memref<2500x128xi32, #tpu.memory_space<hbm>> -> memref<1x128xi32, #tpu.memory_space<hbm>>
          %dma_start3A_51 = tpu.memref_squeeze %dma_start3A_50 : memref<1x128xi32, #tpu.memory_space<hbm>> -> memref<128xi32, #tpu.memory_space<hbm>>
          tpu.enqueue_dma source(%dma_start3A_51 : memref<128xi32, #tpu.memory_space<hbm>>) target(%arg9 : memref<128xi32, #tpu.memory_space<vmem>>) target_semaphore(%run_scoped3A : memref<!tpu.dma_semaphore, #tpu.memory_space<semaphore_mem>>)
          %dma_wait3A = arith.constant 0 : i32
          %dma_wait3A_52 = tpu.memref_slice %arg4[%add3A_17, %dma_wait3A] : memref<2500x128xi32, #tpu.memory_space<hbm>> -> memref<1x128xi32, #tpu.memory_space<hbm>>
          %dma_wait3A_53 = tpu.memref_squeeze %dma_wait3A_52 : memref<1x128xi32, #tpu.memory_space<hbm>> -> memref<128xi32, #tpu.memory_space<hbm>>
          %dma_wait3A_54 = arith.constant 0 : i32
          %dma_wait3A_55 = tpu.memref_slice %arg4[%add3A_17, %dma_wait3A_54] : memref<2500x128xi32, #tpu.memory_space<hbm>> -> memref<1x128xi32, #tpu.memory_space<hbm>>
          %dma_wait3A_56 = tpu.memref_squeeze %dma_wait3A_55 : memref<1x128xi32, #tpu.memory_space<hbm>> -> memref<128xi32, #tpu.memory_space<hbm>>
          tpu.wait_dma2 semaphore(%run_scoped3A : memref<!tpu.dma_semaphore, #tpu.memory_space<semaphore_mem>>) src(%dma_wait3A_56 : memref<128xi32, #tpu.memory_space<hbm>>) dst(%arg9 : memref<128xi32, #tpu.memory_space<vmem>>)
          tpu.yield
        }) : () -> ()
        %dma_start3A = arith.constant 0 : i32
        %dma_start3A_41 = arith.constant 0 : i32
        %dma_start3A_42 = tpu.memref_slice %arg2[%dma_start3A, %dma_start3A_41] : memref<10000x128xf32, #tpu.memory_space<hbm>> -> memref<10000x128xf32, #tpu.memory_space<hbm>>
        tpu.enqueue_indirect_dma source(%dma_start3A_42 : memref<10000x128xf32, #tpu.memory_space<hbm>>) target(%arg12 : memref<128x128xf32, #tpu.memory_space<vmem>>) offsets(%arg8 : memref<128xi32, #tpu.memory_space<vmem>>) semaphore(%arg16 : memref<!tpu.dma_semaphore, #tpu.memory_space<semaphore_mem>>)
        %dma_start3A_43 = arith.constant 0 : i32
        %dma_start3A_44 = arith.constant 0 : i32
        %dma_start3A_45 = tpu.memref_slice %arg2[%dma_start3A_43, %dma_start3A_44] : memref<10000x128xf32, #tpu.memory_space<hbm>> -> memref<10000x128xf32, #tpu.memory_space<hbm>>
        tpu.enqueue_indirect_dma source(%dma_start3A_45 : memref<10000x128xf32, #tpu.memory_space<hbm>>) target(%arg13 : memref<128x128xf32, #tpu.memory_space<vmem>>) offsets(%arg9 : memref<128xi32, #tpu.memory_space<vmem>>) semaphore(%arg16 : memref<!tpu.dma_semaphore, #tpu.memory_space<semaphore_mem>>)
      } else {
      }
      %lt3A_25 = arith.constant 2500 : i32
      %lt3A_26 = arith.cmpi slt, %add3A_15, %lt3A_25 : i32
      %convert_element_type3A_27 = arith.extui %lt3A_26 : i1 to i32
      %cond3A_28 = arith.constant 0 : i32
      %cond3A_29 = arith.cmpi ne, %convert_element_type3A_27, %cond3A_28 : i32
      scf.if %cond3A_29 {
        %dma_wait3A = arith.constant 0 : i32
        %dma_wait3A_41 = arith.constant 0 : i32
        %dma_wait3A_42 = tpu.memref_slice %arg2[%dma_wait3A, %dma_wait3A_41] : memref<10000x128xf32, #tpu.memory_space<hbm>> -> memref<10000x128xf32, #tpu.memory_space<hbm>>
        tpu.wait_indirect_dma semaphore(%arg15 : memref<!tpu.dma_semaphore, #tpu.memory_space<semaphore_mem>>) src(%dma_wait3A_42 : memref<10000x128xf32, #tpu.memory_space<hbm>>) dst(%arg10 : memref<128x128xf32, #tpu.memory_space<vmem>>)
        %dma_wait3A_43 = arith.constant 0 : i32
        %dma_wait3A_44 = arith.constant 0 : i32
        %dma_wait3A_45 = tpu.memref_slice %arg2[%dma_wait3A_43, %dma_wait3A_44] : memref<10000x128xf32, #tpu.memory_space<hbm>> -> memref<10000x128xf32, #tpu.memory_space<hbm>>
        tpu.wait_indirect_dma semaphore(%arg15 : memref<!tpu.dma_semaphore, #tpu.memory_space<semaphore_mem>>) src(%dma_wait3A_45 : memref<10000x128xf32, #tpu.memory_space<hbm>>) dst(%arg11 : memref<128x128xf32, #tpu.memory_space<vmem>>)
        %scan3A_46 = arith.constant 0 : i32
        %scan3A_47 = arith.constant 0 : i32
        %scan3A_48 = arith.constant 8 : i32
        %scan3A_49 = arith.addi %scan3A_47, %scan3A_48 : i32
        %scan3A_50 = arith.constant 1 : i32
        %scan3A_51 = scf.for %scan3A_53 = %scan3A_47 to %scan3A_49 step %scan3A_50 iter_args(%scan3A_54 = %scan3A_46) -> (i32)  : i32 {
          %iota3A = tpu.iota {dimensions = array<i32: 0>} : vector<16xi32>
          %mul3A_55 = arith.constant 16 : i32
          %mul3A_56 = arith.muli %scan3A_53, %mul3A_55 : i32
          %add3A_57 = vector.broadcast %mul3A_56 : i32 to vector<16xi32>
          %add3A_58 = arith.addi %iota3A, %add3A_57 : vector<16xi32>
          %broadcast_in_dim3A = arith.constant 0.000000e+00 : f32
          %broadcast_in_dim3A_59 = vector.broadcast %broadcast_in_dim3A : f32 to vector<16xf32>
          %broadcast_in_dim3A_60 = arith.constant 0 : i32
          %broadcast_in_dim3A_61 = vector.broadcast %broadcast_in_dim3A_60 : i32 to vector<16xi32>
          %gather3A = tpu.vector_load_idx %arg10[%add3A_58, %broadcast_in_dim3A_61] : memref<128x128xf32, #tpu.memory_space<vmem>>[vector<16xi32>, vector<16xi32>], vector<16xf32>,
          %gather3A_62 = tpu.vector_load_idx %arg11[%add3A_58, %broadcast_in_dim3A_61] : memref<128x128xf32, #tpu.memory_space<vmem>>[vector<16xi32>, vector<16xi32>], vector<16xf32>,
          %mul3A_63 = arith.mulf %gather3A, %gather3A_62 : vector<16xf32>
          %add3A_64 = arith.addf %broadcast_in_dim3A_59, %mul3A_63 : vector<16xf32>
          %broadcast_in_dim3A_65 = arith.constant 1 : i32
          %broadcast_in_dim3A_66 = vector.broadcast %broadcast_in_dim3A_65 : i32 to vector<16xi32>
          %gather3A_67 = tpu.vector_load_idx %arg10[%add3A_58, %broadcast_in_dim3A_66] : memref<128x128xf32, #tpu.memory_space<vmem>>[vector<16xi32>, vector<16xi32>], vector<16xf32>,
          %gather3A_68 = tpu.vector_load_idx %arg11[%add3A_58, %broadcast_in_dim3A_66] : memref<128x128xf32, #tpu.memory_space<vmem>>[vector<16xi32>, vector<16xi32>], vector<16xf32>,
          %mul3A_69 = arith.mulf %gather3A_67, %gather3A_68 : vector<16xf32>
          %add3A_70 = arith.addf %add3A_64, %mul3A_69 : vector<16xf32>
          %broadcast_in_dim3A_71 = arith.constant 2 : i32
          %broadcast_in_dim3A_72 = vector.broadcast %broadcast_in_dim3A_71 : i32 to vector<16xi32>
          %gather3A_73 = tpu.vector_load_idx %arg10[%add3A_58, %broadcast_in_dim3A_72] : memref<128x128xf32, #tpu.memory_space<vmem>>[vector<16xi32>, vector<16xi32>], vector<16xf32>,
          %gather3A_74 = tpu.vector_load_idx %arg11[%add3A_58, %broadcast_in_dim3A_72] : memref<128x128xf32, #tpu.memory_space<vmem>>[vector<16xi32>, vector<16xi32>], vector<16xf32>,
          %mul3A_75 = arith.mulf %gather3A_73, %gather3A_74 : vector<16xf32>
          %add3A_76 = arith.addf %add3A_70, %mul3A_75 : vector<16xf32>
          %broadcast_in_dim3A_77 = arith.constant 3 : i32
          %broadcast_in_dim3A_78 = vector.broadcast %broadcast_in_dim3A_77 : i32 to vector<16xi32>
          %gather3A_79 = tpu.vector_load_idx %arg10[%add3A_58, %broadcast_in_dim3A_78] : memref<128x128xf32, #tpu.memory_space<vmem>>[vector<16xi32>, vector<16xi32>], vector<16xf32>,
          %gather3A_80 = tpu.vector_load_idx %arg11[%add3A_58, %broadcast_in_dim3A_78] : memref<128x128xf32, #tpu.memory_space<vmem>>[vector<16xi32>, vector<16xi32>], vector<16xf32>,
          %mul3A_81 = arith.mulf %gather3A_79, %gather3A_80 : vector<16xf32>
          %add3A_82 = arith.addf %add3A_76, %mul3A_81 : vector<16xf32>
          %broadcast_in_dim3A_83 = arith.constant 4 : i32
          %broadcast_in_dim3A_84 = vector.broadcast %broadcast_in_dim3A_83 : i32 to vector<16xi32>
          %gather3A_85 = tpu.vector_load_idx %arg10[%add3A_58, %broadcast_in_dim3A_84] : memref<128x128xf32, #tpu.memory_space<vmem>>[vector<16xi32>, vector<16xi32>], vector<16xf32>,
          %gather3A_86 = tpu.vector_load_idx %arg11[%add3A_58, %broadcast_in_dim3A_84] : memref<128x128xf32, #tpu.memory_space<vmem>>[vector<16xi32>, vector<16xi32>], vector<16xf32>,
          %mul3A_87 = arith.mulf %gather3A_85, %gather3A_86 : vector<16xf32>
          %add3A_88 = arith.addf %add3A_82, %mul3A_87 : vector<16xf32>
          %broadcast_in_dim3A_89 = arith.constant 5 : i32
          %broadcast_in_dim3A_90 = vector.broadcast %broadcast_in_dim3A_89 : i32 to vector<16xi32>
          %gather3A_91 = tpu.vector_load_idx %arg10[%add3A_58, %broadcast_in_dim3A_90] : memref<128x128xf32, #tpu.memory_space<vmem>>[vector<16xi32>, vector<16xi32>], vector<16xf32>,
          %gather3A_92 = tpu.vector_load_idx %arg11[%add3A_58, %broadcast_in_dim3A_90] : memref<128x128xf32, #tpu.memory_space<vmem>>[vector<16xi32>, vector<16xi32>], vector<16xf32>,
          %mul3A_93 = arith.mulf %gather3A_91, %gather3A_92 : vector<16xf32>
          %add3A_94 = arith.addf %add3A_88, %mul3A_93 : vector<16xf32>
          %broadcast_in_dim3A_95 = arith.constant 6 : i32
          %broadcast_in_dim3A_96 = vector.broadcast %broadcast_in_dim3A_95 : i32 to vector<16xi32>
          %gather3A_97 = tpu.vector_load_idx %arg10[%add3A_58, %broadcast_in_dim3A_96] : memref<128x128xf32, #tpu.memory_space<vmem>>[vector<16xi32>, vector<16xi32>], vector<16xf32>,
          %gather3A_98 = tpu.vector_load_idx %arg11[%add3A_58, %broadcast_in_dim3A_96] : memref<128x128xf32, #tpu.memory_space<vmem>>[vector<16xi32>, vector<16xi32>], vector<16xf32>,
          %mul3A_99 = arith.mulf %gather3A_97, %gather3A_98 : vector<16xf32>
          %add3A_100 = arith.addf %add3A_94, %mul3A_99 : vector<16xf32>
          %broadcast_in_dim3A_101 = arith.constant 7 : i32
          %broadcast_in_dim3A_102 = vector.broadcast %broadcast_in_dim3A_101 : i32 to vector<16xi32>
          %gather3A_103 = tpu.vector_load_idx %arg10[%add3A_58, %broadcast_in_dim3A_102] : memref<128x128xf32, #tpu.memory_space<vmem>>[vector<16xi32>, vector<16xi32>], vector<16xf32>,
          %gather3A_104 = tpu.vector_load_idx %arg11[%add3A_58, %broadcast_in_dim3A_102] : memref<128x128xf32, #tpu.memory_space<vmem>>[vector<16xi32>, vector<16xi32>], vector<16xf32>,
          %mul3A_105 = arith.mulf %gather3A_103, %gather3A_104 : vector<16xf32>
          %add3A_106 = arith.addf %add3A_100, %mul3A_105 : vector<16xf32>
          %broadcast_in_dim3A_107 = arith.constant 8 : i32
          %broadcast_in_dim3A_108 = vector.broadcast %broadcast_in_dim3A_107 : i32 to vector<16xi32>
          %gather3A_109 = tpu.vector_load_idx %arg10[%add3A_58, %broadcast_in_dim3A_108] : memref<128x128xf32, #tpu.memory_space<vmem>>[vector<16xi32>, vector<16xi32>], vector<16xf32>,
          %gather3A_110 = tpu.vector_load_idx %arg11[%add3A_58, %broadcast_in_dim3A_108] : memref<128x128xf32, #tpu.memory_space<vmem>>[vector<16xi32>, vector<16xi32>], vector<16xf32>,
          %mul3A_111 = arith.mulf %gather3A_109, %gather3A_110 : vector<16xf32>
          %add3A_112 = arith.addf %add3A_106, %mul3A_111 : vector<16xf32>
          %broadcast_in_dim3A_113 = arith.constant 9 : i32
          %broadcast_in_dim3A_114 = vector.broadcast %broadcast_in_dim3A_113 : i32 to vector<16xi32>
          %gather3A_115 = tpu.vector_load_idx %arg10[%add3A_58, %broadcast_in_dim3A_114] : memref<128x128xf32, #tpu.memory_space<vmem>>[vector<16xi32>, vector<16xi32>], vector<16xf32>,
          %gather3A_116 = tpu.vector_load_idx %arg11[%add3A_58, %broadcast_in_dim3A_114] : memref<128x128xf32, #tpu.memory_space<vmem>>[vector<16xi32>, vector<16xi32>], vector<16xf32>,
          %mul3A_117 = arith.mulf %gather3A_115, %gather3A_116 : vector<16xf32>
          %add3A_118 = arith.addf %add3A_112, %mul3A_117 : vector<16xf32>
          %broadcast_in_dim3A_119 = arith.constant 10 : i32
          %broadcast_in_dim3A_120 = vector.broadcast %broadcast_in_dim3A_119 : i32 to vector<16xi32>
          %gather3A_121 = tpu.vector_load_idx %arg10[%add3A_58, %broadcast_in_dim3A_120] : memref<128x128xf32, #tpu.memory_space<vmem>>[vector<16xi32>, vector<16xi32>], vector<16xf32>,
          %gather3A_122 = tpu.vector_load_idx %arg11[%add3A_58, %broadcast_in_dim3A_120] : memref<128x128xf32, #tpu.memory_space<vmem>>[vector<16xi32>, vector<16xi32>], vector<16xf32>,
          %mul3A_123 = arith.mulf %gather3A_121, %gather3A_122 : vector<16xf32>
          %add3A_124 = arith.addf %add3A_118, %mul3A_123 : vector<16xf32>
          %broadcast_in_dim3A_125 = arith.constant 11 : i32
          %broadcast_in_dim3A_126 = vector.broadcast %broadcast_in_dim3A_125 : i32 to vector<16xi32>
          %gather3A_127 = tpu.vector_load_idx %arg10[%add3A_58, %broadcast_in_dim3A_126] : memref<128x128xf32, #tpu.memory_space<vmem>>[vector<16xi32>, vector<16xi32>], vector<16xf32>,
          %gather3A_128 = tpu.vector_load_idx %arg11[%add3A_58, %broadcast_in_dim3A_126] : memref<128x128xf32, #tpu.memory_space<vmem>>[vector<16xi32>, vector<16xi32>], vector<16xf32>,
          %mul3A_129 = arith.mulf %gather3A_127, %gather3A_128 : vector<16xf32>
          %add3A_130 = arith.addf %add3A_124, %mul3A_129 : vector<16xf32>
          %broadcast_in_dim3A_131 = arith.constant 12 : i32
          %broadcast_in_dim3A_132 = vector.broadcast %broadcast_in_dim3A_131 : i32 to vector<16xi32>
          %gather3A_133 = tpu.vector_load_idx %arg10[%add3A_58, %broadcast_in_dim3A_132] : memref<128x128xf32, #tpu.memory_space<vmem>>[vector<16xi32>, vector<16xi32>], vector<16xf32>,
          %gather3A_134 = tpu.vector_load_idx %arg11[%add3A_58, %broadcast_in_dim3A_132] : memref<128x128xf32, #tpu.memory_space<vmem>>[vector<16xi32>, vector<16xi32>], vector<16xf32>,
          %mul3A_135 = arith.mulf %gather3A_133, %gather3A_134 : vector<16xf32>
          %add3A_136 = arith.addf %add3A_130, %mul3A_135 : vector<16xf32>
          %broadcast_in_dim3A_137 = arith.constant 13 : i32
          %broadcast_in_dim3A_138 = vector.broadcast %broadcast_in_dim3A_137 : i32 to vector<16xi32>
          %gather3A_139 = tpu.vector_load_idx %arg10[%add3A_58, %broadcast_in_dim3A_138] : memref<128x128xf32, #tpu.memory_space<vmem>>[vector<16xi32>, vector<16xi32>], vector<16xf32>,
          %gather3A_140 = tpu.vector_load_idx %arg11[%add3A_58, %broadcast_in_dim3A_138] : memref<128x128xf32, #tpu.memory_space<vmem>>[vector<16xi32>, vector<16xi32>], vector<16xf32>,
          %mul3A_141 = arith.mulf %gather3A_139, %gather3A_140 : vector<16xf32>
          %add3A_142 = arith.addf %add3A_136, %mul3A_141 : vector<16xf32>
          %broadcast_in_dim3A_143 = arith.constant 14 : i32
          %broadcast_in_dim3A_144 = vector.broadcast %broadcast_in_dim3A_143 : i32 to vector<16xi32>
          %gather3A_145 = tpu.vector_load_idx %arg10[%add3A_58, %broadcast_in_dim3A_144] : memref<128x128xf32, #tpu.memory_space<vmem>>[vector<16xi32>, vector<16xi32>], vector<16xf32>,
          %gather3A_146 = tpu.vector_load_idx %arg11[%add3A_58, %broadcast_in_dim3A_144] : memref<128x128xf32, #tpu.memory_space<vmem>>[vector<16xi32>, vector<16xi32>], vector<16xf32>,
          %mul3A_147 = arith.mulf %gather3A_145, %gather3A_146 : vector<16xf32>
          %add3A_148 = arith.addf %add3A_142, %mul3A_147 : vector<16xf32>
          %broadcast_in_dim3A_149 = arith.constant 15 : i32
          %broadcast_in_dim3A_150 = vector.broadcast %broadcast_in_dim3A_149 : i32 to vector<16xi32>
          %gather3A_151 = tpu.vector_load_idx %arg10[%add3A_58, %broadcast_in_dim3A_150] : memref<128x128xf32, #tpu.memory_space<vmem>>[vector<16xi32>, vector<16xi32>], vector<16xf32>,
          %gather3A_152 = tpu.vector_load_idx %arg11[%add3A_58, %broadcast_in_dim3A_150] : memref<128x128xf32, #tpu.memory_space<vmem>>[vector<16xi32>, vector<16xi32>], vector<16xf32>,
          %mul3A_153 = arith.mulf %gather3A_151, %gather3A_152 : vector<16xf32>
          %add3A_154 = arith.addf %add3A_148, %mul3A_153 : vector<16xf32>
          %broadcast_in_dim3A_155 = arith.constant 16 : i32
          %broadcast_in_dim3A_156 = vector.broadcast %broadcast_in_dim3A_155 : i32 to vector<16xi32>
          %gather3A_157 = tpu.vector_load_idx %arg10[%add3A_58, %broadcast_in_dim3A_156] : memref<128x128xf32, #tpu.memory_space<vmem>>[vector<16xi32>, vector<16xi32>], vector<16xf32>,
          %gather3A_158 = tpu.vector_load_idx %arg11[%add3A_58, %broadcast_in_dim3A_156] : memref<128x128xf32, #tpu.memory_space<vmem>>[vector<16xi32>, vector<16xi32>], vector<16xf32>,
          %mul3A_159 = arith.mulf %gather3A_157, %gather3A_158 : vector<16xf32>
          %add3A_160 = arith.addf %add3A_154, %mul3A_159 : vector<16xf32>
          %broadcast_in_dim3A_161 = arith.constant 17 : i32
          %broadcast_in_dim3A_162 = vector.broadcast %broadcast_in_dim3A_161 : i32 to vector<16xi32>
          %gather3A_163 = tpu.vector_load_idx %arg10[%add3A_58, %broadcast_in_dim3A_162] : memref<128x128xf32, #tpu.memory_space<vmem>>[vector<16xi32>, vector<16xi32>], vector<16xf32>,
          %gather3A_164 = tpu.vector_load_idx %arg11[%add3A_58, %broadcast_in_dim3A_162] : memref<128x128xf32, #tpu.memory_space<vmem>>[vector<16xi32>, vector<16xi32>], vector<16xf32>,
          %mul3A_165 = arith.mulf %gather3A_163, %gather3A_164 : vector<16xf32>
          %add3A_166 = arith.addf %add3A_160, %mul3A_165 : vector<16xf32>
          %broadcast_in_dim3A_167 = arith.constant 18 : i32
          %broadcast_in_dim3A_168 = vector.broadcast %broadcast_in_dim3A_167 : i32 to vector<16xi32>
          %gather3A_169 = tpu.vector_load_idx %arg10[%add3A_58, %broadcast_in_dim3A_168] : memref<128x128xf32, #tpu.memory_space<vmem>>[vector<16xi32>, vector<16xi32>], vector<16xf32>,
          %gather3A_170 = tpu.vector_load_idx %arg11[%add3A_58, %broadcast_in_dim3A_168] : memref<128x128xf32, #tpu.memory_space<vmem>>[vector<16xi32>, vector<16xi32>], vector<16xf32>,
          %mul3A_171 = arith.mulf %gather3A_169, %gather3A_170 : vector<16xf32>
          %add3A_172 = arith.addf %add3A_166, %mul3A_171 : vector<16xf32>
          %broadcast_in_dim3A_173 = arith.constant 19 : i32
          %broadcast_in_dim3A_174 = vector.broadcast %broadcast_in_dim3A_173 : i32 to vector<16xi32>
          %gather3A_175 = tpu.vector_load_idx %arg10[%add3A_58, %broadcast_in_dim3A_174] : memref<128x128xf32, #tpu.memory_space<vmem>>[vector<16xi32>, vector<16xi32>], vector<16xf32>,
          %gather3A_176 = tpu.vector_load_idx %arg11[%add3A_58, %broadcast_in_dim3A_174] : memref<128x128xf32, #tpu.memory_space<vmem>>[vector<16xi32>, vector<16xi32>], vector<16xf32>,
          %mul3A_177 = arith.mulf %gather3A_175, %gather3A_176 : vector<16xf32>
          %add3A_178 = arith.addf %add3A_172, %mul3A_177 : vector<16xf32>
          %broadcast_in_dim3A_179 = arith.constant 20 : i32
          %broadcast_in_dim3A_180 = vector.broadcast %broadcast_in_dim3A_179 : i32 to vector<16xi32>
          %gather3A_181 = tpu.vector_load_idx %arg10[%add3A_58, %broadcast_in_dim3A_180] : memref<128x128xf32, #tpu.memory_space<vmem>>[vector<16xi32>, vector<16xi32>], vector<16xf32>,
          %gather3A_182 = tpu.vector_load_idx %arg11[%add3A_58, %broadcast_in_dim3A_180] : memref<128x128xf32, #tpu.memory_space<vmem>>[vector<16xi32>, vector<16xi32>], vector<16xf32>,
          %mul3A_183 = arith.mulf %gather3A_181, %gather3A_182 : vector<16xf32>
          %add3A_184 = arith.addf %add3A_178, %mul3A_183 : vector<16xf32>
          %broadcast_in_dim3A_185 = arith.constant 21 : i32
          %broadcast_in_dim3A_186 = vector.broadcast %broadcast_in_dim3A_185 : i32 to vector<16xi32>
          %gather3A_187 = tpu.vector_load_idx %arg10[%add3A_58, %broadcast_in_dim3A_186] : memref<128x128xf32, #tpu.memory_space<vmem>>[vector<16xi32>, vector<16xi32>], vector<16xf32>,
          %gather3A_188 = tpu.vector_load_idx %arg11[%add3A_58, %broadcast_in_dim3A_186] : memref<128x128xf32, #tpu.memory_space<vmem>>[vector<16xi32>, vector<16xi32>], vector<16xf32>,
          %mul3A_189 = arith.mulf %gather3A_187, %gather3A_188 : vector<16xf32>
          %add3A_190 = arith.addf %add3A_184, %mul3A_189 : vector<16xf32>
          %broadcast_in_dim3A_191 = arith.constant 22 : i32
          %broadcast_in_dim3A_192 = vector.broadcast %broadcast_in_dim3A_191 : i32 to vector<16xi32>
          %gather3A_193 = tpu.vector_load_idx %arg10[%add3A_58, %broadcast_in_dim3A_192] : memref<128x128xf32, #tpu.memory_space<vmem>>[vector<16xi32>, vector<16xi32>], vector<16xf32>,
          %gather3A_194 = tpu.vector_load_idx %arg11[%add3A_58, %broadcast_in_dim3A_192] : memref<128x128xf32, #tpu.memory_space<vmem>>[vector<16xi32>, vector<16xi32>], vector<16xf32>,
          %mul3A_195 = arith.mulf %gather3A_193, %gather3A_194 : vector<16xf32>
          %add3A_196 = arith.addf %add3A_190, %mul3A_195 : vector<16xf32>
          %broadcast_in_dim3A_197 = arith.constant 23 : i32
          %broadcast_in_dim3A_198 = vector.broadcast %broadcast_in_dim3A_197 : i32 to vector<16xi32>
          %gather3A_199 = tpu.vector_load_idx %arg10[%add3A_58, %broadcast_in_dim3A_198] : memref<128x128xf32, #tpu.memory_space<vmem>>[vector<16xi32>, vector<16xi32>], vector<16xf32>,
          %gather3A_200 = tpu.vector_load_idx %arg11[%add3A_58, %broadcast_in_dim3A_198] : memref<128x128xf32, #tpu.memory_space<vmem>>[vector<16xi32>, vector<16xi32>], vector<16xf32>,
          %mul3A_201 = arith.mulf %gather3A_199, %gather3A_200 : vector<16xf32>
          %add3A_202 = arith.addf %add3A_196, %mul3A_201 : vector<16xf32>
          %broadcast_in_dim3A_203 = arith.constant 24 : i32
          %broadcast_in_dim3A_204 = vector.broadcast %broadcast_in_dim3A_203 : i32 to vector<16xi32>
          %gather3A_205 = tpu.vector_load_idx %arg10[%add3A_58, %broadcast_in_dim3A_204] : memref<128x128xf32, #tpu.memory_space<vmem>>[vector<16xi32>, vector<16xi32>], vector<16xf32>,
          %gather3A_206 = tpu.vector_load_idx %arg11[%add3A_58, %broadcast_in_dim3A_204] : memref<128x128xf32, #tpu.memory_space<vmem>>[vector<16xi32>, vector<16xi32>], vector<16xf32>,
          %mul3A_207 = arith.mulf %gather3A_205, %gather3A_206 : vector<16xf32>
          %add3A_208 = arith.addf %add3A_202, %mul3A_207 : vector<16xf32>
          %broadcast_in_dim3A_209 = arith.constant 25 : i32
          %broadcast_in_dim3A_210 = vector.broadcast %broadcast_in_dim3A_209 : i32 to vector<16xi32>
          %gather3A_211 = tpu.vector_load_idx %arg10[%add3A_58, %broadcast_in_dim3A_210] : memref<128x128xf32, #tpu.memory_space<vmem>>[vector<16xi32>, vector<16xi32>], vector<16xf32>,
          %gather3A_212 = tpu.vector_load_idx %arg11[%add3A_58, %broadcast_in_dim3A_210] : memref<128x128xf32, #tpu.memory_space<vmem>>[vector<16xi32>, vector<16xi32>], vector<16xf32>,
          %mul3A_213 = arith.mulf %gather3A_211, %gather3A_212 : vector<16xf32>
          %add3A_214 = arith.addf %add3A_208, %mul3A_213 : vector<16xf32>
          %broadcast_in_dim3A_215 = arith.constant 26 : i32
          %broadcast_in_dim3A_216 = vector.broadcast %broadcast_in_dim3A_215 : i32 to vector<16xi32>
          %gather3A_217 = tpu.vector_load_idx %arg10[%add3A_58, %broadcast_in_dim3A_216] : memref<128x128xf32, #tpu.memory_space<vmem>>[vector<16xi32>, vector<16xi32>], vector<16xf32>,
          %gather3A_218 = tpu.vector_load_idx %arg11[%add3A_58, %broadcast_in_dim3A_216] : memref<128x128xf32, #tpu.memory_space<vmem>>[vector<16xi32>, vector<16xi32>], vector<16xf32>,
          %mul3A_219 = arith.mulf %gather3A_217, %gather3A_218 : vector<16xf32>
          %add3A_220 = arith.addf %add3A_214, %mul3A_219 : vector<16xf32>
          %broadcast_in_dim3A_221 = arith.constant 27 : i32
          %broadcast_in_dim3A_222 = vector.broadcast %broadcast_in_dim3A_221 : i32 to vector<16xi32>
          %gather3A_223 = tpu.vector_load_idx %arg10[%add3A_58, %broadcast_in_dim3A_222] : memref<128x128xf32, #tpu.memory_space<vmem>>[vector<16xi32>, vector<16xi32>], vector<16xf32>,
          %gather3A_224 = tpu.vector_load_idx %arg11[%add3A_58, %broadcast_in_dim3A_222] : memref<128x128xf32, #tpu.memory_space<vmem>>[vector<16xi32>, vector<16xi32>], vector<16xf32>,
          %mul3A_225 = arith.mulf %gather3A_223, %gather3A_224 : vector<16xf32>
          %add3A_226 = arith.addf %add3A_220, %mul3A_225 : vector<16xf32>
          %broadcast_in_dim3A_227 = arith.constant 28 : i32
          %broadcast_in_dim3A_228 = vector.broadcast %broadcast_in_dim3A_227 : i32 to vector<16xi32>
          %gather3A_229 = tpu.vector_load_idx %arg10[%add3A_58, %broadcast_in_dim3A_228] : memref<128x128xf32, #tpu.memory_space<vmem>>[vector<16xi32>, vector<16xi32>], vector<16xf32>,
          %gather3A_230 = tpu.vector_load_idx %arg11[%add3A_58, %broadcast_in_dim3A_228] : memref<128x128xf32, #tpu.memory_space<vmem>>[vector<16xi32>, vector<16xi32>], vector<16xf32>,
          %mul3A_231 = arith.mulf %gather3A_229, %gather3A_230 : vector<16xf32>
          %add3A_232 = arith.addf %add3A_226, %mul3A_231 : vector<16xf32>
          %broadcast_in_dim3A_233 = arith.constant 29 : i32
          %broadcast_in_dim3A_234 = vector.broadcast %broadcast_in_dim3A_233 : i32 to vector<16xi32>
          %gather3A_235 = tpu.vector_load_idx %arg10[%add3A_58, %broadcast_in_dim3A_234] : memref<128x128xf32, #tpu.memory_space<vmem>>[vector<16xi32>, vector<16xi32>], vector<16xf32>,
          %gather3A_236 = tpu.vector_load_idx %arg11[%add3A_58, %broadcast_in_dim3A_234] : memref<128x128xf32, #tpu.memory_space<vmem>>[vector<16xi32>, vector<16xi32>], vector<16xf32>,
          %mul3A_237 = arith.mulf %gather3A_235, %gather3A_236 : vector<16xf32>
          %add3A_238 = arith.addf %add3A_232, %mul3A_237 : vector<16xf32>
          %broadcast_in_dim3A_239 = arith.constant 30 : i32
          %broadcast_in_dim3A_240 = vector.broadcast %broadcast_in_dim3A_239 : i32 to vector<16xi32>
          %gather3A_241 = tpu.vector_load_idx %arg10[%add3A_58, %broadcast_in_dim3A_240] : memref<128x128xf32, #tpu.memory_space<vmem>>[vector<16xi32>, vector<16xi32>], vector<16xf32>,
          %gather3A_242 = tpu.vector_load_idx %arg11[%add3A_58, %broadcast_in_dim3A_240] : memref<128x128xf32, #tpu.memory_space<vmem>>[vector<16xi32>, vector<16xi32>], vector<16xf32>,
          %mul3A_243 = arith.mulf %gather3A_241, %gather3A_242 : vector<16xf32>
          %add3A_244 = arith.addf %add3A_238, %mul3A_243 : vector<16xf32>
          %broadcast_in_dim3A_245 = arith.constant 31 : i32
          %broadcast_in_dim3A_246 = vector.broadcast %broadcast_in_dim3A_245 : i32 to vector<16xi32>
          %gather3A_247 = tpu.vector_load_idx %arg10[%add3A_58, %broadcast_in_dim3A_246] : memref<128x128xf32, #tpu.memory_space<vmem>>[vector<16xi32>, vector<16xi32>], vector<16xf32>,
          %gather3A_248 = tpu.vector_load_idx %arg11[%add3A_58, %broadcast_in_dim3A_246] : memref<128x128xf32, #tpu.memory_space<vmem>>[vector<16xi32>, vector<16xi32>], vector<16xf32>,
          %mul3A_249 = arith.mulf %gather3A_247, %gather3A_248 : vector<16xf32>
          %add3A_250 = arith.addf %add3A_244, %mul3A_249 : vector<16xf32>
          %broadcast_in_dim3A_251 = arith.constant 32 : i32
          %broadcast_in_dim3A_252 = vector.broadcast %broadcast_in_dim3A_251 : i32 to vector<16xi32>
          %gather3A_253 = tpu.vector_load_idx %arg10[%add3A_58, %broadcast_in_dim3A_252] : memref<128x128xf32, #tpu.memory_space<vmem>>[vector<16xi32>, vector<16xi32>], vector<16xf32>,
          %gather3A_254 = tpu.vector_load_idx %arg11[%add3A_58, %broadcast_in_dim3A_252] : memref<128x128xf32, #tpu.memory_space<vmem>>[vector<16xi32>, vector<16xi32>], vector<16xf32>,
          %mul3A_255 = arith.mulf %gather3A_253, %gather3A_254 : vector<16xf32>
          %add3A_256 = arith.addf %add3A_250, %mul3A_255 : vector<16xf32>
          %broadcast_in_dim3A_257 = arith.constant 33 : i32
          %broadcast_in_dim3A_258 = vector.broadcast %broadcast_in_dim3A_257 : i32 to vector<16xi32>
          %gather3A_259 = tpu.vector_load_idx %arg10[%add3A_58, %broadcast_in_dim3A_258] : memref<128x128xf32, #tpu.memory_space<vmem>>[vector<16xi32>, vector<16xi32>], vector<16xf32>,
          %gather3A_260 = tpu.vector_load_idx %arg11[%add3A_58, %broadcast_in_dim3A_258] : memref<128x128xf32, #tpu.memory_space<vmem>>[vector<16xi32>, vector<16xi32>], vector<16xf32>,
          %mul3A_261 = arith.mulf %gather3A_259, %gather3A_260 : vector<16xf32>
          %add3A_262 = arith.addf %add3A_256, %mul3A_261 : vector<16xf32>
          %broadcast_in_dim3A_263 = arith.constant 34 : i32
          %broadcast_in_dim3A_264 = vector.broadcast %broadcast_in_dim3A_263 : i32 to vector<16xi32>
          %gather3A_265 = tpu.vector_load_idx %arg10[%add3A_58, %broadcast_in_dim3A_264] : memref<128x128xf32, #tpu.memory_space<vmem>>[vector<16xi32>, vector<16xi32>], vector<16xf32>,
          %gather3A_266 = tpu.vector_load_idx %arg11[%add3A_58, %broadcast_in_dim3A_264] : memref<128x128xf32, #tpu.memory_space<vmem>>[vector<16xi32>, vector<16xi32>], vector<16xf32>,
          %mul3A_267 = arith.mulf %gather3A_265, %gather3A_266 : vector<16xf32>
          %add3A_268 = arith.addf %add3A_262, %mul3A_267 : vector<16xf32>
          %broadcast_in_dim3A_269 = arith.constant 35 : i32
          %broadcast_in_dim3A_270 = vector.broadcast %broadcast_in_dim3A_269 : i32 to vector<16xi32>
          %gather3A_271 = tpu.vector_load_idx %arg10[%add3A_58, %broadcast_in_dim3A_270] : memref<128x128xf32, #tpu.memory_space<vmem>>[vector<16xi32>, vector<16xi32>], vector<16xf32>,
          %gather3A_272 = tpu.vector_load_idx %arg11[%add3A_58, %broadcast_in_dim3A_270] : memref<128x128xf32, #tpu.memory_space<vmem>>[vector<16xi32>, vector<16xi32>], vector<16xf32>,
          %mul3A_273 = arith.mulf %gather3A_271, %gather3A_272 : vector<16xf32>
          %add3A_274 = arith.addf %add3A_268, %mul3A_273 : vector<16xf32>
          %broadcast_in_dim3A_275 = arith.constant 36 : i32
          %broadcast_in_dim3A_276 = vector.broadcast %broadcast_in_dim3A_275 : i32 to vector<16xi32>
          %gather3A_277 = tpu.vector_load_idx %arg10[%add3A_58, %broadcast_in_dim3A_276] : memref<128x128xf32, #tpu.memory_space<vmem>>[vector<16xi32>, vector<16xi32>], vector<16xf32>,
          %gather3A_278 = tpu.vector_load_idx %arg11[%add3A_58, %broadcast_in_dim3A_276] : memref<128x128xf32, #tpu.memory_space<vmem>>[vector<16xi32>, vector<16xi32>], vector<16xf32>,
          %mul3A_279 = arith.mulf %gather3A_277, %gather3A_278 : vector<16xf32>
          %add3A_280 = arith.addf %add3A_274, %mul3A_279 : vector<16xf32>
          %broadcast_in_dim3A_281 = arith.constant 37 : i32
          %broadcast_in_dim3A_282 = vector.broadcast %broadcast_in_dim3A_281 : i32 to vector<16xi32>
          %gather3A_283 = tpu.vector_load_idx %arg10[%add3A_58, %broadcast_in_dim3A_282] : memref<128x128xf32, #tpu.memory_space<vmem>>[vector<16xi32>, vector<16xi32>], vector<16xf32>,
          %gather3A_284 = tpu.vector_load_idx %arg11[%add3A_58, %broadcast_in_dim3A_282] : memref<128x128xf32, #tpu.memory_space<vmem>>[vector<16xi32>, vector<16xi32>], vector<16xf32>,
          %mul3A_285 = arith.mulf %gather3A_283, %gather3A_284 : vector<16xf32>
          %add3A_286 = arith.addf %add3A_280, %mul3A_285 : vector<16xf32>
          %broadcast_in_dim3A_287 = arith.constant 38 : i32
          %broadcast_in_dim3A_288 = vector.broadcast %broadcast_in_dim3A_287 : i32 to vector<16xi32>
          %gather3A_289 = tpu.vector_load_idx %arg10[%add3A_58, %broadcast_in_dim3A_288] : memref<128x128xf32, #tpu.memory_space<vmem>>[vector<16xi32>, vector<16xi32>], vector<16xf32>,
          %gather3A_290 = tpu.vector_load_idx %arg11[%add3A_58, %broadcast_in_dim3A_288] : memref<128x128xf32, #tpu.memory_space<vmem>>[vector<16xi32>, vector<16xi32>], vector<16xf32>,
          %mul3A_291 = arith.mulf %gather3A_289, %gather3A_290 : vector<16xf32>
          %add3A_292 = arith.addf %add3A_286, %mul3A_291 : vector<16xf32>
          %broadcast_in_dim3A_293 = arith.constant 39 : i32
          %broadcast_in_dim3A_294 = vector.broadcast %broadcast_in_dim3A_293 : i32 to vector<16xi32>
          %gather3A_295 = tpu.vector_load_idx %arg10[%add3A_58, %broadcast_in_dim3A_294] : memref<128x128xf32, #tpu.memory_space<vmem>>[vector<16xi32>, vector<16xi32>], vector<16xf32>,
          %gather3A_296 = tpu.vector_load_idx %arg11[%add3A_58, %broadcast_in_dim3A_294] : memref<128x128xf32, #tpu.memory_space<vmem>>[vector<16xi32>, vector<16xi32>], vector<16xf32>,
          %mul3A_297 = arith.mulf %gather3A_295, %gather3A_296 : vector<16xf32>
          %add3A_298 = arith.addf %add3A_292, %mul3A_297 : vector<16xf32>
          %broadcast_in_dim3A_299 = arith.constant 40 : i32
          %broadcast_in_dim3A_300 = vector.broadcast %broadcast_in_dim3A_299 : i32 to vector<16xi32>
          %gather3A_301 = tpu.vector_load_idx %arg10[%add3A_58, %broadcast_in_dim3A_300] : memref<128x128xf32, #tpu.memory_space<vmem>>[vector<16xi32>, vector<16xi32>], vector<16xf32>,
          %gather3A_302 = tpu.vector_load_idx %arg11[%add3A_58, %broadcast_in_dim3A_300] : memref<128x128xf32, #tpu.memory_space<vmem>>[vector<16xi32>, vector<16xi32>], vector<16xf32>,
          %mul3A_303 = arith.mulf %gather3A_301, %gather3A_302 : vector<16xf32>
          %add3A_304 = arith.addf %add3A_298, %mul3A_303 : vector<16xf32>
          %broadcast_in_dim3A_305 = arith.constant 41 : i32
          %broadcast_in_dim3A_306 = vector.broadcast %broadcast_in_dim3A_305 : i32 to vector<16xi32>
          %gather3A_307 = tpu.vector_load_idx %arg10[%add3A_58, %broadcast_in_dim3A_306] : memref<128x128xf32, #tpu.memory_space<vmem>>[vector<16xi32>, vector<16xi32>], vector<16xf32>,
          %gather3A_308 = tpu.vector_load_idx %arg11[%add3A_58, %broadcast_in_dim3A_306] : memref<128x128xf32, #tpu.memory_space<vmem>>[vector<16xi32>, vector<16xi32>], vector<16xf32>,
          %mul3A_309 = arith.mulf %gather3A_307, %gather3A_308 : vector<16xf32>
          %add3A_310 = arith.addf %add3A_304, %mul3A_309 : vector<16xf32>
          %broadcast_in_dim3A_311 = arith.constant 42 : i32
          %broadcast_in_dim3A_312 = vector.broadcast %broadcast_in_dim3A_311 : i32 to vector<16xi32>
          %gather3A_313 = tpu.vector_load_idx %arg10[%add3A_58, %broadcast_in_dim3A_312] : memref<128x128xf32, #tpu.memory_space<vmem>>[vector<16xi32>, vector<16xi32>], vector<16xf32>,
          %gather3A_314 = tpu.vector_load_idx %arg11[%add3A_58, %broadcast_in_dim3A_312] : memref<128x128xf32, #tpu.memory_space<vmem>>[vector<16xi32>, vector<16xi32>], vector<16xf32>,
          %mul3A_315 = arith.mulf %gather3A_313, %gather3A_314 : vector<16xf32>
          %add3A_316 = arith.addf %add3A_310, %mul3A_315 : vector<16xf32>
          %broadcast_in_dim3A_317 = arith.constant 43 : i32
          %broadcast_in_dim3A_318 = vector.broadcast %broadcast_in_dim3A_317 : i32 to vector<16xi32>
          %gather3A_319 = tpu.vector_load_idx %arg10[%add3A_58, %broadcast_in_dim3A_318] : memref<128x128xf32, #tpu.memory_space<vmem>>[vector<16xi32>, vector<16xi32>], vector<16xf32>,
          %gather3A_320 = tpu.vector_load_idx %arg11[%add3A_58, %broadcast_in_dim3A_318] : memref<128x128xf32, #tpu.memory_space<vmem>>[vector<16xi32>, vector<16xi32>], vector<16xf32>,
          %mul3A_321 = arith.mulf %gather3A_319, %gather3A_320 : vector<16xf32>
          %add3A_322 = arith.addf %add3A_316, %mul3A_321 : vector<16xf32>
          %broadcast_in_dim3A_323 = arith.constant 44 : i32
          %broadcast_in_dim3A_324 = vector.broadcast %broadcast_in_dim3A_323 : i32 to vector<16xi32>
          %gather3A_325 = tpu.vector_load_idx %arg10[%add3A_58, %broadcast_in_dim3A_324] : memref<128x128xf32, #tpu.memory_space<vmem>>[vector<16xi32>, vector<16xi32>], vector<16xf32>,
          %gather3A_326 = tpu.vector_load_idx %arg11[%add3A_58, %broadcast_in_dim3A_324] : memref<128x128xf32, #tpu.memory_space<vmem>>[vector<16xi32>, vector<16xi32>], vector<16xf32>,
          %mul3A_327 = arith.mulf %gather3A_325, %gather3A_326 : vector<16xf32>
          %add3A_328 = arith.addf %add3A_322, %mul3A_327 : vector<16xf32>
          %broadcast_in_dim3A_329 = arith.constant 45 : i32
          %broadcast_in_dim3A_330 = vector.broadcast %broadcast_in_dim3A_329 : i32 to vector<16xi32>
          %gather3A_331 = tpu.vector_load_idx %arg10[%add3A_58, %broadcast_in_dim3A_330] : memref<128x128xf32, #tpu.memory_space<vmem>>[vector<16xi32>, vector<16xi32>], vector<16xf32>,
          %gather3A_332 = tpu.vector_load_idx %arg11[%add3A_58, %broadcast_in_dim3A_330] : memref<128x128xf32, #tpu.memory_space<vmem>>[vector<16xi32>, vector<16xi32>], vector<16xf32>,
          %mul3A_333 = arith.mulf %gather3A_331, %gather3A_332 : vector<16xf32>
          %add3A_334 = arith.addf %add3A_328, %mul3A_333 : vector<16xf32>
          %broadcast_in_dim3A_335 = arith.constant 46 : i32
          %broadcast_in_dim3A_336 = vector.broadcast %broadcast_in_dim3A_335 : i32 to vector<16xi32>
          %gather3A_337 = tpu.vector_load_idx %arg10[%add3A_58, %broadcast_in_dim3A_336] : memref<128x128xf32, #tpu.memory_space<vmem>>[vector<16xi32>, vector<16xi32>], vector<16xf32>,
          %gather3A_338 = tpu.vector_load_idx %arg11[%add3A_58, %broadcast_in_dim3A_336] : memref<128x128xf32, #tpu.memory_space<vmem>>[vector<16xi32>, vector<16xi32>], vector<16xf32>,
          %mul3A_339 = arith.mulf %gather3A_337, %gather3A_338 : vector<16xf32>
          %add3A_340 = arith.addf %add3A_334, %mul3A_339 : vector<16xf32>
          %broadcast_in_dim3A_341 = arith.constant 47 : i32
          %broadcast_in_dim3A_342 = vector.broadcast %broadcast_in_dim3A_341 : i32 to vector<16xi32>
          %gather3A_343 = tpu.vector_load_idx %arg10[%add3A_58, %broadcast_in_dim3A_342] : memref<128x128xf32, #tpu.memory_space<vmem>>[vector<16xi32>, vector<16xi32>], vector<16xf32>,
          %gather3A_344 = tpu.vector_load_idx %arg11[%add3A_58, %broadcast_in_dim3A_342] : memref<128x128xf32, #tpu.memory_space<vmem>>[vector<16xi32>, vector<16xi32>], vector<16xf32>,
          %mul3A_345 = arith.mulf %gather3A_343, %gather3A_344 : vector<16xf32>
          %add3A_346 = arith.addf %add3A_340, %mul3A_345 : vector<16xf32>
          %broadcast_in_dim3A_347 = arith.constant 48 : i32
          %broadcast_in_dim3A_348 = vector.broadcast %broadcast_in_dim3A_347 : i32 to vector<16xi32>
          %gather3A_349 = tpu.vector_load_idx %arg10[%add3A_58, %broadcast_in_dim3A_348] : memref<128x128xf32, #tpu.memory_space<vmem>>[vector<16xi32>, vector<16xi32>], vector<16xf32>,
          %gather3A_350 = tpu.vector_load_idx %arg11[%add3A_58, %broadcast_in_dim3A_348] : memref<128x128xf32, #tpu.memory_space<vmem>>[vector<16xi32>, vector<16xi32>], vector<16xf32>,
          %mul3A_351 = arith.mulf %gather3A_349, %gather3A_350 : vector<16xf32>
          %add3A_352 = arith.addf %add3A_346, %mul3A_351 : vector<16xf32>
          %broadcast_in_dim3A_353 = arith.constant 49 : i32
          %broadcast_in_dim3A_354 = vector.broadcast %broadcast_in_dim3A_353 : i32 to vector<16xi32>
          %gather3A_355 = tpu.vector_load_idx %arg10[%add3A_58, %broadcast_in_dim3A_354] : memref<128x128xf32, #tpu.memory_space<vmem>>[vector<16xi32>, vector<16xi32>], vector<16xf32>,
          %gather3A_356 = tpu.vector_load_idx %arg11[%add3A_58, %broadcast_in_dim3A_354] : memref<128x128xf32, #tpu.memory_space<vmem>>[vector<16xi32>, vector<16xi32>], vector<16xf32>,
          %mul3A_357 = arith.mulf %gather3A_355, %gather3A_356 : vector<16xf32>
          %add3A_358 = arith.addf %add3A_352, %mul3A_357 : vector<16xf32>
          %broadcast_in_dim3A_359 = arith.constant 50 : i32
          %broadcast_in_dim3A_360 = vector.broadcast %broadcast_in_dim3A_359 : i32 to vector<16xi32>
          %gather3A_361 = tpu.vector_load_idx %arg10[%add3A_58, %broadcast_in_dim3A_360] : memref<128x128xf32, #tpu.memory_space<vmem>>[vector<16xi32>, vector<16xi32>], vector<16xf32>,
          %gather3A_362 = tpu.vector_load_idx %arg11[%add3A_58, %broadcast_in_dim3A_360] : memref<128x128xf32, #tpu.memory_space<vmem>>[vector<16xi32>, vector<16xi32>], vector<16xf32>,
          %mul3A_363 = arith.mulf %gather3A_361, %gather3A_362 : vector<16xf32>
          %add3A_364 = arith.addf %add3A_358, %mul3A_363 : vector<16xf32>
          %broadcast_in_dim3A_365 = arith.constant 51 : i32
          %broadcast_in_dim3A_366 = vector.broadcast %broadcast_in_dim3A_365 : i32 to vector<16xi32>
          %gather3A_367 = tpu.vector_load_idx %arg10[%add3A_58, %broadcast_in_dim3A_366] : memref<128x128xf32, #tpu.memory_space<vmem>>[vector<16xi32>, vector<16xi32>], vector<16xf32>,
          %gather3A_368 = tpu.vector_load_idx %arg11[%add3A_58, %broadcast_in_dim3A_366] : memref<128x128xf32, #tpu.memory_space<vmem>>[vector<16xi32>, vector<16xi32>], vector<16xf32>,
          %mul3A_369 = arith.mulf %gather3A_367, %gather3A_368 : vector<16xf32>
          %add3A_370 = arith.addf %add3A_364, %mul3A_369 : vector<16xf32>
          %broadcast_in_dim3A_371 = arith.constant 52 : i32
          %broadcast_in_dim3A_372 = vector.broadcast %broadcast_in_dim3A_371 : i32 to vector<16xi32>
          %gather3A_373 = tpu.vector_load_idx %arg10[%add3A_58, %broadcast_in_dim3A_372] : memref<128x128xf32, #tpu.memory_space<vmem>>[vector<16xi32>, vector<16xi32>], vector<16xf32>,
          %gather3A_374 = tpu.vector_load_idx %arg11[%add3A_58, %broadcast_in_dim3A_372] : memref<128x128xf32, #tpu.memory_space<vmem>>[vector<16xi32>, vector<16xi32>], vector<16xf32>,
          %mul3A_375 = arith.mulf %gather3A_373, %gather3A_374 : vector<16xf32>
          %add3A_376 = arith.addf %add3A_370, %mul3A_375 : vector<16xf32>
          %broadcast_in_dim3A_377 = arith.constant 53 : i32
          %broadcast_in_dim3A_378 = vector.broadcast %broadcast_in_dim3A_377 : i32 to vector<16xi32>
          %gather3A_379 = tpu.vector_load_idx %arg10[%add3A_58, %broadcast_in_dim3A_378] : memref<128x128xf32, #tpu.memory_space<vmem>>[vector<16xi32>, vector<16xi32>], vector<16xf32>,
          %gather3A_380 = tpu.vector_load_idx %arg11[%add3A_58, %broadcast_in_dim3A_378] : memref<128x128xf32, #tpu.memory_space<vmem>>[vector<16xi32>, vector<16xi32>], vector<16xf32>,
          %mul3A_381 = arith.mulf %gather3A_379, %gather3A_380 : vector<16xf32>
          %add3A_382 = arith.addf %add3A_376, %mul3A_381 : vector<16xf32>
          %broadcast_in_dim3A_383 = arith.constant 54 : i32
          %broadcast_in_dim3A_384 = vector.broadcast %broadcast_in_dim3A_383 : i32 to vector<16xi32>
          %gather3A_385 = tpu.vector_load_idx %arg10[%add3A_58, %broadcast_in_dim3A_384] : memref<128x128xf32, #tpu.memory_space<vmem>>[vector<16xi32>, vector<16xi32>], vector<16xf32>,
          %gather3A_386 = tpu.vector_load_idx %arg11[%add3A_58, %broadcast_in_dim3A_384] : memref<128x128xf32, #tpu.memory_space<vmem>>[vector<16xi32>, vector<16xi32>], vector<16xf32>,
          %mul3A_387 = arith.mulf %gather3A_385, %gather3A_386 : vector<16xf32>
          %add3A_388 = arith.addf %add3A_382, %mul3A_387 : vector<16xf32>
          %broadcast_in_dim3A_389 = arith.constant 55 : i32
          %broadcast_in_dim3A_390 = vector.broadcast %broadcast_in_dim3A_389 : i32 to vector<16xi32>
          %gather3A_391 = tpu.vector_load_idx %arg10[%add3A_58, %broadcast_in_dim3A_390] : memref<128x128xf32, #tpu.memory_space<vmem>>[vector<16xi32>, vector<16xi32>], vector<16xf32>,
          %gather3A_392 = tpu.vector_load_idx %arg11[%add3A_58, %broadcast_in_dim3A_390] : memref<128x128xf32, #tpu.memory_space<vmem>>[vector<16xi32>, vector<16xi32>], vector<16xf32>,
          %mul3A_393 = arith.mulf %gather3A_391, %gather3A_392 : vector<16xf32>
          %add3A_394 = arith.addf %add3A_388, %mul3A_393 : vector<16xf32>
          %broadcast_in_dim3A_395 = arith.constant 56 : i32
          %broadcast_in_dim3A_396 = vector.broadcast %broadcast_in_dim3A_395 : i32 to vector<16xi32>
          %gather3A_397 = tpu.vector_load_idx %arg10[%add3A_58, %broadcast_in_dim3A_396] : memref<128x128xf32, #tpu.memory_space<vmem>>[vector<16xi32>, vector<16xi32>], vector<16xf32>,
          %gather3A_398 = tpu.vector_load_idx %arg11[%add3A_58, %broadcast_in_dim3A_396] : memref<128x128xf32, #tpu.memory_space<vmem>>[vector<16xi32>, vector<16xi32>], vector<16xf32>,
          %mul3A_399 = arith.mulf %gather3A_397, %gather3A_398 : vector<16xf32>
          %add3A_400 = arith.addf %add3A_394, %mul3A_399 : vector<16xf32>
          %broadcast_in_dim3A_401 = arith.constant 57 : i32
          %broadcast_in_dim3A_402 = vector.broadcast %broadcast_in_dim3A_401 : i32 to vector<16xi32>
          %gather3A_403 = tpu.vector_load_idx %arg10[%add3A_58, %broadcast_in_dim3A_402] : memref<128x128xf32, #tpu.memory_space<vmem>>[vector<16xi32>, vector<16xi32>], vector<16xf32>,
          %gather3A_404 = tpu.vector_load_idx %arg11[%add3A_58, %broadcast_in_dim3A_402] : memref<128x128xf32, #tpu.memory_space<vmem>>[vector<16xi32>, vector<16xi32>], vector<16xf32>,
          %mul3A_405 = arith.mulf %gather3A_403, %gather3A_404 : vector<16xf32>
          %add3A_406 = arith.addf %add3A_400, %mul3A_405 : vector<16xf32>
          %broadcast_in_dim3A_407 = arith.constant 58 : i32
          %broadcast_in_dim3A_408 = vector.broadcast %broadcast_in_dim3A_407 : i32 to vector<16xi32>
          %gather3A_409 = tpu.vector_load_idx %arg10[%add3A_58, %broadcast_in_dim3A_408] : memref<128x128xf32, #tpu.memory_space<vmem>>[vector<16xi32>, vector<16xi32>], vector<16xf32>,
          %gather3A_410 = tpu.vector_load_idx %arg11[%add3A_58, %broadcast_in_dim3A_408] : memref<128x128xf32, #tpu.memory_space<vmem>>[vector<16xi32>, vector<16xi32>], vector<16xf32>,
          %mul3A_411 = arith.mulf %gather3A_409, %gather3A_410 : vector<16xf32>
          %add3A_412 = arith.addf %add3A_406, %mul3A_411 : vector<16xf32>
          %broadcast_in_dim3A_413 = arith.constant 59 : i32
          %broadcast_in_dim3A_414 = vector.broadcast %broadcast_in_dim3A_413 : i32 to vector<16xi32>
          %gather3A_415 = tpu.vector_load_idx %arg10[%add3A_58, %broadcast_in_dim3A_414] : memref<128x128xf32, #tpu.memory_space<vmem>>[vector<16xi32>, vector<16xi32>], vector<16xf32>,
          %gather3A_416 = tpu.vector_load_idx %arg11[%add3A_58, %broadcast_in_dim3A_414] : memref<128x128xf32, #tpu.memory_space<vmem>>[vector<16xi32>, vector<16xi32>], vector<16xf32>,
          %mul3A_417 = arith.mulf %gather3A_415, %gather3A_416 : vector<16xf32>
          %add3A_418 = arith.addf %add3A_412, %mul3A_417 : vector<16xf32>
          %broadcast_in_dim3A_419 = arith.constant 60 : i32
          %broadcast_in_dim3A_420 = vector.broadcast %broadcast_in_dim3A_419 : i32 to vector<16xi32>
          %gather3A_421 = tpu.vector_load_idx %arg10[%add3A_58, %broadcast_in_dim3A_420] : memref<128x128xf32, #tpu.memory_space<vmem>>[vector<16xi32>, vector<16xi32>], vector<16xf32>,
          %gather3A_422 = tpu.vector_load_idx %arg11[%add3A_58, %broadcast_in_dim3A_420] : memref<128x128xf32, #tpu.memory_space<vmem>>[vector<16xi32>, vector<16xi32>], vector<16xf32>,
          %mul3A_423 = arith.mulf %gather3A_421, %gather3A_422 : vector<16xf32>
          %add3A_424 = arith.addf %add3A_418, %mul3A_423 : vector<16xf32>
          %broadcast_in_dim3A_425 = arith.constant 61 : i32
          %broadcast_in_dim3A_426 = vector.broadcast %broadcast_in_dim3A_425 : i32 to vector<16xi32>
          %gather3A_427 = tpu.vector_load_idx %arg10[%add3A_58, %broadcast_in_dim3A_426] : memref<128x128xf32, #tpu.memory_space<vmem>>[vector<16xi32>, vector<16xi32>], vector<16xf32>,
          %gather3A_428 = tpu.vector_load_idx %arg11[%add3A_58, %broadcast_in_dim3A_426] : memref<128x128xf32, #tpu.memory_space<vmem>>[vector<16xi32>, vector<16xi32>], vector<16xf32>,
          %mul3A_429 = arith.mulf %gather3A_427, %gather3A_428 : vector<16xf32>
          %add3A_430 = arith.addf %add3A_424, %mul3A_429 : vector<16xf32>
          %broadcast_in_dim3A_431 = arith.constant 62 : i32
          %broadcast_in_dim3A_432 = vector.broadcast %broadcast_in_dim3A_431 : i32 to vector<16xi32>
          %gather3A_433 = tpu.vector_load_idx %arg10[%add3A_58, %broadcast_in_dim3A_432] : memref<128x128xf32, #tpu.memory_space<vmem>>[vector<16xi32>, vector<16xi32>], vector<16xf32>,
          %gather3A_434 = tpu.vector_load_idx %arg11[%add3A_58, %broadcast_in_dim3A_432] : memref<128x128xf32, #tpu.memory_space<vmem>>[vector<16xi32>, vector<16xi32>], vector<16xf32>,
          %mul3A_435 = arith.mulf %gather3A_433, %gather3A_434 : vector<16xf32>
          %add3A_436 = arith.addf %add3A_430, %mul3A_435 : vector<16xf32>
          %broadcast_in_dim3A_437 = arith.constant 63 : i32
          %broadcast_in_dim3A_438 = vector.broadcast %broadcast_in_dim3A_437 : i32 to vector<16xi32>
          %gather3A_439 = tpu.vector_load_idx %arg10[%add3A_58, %broadcast_in_dim3A_438] : memref<128x128xf32, #tpu.memory_space<vmem>>[vector<16xi32>, vector<16xi32>], vector<16xf32>,
          %gather3A_440 = tpu.vector_load_idx %arg11[%add3A_58, %broadcast_in_dim3A_438] : memref<128x128xf32, #tpu.memory_space<vmem>>[vector<16xi32>, vector<16xi32>], vector<16xf32>,
          %mul3A_441 = arith.mulf %gather3A_439, %gather3A_440 : vector<16xf32>
          %add3A_442 = arith.addf %add3A_436, %mul3A_441 : vector<16xf32>
          %broadcast_in_dim3A_443 = arith.constant 64 : i32
          %broadcast_in_dim3A_444 = vector.broadcast %broadcast_in_dim3A_443 : i32 to vector<16xi32>
          %gather3A_445 = tpu.vector_load_idx %arg10[%add3A_58, %broadcast_in_dim3A_444] : memref<128x128xf32, #tpu.memory_space<vmem>>[vector<16xi32>, vector<16xi32>], vector<16xf32>,
          %gather3A_446 = tpu.vector_load_idx %arg11[%add3A_58, %broadcast_in_dim3A_444] : memref<128x128xf32, #tpu.memory_space<vmem>>[vector<16xi32>, vector<16xi32>], vector<16xf32>,
          %mul3A_447 = arith.mulf %gather3A_445, %gather3A_446 : vector<16xf32>
          %add3A_448 = arith.addf %add3A_442, %mul3A_447 : vector<16xf32>
          %broadcast_in_dim3A_449 = arith.constant 65 : i32
          %broadcast_in_dim3A_450 = vector.broadcast %broadcast_in_dim3A_449 : i32 to vector<16xi32>
          %gather3A_451 = tpu.vector_load_idx %arg10[%add3A_58, %broadcast_in_dim3A_450] : memref<128x128xf32, #tpu.memory_space<vmem>>[vector<16xi32>, vector<16xi32>], vector<16xf32>,
          %gather3A_452 = tpu.vector_load_idx %arg11[%add3A_58, %broadcast_in_dim3A_450] : memref<128x128xf32, #tpu.memory_space<vmem>>[vector<16xi32>, vector<16xi32>], vector<16xf32>,
          %mul3A_453 = arith.mulf %gather3A_451, %gather3A_452 : vector<16xf32>
          %add3A_454 = arith.addf %add3A_448, %mul3A_453 : vector<16xf32>
          %broadcast_in_dim3A_455 = arith.constant 66 : i32
          %broadcast_in_dim3A_456 = vector.broadcast %broadcast_in_dim3A_455 : i32 to vector<16xi32>
          %gather3A_457 = tpu.vector_load_idx %arg10[%add3A_58, %broadcast_in_dim3A_456] : memref<128x128xf32, #tpu.memory_space<vmem>>[vector<16xi32>, vector<16xi32>], vector<16xf32>,
          %gather3A_458 = tpu.vector_load_idx %arg11[%add3A_58, %broadcast_in_dim3A_456] : memref<128x128xf32, #tpu.memory_space<vmem>>[vector<16xi32>, vector<16xi32>], vector<16xf32>,
          %mul3A_459 = arith.mulf %gather3A_457, %gather3A_458 : vector<16xf32>
          %add3A_460 = arith.addf %add3A_454, %mul3A_459 : vector<16xf32>
          %broadcast_in_dim3A_461 = arith.constant 67 : i32
          %broadcast_in_dim3A_462 = vector.broadcast %broadcast_in_dim3A_461 : i32 to vector<16xi32>
          %gather3A_463 = tpu.vector_load_idx %arg10[%add3A_58, %broadcast_in_dim3A_462] : memref<128x128xf32, #tpu.memory_space<vmem>>[vector<16xi32>, vector<16xi32>], vector<16xf32>,
          %gather3A_464 = tpu.vector_load_idx %arg11[%add3A_58, %broadcast_in_dim3A_462] : memref<128x128xf32, #tpu.memory_space<vmem>>[vector<16xi32>, vector<16xi32>], vector<16xf32>,
          %mul3A_465 = arith.mulf %gather3A_463, %gather3A_464 : vector<16xf32>
          %add3A_466 = arith.addf %add3A_460, %mul3A_465 : vector<16xf32>
          %broadcast_in_dim3A_467 = arith.constant 68 : i32
          %broadcast_in_dim3A_468 = vector.broadcast %broadcast_in_dim3A_467 : i32 to vector<16xi32>
          %gather3A_469 = tpu.vector_load_idx %arg10[%add3A_58, %broadcast_in_dim3A_468] : memref<128x128xf32, #tpu.memory_space<vmem>>[vector<16xi32>, vector<16xi32>], vector<16xf32>,
          %gather3A_470 = tpu.vector_load_idx %arg11[%add3A_58, %broadcast_in_dim3A_468] : memref<128x128xf32, #tpu.memory_space<vmem>>[vector<16xi32>, vector<16xi32>], vector<16xf32>,
          %mul3A_471 = arith.mulf %gather3A_469, %gather3A_470 : vector<16xf32>
          %add3A_472 = arith.addf %add3A_466, %mul3A_471 : vector<16xf32>
          %broadcast_in_dim3A_473 = arith.constant 69 : i32
          %broadcast_in_dim3A_474 = vector.broadcast %broadcast_in_dim3A_473 : i32 to vector<16xi32>
          %gather3A_475 = tpu.vector_load_idx %arg10[%add3A_58, %broadcast_in_dim3A_474] : memref<128x128xf32, #tpu.memory_space<vmem>>[vector<16xi32>, vector<16xi32>], vector<16xf32>,
          %gather3A_476 = tpu.vector_load_idx %arg11[%add3A_58, %broadcast_in_dim3A_474] : memref<128x128xf32, #tpu.memory_space<vmem>>[vector<16xi32>, vector<16xi32>], vector<16xf32>,
          %mul3A_477 = arith.mulf %gather3A_475, %gather3A_476 : vector<16xf32>
          %add3A_478 = arith.addf %add3A_472, %mul3A_477 : vector<16xf32>
          %broadcast_in_dim3A_479 = arith.constant 70 : i32
          %broadcast_in_dim3A_480 = vector.broadcast %broadcast_in_dim3A_479 : i32 to vector<16xi32>
          %gather3A_481 = tpu.vector_load_idx %arg10[%add3A_58, %broadcast_in_dim3A_480] : memref<128x128xf32, #tpu.memory_space<vmem>>[vector<16xi32>, vector<16xi32>], vector<16xf32>,
          %gather3A_482 = tpu.vector_load_idx %arg11[%add3A_58, %broadcast_in_dim3A_480] : memref<128x128xf32, #tpu.memory_space<vmem>>[vector<16xi32>, vector<16xi32>], vector<16xf32>,
          %mul3A_483 = arith.mulf %gather3A_481, %gather3A_482 : vector<16xf32>
          %add3A_484 = arith.addf %add3A_478, %mul3A_483 : vector<16xf32>
          %broadcast_in_dim3A_485 = arith.constant 71 : i32
          %broadcast_in_dim3A_486 = vector.broadcast %broadcast_in_dim3A_485 : i32 to vector<16xi32>
          %gather3A_487 = tpu.vector_load_idx %arg10[%add3A_58, %broadcast_in_dim3A_486] : memref<128x128xf32, #tpu.memory_space<vmem>>[vector<16xi32>, vector<16xi32>], vector<16xf32>,
          %gather3A_488 = tpu.vector_load_idx %arg11[%add3A_58, %broadcast_in_dim3A_486] : memref<128x128xf32, #tpu.memory_space<vmem>>[vector<16xi32>, vector<16xi32>], vector<16xf32>,
          %mul3A_489 = arith.mulf %gather3A_487, %gather3A_488 : vector<16xf32>
          %add3A_490 = arith.addf %add3A_484, %mul3A_489 : vector<16xf32>
          %broadcast_in_dim3A_491 = arith.constant 72 : i32
          %broadcast_in_dim3A_492 = vector.broadcast %broadcast_in_dim3A_491 : i32 to vector<16xi32>
          %gather3A_493 = tpu.vector_load_idx %arg10[%add3A_58, %broadcast_in_dim3A_492] : memref<128x128xf32, #tpu.memory_space<vmem>>[vector<16xi32>, vector<16xi32>], vector<16xf32>,
          %gather3A_494 = tpu.vector_load_idx %arg11[%add3A_58, %broadcast_in_dim3A_492] : memref<128x128xf32, #tpu.memory_space<vmem>>[vector<16xi32>, vector<16xi32>], vector<16xf32>,
          %mul3A_495 = arith.mulf %gather3A_493, %gather3A_494 : vector<16xf32>
          %add3A_496 = arith.addf %add3A_490, %mul3A_495 : vector<16xf32>
          %broadcast_in_dim3A_497 = arith.constant 73 : i32
          %broadcast_in_dim3A_498 = vector.broadcast %broadcast_in_dim3A_497 : i32 to vector<16xi32>
          %gather3A_499 = tpu.vector_load_idx %arg10[%add3A_58, %broadcast_in_dim3A_498] : memref<128x128xf32, #tpu.memory_space<vmem>>[vector<16xi32>, vector<16xi32>], vector<16xf32>,
          %gather3A_500 = tpu.vector_load_idx %arg11[%add3A_58, %broadcast_in_dim3A_498] : memref<128x128xf32, #tpu.memory_space<vmem>>[vector<16xi32>, vector<16xi32>], vector<16xf32>,
          %mul3A_501 = arith.mulf %gather3A_499, %gather3A_500 : vector<16xf32>
          %add3A_502 = arith.addf %add3A_496, %mul3A_501 : vector<16xf32>
          %broadcast_in_dim3A_503 = arith.constant 74 : i32
          %broadcast_in_dim3A_504 = vector.broadcast %broadcast_in_dim3A_503 : i32 to vector<16xi32>
          %gather3A_505 = tpu.vector_load_idx %arg10[%add3A_58, %broadcast_in_dim3A_504] : memref<128x128xf32, #tpu.memory_space<vmem>>[vector<16xi32>, vector<16xi32>], vector<16xf32>,
          %gather3A_506 = tpu.vector_load_idx %arg11[%add3A_58, %broadcast_in_dim3A_504] : memref<128x128xf32, #tpu.memory_space<vmem>>[vector<16xi32>, vector<16xi32>], vector<16xf32>,
          %mul3A_507 = arith.mulf %gather3A_505, %gather3A_506 : vector<16xf32>
          %add3A_508 = arith.addf %add3A_502, %mul3A_507 : vector<16xf32>
          %broadcast_in_dim3A_509 = arith.constant 75 : i32
          %broadcast_in_dim3A_510 = vector.broadcast %broadcast_in_dim3A_509 : i32 to vector<16xi32>
          %gather3A_511 = tpu.vector_load_idx %arg10[%add3A_58, %broadcast_in_dim3A_510] : memref<128x128xf32, #tpu.memory_space<vmem>>[vector<16xi32>, vector<16xi32>], vector<16xf32>,
          %gather3A_512 = tpu.vector_load_idx %arg11[%add3A_58, %broadcast_in_dim3A_510] : memref<128x128xf32, #tpu.memory_space<vmem>>[vector<16xi32>, vector<16xi32>], vector<16xf32>,
          %mul3A_513 = arith.mulf %gather3A_511, %gather3A_512 : vector<16xf32>
          %add3A_514 = arith.addf %add3A_508, %mul3A_513 : vector<16xf32>
          %broadcast_in_dim3A_515 = arith.constant 76 : i32
          %broadcast_in_dim3A_516 = vector.broadcast %broadcast_in_dim3A_515 : i32 to vector<16xi32>
          %gather3A_517 = tpu.vector_load_idx %arg10[%add3A_58, %broadcast_in_dim3A_516] : memref<128x128xf32, #tpu.memory_space<vmem>>[vector<16xi32>, vector<16xi32>], vector<16xf32>,
          %gather3A_518 = tpu.vector_load_idx %arg11[%add3A_58, %broadcast_in_dim3A_516] : memref<128x128xf32, #tpu.memory_space<vmem>>[vector<16xi32>, vector<16xi32>], vector<16xf32>,
          %mul3A_519 = arith.mulf %gather3A_517, %gather3A_518 : vector<16xf32>
          %add3A_520 = arith.addf %add3A_514, %mul3A_519 : vector<16xf32>
          %broadcast_in_dim3A_521 = arith.constant 77 : i32
          %broadcast_in_dim3A_522 = vector.broadcast %broadcast_in_dim3A_521 : i32 to vector<16xi32>
          %gather3A_523 = tpu.vector_load_idx %arg10[%add3A_58, %broadcast_in_dim3A_522] : memref<128x128xf32, #tpu.memory_space<vmem>>[vector<16xi32>, vector<16xi32>], vector<16xf32>,
          %gather3A_524 = tpu.vector_load_idx %arg11[%add3A_58, %broadcast_in_dim3A_522] : memref<128x128xf32, #tpu.memory_space<vmem>>[vector<16xi32>, vector<16xi32>], vector<16xf32>,
          %mul3A_525 = arith.mulf %gather3A_523, %gather3A_524 : vector<16xf32>
          %add3A_526 = arith.addf %add3A_520, %mul3A_525 : vector<16xf32>
          %broadcast_in_dim3A_527 = arith.constant 78 : i32
          %broadcast_in_dim3A_528 = vector.broadcast %broadcast_in_dim3A_527 : i32 to vector<16xi32>
          %gather3A_529 = tpu.vector_load_idx %arg10[%add3A_58, %broadcast_in_dim3A_528] : memref<128x128xf32, #tpu.memory_space<vmem>>[vector<16xi32>, vector<16xi32>], vector<16xf32>,
          %gather3A_530 = tpu.vector_load_idx %arg11[%add3A_58, %broadcast_in_dim3A_528] : memref<128x128xf32, #tpu.memory_space<vmem>>[vector<16xi32>, vector<16xi32>], vector<16xf32>,
          %mul3A_531 = arith.mulf %gather3A_529, %gather3A_530 : vector<16xf32>
          %add3A_532 = arith.addf %add3A_526, %mul3A_531 : vector<16xf32>
          %broadcast_in_dim3A_533 = arith.constant 79 : i32
          %broadcast_in_dim3A_534 = vector.broadcast %broadcast_in_dim3A_533 : i32 to vector<16xi32>
          %gather3A_535 = tpu.vector_load_idx %arg10[%add3A_58, %broadcast_in_dim3A_534] : memref<128x128xf32, #tpu.memory_space<vmem>>[vector<16xi32>, vector<16xi32>], vector<16xf32>,
          %gather3A_536 = tpu.vector_load_idx %arg11[%add3A_58, %broadcast_in_dim3A_534] : memref<128x128xf32, #tpu.memory_space<vmem>>[vector<16xi32>, vector<16xi32>], vector<16xf32>,
          %mul3A_537 = arith.mulf %gather3A_535, %gather3A_536 : vector<16xf32>
          %add3A_538 = arith.addf %add3A_532, %mul3A_537 : vector<16xf32>
          %broadcast_in_dim3A_539 = arith.constant 80 : i32
          %broadcast_in_dim3A_540 = vector.broadcast %broadcast_in_dim3A_539 : i32 to vector<16xi32>
          %gather3A_541 = tpu.vector_load_idx %arg10[%add3A_58, %broadcast_in_dim3A_540] : memref<128x128xf32, #tpu.memory_space<vmem>>[vector<16xi32>, vector<16xi32>], vector<16xf32>,
          %gather3A_542 = tpu.vector_load_idx %arg11[%add3A_58, %broadcast_in_dim3A_540] : memref<128x128xf32, #tpu.memory_space<vmem>>[vector<16xi32>, vector<16xi32>], vector<16xf32>,
          %mul3A_543 = arith.mulf %gather3A_541, %gather3A_542 : vector<16xf32>
          %add3A_544 = arith.addf %add3A_538, %mul3A_543 : vector<16xf32>
          %broadcast_in_dim3A_545 = arith.constant 81 : i32
          %broadcast_in_dim3A_546 = vector.broadcast %broadcast_in_dim3A_545 : i32 to vector<16xi32>
          %gather3A_547 = tpu.vector_load_idx %arg10[%add3A_58, %broadcast_in_dim3A_546] : memref<128x128xf32, #tpu.memory_space<vmem>>[vector<16xi32>, vector<16xi32>], vector<16xf32>,
          %gather3A_548 = tpu.vector_load_idx %arg11[%add3A_58, %broadcast_in_dim3A_546] : memref<128x128xf32, #tpu.memory_space<vmem>>[vector<16xi32>, vector<16xi32>], vector<16xf32>,
          %mul3A_549 = arith.mulf %gather3A_547, %gather3A_548 : vector<16xf32>
          %add3A_550 = arith.addf %add3A_544, %mul3A_549 : vector<16xf32>
          %broadcast_in_dim3A_551 = arith.constant 82 : i32
          %broadcast_in_dim3A_552 = vector.broadcast %broadcast_in_dim3A_551 : i32 to vector<16xi32>
          %gather3A_553 = tpu.vector_load_idx %arg10[%add3A_58, %broadcast_in_dim3A_552] : memref<128x128xf32, #tpu.memory_space<vmem>>[vector<16xi32>, vector<16xi32>], vector<16xf32>,
          %gather3A_554 = tpu.vector_load_idx %arg11[%add3A_58, %broadcast_in_dim3A_552] : memref<128x128xf32, #tpu.memory_space<vmem>>[vector<16xi32>, vector<16xi32>], vector<16xf32>,
          %mul3A_555 = arith.mulf %gather3A_553, %gather3A_554 : vector<16xf32>
          %add3A_556 = arith.addf %add3A_550, %mul3A_555 : vector<16xf32>
          %broadcast_in_dim3A_557 = arith.constant 83 : i32
          %broadcast_in_dim3A_558 = vector.broadcast %broadcast_in_dim3A_557 : i32 to vector<16xi32>
          %gather3A_559 = tpu.vector_load_idx %arg10[%add3A_58, %broadcast_in_dim3A_558] : memref<128x128xf32, #tpu.memory_space<vmem>>[vector<16xi32>, vector<16xi32>], vector<16xf32>,
          %gather3A_560 = tpu.vector_load_idx %arg11[%add3A_58, %broadcast_in_dim3A_558] : memref<128x128xf32, #tpu.memory_space<vmem>>[vector<16xi32>, vector<16xi32>], vector<16xf32>,
          %mul3A_561 = arith.mulf %gather3A_559, %gather3A_560 : vector<16xf32>
          %add3A_562 = arith.addf %add3A_556, %mul3A_561 : vector<16xf32>
          %broadcast_in_dim3A_563 = arith.constant 84 : i32
          %broadcast_in_dim3A_564 = vector.broadcast %broadcast_in_dim3A_563 : i32 to vector<16xi32>
          %gather3A_565 = tpu.vector_load_idx %arg10[%add3A_58, %broadcast_in_dim3A_564] : memref<128x128xf32, #tpu.memory_space<vmem>>[vector<16xi32>, vector<16xi32>], vector<16xf32>,
          %gather3A_566 = tpu.vector_load_idx %arg11[%add3A_58, %broadcast_in_dim3A_564] : memref<128x128xf32, #tpu.memory_space<vmem>>[vector<16xi32>, vector<16xi32>], vector<16xf32>,
          %mul3A_567 = arith.mulf %gather3A_565, %gather3A_566 : vector<16xf32>
          %add3A_568 = arith.addf %add3A_562, %mul3A_567 : vector<16xf32>
          %broadcast_in_dim3A_569 = arith.constant 85 : i32
          %broadcast_in_dim3A_570 = vector.broadcast %broadcast_in_dim3A_569 : i32 to vector<16xi32>
          %gather3A_571 = tpu.vector_load_idx %arg10[%add3A_58, %broadcast_in_dim3A_570] : memref<128x128xf32, #tpu.memory_space<vmem>>[vector<16xi32>, vector<16xi32>], vector<16xf32>,
          %gather3A_572 = tpu.vector_load_idx %arg11[%add3A_58, %broadcast_in_dim3A_570] : memref<128x128xf32, #tpu.memory_space<vmem>>[vector<16xi32>, vector<16xi32>], vector<16xf32>,
          %mul3A_573 = arith.mulf %gather3A_571, %gather3A_572 : vector<16xf32>
          %add3A_574 = arith.addf %add3A_568, %mul3A_573 : vector<16xf32>
          %broadcast_in_dim3A_575 = arith.constant 86 : i32
          %broadcast_in_dim3A_576 = vector.broadcast %broadcast_in_dim3A_575 : i32 to vector<16xi32>
          %gather3A_577 = tpu.vector_load_idx %arg10[%add3A_58, %broadcast_in_dim3A_576] : memref<128x128xf32, #tpu.memory_space<vmem>>[vector<16xi32>, vector<16xi32>], vector<16xf32>,
          %gather3A_578 = tpu.vector_load_idx %arg11[%add3A_58, %broadcast_in_dim3A_576] : memref<128x128xf32, #tpu.memory_space<vmem>>[vector<16xi32>, vector<16xi32>], vector<16xf32>,
          %mul3A_579 = arith.mulf %gather3A_577, %gather3A_578 : vector<16xf32>
          %add3A_580 = arith.addf %add3A_574, %mul3A_579 : vector<16xf32>
          %broadcast_in_dim3A_581 = arith.constant 87 : i32
          %broadcast_in_dim3A_582 = vector.broadcast %broadcast_in_dim3A_581 : i32 to vector<16xi32>
          %gather3A_583 = tpu.vector_load_idx %arg10[%add3A_58, %broadcast_in_dim3A_582] : memref<128x128xf32, #tpu.memory_space<vmem>>[vector<16xi32>, vector<16xi32>], vector<16xf32>,
          %gather3A_584 = tpu.vector_load_idx %arg11[%add3A_58, %broadcast_in_dim3A_582] : memref<128x128xf32, #tpu.memory_space<vmem>>[vector<16xi32>, vector<16xi32>], vector<16xf32>,
          %mul3A_585 = arith.mulf %gather3A_583, %gather3A_584 : vector<16xf32>
          %add3A_586 = arith.addf %add3A_580, %mul3A_585 : vector<16xf32>
          %broadcast_in_dim3A_587 = arith.constant 88 : i32
          %broadcast_in_dim3A_588 = vector.broadcast %broadcast_in_dim3A_587 : i32 to vector<16xi32>
          %gather3A_589 = tpu.vector_load_idx %arg10[%add3A_58, %broadcast_in_dim3A_588] : memref<128x128xf32, #tpu.memory_space<vmem>>[vector<16xi32>, vector<16xi32>], vector<16xf32>,
          %gather3A_590 = tpu.vector_load_idx %arg11[%add3A_58, %broadcast_in_dim3A_588] : memref<128x128xf32, #tpu.memory_space<vmem>>[vector<16xi32>, vector<16xi32>], vector<16xf32>,
          %mul3A_591 = arith.mulf %gather3A_589, %gather3A_590 : vector<16xf32>
          %add3A_592 = arith.addf %add3A_586, %mul3A_591 : vector<16xf32>
          %broadcast_in_dim3A_593 = arith.constant 89 : i32
          %broadcast_in_dim3A_594 = vector.broadcast %broadcast_in_dim3A_593 : i32 to vector<16xi32>
          %gather3A_595 = tpu.vector_load_idx %arg10[%add3A_58, %broadcast_in_dim3A_594] : memref<128x128xf32, #tpu.memory_space<vmem>>[vector<16xi32>, vector<16xi32>], vector<16xf32>,
          %gather3A_596 = tpu.vector_load_idx %arg11[%add3A_58, %broadcast_in_dim3A_594] : memref<128x128xf32, #tpu.memory_space<vmem>>[vector<16xi32>, vector<16xi32>], vector<16xf32>,
          %mul3A_597 = arith.mulf %gather3A_595, %gather3A_596 : vector<16xf32>
          %add3A_598 = arith.addf %add3A_592, %mul3A_597 : vector<16xf32>
          %broadcast_in_dim3A_599 = arith.constant 90 : i32
          %broadcast_in_dim3A_600 = vector.broadcast %broadcast_in_dim3A_599 : i32 to vector<16xi32>
          %gather3A_601 = tpu.vector_load_idx %arg10[%add3A_58, %broadcast_in_dim3A_600] : memref<128x128xf32, #tpu.memory_space<vmem>>[vector<16xi32>, vector<16xi32>], vector<16xf32>,
          %gather3A_602 = tpu.vector_load_idx %arg11[%add3A_58, %broadcast_in_dim3A_600] : memref<128x128xf32, #tpu.memory_space<vmem>>[vector<16xi32>, vector<16xi32>], vector<16xf32>,
          %mul3A_603 = arith.mulf %gather3A_601, %gather3A_602 : vector<16xf32>
          %add3A_604 = arith.addf %add3A_598, %mul3A_603 : vector<16xf32>
          %broadcast_in_dim3A_605 = arith.constant 91 : i32
          %broadcast_in_dim3A_606 = vector.broadcast %broadcast_in_dim3A_605 : i32 to vector<16xi32>
          %gather3A_607 = tpu.vector_load_idx %arg10[%add3A_58, %broadcast_in_dim3A_606] : memref<128x128xf32, #tpu.memory_space<vmem>>[vector<16xi32>, vector<16xi32>], vector<16xf32>,
          %gather3A_608 = tpu.vector_load_idx %arg11[%add3A_58, %broadcast_in_dim3A_606] : memref<128x128xf32, #tpu.memory_space<vmem>>[vector<16xi32>, vector<16xi32>], vector<16xf32>,
          %mul3A_609 = arith.mulf %gather3A_607, %gather3A_608 : vector<16xf32>
          %add3A_610 = arith.addf %add3A_604, %mul3A_609 : vector<16xf32>
          %broadcast_in_dim3A_611 = arith.constant 92 : i32
          %broadcast_in_dim3A_612 = vector.broadcast %broadcast_in_dim3A_611 : i32 to vector<16xi32>
          %gather3A_613 = tpu.vector_load_idx %arg10[%add3A_58, %broadcast_in_dim3A_612] : memref<128x128xf32, #tpu.memory_space<vmem>>[vector<16xi32>, vector<16xi32>], vector<16xf32>,
          %gather3A_614 = tpu.vector_load_idx %arg11[%add3A_58, %broadcast_in_dim3A_612] : memref<128x128xf32, #tpu.memory_space<vmem>>[vector<16xi32>, vector<16xi32>], vector<16xf32>,
          %mul3A_615 = arith.mulf %gather3A_613, %gather3A_614 : vector<16xf32>
          %add3A_616 = arith.addf %add3A_610, %mul3A_615 : vector<16xf32>
          %broadcast_in_dim3A_617 = arith.constant 93 : i32
          %broadcast_in_dim3A_618 = vector.broadcast %broadcast_in_dim3A_617 : i32 to vector<16xi32>
          %gather3A_619 = tpu.vector_load_idx %arg10[%add3A_58, %broadcast_in_dim3A_618] : memref<128x128xf32, #tpu.memory_space<vmem>>[vector<16xi32>, vector<16xi32>], vector<16xf32>,
          %gather3A_620 = tpu.vector_load_idx %arg11[%add3A_58, %broadcast_in_dim3A_618] : memref<128x128xf32, #tpu.memory_space<vmem>>[vector<16xi32>, vector<16xi32>], vector<16xf32>,
          %mul3A_621 = arith.mulf %gather3A_619, %gather3A_620 : vector<16xf32>
          %add3A_622 = arith.addf %add3A_616, %mul3A_621 : vector<16xf32>
          %broadcast_in_dim3A_623 = arith.constant 94 : i32
          %broadcast_in_dim3A_624 = vector.broadcast %broadcast_in_dim3A_623 : i32 to vector<16xi32>
          %gather3A_625 = tpu.vector_load_idx %arg10[%add3A_58, %broadcast_in_dim3A_624] : memref<128x128xf32, #tpu.memory_space<vmem>>[vector<16xi32>, vector<16xi32>], vector<16xf32>,
          %gather3A_626 = tpu.vector_load_idx %arg11[%add3A_58, %broadcast_in_dim3A_624] : memref<128x128xf32, #tpu.memory_space<vmem>>[vector<16xi32>, vector<16xi32>], vector<16xf32>,
          %mul3A_627 = arith.mulf %gather3A_625, %gather3A_626 : vector<16xf32>
          %add3A_628 = arith.addf %add3A_622, %mul3A_627 : vector<16xf32>
          %broadcast_in_dim3A_629 = arith.constant 95 : i32
          %broadcast_in_dim3A_630 = vector.broadcast %broadcast_in_dim3A_629 : i32 to vector<16xi32>
          %gather3A_631 = tpu.vector_load_idx %arg10[%add3A_58, %broadcast_in_dim3A_630] : memref<128x128xf32, #tpu.memory_space<vmem>>[vector<16xi32>, vector<16xi32>], vector<16xf32>,
          %gather3A_632 = tpu.vector_load_idx %arg11[%add3A_58, %broadcast_in_dim3A_630] : memref<128x128xf32, #tpu.memory_space<vmem>>[vector<16xi32>, vector<16xi32>], vector<16xf32>,
          %mul3A_633 = arith.mulf %gather3A_631, %gather3A_632 : vector<16xf32>
          %add3A_634 = arith.addf %add3A_628, %mul3A_633 : vector<16xf32>
          %broadcast_in_dim3A_635 = arith.constant 96 : i32
          %broadcast_in_dim3A_636 = vector.broadcast %broadcast_in_dim3A_635 : i32 to vector<16xi32>
          %gather3A_637 = tpu.vector_load_idx %arg10[%add3A_58, %broadcast_in_dim3A_636] : memref<128x128xf32, #tpu.memory_space<vmem>>[vector<16xi32>, vector<16xi32>], vector<16xf32>,
          %gather3A_638 = tpu.vector_load_idx %arg11[%add3A_58, %broadcast_in_dim3A_636] : memref<128x128xf32, #tpu.memory_space<vmem>>[vector<16xi32>, vector<16xi32>], vector<16xf32>,
          %mul3A_639 = arith.mulf %gather3A_637, %gather3A_638 : vector<16xf32>
          %add3A_640 = arith.addf %add3A_634, %mul3A_639 : vector<16xf32>
          %broadcast_in_dim3A_641 = arith.constant 97 : i32
          %broadcast_in_dim3A_642 = vector.broadcast %broadcast_in_dim3A_641 : i32 to vector<16xi32>
          %gather3A_643 = tpu.vector_load_idx %arg10[%add3A_58, %broadcast_in_dim3A_642] : memref<128x128xf32, #tpu.memory_space<vmem>>[vector<16xi32>, vector<16xi32>], vector<16xf32>,
          %gather3A_644 = tpu.vector_load_idx %arg11[%add3A_58, %broadcast_in_dim3A_642] : memref<128x128xf32, #tpu.memory_space<vmem>>[vector<16xi32>, vector<16xi32>], vector<16xf32>,
          %mul3A_645 = arith.mulf %gather3A_643, %gather3A_644 : vector<16xf32>
          %add3A_646 = arith.addf %add3A_640, %mul3A_645 : vector<16xf32>
          %broadcast_in_dim3A_647 = arith.constant 98 : i32
          %broadcast_in_dim3A_648 = vector.broadcast %broadcast_in_dim3A_647 : i32 to vector<16xi32>
          %gather3A_649 = tpu.vector_load_idx %arg10[%add3A_58, %broadcast_in_dim3A_648] : memref<128x128xf32, #tpu.memory_space<vmem>>[vector<16xi32>, vector<16xi32>], vector<16xf32>,
          %gather3A_650 = tpu.vector_load_idx %arg11[%add3A_58, %broadcast_in_dim3A_648] : memref<128x128xf32, #tpu.memory_space<vmem>>[vector<16xi32>, vector<16xi32>], vector<16xf32>,
          %mul3A_651 = arith.mulf %gather3A_649, %gather3A_650 : vector<16xf32>
          %add3A_652 = arith.addf %add3A_646, %mul3A_651 : vector<16xf32>
          %broadcast_in_dim3A_653 = arith.constant 99 : i32
          %broadcast_in_dim3A_654 = vector.broadcast %broadcast_in_dim3A_653 : i32 to vector<16xi32>
          %gather3A_655 = tpu.vector_load_idx %arg10[%add3A_58, %broadcast_in_dim3A_654] : memref<128x128xf32, #tpu.memory_space<vmem>>[vector<16xi32>, vector<16xi32>], vector<16xf32>,
          %gather3A_656 = tpu.vector_load_idx %arg11[%add3A_58, %broadcast_in_dim3A_654] : memref<128x128xf32, #tpu.memory_space<vmem>>[vector<16xi32>, vector<16xi32>], vector<16xf32>,
          %mul3A_657 = arith.mulf %gather3A_655, %gather3A_656 : vector<16xf32>
          %add3A_658 = arith.addf %add3A_652, %mul3A_657 : vector<16xf32>
          %broadcast_in_dim3A_659 = arith.constant 100 : i32
          %broadcast_in_dim3A_660 = vector.broadcast %broadcast_in_dim3A_659 : i32 to vector<16xi32>
          %gather3A_661 = tpu.vector_load_idx %arg10[%add3A_58, %broadcast_in_dim3A_660] : memref<128x128xf32, #tpu.memory_space<vmem>>[vector<16xi32>, vector<16xi32>], vector<16xf32>,
          %gather3A_662 = tpu.vector_load_idx %arg11[%add3A_58, %broadcast_in_dim3A_660] : memref<128x128xf32, #tpu.memory_space<vmem>>[vector<16xi32>, vector<16xi32>], vector<16xf32>,
          %mul3A_663 = arith.mulf %gather3A_661, %gather3A_662 : vector<16xf32>
          %add3A_664 = arith.addf %add3A_658, %mul3A_663 : vector<16xf32>
          %broadcast_in_dim3A_665 = arith.constant 101 : i32
          %broadcast_in_dim3A_666 = vector.broadcast %broadcast_in_dim3A_665 : i32 to vector<16xi32>
          %gather3A_667 = tpu.vector_load_idx %arg10[%add3A_58, %broadcast_in_dim3A_666] : memref<128x128xf32, #tpu.memory_space<vmem>>[vector<16xi32>, vector<16xi32>], vector<16xf32>,
          %gather3A_668 = tpu.vector_load_idx %arg11[%add3A_58, %broadcast_in_dim3A_666] : memref<128x128xf32, #tpu.memory_space<vmem>>[vector<16xi32>, vector<16xi32>], vector<16xf32>,
          %mul3A_669 = arith.mulf %gather3A_667, %gather3A_668 : vector<16xf32>
          %add3A_670 = arith.addf %add3A_664, %mul3A_669 : vector<16xf32>
          %broadcast_in_dim3A_671 = arith.constant 102 : i32
          %broadcast_in_dim3A_672 = vector.broadcast %broadcast_in_dim3A_671 : i32 to vector<16xi32>
          %gather3A_673 = tpu.vector_load_idx %arg10[%add3A_58, %broadcast_in_dim3A_672] : memref<128x128xf32, #tpu.memory_space<vmem>>[vector<16xi32>, vector<16xi32>], vector<16xf32>,
          %gather3A_674 = tpu.vector_load_idx %arg11[%add3A_58, %broadcast_in_dim3A_672] : memref<128x128xf32, #tpu.memory_space<vmem>>[vector<16xi32>, vector<16xi32>], vector<16xf32>,
          %mul3A_675 = arith.mulf %gather3A_673, %gather3A_674 : vector<16xf32>
          %add3A_676 = arith.addf %add3A_670, %mul3A_675 : vector<16xf32>
          %broadcast_in_dim3A_677 = arith.constant 103 : i32
          %broadcast_in_dim3A_678 = vector.broadcast %broadcast_in_dim3A_677 : i32 to vector<16xi32>
          %gather3A_679 = tpu.vector_load_idx %arg10[%add3A_58, %broadcast_in_dim3A_678] : memref<128x128xf32, #tpu.memory_space<vmem>>[vector<16xi32>, vector<16xi32>], vector<16xf32>,
          %gather3A_680 = tpu.vector_load_idx %arg11[%add3A_58, %broadcast_in_dim3A_678] : memref<128x128xf32, #tpu.memory_space<vmem>>[vector<16xi32>, vector<16xi32>], vector<16xf32>,
          %mul3A_681 = arith.mulf %gather3A_679, %gather3A_680 : vector<16xf32>
          %add3A_682 = arith.addf %add3A_676, %mul3A_681 : vector<16xf32>
          %broadcast_in_dim3A_683 = arith.constant 104 : i32
          %broadcast_in_dim3A_684 = vector.broadcast %broadcast_in_dim3A_683 : i32 to vector<16xi32>
          %gather3A_685 = tpu.vector_load_idx %arg10[%add3A_58, %broadcast_in_dim3A_684] : memref<128x128xf32, #tpu.memory_space<vmem>>[vector<16xi32>, vector<16xi32>], vector<16xf32>,
          %gather3A_686 = tpu.vector_load_idx %arg11[%add3A_58, %broadcast_in_dim3A_684] : memref<128x128xf32, #tpu.memory_space<vmem>>[vector<16xi32>, vector<16xi32>], vector<16xf32>,
          %mul3A_687 = arith.mulf %gather3A_685, %gather3A_686 : vector<16xf32>
          %add3A_688 = arith.addf %add3A_682, %mul3A_687 : vector<16xf32>
          %broadcast_in_dim3A_689 = arith.constant 105 : i32
          %broadcast_in_dim3A_690 = vector.broadcast %broadcast_in_dim3A_689 : i32 to vector<16xi32>
          %gather3A_691 = tpu.vector_load_idx %arg10[%add3A_58, %broadcast_in_dim3A_690] : memref<128x128xf32, #tpu.memory_space<vmem>>[vector<16xi32>, vector<16xi32>], vector<16xf32>,
          %gather3A_692 = tpu.vector_load_idx %arg11[%add3A_58, %broadcast_in_dim3A_690] : memref<128x128xf32, #tpu.memory_space<vmem>>[vector<16xi32>, vector<16xi32>], vector<16xf32>,
          %mul3A_693 = arith.mulf %gather3A_691, %gather3A_692 : vector<16xf32>
          %add3A_694 = arith.addf %add3A_688, %mul3A_693 : vector<16xf32>
          %broadcast_in_dim3A_695 = arith.constant 106 : i32
          %broadcast_in_dim3A_696 = vector.broadcast %broadcast_in_dim3A_695 : i32 to vector<16xi32>
          %gather3A_697 = tpu.vector_load_idx %arg10[%add3A_58, %broadcast_in_dim3A_696] : memref<128x128xf32, #tpu.memory_space<vmem>>[vector<16xi32>, vector<16xi32>], vector<16xf32>,
          %gather3A_698 = tpu.vector_load_idx %arg11[%add3A_58, %broadcast_in_dim3A_696] : memref<128x128xf32, #tpu.memory_space<vmem>>[vector<16xi32>, vector<16xi32>], vector<16xf32>,
          %mul3A_699 = arith.mulf %gather3A_697, %gather3A_698 : vector<16xf32>
          %add3A_700 = arith.addf %add3A_694, %mul3A_699 : vector<16xf32>
          %broadcast_in_dim3A_701 = arith.constant 107 : i32
          %broadcast_in_dim3A_702 = vector.broadcast %broadcast_in_dim3A_701 : i32 to vector<16xi32>
          %gather3A_703 = tpu.vector_load_idx %arg10[%add3A_58, %broadcast_in_dim3A_702] : memref<128x128xf32, #tpu.memory_space<vmem>>[vector<16xi32>, vector<16xi32>], vector<16xf32>,
          %gather3A_704 = tpu.vector_load_idx %arg11[%add3A_58, %broadcast_in_dim3A_702] : memref<128x128xf32, #tpu.memory_space<vmem>>[vector<16xi32>, vector<16xi32>], vector<16xf32>,
          %mul3A_705 = arith.mulf %gather3A_703, %gather3A_704 : vector<16xf32>
          %add3A_706 = arith.addf %add3A_700, %mul3A_705 : vector<16xf32>
          %broadcast_in_dim3A_707 = arith.constant 108 : i32
          %broadcast_in_dim3A_708 = vector.broadcast %broadcast_in_dim3A_707 : i32 to vector<16xi32>
          %gather3A_709 = tpu.vector_load_idx %arg10[%add3A_58, %broadcast_in_dim3A_708] : memref<128x128xf32, #tpu.memory_space<vmem>>[vector<16xi32>, vector<16xi32>], vector<16xf32>,
          %gather3A_710 = tpu.vector_load_idx %arg11[%add3A_58, %broadcast_in_dim3A_708] : memref<128x128xf32, #tpu.memory_space<vmem>>[vector<16xi32>, vector<16xi32>], vector<16xf32>,
          %mul3A_711 = arith.mulf %gather3A_709, %gather3A_710 : vector<16xf32>
          %add3A_712 = arith.addf %add3A_706, %mul3A_711 : vector<16xf32>
          %broadcast_in_dim3A_713 = arith.constant 109 : i32
          %broadcast_in_dim3A_714 = vector.broadcast %broadcast_in_dim3A_713 : i32 to vector<16xi32>
          %gather3A_715 = tpu.vector_load_idx %arg10[%add3A_58, %broadcast_in_dim3A_714] : memref<128x128xf32, #tpu.memory_space<vmem>>[vector<16xi32>, vector<16xi32>], vector<16xf32>,
          %gather3A_716 = tpu.vector_load_idx %arg11[%add3A_58, %broadcast_in_dim3A_714] : memref<128x128xf32, #tpu.memory_space<vmem>>[vector<16xi32>, vector<16xi32>], vector<16xf32>,
          %mul3A_717 = arith.mulf %gather3A_715, %gather3A_716 : vector<16xf32>
          %add3A_718 = arith.addf %add3A_712, %mul3A_717 : vector<16xf32>
          %broadcast_in_dim3A_719 = arith.constant 110 : i32
          %broadcast_in_dim3A_720 = vector.broadcast %broadcast_in_dim3A_719 : i32 to vector<16xi32>
          %gather3A_721 = tpu.vector_load_idx %arg10[%add3A_58, %broadcast_in_dim3A_720] : memref<128x128xf32, #tpu.memory_space<vmem>>[vector<16xi32>, vector<16xi32>], vector<16xf32>,
          %gather3A_722 = tpu.vector_load_idx %arg11[%add3A_58, %broadcast_in_dim3A_720] : memref<128x128xf32, #tpu.memory_space<vmem>>[vector<16xi32>, vector<16xi32>], vector<16xf32>,
          %mul3A_723 = arith.mulf %gather3A_721, %gather3A_722 : vector<16xf32>
          %add3A_724 = arith.addf %add3A_718, %mul3A_723 : vector<16xf32>
          %broadcast_in_dim3A_725 = arith.constant 111 : i32
          %broadcast_in_dim3A_726 = vector.broadcast %broadcast_in_dim3A_725 : i32 to vector<16xi32>
          %gather3A_727 = tpu.vector_load_idx %arg10[%add3A_58, %broadcast_in_dim3A_726] : memref<128x128xf32, #tpu.memory_space<vmem>>[vector<16xi32>, vector<16xi32>], vector<16xf32>,
          %gather3A_728 = tpu.vector_load_idx %arg11[%add3A_58, %broadcast_in_dim3A_726] : memref<128x128xf32, #tpu.memory_space<vmem>>[vector<16xi32>, vector<16xi32>], vector<16xf32>,
          %mul3A_729 = arith.mulf %gather3A_727, %gather3A_728 : vector<16xf32>
          %add3A_730 = arith.addf %add3A_724, %mul3A_729 : vector<16xf32>
          %broadcast_in_dim3A_731 = arith.constant 112 : i32
          %broadcast_in_dim3A_732 = vector.broadcast %broadcast_in_dim3A_731 : i32 to vector<16xi32>
          %gather3A_733 = tpu.vector_load_idx %arg10[%add3A_58, %broadcast_in_dim3A_732] : memref<128x128xf32, #tpu.memory_space<vmem>>[vector<16xi32>, vector<16xi32>], vector<16xf32>,
          %gather3A_734 = tpu.vector_load_idx %arg11[%add3A_58, %broadcast_in_dim3A_732] : memref<128x128xf32, #tpu.memory_space<vmem>>[vector<16xi32>, vector<16xi32>], vector<16xf32>,
          %mul3A_735 = arith.mulf %gather3A_733, %gather3A_734 : vector<16xf32>
          %add3A_736 = arith.addf %add3A_730, %mul3A_735 : vector<16xf32>
          %broadcast_in_dim3A_737 = arith.constant 113 : i32
          %broadcast_in_dim3A_738 = vector.broadcast %broadcast_in_dim3A_737 : i32 to vector<16xi32>
          %gather3A_739 = tpu.vector_load_idx %arg10[%add3A_58, %broadcast_in_dim3A_738] : memref<128x128xf32, #tpu.memory_space<vmem>>[vector<16xi32>, vector<16xi32>], vector<16xf32>,
          %gather3A_740 = tpu.vector_load_idx %arg11[%add3A_58, %broadcast_in_dim3A_738] : memref<128x128xf32, #tpu.memory_space<vmem>>[vector<16xi32>, vector<16xi32>], vector<16xf32>,
          %mul3A_741 = arith.mulf %gather3A_739, %gather3A_740 : vector<16xf32>
          %add3A_742 = arith.addf %add3A_736, %mul3A_741 : vector<16xf32>
          %broadcast_in_dim3A_743 = arith.constant 114 : i32
          %broadcast_in_dim3A_744 = vector.broadcast %broadcast_in_dim3A_743 : i32 to vector<16xi32>
          %gather3A_745 = tpu.vector_load_idx %arg10[%add3A_58, %broadcast_in_dim3A_744] : memref<128x128xf32, #tpu.memory_space<vmem>>[vector<16xi32>, vector<16xi32>], vector<16xf32>,
          %gather3A_746 = tpu.vector_load_idx %arg11[%add3A_58, %broadcast_in_dim3A_744] : memref<128x128xf32, #tpu.memory_space<vmem>>[vector<16xi32>, vector<16xi32>], vector<16xf32>,
          %mul3A_747 = arith.mulf %gather3A_745, %gather3A_746 : vector<16xf32>
          %add3A_748 = arith.addf %add3A_742, %mul3A_747 : vector<16xf32>
          %broadcast_in_dim3A_749 = arith.constant 115 : i32
          %broadcast_in_dim3A_750 = vector.broadcast %broadcast_in_dim3A_749 : i32 to vector<16xi32>
          %gather3A_751 = tpu.vector_load_idx %arg10[%add3A_58, %broadcast_in_dim3A_750] : memref<128x128xf32, #tpu.memory_space<vmem>>[vector<16xi32>, vector<16xi32>], vector<16xf32>,
          %gather3A_752 = tpu.vector_load_idx %arg11[%add3A_58, %broadcast_in_dim3A_750] : memref<128x128xf32, #tpu.memory_space<vmem>>[vector<16xi32>, vector<16xi32>], vector<16xf32>,
          %mul3A_753 = arith.mulf %gather3A_751, %gather3A_752 : vector<16xf32>
          %add3A_754 = arith.addf %add3A_748, %mul3A_753 : vector<16xf32>
          %broadcast_in_dim3A_755 = arith.constant 116 : i32
          %broadcast_in_dim3A_756 = vector.broadcast %broadcast_in_dim3A_755 : i32 to vector<16xi32>
          %gather3A_757 = tpu.vector_load_idx %arg10[%add3A_58, %broadcast_in_dim3A_756] : memref<128x128xf32, #tpu.memory_space<vmem>>[vector<16xi32>, vector<16xi32>], vector<16xf32>,
          %gather3A_758 = tpu.vector_load_idx %arg11[%add3A_58, %broadcast_in_dim3A_756] : memref<128x128xf32, #tpu.memory_space<vmem>>[vector<16xi32>, vector<16xi32>], vector<16xf32>,
          %mul3A_759 = arith.mulf %gather3A_757, %gather3A_758 : vector<16xf32>
          %add3A_760 = arith.addf %add3A_754, %mul3A_759 : vector<16xf32>
          %broadcast_in_dim3A_761 = arith.constant 117 : i32
          %broadcast_in_dim3A_762 = vector.broadcast %broadcast_in_dim3A_761 : i32 to vector<16xi32>
          %gather3A_763 = tpu.vector_load_idx %arg10[%add3A_58, %broadcast_in_dim3A_762] : memref<128x128xf32, #tpu.memory_space<vmem>>[vector<16xi32>, vector<16xi32>], vector<16xf32>,
          %gather3A_764 = tpu.vector_load_idx %arg11[%add3A_58, %broadcast_in_dim3A_762] : memref<128x128xf32, #tpu.memory_space<vmem>>[vector<16xi32>, vector<16xi32>], vector<16xf32>,
          %mul3A_765 = arith.mulf %gather3A_763, %gather3A_764 : vector<16xf32>
          %add3A_766 = arith.addf %add3A_760, %mul3A_765 : vector<16xf32>
          %broadcast_in_dim3A_767 = arith.constant 118 : i32
          %broadcast_in_dim3A_768 = vector.broadcast %broadcast_in_dim3A_767 : i32 to vector<16xi32>
          %gather3A_769 = tpu.vector_load_idx %arg10[%add3A_58, %broadcast_in_dim3A_768] : memref<128x128xf32, #tpu.memory_space<vmem>>[vector<16xi32>, vector<16xi32>], vector<16xf32>,
          %gather3A_770 = tpu.vector_load_idx %arg11[%add3A_58, %broadcast_in_dim3A_768] : memref<128x128xf32, #tpu.memory_space<vmem>>[vector<16xi32>, vector<16xi32>], vector<16xf32>,
          %mul3A_771 = arith.mulf %gather3A_769, %gather3A_770 : vector<16xf32>
          %add3A_772 = arith.addf %add3A_766, %mul3A_771 : vector<16xf32>
          %broadcast_in_dim3A_773 = arith.constant 119 : i32
          %broadcast_in_dim3A_774 = vector.broadcast %broadcast_in_dim3A_773 : i32 to vector<16xi32>
          %gather3A_775 = tpu.vector_load_idx %arg10[%add3A_58, %broadcast_in_dim3A_774] : memref<128x128xf32, #tpu.memory_space<vmem>>[vector<16xi32>, vector<16xi32>], vector<16xf32>,
          %gather3A_776 = tpu.vector_load_idx %arg11[%add3A_58, %broadcast_in_dim3A_774] : memref<128x128xf32, #tpu.memory_space<vmem>>[vector<16xi32>, vector<16xi32>], vector<16xf32>,
          %mul3A_777 = arith.mulf %gather3A_775, %gather3A_776 : vector<16xf32>
          %add3A_778 = arith.addf %add3A_772, %mul3A_777 : vector<16xf32>
          %broadcast_in_dim3A_779 = arith.constant 120 : i32
          %broadcast_in_dim3A_780 = vector.broadcast %broadcast_in_dim3A_779 : i32 to vector<16xi32>
          %gather3A_781 = tpu.vector_load_idx %arg10[%add3A_58, %broadcast_in_dim3A_780] : memref<128x128xf32, #tpu.memory_space<vmem>>[vector<16xi32>, vector<16xi32>], vector<16xf32>,
          %gather3A_782 = tpu.vector_load_idx %arg11[%add3A_58, %broadcast_in_dim3A_780] : memref<128x128xf32, #tpu.memory_space<vmem>>[vector<16xi32>, vector<16xi32>], vector<16xf32>,
          %mul3A_783 = arith.mulf %gather3A_781, %gather3A_782 : vector<16xf32>
          %add3A_784 = arith.addf %add3A_778, %mul3A_783 : vector<16xf32>
          %broadcast_in_dim3A_785 = arith.constant 121 : i32
          %broadcast_in_dim3A_786 = vector.broadcast %broadcast_in_dim3A_785 : i32 to vector<16xi32>
          %gather3A_787 = tpu.vector_load_idx %arg10[%add3A_58, %broadcast_in_dim3A_786] : memref<128x128xf32, #tpu.memory_space<vmem>>[vector<16xi32>, vector<16xi32>], vector<16xf32>,
          %gather3A_788 = tpu.vector_load_idx %arg11[%add3A_58, %broadcast_in_dim3A_786] : memref<128x128xf32, #tpu.memory_space<vmem>>[vector<16xi32>, vector<16xi32>], vector<16xf32>,
          %mul3A_789 = arith.mulf %gather3A_787, %gather3A_788 : vector<16xf32>
          %add3A_790 = arith.addf %add3A_784, %mul3A_789 : vector<16xf32>
          %broadcast_in_dim3A_791 = arith.constant 122 : i32
          %broadcast_in_dim3A_792 = vector.broadcast %broadcast_in_dim3A_791 : i32 to vector<16xi32>
          %gather3A_793 = tpu.vector_load_idx %arg10[%add3A_58, %broadcast_in_dim3A_792] : memref<128x128xf32, #tpu.memory_space<vmem>>[vector<16xi32>, vector<16xi32>], vector<16xf32>,
          %gather3A_794 = tpu.vector_load_idx %arg11[%add3A_58, %broadcast_in_dim3A_792] : memref<128x128xf32, #tpu.memory_space<vmem>>[vector<16xi32>, vector<16xi32>], vector<16xf32>,
          %mul3A_795 = arith.mulf %gather3A_793, %gather3A_794 : vector<16xf32>
          %add3A_796 = arith.addf %add3A_790, %mul3A_795 : vector<16xf32>
          %broadcast_in_dim3A_797 = arith.constant 123 : i32
          %broadcast_in_dim3A_798 = vector.broadcast %broadcast_in_dim3A_797 : i32 to vector<16xi32>
          %gather3A_799 = tpu.vector_load_idx %arg10[%add3A_58, %broadcast_in_dim3A_798] : memref<128x128xf32, #tpu.memory_space<vmem>>[vector<16xi32>, vector<16xi32>], vector<16xf32>,
          %gather3A_800 = tpu.vector_load_idx %arg11[%add3A_58, %broadcast_in_dim3A_798] : memref<128x128xf32, #tpu.memory_space<vmem>>[vector<16xi32>, vector<16xi32>], vector<16xf32>,
          %mul3A_801 = arith.mulf %gather3A_799, %gather3A_800 : vector<16xf32>
          %add3A_802 = arith.addf %add3A_796, %mul3A_801 : vector<16xf32>
          %broadcast_in_dim3A_803 = arith.constant 124 : i32
          %broadcast_in_dim3A_804 = vector.broadcast %broadcast_in_dim3A_803 : i32 to vector<16xi32>
          %gather3A_805 = tpu.vector_load_idx %arg10[%add3A_58, %broadcast_in_dim3A_804] : memref<128x128xf32, #tpu.memory_space<vmem>>[vector<16xi32>, vector<16xi32>], vector<16xf32>,
          %gather3A_806 = tpu.vector_load_idx %arg11[%add3A_58, %broadcast_in_dim3A_804] : memref<128x128xf32, #tpu.memory_space<vmem>>[vector<16xi32>, vector<16xi32>], vector<16xf32>,
          %mul3A_807 = arith.mulf %gather3A_805, %gather3A_806 : vector<16xf32>
          %add3A_808 = arith.addf %add3A_802, %mul3A_807 : vector<16xf32>
          %broadcast_in_dim3A_809 = arith.constant 125 : i32
          %broadcast_in_dim3A_810 = vector.broadcast %broadcast_in_dim3A_809 : i32 to vector<16xi32>
          %gather3A_811 = tpu.vector_load_idx %arg10[%add3A_58, %broadcast_in_dim3A_810] : memref<128x128xf32, #tpu.memory_space<vmem>>[vector<16xi32>, vector<16xi32>], vector<16xf32>,
          %gather3A_812 = tpu.vector_load_idx %arg11[%add3A_58, %broadcast_in_dim3A_810] : memref<128x128xf32, #tpu.memory_space<vmem>>[vector<16xi32>, vector<16xi32>], vector<16xf32>,
          %mul3A_813 = arith.mulf %gather3A_811, %gather3A_812 : vector<16xf32>
          %add3A_814 = arith.addf %add3A_808, %mul3A_813 : vector<16xf32>
          %broadcast_in_dim3A_815 = arith.constant 126 : i32
          %broadcast_in_dim3A_816 = vector.broadcast %broadcast_in_dim3A_815 : i32 to vector<16xi32>
          %gather3A_817 = tpu.vector_load_idx %arg10[%add3A_58, %broadcast_in_dim3A_816] : memref<128x128xf32, #tpu.memory_space<vmem>>[vector<16xi32>, vector<16xi32>], vector<16xf32>,
          %gather3A_818 = tpu.vector_load_idx %arg11[%add3A_58, %broadcast_in_dim3A_816] : memref<128x128xf32, #tpu.memory_space<vmem>>[vector<16xi32>, vector<16xi32>], vector<16xf32>,
          %mul3A_819 = arith.mulf %gather3A_817, %gather3A_818 : vector<16xf32>
          %add3A_820 = arith.addf %add3A_814, %mul3A_819 : vector<16xf32>
          %broadcast_in_dim3A_821 = arith.constant 127 : i32
          %broadcast_in_dim3A_822 = vector.broadcast %broadcast_in_dim3A_821 : i32 to vector<16xi32>
          %gather3A_823 = tpu.vector_load_idx %arg10[%add3A_58, %broadcast_in_dim3A_822] : memref<128x128xf32, #tpu.memory_space<vmem>>[vector<16xi32>, vector<16xi32>], vector<16xf32>,
          %gather3A_824 = tpu.vector_load_idx %arg11[%add3A_58, %broadcast_in_dim3A_822] : memref<128x128xf32, #tpu.memory_space<vmem>>[vector<16xi32>, vector<16xi32>], vector<16xf32>,
          %mul3A_825 = arith.mulf %gather3A_823, %gather3A_824 : vector<16xf32>
          %add3A_826 = arith.addf %add3A_820, %mul3A_825 : vector<16xf32>
          %mul3A_827 = arith.constant 16 : i32
          %mul3A_828 = arith.muli %scan3A_53, %mul3A_827 : i32
          %swap3A = arith.index_cast %mul3A_828 : i32 to index
          %swap3A_829 = tpu.vector_load %arg14[%swap3A] {strides = array<i32>} : memref<128xf32, #tpu.memory_space<vmem>>, vector<16xf32>,
          tpu.vector_store %arg14[%swap3A], %add3A_826 {strides = array<i32>} : memref<128xf32, #tpu.memory_space<vmem>>, vector<16xf32>,
          %scan3A_830 = arith.constant 0 : i32
          scf.yield %scan3A_830 : i32
        }
        %scan3A_52 = arith.constant 8 : i32
        "tpu.region"() ({
          %run_scoped3A = tpu.sem_alloc : memref<!tpu.dma_semaphore, #tpu.memory_space<semaphore_mem>>
          %dma_start3A = arith.constant 0 : i32
          %dma_start3A_53 = tpu.memref_slice %arg5[%add3A_15, %dma_start3A] : memref<2500x128xf32, #tpu.memory_space<hbm>> -> memref<1x128xf32, #tpu.memory_space<hbm>>
          %dma_start3A_54 = tpu.memref_squeeze %dma_start3A_53 : memref<1x128xf32, #tpu.memory_space<hbm>> -> memref<128xf32, #tpu.memory_space<hbm>>
          %dma_start3A_55 = arith.constant 0 : i32
          %dma_start3A_56 = tpu.memref_slice %arg5[%add3A_15, %dma_start3A_55] : memref<2500x128xf32, #tpu.memory_space<hbm>> -> memref<1x128xf32, #tpu.memory_space<hbm>>
          %dma_start3A_57 = tpu.memref_squeeze %dma_start3A_56 : memref<1x128xf32, #tpu.memory_space<hbm>> -> memref<128xf32, #tpu.memory_space<hbm>>
          tpu.enqueue_dma source(%arg14 : memref<128xf32, #tpu.memory_space<vmem>>) target(%dma_start3A_57 : memref<128xf32, #tpu.memory_space<hbm>>) target_semaphore(%run_scoped3A : memref<!tpu.dma_semaphore, #tpu.memory_space<semaphore_mem>>)
          %dma_wait3A_58 = arith.constant 0 : i32
          %dma_wait3A_59 = tpu.memref_slice %arg5[%add3A_15, %dma_wait3A_58] : memref<2500x128xf32, #tpu.memory_space<hbm>> -> memref<1x128xf32, #tpu.memory_space<hbm>>
          %dma_wait3A_60 = tpu.memref_squeeze %dma_wait3A_59 : memref<1x128xf32, #tpu.memory_space<hbm>> -> memref<128xf32, #tpu.memory_space<hbm>>
          %dma_wait3A_61 = arith.constant 0 : i32
          %dma_wait3A_62 = tpu.memref_slice %arg5[%add3A_15, %dma_wait3A_61] : memref<2500x128xf32, #tpu.memory_space<hbm>> -> memref<1x128xf32, #tpu.memory_space<hbm>>
          %dma_wait3A_63 = tpu.memref_squeeze %dma_wait3A_62 : memref<1x128xf32, #tpu.memory_space<hbm>> -> memref<128xf32, #tpu.memory_space<hbm>>
          tpu.wait_dma2 semaphore(%run_scoped3A : memref<!tpu.dma_semaphore, #tpu.memory_space<semaphore_mem>>) src(%arg14 : memref<128xf32, #tpu.memory_space<vmem>>) dst(%dma_wait3A_63 : memref<128xf32, #tpu.memory_space<hbm>>)
          tpu.yield
        }) : () -> ()
      } else {
      }
      %lt3A_30 = arith.constant 2500 : i32
      %lt3A_31 = arith.cmpi slt, %add3A_19, %lt3A_30 : i32
      %convert_element_type3A_32 = arith.extui %lt3A_31 : i1 to i32
      %cond3A_33 = arith.constant 0 : i32
      %cond3A_34 = arith.cmpi ne, %convert_element_type3A_32, %cond3A_33 : i32
      scf.if %cond3A_34 {
        "tpu.region"() ({
          %run_scoped3A = tpu.sem_alloc : memref<!tpu.dma_semaphore, #tpu.memory_space<semaphore_mem>>
          %dma_start3A_46 = arith.constant 0 : i32
          %dma_start3A_47 = tpu.memref_slice %arg3[%add3A_19, %dma_start3A_46] : memref<2500x128xi32, #tpu.memory_space<hbm>> -> memref<1x128xi32, #tpu.memory_space<hbm>>
          %dma_start3A_48 = tpu.memref_squeeze %dma_start3A_47 : memref<1x128xi32, #tpu.memory_space<hbm>> -> memref<128xi32, #tpu.memory_space<hbm>>
          %dma_start3A_49 = arith.constant 0 : i32
          %dma_start3A_50 = tpu.memref_slice %arg3[%add3A_19, %dma_start3A_49] : memref<2500x128xi32, #tpu.memory_space<hbm>> -> memref<1x128xi32, #tpu.memory_space<hbm>>
          %dma_start3A_51 = tpu.memref_squeeze %dma_start3A_50 : memref<1x128xi32, #tpu.memory_space<hbm>> -> memref<128xi32, #tpu.memory_space<hbm>>
          tpu.enqueue_dma source(%dma_start3A_51 : memref<128xi32, #tpu.memory_space<hbm>>) target(%arg6 : memref<128xi32, #tpu.memory_space<vmem>>) target_semaphore(%run_scoped3A : memref<!tpu.dma_semaphore, #tpu.memory_space<semaphore_mem>>)
          %dma_wait3A = arith.constant 0 : i32
          %dma_wait3A_52 = tpu.memref_slice %arg3[%add3A_19, %dma_wait3A] : memref<2500x128xi32, #tpu.memory_space<hbm>> -> memref<1x128xi32, #tpu.memory_space<hbm>>
          %dma_wait3A_53 = tpu.memref_squeeze %dma_wait3A_52 : memref<1x128xi32, #tpu.memory_space<hbm>> -> memref<128xi32, #tpu.memory_space<hbm>>
          %dma_wait3A_54 = arith.constant 0 : i32
          %dma_wait3A_55 = tpu.memref_slice %arg3[%add3A_19, %dma_wait3A_54] : memref<2500x128xi32, #tpu.memory_space<hbm>> -> memref<1x128xi32, #tpu.memory_space<hbm>>
          %dma_wait3A_56 = tpu.memref_squeeze %dma_wait3A_55 : memref<1x128xi32, #tpu.memory_space<hbm>> -> memref<128xi32, #tpu.memory_space<hbm>>
          tpu.wait_dma2 semaphore(%run_scoped3A : memref<!tpu.dma_semaphore, #tpu.memory_space<semaphore_mem>>) src(%dma_wait3A_56 : memref<128xi32, #tpu.memory_space<hbm>>) dst(%arg6 : memref<128xi32, #tpu.memory_space<vmem>>)
          tpu.yield
        }) : () -> ()
        "tpu.region"() ({
          %run_scoped3A = tpu.sem_alloc : memref<!tpu.dma_semaphore, #tpu.memory_space<semaphore_mem>>
          %dma_start3A_46 = arith.constant 0 : i32
          %dma_start3A_47 = tpu.memref_slice %arg4[%add3A_19, %dma_start3A_46] : memref<2500x128xi32, #tpu.memory_space<hbm>> -> memref<1x128xi32, #tpu.memory_space<hbm>>
          %dma_start3A_48 = tpu.memref_squeeze %dma_start3A_47 : memref<1x128xi32, #tpu.memory_space<hbm>> -> memref<128xi32, #tpu.memory_space<hbm>>
          %dma_start3A_49 = arith.constant 0 : i32
          %dma_start3A_50 = tpu.memref_slice %arg4[%add3A_19, %dma_start3A_49] : memref<2500x128xi32, #tpu.memory_space<hbm>> -> memref<1x128xi32, #tpu.memory_space<hbm>>
          %dma_start3A_51 = tpu.memref_squeeze %dma_start3A_50 : memref<1x128xi32, #tpu.memory_space<hbm>> -> memref<128xi32, #tpu.memory_space<hbm>>
          tpu.enqueue_dma source(%dma_start3A_51 : memref<128xi32, #tpu.memory_space<hbm>>) target(%arg7 : memref<128xi32, #tpu.memory_space<vmem>>) target_semaphore(%run_scoped3A : memref<!tpu.dma_semaphore, #tpu.memory_space<semaphore_mem>>)
          %dma_wait3A = arith.constant 0 : i32
          %dma_wait3A_52 = tpu.memref_slice %arg4[%add3A_19, %dma_wait3A] : memref<2500x128xi32, #tpu.memory_space<hbm>> -> memref<1x128xi32, #tpu.memory_space<hbm>>
          %dma_wait3A_53 = tpu.memref_squeeze %dma_wait3A_52 : memref<1x128xi32, #tpu.memory_space<hbm>> -> memref<128xi32, #tpu.memory_space<hbm>>
          %dma_wait3A_54 = arith.constant 0 : i32
          %dma_wait3A_55 = tpu.memref_slice %arg4[%add3A_19, %dma_wait3A_54] : memref<2500x128xi32, #tpu.memory_space<hbm>> -> memref<1x128xi32, #tpu.memory_space<hbm>>
          %dma_wait3A_56 = tpu.memref_squeeze %dma_wait3A_55 : memref<1x128xi32, #tpu.memory_space<hbm>> -> memref<128xi32, #tpu.memory_space<hbm>>
          tpu.wait_dma2 semaphore(%run_scoped3A : memref<!tpu.dma_semaphore, #tpu.memory_space<semaphore_mem>>) src(%dma_wait3A_56 : memref<128xi32, #tpu.memory_space<hbm>>) dst(%arg7 : memref<128xi32, #tpu.memory_space<vmem>>)
          tpu.yield
        }) : () -> ()
        %dma_start3A = arith.constant 0 : i32
        %dma_start3A_41 = arith.constant 0 : i32
        %dma_start3A_42 = tpu.memref_slice %arg2[%dma_start3A, %dma_start3A_41] : memref<10000x128xf32, #tpu.memory_space<hbm>> -> memref<10000x128xf32, #tpu.memory_space<hbm>>
        tpu.enqueue_indirect_dma source(%dma_start3A_42 : memref<10000x128xf32, #tpu.memory_space<hbm>>) target(%arg10 : memref<128x128xf32, #tpu.memory_space<vmem>>) offsets(%arg6 : memref<128xi32, #tpu.memory_space<vmem>>) semaphore(%arg15 : memref<!tpu.dma_semaphore, #tpu.memory_space<semaphore_mem>>)
        %dma_start3A_43 = arith.constant 0 : i32
        %dma_start3A_44 = arith.constant 0 : i32
        %dma_start3A_45 = tpu.memref_slice %arg2[%dma_start3A_43, %dma_start3A_44] : memref<10000x128xf32, #tpu.memory_space<hbm>> -> memref<10000x128xf32, #tpu.memory_space<hbm>>
        tpu.enqueue_indirect_dma source(%dma_start3A_45 : memref<10000x128xf32, #tpu.memory_space<hbm>>) target(%arg11 : memref<128x128xf32, #tpu.memory_space<vmem>>) offsets(%arg7 : memref<128xi32, #tpu.memory_space<vmem>>) semaphore(%arg15 : memref<!tpu.dma_semaphore, #tpu.memory_space<semaphore_mem>>)
      } else {
      }
      %lt3A_35 = arith.constant 2500 : i32
      %lt3A_36 = arith.cmpi slt, %add3A_17, %lt3A_35 : i32
      %convert_element_type3A_37 = arith.extui %lt3A_36 : i1 to i32
      %cond3A_38 = arith.constant 0 : i32
      %cond3A_39 = arith.cmpi ne, %convert_element_type3A_37, %cond3A_38 : i32
      scf.if %cond3A_39 {
        %dma_wait3A = arith.constant 0 : i32
        %dma_wait3A_41 = arith.constant 0 : i32
        %dma_wait3A_42 = tpu.memref_slice %arg2[%dma_wait3A, %dma_wait3A_41] : memref<10000x128xf32, #tpu.memory_space<hbm>> -> memref<10000x128xf32, #tpu.memory_space<hbm>>
        tpu.wait_indirect_dma semaphore(%arg16 : memref<!tpu.dma_semaphore, #tpu.memory_space<semaphore_mem>>) src(%dma_wait3A_42 : memref<10000x128xf32, #tpu.memory_space<hbm>>) dst(%arg12 : memref<128x128xf32, #tpu.memory_space<vmem>>)
        %dma_wait3A_43 = arith.constant 0 : i32
        %dma_wait3A_44 = arith.constant 0 : i32
        %dma_wait3A_45 = tpu.memref_slice %arg2[%dma_wait3A_43, %dma_wait3A_44] : memref<10000x128xf32, #tpu.memory_space<hbm>> -> memref<10000x128xf32, #tpu.memory_space<hbm>>
        tpu.wait_indirect_dma semaphore(%arg16 : memref<!tpu.dma_semaphore, #tpu.memory_space<semaphore_mem>>) src(%dma_wait3A_45 : memref<10000x128xf32, #tpu.memory_space<hbm>>) dst(%arg13 : memref<128x128xf32, #tpu.memory_space<vmem>>)
        %scan3A_46 = arith.constant 0 : i32
        %scan3A_47 = arith.constant 0 : i32
        %scan3A_48 = arith.constant 8 : i32
        %scan3A_49 = arith.addi %scan3A_47, %scan3A_48 : i32
        %scan3A_50 = arith.constant 1 : i32
        %scan3A_51 = scf.for %scan3A_53 = %scan3A_47 to %scan3A_49 step %scan3A_50 iter_args(%scan3A_54 = %scan3A_46) -> (i32)  : i32 {
          %iota3A = tpu.iota {dimensions = array<i32: 0>} : vector<16xi32>
          %mul3A_55 = arith.constant 16 : i32
          %mul3A_56 = arith.muli %scan3A_53, %mul3A_55 : i32
          %add3A_57 = vector.broadcast %mul3A_56 : i32 to vector<16xi32>
          %add3A_58 = arith.addi %iota3A, %add3A_57 : vector<16xi32>
          %broadcast_in_dim3A = arith.constant 0.000000e+00 : f32
          %broadcast_in_dim3A_59 = vector.broadcast %broadcast_in_dim3A : f32 to vector<16xf32>
          %broadcast_in_dim3A_60 = arith.constant 0 : i32
          %broadcast_in_dim3A_61 = vector.broadcast %broadcast_in_dim3A_60 : i32 to vector<16xi32>
          %gather3A = tpu.vector_load_idx %arg12[%add3A_58, %broadcast_in_dim3A_61] : memref<128x128xf32, #tpu.memory_space<vmem>>[vector<16xi32>, vector<16xi32>], vector<16xf32>,
          %gather3A_62 = tpu.vector_load_idx %arg13[%add3A_58, %broadcast_in_dim3A_61] : memref<128x128xf32, #tpu.memory_space<vmem>>[vector<16xi32>, vector<16xi32>], vector<16xf32>,
          %mul3A_63 = arith.mulf %gather3A, %gather3A_62 : vector<16xf32>
          %add3A_64 = arith.addf %broadcast_in_dim3A_59, %mul3A_63 : vector<16xf32>
          %broadcast_in_dim3A_65 = arith.constant 1 : i32
          %broadcast_in_dim3A_66 = vector.broadcast %broadcast_in_dim3A_65 : i32 to vector<16xi32>
          %gather3A_67 = tpu.vector_load_idx %arg12[%add3A_58, %broadcast_in_dim3A_66] : memref<128x128xf32, #tpu.memory_space<vmem>>[vector<16xi32>, vector<16xi32>], vector<16xf32>,
          %gather3A_68 = tpu.vector_load_idx %arg13[%add3A_58, %broadcast_in_dim3A_66] : memref<128x128xf32, #tpu.memory_space<vmem>>[vector<16xi32>, vector<16xi32>], vector<16xf32>,
          %mul3A_69 = arith.mulf %gather3A_67, %gather3A_68 : vector<16xf32>
          %add3A_70 = arith.addf %add3A_64, %mul3A_69 : vector<16xf32>
          %broadcast_in_dim3A_71 = arith.constant 2 : i32
          %broadcast_in_dim3A_72 = vector.broadcast %broadcast_in_dim3A_71 : i32 to vector<16xi32>
          %gather3A_73 = tpu.vector_load_idx %arg12[%add3A_58, %broadcast_in_dim3A_72] : memref<128x128xf32, #tpu.memory_space<vmem>>[vector<16xi32>, vector<16xi32>], vector<16xf32>,
          %gather3A_74 = tpu.vector_load_idx %arg13[%add3A_58, %broadcast_in_dim3A_72] : memref<128x128xf32, #tpu.memory_space<vmem>>[vector<16xi32>, vector<16xi32>], vector<16xf32>,
          %mul3A_75 = arith.mulf %gather3A_73, %gather3A_74 : vector<16xf32>
          %add3A_76 = arith.addf %add3A_70, %mul3A_75 : vector<16xf32>
          %broadcast_in_dim3A_77 = arith.constant 3 : i32
          %broadcast_in_dim3A_78 = vector.broadcast %broadcast_in_dim3A_77 : i32 to vector<16xi32>
          %gather3A_79 = tpu.vector_load_idx %arg12[%add3A_58, %broadcast_in_dim3A_78] : memref<128x128xf32, #tpu.memory_space<vmem>>[vector<16xi32>, vector<16xi32>], vector<16xf32>,
          %gather3A_80 = tpu.vector_load_idx %arg13[%add3A_58, %broadcast_in_dim3A_78] : memref<128x128xf32, #tpu.memory_space<vmem>>[vector<16xi32>, vector<16xi32>], vector<16xf32>,
          %mul3A_81 = arith.mulf %gather3A_79, %gather3A_80 : vector<16xf32>
          %add3A_82 = arith.addf %add3A_76, %mul3A_81 : vector<16xf32>
          %broadcast_in_dim3A_83 = arith.constant 4 : i32
          %broadcast_in_dim3A_84 = vector.broadcast %broadcast_in_dim3A_83 : i32 to vector<16xi32>
          %gather3A_85 = tpu.vector_load_idx %arg12[%add3A_58, %broadcast_in_dim3A_84] : memref<128x128xf32, #tpu.memory_space<vmem>>[vector<16xi32>, vector<16xi32>], vector<16xf32>,
          %gather3A_86 = tpu.vector_load_idx %arg13[%add3A_58, %broadcast_in_dim3A_84] : memref<128x128xf32, #tpu.memory_space<vmem>>[vector<16xi32>, vector<16xi32>], vector<16xf32>,
          %mul3A_87 = arith.mulf %gather3A_85, %gather3A_86 : vector<16xf32>
          %add3A_88 = arith.addf %add3A_82, %mul3A_87 : vector<16xf32>
          %broadcast_in_dim3A_89 = arith.constant 5 : i32
          %broadcast_in_dim3A_90 = vector.broadcast %broadcast_in_dim3A_89 : i32 to vector<16xi32>
          %gather3A_91 = tpu.vector_load_idx %arg12[%add3A_58, %broadcast_in_dim3A_90] : memref<128x128xf32, #tpu.memory_space<vmem>>[vector<16xi32>, vector<16xi32>], vector<16xf32>,
          %gather3A_92 = tpu.vector_load_idx %arg13[%add3A_58, %broadcast_in_dim3A_90] : memref<128x128xf32, #tpu.memory_space<vmem>>[vector<16xi32>, vector<16xi32>], vector<16xf32>,
          %mul3A_93 = arith.mulf %gather3A_91, %gather3A_92 : vector<16xf32>
          %add3A_94 = arith.addf %add3A_88, %mul3A_93 : vector<16xf32>
          %broadcast_in_dim3A_95 = arith.constant 6 : i32
          %broadcast_in_dim3A_96 = vector.broadcast %broadcast_in_dim3A_95 : i32 to vector<16xi32>
          %gather3A_97 = tpu.vector_load_idx %arg12[%add3A_58, %broadcast_in_dim3A_96] : memref<128x128xf32, #tpu.memory_space<vmem>>[vector<16xi32>, vector<16xi32>], vector<16xf32>,
          %gather3A_98 = tpu.vector_load_idx %arg13[%add3A_58, %broadcast_in_dim3A_96] : memref<128x128xf32, #tpu.memory_space<vmem>>[vector<16xi32>, vector<16xi32>], vector<16xf32>,
          %mul3A_99 = arith.mulf %gather3A_97, %gather3A_98 : vector<16xf32>
          %add3A_100 = arith.addf %add3A_94, %mul3A_99 : vector<16xf32>
          %broadcast_in_dim3A_101 = arith.constant 7 : i32
          %broadcast_in_dim3A_102 = vector.broadcast %broadcast_in_dim3A_101 : i32 to vector<16xi32>
          %gather3A_103 = tpu.vector_load_idx %arg12[%add3A_58, %broadcast_in_dim3A_102] : memref<128x128xf32, #tpu.memory_space<vmem>>[vector<16xi32>, vector<16xi32>], vector<16xf32>,
          %gather3A_104 = tpu.vector_load_idx %arg13[%add3A_58, %broadcast_in_dim3A_102] : memref<128x128xf32, #tpu.memory_space<vmem>>[vector<16xi32>, vector<16xi32>], vector<16xf32>,
          %mul3A_105 = arith.mulf %gather3A_103, %gather3A_104 : vector<16xf32>
          %add3A_106 = arith.addf %add3A_100, %mul3A_105 : vector<16xf32>
          %broadcast_in_dim3A_107 = arith.constant 8 : i32
          %broadcast_in_dim3A_108 = vector.broadcast %broadcast_in_dim3A_107 : i32 to vector<16xi32>
          %gather3A_109 = tpu.vector_load_idx %arg12[%add3A_58, %broadcast_in_dim3A_108] : memref<128x128xf32, #tpu.memory_space<vmem>>[vector<16xi32>, vector<16xi32>], vector<16xf32>,
          %gather3A_110 = tpu.vector_load_idx %arg13[%add3A_58, %broadcast_in_dim3A_108] : memref<128x128xf32, #tpu.memory_space<vmem>>[vector<16xi32>, vector<16xi32>], vector<16xf32>,
          %mul3A_111 = arith.mulf %gather3A_109, %gather3A_110 : vector<16xf32>
          %add3A_112 = arith.addf %add3A_106, %mul3A_111 : vector<16xf32>
          %broadcast_in_dim3A_113 = arith.constant 9 : i32
          %broadcast_in_dim3A_114 = vector.broadcast %broadcast_in_dim3A_113 : i32 to vector<16xi32>
          %gather3A_115 = tpu.vector_load_idx %arg12[%add3A_58, %broadcast_in_dim3A_114] : memref<128x128xf32, #tpu.memory_space<vmem>>[vector<16xi32>, vector<16xi32>], vector<16xf32>,
          %gather3A_116 = tpu.vector_load_idx %arg13[%add3A_58, %broadcast_in_dim3A_114] : memref<128x128xf32, #tpu.memory_space<vmem>>[vector<16xi32>, vector<16xi32>], vector<16xf32>,
          %mul3A_117 = arith.mulf %gather3A_115, %gather3A_116 : vector<16xf32>
          %add3A_118 = arith.addf %add3A_112, %mul3A_117 : vector<16xf32>
          %broadcast_in_dim3A_119 = arith.constant 10 : i32
          %broadcast_in_dim3A_120 = vector.broadcast %broadcast_in_dim3A_119 : i32 to vector<16xi32>
          %gather3A_121 = tpu.vector_load_idx %arg12[%add3A_58, %broadcast_in_dim3A_120] : memref<128x128xf32, #tpu.memory_space<vmem>>[vector<16xi32>, vector<16xi32>], vector<16xf32>,
          %gather3A_122 = tpu.vector_load_idx %arg13[%add3A_58, %broadcast_in_dim3A_120] : memref<128x128xf32, #tpu.memory_space<vmem>>[vector<16xi32>, vector<16xi32>], vector<16xf32>,
          %mul3A_123 = arith.mulf %gather3A_121, %gather3A_122 : vector<16xf32>
          %add3A_124 = arith.addf %add3A_118, %mul3A_123 : vector<16xf32>
          %broadcast_in_dim3A_125 = arith.constant 11 : i32
          %broadcast_in_dim3A_126 = vector.broadcast %broadcast_in_dim3A_125 : i32 to vector<16xi32>
          %gather3A_127 = tpu.vector_load_idx %arg12[%add3A_58, %broadcast_in_dim3A_126] : memref<128x128xf32, #tpu.memory_space<vmem>>[vector<16xi32>, vector<16xi32>], vector<16xf32>,
          %gather3A_128 = tpu.vector_load_idx %arg13[%add3A_58, %broadcast_in_dim3A_126] : memref<128x128xf32, #tpu.memory_space<vmem>>[vector<16xi32>, vector<16xi32>], vector<16xf32>,
          %mul3A_129 = arith.mulf %gather3A_127, %gather3A_128 : vector<16xf32>
          %add3A_130 = arith.addf %add3A_124, %mul3A_129 : vector<16xf32>
          %broadcast_in_dim3A_131 = arith.constant 12 : i32
          %broadcast_in_dim3A_132 = vector.broadcast %broadcast_in_dim3A_131 : i32 to vector<16xi32>
          %gather3A_133 = tpu.vector_load_idx %arg12[%add3A_58, %broadcast_in_dim3A_132] : memref<128x128xf32, #tpu.memory_space<vmem>>[vector<16xi32>, vector<16xi32>], vector<16xf32>,
          %gather3A_134 = tpu.vector_load_idx %arg13[%add3A_58, %broadcast_in_dim3A_132] : memref<128x128xf32, #tpu.memory_space<vmem>>[vector<16xi32>, vector<16xi32>], vector<16xf32>,
          %mul3A_135 = arith.mulf %gather3A_133, %gather3A_134 : vector<16xf32>
          %add3A_136 = arith.addf %add3A_130, %mul3A_135 : vector<16xf32>
          %broadcast_in_dim3A_137 = arith.constant 13 : i32
          %broadcast_in_dim3A_138 = vector.broadcast %broadcast_in_dim3A_137 : i32 to vector<16xi32>
          %gather3A_139 = tpu.vector_load_idx %arg12[%add3A_58, %broadcast_in_dim3A_138] : memref<128x128xf32, #tpu.memory_space<vmem>>[vector<16xi32>, vector<16xi32>], vector<16xf32>,
          %gather3A_140 = tpu.vector_load_idx %arg13[%add3A_58, %broadcast_in_dim3A_138] : memref<128x128xf32, #tpu.memory_space<vmem>>[vector<16xi32>, vector<16xi32>], vector<16xf32>,
          %mul3A_141 = arith.mulf %gather3A_139, %gather3A_140 : vector<16xf32>
          %add3A_142 = arith.addf %add3A_136, %mul3A_141 : vector<16xf32>
          %broadcast_in_dim3A_143 = arith.constant 14 : i32
          %broadcast_in_dim3A_144 = vector.broadcast %broadcast_in_dim3A_143 : i32 to vector<16xi32>
          %gather3A_145 = tpu.vector_load_idx %arg12[%add3A_58, %broadcast_in_dim3A_144] : memref<128x128xf32, #tpu.memory_space<vmem>>[vector<16xi32>, vector<16xi32>], vector<16xf32>,
          %gather3A_146 = tpu.vector_load_idx %arg13[%add3A_58, %broadcast_in_dim3A_144] : memref<128x128xf32, #tpu.memory_space<vmem>>[vector<16xi32>, vector<16xi32>], vector<16xf32>,
          %mul3A_147 = arith.mulf %gather3A_145, %gather3A_146 : vector<16xf32>
          %add3A_148 = arith.addf %add3A_142, %mul3A_147 : vector<16xf32>
          %broadcast_in_dim3A_149 = arith.constant 15 : i32
          %broadcast_in_dim3A_150 = vector.broadcast %broadcast_in_dim3A_149 : i32 to vector<16xi32>
          %gather3A_151 = tpu.vector_load_idx %arg12[%add3A_58, %broadcast_in_dim3A_150] : memref<128x128xf32, #tpu.memory_space<vmem>>[vector<16xi32>, vector<16xi32>], vector<16xf32>,
          %gather3A_152 = tpu.vector_load_idx %arg13[%add3A_58, %broadcast_in_dim3A_150] : memref<128x128xf32, #tpu.memory_space<vmem>>[vector<16xi32>, vector<16xi32>], vector<16xf32>,
          %mul3A_153 = arith.mulf %gather3A_151, %gather3A_152 : vector<16xf32>
          %add3A_154 = arith.addf %add3A_148, %mul3A_153 : vector<16xf32>
          %broadcast_in_dim3A_155 = arith.constant 16 : i32
          %broadcast_in_dim3A_156 = vector.broadcast %broadcast_in_dim3A_155 : i32 to vector<16xi32>
          %gather3A_157 = tpu.vector_load_idx %arg12[%add3A_58, %broadcast_in_dim3A_156] : memref<128x128xf32, #tpu.memory_space<vmem>>[vector<16xi32>, vector<16xi32>], vector<16xf32>,
          %gather3A_158 = tpu.vector_load_idx %arg13[%add3A_58, %broadcast_in_dim3A_156] : memref<128x128xf32, #tpu.memory_space<vmem>>[vector<16xi32>, vector<16xi32>], vector<16xf32>,
          %mul3A_159 = arith.mulf %gather3A_157, %gather3A_158 : vector<16xf32>
          %add3A_160 = arith.addf %add3A_154, %mul3A_159 : vector<16xf32>
          %broadcast_in_dim3A_161 = arith.constant 17 : i32
          %broadcast_in_dim3A_162 = vector.broadcast %broadcast_in_dim3A_161 : i32 to vector<16xi32>
          %gather3A_163 = tpu.vector_load_idx %arg12[%add3A_58, %broadcast_in_dim3A_162] : memref<128x128xf32, #tpu.memory_space<vmem>>[vector<16xi32>, vector<16xi32>], vector<16xf32>,
          %gather3A_164 = tpu.vector_load_idx %arg13[%add3A_58, %broadcast_in_dim3A_162] : memref<128x128xf32, #tpu.memory_space<vmem>>[vector<16xi32>, vector<16xi32>], vector<16xf32>,
          %mul3A_165 = arith.mulf %gather3A_163, %gather3A_164 : vector<16xf32>
          %add3A_166 = arith.addf %add3A_160, %mul3A_165 : vector<16xf32>
          %broadcast_in_dim3A_167 = arith.constant 18 : i32
          %broadcast_in_dim3A_168 = vector.broadcast %broadcast_in_dim3A_167 : i32 to vector<16xi32>
          %gather3A_169 = tpu.vector_load_idx %arg12[%add3A_58, %broadcast_in_dim3A_168] : memref<128x128xf32, #tpu.memory_space<vmem>>[vector<16xi32>, vector<16xi32>], vector<16xf32>,
          %gather3A_170 = tpu.vector_load_idx %arg13[%add3A_58, %broadcast_in_dim3A_168] : memref<128x128xf32, #tpu.memory_space<vmem>>[vector<16xi32>, vector<16xi32>], vector<16xf32>,
          %mul3A_171 = arith.mulf %gather3A_169, %gather3A_170 : vector<16xf32>
          %add3A_172 = arith.addf %add3A_166, %mul3A_171 : vector<16xf32>
          %broadcast_in_dim3A_173 = arith.constant 19 : i32
          %broadcast_in_dim3A_174 = vector.broadcast %broadcast_in_dim3A_173 : i32 to vector<16xi32>
          %gather3A_175 = tpu.vector_load_idx %arg12[%add3A_58, %broadcast_in_dim3A_174] : memref<128x128xf32, #tpu.memory_space<vmem>>[vector<16xi32>, vector<16xi32>], vector<16xf32>,
          %gather3A_176 = tpu.vector_load_idx %arg13[%add3A_58, %broadcast_in_dim3A_174] : memref<128x128xf32, #tpu.memory_space<vmem>>[vector<16xi32>, vector<16xi32>], vector<16xf32>,
          %mul3A_177 = arith.mulf %gather3A_175, %gather3A_176 : vector<16xf32>
          %add3A_178 = arith.addf %add3A_172, %mul3A_177 : vector<16xf32>
          %broadcast_in_dim3A_179 = arith.constant 20 : i32
          %broadcast_in_dim3A_180 = vector.broadcast %broadcast_in_dim3A_179 : i32 to vector<16xi32>
          %gather3A_181 = tpu.vector_load_idx %arg12[%add3A_58, %broadcast_in_dim3A_180] : memref<128x128xf32, #tpu.memory_space<vmem>>[vector<16xi32>, vector<16xi32>], vector<16xf32>,
          %gather3A_182 = tpu.vector_load_idx %arg13[%add3A_58, %broadcast_in_dim3A_180] : memref<128x128xf32, #tpu.memory_space<vmem>>[vector<16xi32>, vector<16xi32>], vector<16xf32>,
          %mul3A_183 = arith.mulf %gather3A_181, %gather3A_182 : vector<16xf32>
          %add3A_184 = arith.addf %add3A_178, %mul3A_183 : vector<16xf32>
          %broadcast_in_dim3A_185 = arith.constant 21 : i32
          %broadcast_in_dim3A_186 = vector.broadcast %broadcast_in_dim3A_185 : i32 to vector<16xi32>
          %gather3A_187 = tpu.vector_load_idx %arg12[%add3A_58, %broadcast_in_dim3A_186] : memref<128x128xf32, #tpu.memory_space<vmem>>[vector<16xi32>, vector<16xi32>], vector<16xf32>,
          %gather3A_188 = tpu.vector_load_idx %arg13[%add3A_58, %broadcast_in_dim3A_186] : memref<128x128xf32, #tpu.memory_space<vmem>>[vector<16xi32>, vector<16xi32>], vector<16xf32>,
          %mul3A_189 = arith.mulf %gather3A_187, %gather3A_188 : vector<16xf32>
          %add3A_190 = arith.addf %add3A_184, %mul3A_189 : vector<16xf32>
          %broadcast_in_dim3A_191 = arith.constant 22 : i32
          %broadcast_in_dim3A_192 = vector.broadcast %broadcast_in_dim3A_191 : i32 to vector<16xi32>
          %gather3A_193 = tpu.vector_load_idx %arg12[%add3A_58, %broadcast_in_dim3A_192] : memref<128x128xf32, #tpu.memory_space<vmem>>[vector<16xi32>, vector<16xi32>], vector<16xf32>,
          %gather3A_194 = tpu.vector_load_idx %arg13[%add3A_58, %broadcast_in_dim3A_192] : memref<128x128xf32, #tpu.memory_space<vmem>>[vector<16xi32>, vector<16xi32>], vector<16xf32>,
          %mul3A_195 = arith.mulf %gather3A_193, %gather3A_194 : vector<16xf32>
          %add3A_196 = arith.addf %add3A_190, %mul3A_195 : vector<16xf32>
          %broadcast_in_dim3A_197 = arith.constant 23 : i32
          %broadcast_in_dim3A_198 = vector.broadcast %broadcast_in_dim3A_197 : i32 to vector<16xi32>
          %gather3A_199 = tpu.vector_load_idx %arg12[%add3A_58, %broadcast_in_dim3A_198] : memref<128x128xf32, #tpu.memory_space<vmem>>[vector<16xi32>, vector<16xi32>], vector<16xf32>,
          %gather3A_200 = tpu.vector_load_idx %arg13[%add3A_58, %broadcast_in_dim3A_198] : memref<128x128xf32, #tpu.memory_space<vmem>>[vector<16xi32>, vector<16xi32>], vector<16xf32>,
          %mul3A_201 = arith.mulf %gather3A_199, %gather3A_200 : vector<16xf32>
          %add3A_202 = arith.addf %add3A_196, %mul3A_201 : vector<16xf32>
          %broadcast_in_dim3A_203 = arith.constant 24 : i32
          %broadcast_in_dim3A_204 = vector.broadcast %broadcast_in_dim3A_203 : i32 to vector<16xi32>
          %gather3A_205 = tpu.vector_load_idx %arg12[%add3A_58, %broadcast_in_dim3A_204] : memref<128x128xf32, #tpu.memory_space<vmem>>[vector<16xi32>, vector<16xi32>], vector<16xf32>,
          %gather3A_206 = tpu.vector_load_idx %arg13[%add3A_58, %broadcast_in_dim3A_204] : memref<128x128xf32, #tpu.memory_space<vmem>>[vector<16xi32>, vector<16xi32>], vector<16xf32>,
          %mul3A_207 = arith.mulf %gather3A_205, %gather3A_206 : vector<16xf32>
          %add3A_208 = arith.addf %add3A_202, %mul3A_207 : vector<16xf32>
          %broadcast_in_dim3A_209 = arith.constant 25 : i32
          %broadcast_in_dim3A_210 = vector.broadcast %broadcast_in_dim3A_209 : i32 to vector<16xi32>
          %gather3A_211 = tpu.vector_load_idx %arg12[%add3A_58, %broadcast_in_dim3A_210] : memref<128x128xf32, #tpu.memory_space<vmem>>[vector<16xi32>, vector<16xi32>], vector<16xf32>,
          %gather3A_212 = tpu.vector_load_idx %arg13[%add3A_58, %broadcast_in_dim3A_210] : memref<128x128xf32, #tpu.memory_space<vmem>>[vector<16xi32>, vector<16xi32>], vector<16xf32>,
          %mul3A_213 = arith.mulf %gather3A_211, %gather3A_212 : vector<16xf32>
          %add3A_214 = arith.addf %add3A_208, %mul3A_213 : vector<16xf32>
          %broadcast_in_dim3A_215 = arith.constant 26 : i32
          %broadcast_in_dim3A_216 = vector.broadcast %broadcast_in_dim3A_215 : i32 to vector<16xi32>
          %gather3A_217 = tpu.vector_load_idx %arg12[%add3A_58, %broadcast_in_dim3A_216] : memref<128x128xf32, #tpu.memory_space<vmem>>[vector<16xi32>, vector<16xi32>], vector<16xf32>,
          %gather3A_218 = tpu.vector_load_idx %arg13[%add3A_58, %broadcast_in_dim3A_216] : memref<128x128xf32, #tpu.memory_space<vmem>>[vector<16xi32>, vector<16xi32>], vector<16xf32>,
          %mul3A_219 = arith.mulf %gather3A_217, %gather3A_218 : vector<16xf32>
          %add3A_220 = arith.addf %add3A_214, %mul3A_219 : vector<16xf32>
          %broadcast_in_dim3A_221 = arith.constant 27 : i32
          %broadcast_in_dim3A_222 = vector.broadcast %broadcast_in_dim3A_221 : i32 to vector<16xi32>
          %gather3A_223 = tpu.vector_load_idx %arg12[%add3A_58, %broadcast_in_dim3A_222] : memref<128x128xf32, #tpu.memory_space<vmem>>[vector<16xi32>, vector<16xi32>], vector<16xf32>,
          %gather3A_224 = tpu.vector_load_idx %arg13[%add3A_58, %broadcast_in_dim3A_222] : memref<128x128xf32, #tpu.memory_space<vmem>>[vector<16xi32>, vector<16xi32>], vector<16xf32>,
          %mul3A_225 = arith.mulf %gather3A_223, %gather3A_224 : vector<16xf32>
          %add3A_226 = arith.addf %add3A_220, %mul3A_225 : vector<16xf32>
          %broadcast_in_dim3A_227 = arith.constant 28 : i32
          %broadcast_in_dim3A_228 = vector.broadcast %broadcast_in_dim3A_227 : i32 to vector<16xi32>
          %gather3A_229 = tpu.vector_load_idx %arg12[%add3A_58, %broadcast_in_dim3A_228] : memref<128x128xf32, #tpu.memory_space<vmem>>[vector<16xi32>, vector<16xi32>], vector<16xf32>,
          %gather3A_230 = tpu.vector_load_idx %arg13[%add3A_58, %broadcast_in_dim3A_228] : memref<128x128xf32, #tpu.memory_space<vmem>>[vector<16xi32>, vector<16xi32>], vector<16xf32>,
          %mul3A_231 = arith.mulf %gather3A_229, %gather3A_230 : vector<16xf32>
          %add3A_232 = arith.addf %add3A_226, %mul3A_231 : vector<16xf32>
          %broadcast_in_dim3A_233 = arith.constant 29 : i32
          %broadcast_in_dim3A_234 = vector.broadcast %broadcast_in_dim3A_233 : i32 to vector<16xi32>
          %gather3A_235 = tpu.vector_load_idx %arg12[%add3A_58, %broadcast_in_dim3A_234] : memref<128x128xf32, #tpu.memory_space<vmem>>[vector<16xi32>, vector<16xi32>], vector<16xf32>,
          %gather3A_236 = tpu.vector_load_idx %arg13[%add3A_58, %broadcast_in_dim3A_234] : memref<128x128xf32, #tpu.memory_space<vmem>>[vector<16xi32>, vector<16xi32>], vector<16xf32>,
          %mul3A_237 = arith.mulf %gather3A_235, %gather3A_236 : vector<16xf32>
          %add3A_238 = arith.addf %add3A_232, %mul3A_237 : vector<16xf32>
          %broadcast_in_dim3A_239 = arith.constant 30 : i32
          %broadcast_in_dim3A_240 = vector.broadcast %broadcast_in_dim3A_239 : i32 to vector<16xi32>
          %gather3A_241 = tpu.vector_load_idx %arg12[%add3A_58, %broadcast_in_dim3A_240] : memref<128x128xf32, #tpu.memory_space<vmem>>[vector<16xi32>, vector<16xi32>], vector<16xf32>,
          %gather3A_242 = tpu.vector_load_idx %arg13[%add3A_58, %broadcast_in_dim3A_240] : memref<128x128xf32, #tpu.memory_space<vmem>>[vector<16xi32>, vector<16xi32>], vector<16xf32>,
          %mul3A_243 = arith.mulf %gather3A_241, %gather3A_242 : vector<16xf32>
          %add3A_244 = arith.addf %add3A_238, %mul3A_243 : vector<16xf32>
          %broadcast_in_dim3A_245 = arith.constant 31 : i32
          %broadcast_in_dim3A_246 = vector.broadcast %broadcast_in_dim3A_245 : i32 to vector<16xi32>
          %gather3A_247 = tpu.vector_load_idx %arg12[%add3A_58, %broadcast_in_dim3A_246] : memref<128x128xf32, #tpu.memory_space<vmem>>[vector<16xi32>, vector<16xi32>], vector<16xf32>,
          %gather3A_248 = tpu.vector_load_idx %arg13[%add3A_58, %broadcast_in_dim3A_246] : memref<128x128xf32, #tpu.memory_space<vmem>>[vector<16xi32>, vector<16xi32>], vector<16xf32>,
          %mul3A_249 = arith.mulf %gather3A_247, %gather3A_248 : vector<16xf32>
          %add3A_250 = arith.addf %add3A_244, %mul3A_249 : vector<16xf32>
          %broadcast_in_dim3A_251 = arith.constant 32 : i32
          %broadcast_in_dim3A_252 = vector.broadcast %broadcast_in_dim3A_251 : i32 to vector<16xi32>
          %gather3A_253 = tpu.vector_load_idx %arg12[%add3A_58, %broadcast_in_dim3A_252] : memref<128x128xf32, #tpu.memory_space<vmem>>[vector<16xi32>, vector<16xi32>], vector<16xf32>,
          %gather3A_254 = tpu.vector_load_idx %arg13[%add3A_58, %broadcast_in_dim3A_252] : memref<128x128xf32, #tpu.memory_space<vmem>>[vector<16xi32>, vector<16xi32>], vector<16xf32>,
          %mul3A_255 = arith.mulf %gather3A_253, %gather3A_254 : vector<16xf32>
          %add3A_256 = arith.addf %add3A_250, %mul3A_255 : vector<16xf32>
          %broadcast_in_dim3A_257 = arith.constant 33 : i32
          %broadcast_in_dim3A_258 = vector.broadcast %broadcast_in_dim3A_257 : i32 to vector<16xi32>
          %gather3A_259 = tpu.vector_load_idx %arg12[%add3A_58, %broadcast_in_dim3A_258] : memref<128x128xf32, #tpu.memory_space<vmem>>[vector<16xi32>, vector<16xi32>], vector<16xf32>,
          %gather3A_260 = tpu.vector_load_idx %arg13[%add3A_58, %broadcast_in_dim3A_258] : memref<128x128xf32, #tpu.memory_space<vmem>>[vector<16xi32>, vector<16xi32>], vector<16xf32>,
          %mul3A_261 = arith.mulf %gather3A_259, %gather3A_260 : vector<16xf32>
          %add3A_262 = arith.addf %add3A_256, %mul3A_261 : vector<16xf32>
          %broadcast_in_dim3A_263 = arith.constant 34 : i32
          %broadcast_in_dim3A_264 = vector.broadcast %broadcast_in_dim3A_263 : i32 to vector<16xi32>
          %gather3A_265 = tpu.vector_load_idx %arg12[%add3A_58, %broadcast_in_dim3A_264] : memref<128x128xf32, #tpu.memory_space<vmem>>[vector<16xi32>, vector<16xi32>], vector<16xf32>,
          %gather3A_266 = tpu.vector_load_idx %arg13[%add3A_58, %broadcast_in_dim3A_264] : memref<128x128xf32, #tpu.memory_space<vmem>>[vector<16xi32>, vector<16xi32>], vector<16xf32>,
          %mul3A_267 = arith.mulf %gather3A_265, %gather3A_266 : vector<16xf32>
          %add3A_268 = arith.addf %add3A_262, %mul3A_267 : vector<16xf32>
          %broadcast_in_dim3A_269 = arith.constant 35 : i32
          %broadcast_in_dim3A_270 = vector.broadcast %broadcast_in_dim3A_269 : i32 to vector<16xi32>
          %gather3A_271 = tpu.vector_load_idx %arg12[%add3A_58, %broadcast_in_dim3A_270] : memref<128x128xf32, #tpu.memory_space<vmem>>[vector<16xi32>, vector<16xi32>], vector<16xf32>,
          %gather3A_272 = tpu.vector_load_idx %arg13[%add3A_58, %broadcast_in_dim3A_270] : memref<128x128xf32, #tpu.memory_space<vmem>>[vector<16xi32>, vector<16xi32>], vector<16xf32>,
          %mul3A_273 = arith.mulf %gather3A_271, %gather3A_272 : vector<16xf32>
          %add3A_274 = arith.addf %add3A_268, %mul3A_273 : vector<16xf32>
          %broadcast_in_dim3A_275 = arith.constant 36 : i32
          %broadcast_in_dim3A_276 = vector.broadcast %broadcast_in_dim3A_275 : i32 to vector<16xi32>
          %gather3A_277 = tpu.vector_load_idx %arg12[%add3A_58, %broadcast_in_dim3A_276] : memref<128x128xf32, #tpu.memory_space<vmem>>[vector<16xi32>, vector<16xi32>], vector<16xf32>,
          %gather3A_278 = tpu.vector_load_idx %arg13[%add3A_58, %broadcast_in_dim3A_276] : memref<128x128xf32, #tpu.memory_space<vmem>>[vector<16xi32>, vector<16xi32>], vector<16xf32>,
          %mul3A_279 = arith.mulf %gather3A_277, %gather3A_278 : vector<16xf32>
          %add3A_280 = arith.addf %add3A_274, %mul3A_279 : vector<16xf32>
          %broadcast_in_dim3A_281 = arith.constant 37 : i32
          %broadcast_in_dim3A_282 = vector.broadcast %broadcast_in_dim3A_281 : i32 to vector<16xi32>
          %gather3A_283 = tpu.vector_load_idx %arg12[%add3A_58, %broadcast_in_dim3A_282] : memref<128x128xf32, #tpu.memory_space<vmem>>[vector<16xi32>, vector<16xi32>], vector<16xf32>,
          %gather3A_284 = tpu.vector_load_idx %arg13[%add3A_58, %broadcast_in_dim3A_282] : memref<128x128xf32, #tpu.memory_space<vmem>>[vector<16xi32>, vector<16xi32>], vector<16xf32>,
          %mul3A_285 = arith.mulf %gather3A_283, %gather3A_284 : vector<16xf32>
          %add3A_286 = arith.addf %add3A_280, %mul3A_285 : vector<16xf32>
          %broadcast_in_dim3A_287 = arith.constant 38 : i32
          %broadcast_in_dim3A_288 = vector.broadcast %broadcast_in_dim3A_287 : i32 to vector<16xi32>
          %gather3A_289 = tpu.vector_load_idx %arg12[%add3A_58, %broadcast_in_dim3A_288] : memref<128x128xf32, #tpu.memory_space<vmem>>[vector<16xi32>, vector<16xi32>], vector<16xf32>,
          %gather3A_290 = tpu.vector_load_idx %arg13[%add3A_58, %broadcast_in_dim3A_288] : memref<128x128xf32, #tpu.memory_space<vmem>>[vector<16xi32>, vector<16xi32>], vector<16xf32>,
          %mul3A_291 = arith.mulf %gather3A_289, %gather3A_290 : vector<16xf32>
          %add3A_292 = arith.addf %add3A_286, %mul3A_291 : vector<16xf32>
          %broadcast_in_dim3A_293 = arith.constant 39 : i32
          %broadcast_in_dim3A_294 = vector.broadcast %broadcast_in_dim3A_293 : i32 to vector<16xi32>
          %gather3A_295 = tpu.vector_load_idx %arg12[%add3A_58, %broadcast_in_dim3A_294] : memref<128x128xf32, #tpu.memory_space<vmem>>[vector<16xi32>, vector<16xi32>], vector<16xf32>,
          %gather3A_296 = tpu.vector_load_idx %arg13[%add3A_58, %broadcast_in_dim3A_294] : memref<128x128xf32, #tpu.memory_space<vmem>>[vector<16xi32>, vector<16xi32>], vector<16xf32>,
          %mul3A_297 = arith.mulf %gather3A_295, %gather3A_296 : vector<16xf32>
          %add3A_298 = arith.addf %add3A_292, %mul3A_297 : vector<16xf32>
          %broadcast_in_dim3A_299 = arith.constant 40 : i32
          %broadcast_in_dim3A_300 = vector.broadcast %broadcast_in_dim3A_299 : i32 to vector<16xi32>
          %gather3A_301 = tpu.vector_load_idx %arg12[%add3A_58, %broadcast_in_dim3A_300] : memref<128x128xf32, #tpu.memory_space<vmem>>[vector<16xi32>, vector<16xi32>], vector<16xf32>,
          %gather3A_302 = tpu.vector_load_idx %arg13[%add3A_58, %broadcast_in_dim3A_300] : memref<128x128xf32, #tpu.memory_space<vmem>>[vector<16xi32>, vector<16xi32>], vector<16xf32>,
          %mul3A_303 = arith.mulf %gather3A_301, %gather3A_302 : vector<16xf32>
          %add3A_304 = arith.addf %add3A_298, %mul3A_303 : vector<16xf32>
          %broadcast_in_dim3A_305 = arith.constant 41 : i32
          %broadcast_in_dim3A_306 = vector.broadcast %broadcast_in_dim3A_305 : i32 to vector<16xi32>
          %gather3A_307 = tpu.vector_load_idx %arg12[%add3A_58, %broadcast_in_dim3A_306] : memref<128x128xf32, #tpu.memory_space<vmem>>[vector<16xi32>, vector<16xi32>], vector<16xf32>,
          %gather3A_308 = tpu.vector_load_idx %arg13[%add3A_58, %broadcast_in_dim3A_306] : memref<128x128xf32, #tpu.memory_space<vmem>>[vector<16xi32>, vector<16xi32>], vector<16xf32>,
          %mul3A_309 = arith.mulf %gather3A_307, %gather3A_308 : vector<16xf32>
          %add3A_310 = arith.addf %add3A_304, %mul3A_309 : vector<16xf32>
          %broadcast_in_dim3A_311 = arith.constant 42 : i32
          %broadcast_in_dim3A_312 = vector.broadcast %broadcast_in_dim3A_311 : i32 to vector<16xi32>
          %gather3A_313 = tpu.vector_load_idx %arg12[%add3A_58, %broadcast_in_dim3A_312] : memref<128x128xf32, #tpu.memory_space<vmem>>[vector<16xi32>, vector<16xi32>], vector<16xf32>,
          %gather3A_314 = tpu.vector_load_idx %arg13[%add3A_58, %broadcast_in_dim3A_312] : memref<128x128xf32, #tpu.memory_space<vmem>>[vector<16xi32>, vector<16xi32>], vector<16xf32>,
          %mul3A_315 = arith.mulf %gather3A_313, %gather3A_314 : vector<16xf32>
          %add3A_316 = arith.addf %add3A_310, %mul3A_315 : vector<16xf32>
          %broadcast_in_dim3A_317 = arith.constant 43 : i32
          %broadcast_in_dim3A_318 = vector.broadcast %broadcast_in_dim3A_317 : i32 to vector<16xi32>
          %gather3A_319 = tpu.vector_load_idx %arg12[%add3A_58, %broadcast_in_dim3A_318] : memref<128x128xf32, #tpu.memory_space<vmem>>[vector<16xi32>, vector<16xi32>], vector<16xf32>,
          %gather3A_320 = tpu.vector_load_idx %arg13[%add3A_58, %broadcast_in_dim3A_318] : memref<128x128xf32, #tpu.memory_space<vmem>>[vector<16xi32>, vector<16xi32>], vector<16xf32>,
          %mul3A_321 = arith.mulf %gather3A_319, %gather3A_320 : vector<16xf32>
          %add3A_322 = arith.addf %add3A_316, %mul3A_321 : vector<16xf32>
          %broadcast_in_dim3A_323 = arith.constant 44 : i32
          %broadcast_in_dim3A_324 = vector.broadcast %broadcast_in_dim3A_323 : i32 to vector<16xi32>
          %gather3A_325 = tpu.vector_load_idx %arg12[%add3A_58, %broadcast_in_dim3A_324] : memref<128x128xf32, #tpu.memory_space<vmem>>[vector<16xi32>, vector<16xi32>], vector<16xf32>,
          %gather3A_326 = tpu.vector_load_idx %arg13[%add3A_58, %broadcast_in_dim3A_324] : memref<128x128xf32, #tpu.memory_space<vmem>>[vector<16xi32>, vector<16xi32>], vector<16xf32>,
          %mul3A_327 = arith.mulf %gather3A_325, %gather3A_326 : vector<16xf32>
          %add3A_328 = arith.addf %add3A_322, %mul3A_327 : vector<16xf32>
          %broadcast_in_dim3A_329 = arith.constant 45 : i32
          %broadcast_in_dim3A_330 = vector.broadcast %broadcast_in_dim3A_329 : i32 to vector<16xi32>
          %gather3A_331 = tpu.vector_load_idx %arg12[%add3A_58, %broadcast_in_dim3A_330] : memref<128x128xf32, #tpu.memory_space<vmem>>[vector<16xi32>, vector<16xi32>], vector<16xf32>,
          %gather3A_332 = tpu.vector_load_idx %arg13[%add3A_58, %broadcast_in_dim3A_330] : memref<128x128xf32, #tpu.memory_space<vmem>>[vector<16xi32>, vector<16xi32>], vector<16xf32>,
          %mul3A_333 = arith.mulf %gather3A_331, %gather3A_332 : vector<16xf32>
          %add3A_334 = arith.addf %add3A_328, %mul3A_333 : vector<16xf32>
          %broadcast_in_dim3A_335 = arith.constant 46 : i32
          %broadcast_in_dim3A_336 = vector.broadcast %broadcast_in_dim3A_335 : i32 to vector<16xi32>
          %gather3A_337 = tpu.vector_load_idx %arg12[%add3A_58, %broadcast_in_dim3A_336] : memref<128x128xf32, #tpu.memory_space<vmem>>[vector<16xi32>, vector<16xi32>], vector<16xf32>,
          %gather3A_338 = tpu.vector_load_idx %arg13[%add3A_58, %broadcast_in_dim3A_336] : memref<128x128xf32, #tpu.memory_space<vmem>>[vector<16xi32>, vector<16xi32>], vector<16xf32>,
          %mul3A_339 = arith.mulf %gather3A_337, %gather3A_338 : vector<16xf32>
          %add3A_340 = arith.addf %add3A_334, %mul3A_339 : vector<16xf32>
          %broadcast_in_dim3A_341 = arith.constant 47 : i32
          %broadcast_in_dim3A_342 = vector.broadcast %broadcast_in_dim3A_341 : i32 to vector<16xi32>
          %gather3A_343 = tpu.vector_load_idx %arg12[%add3A_58, %broadcast_in_dim3A_342] : memref<128x128xf32, #tpu.memory_space<vmem>>[vector<16xi32>, vector<16xi32>], vector<16xf32>,
          %gather3A_344 = tpu.vector_load_idx %arg13[%add3A_58, %broadcast_in_dim3A_342] : memref<128x128xf32, #tpu.memory_space<vmem>>[vector<16xi32>, vector<16xi32>], vector<16xf32>,
          %mul3A_345 = arith.mulf %gather3A_343, %gather3A_344 : vector<16xf32>
          %add3A_346 = arith.addf %add3A_340, %mul3A_345 : vector<16xf32>
          %broadcast_in_dim3A_347 = arith.constant 48 : i32
          %broadcast_in_dim3A_348 = vector.broadcast %broadcast_in_dim3A_347 : i32 to vector<16xi32>
          %gather3A_349 = tpu.vector_load_idx %arg12[%add3A_58, %broadcast_in_dim3A_348] : memref<128x128xf32, #tpu.memory_space<vmem>>[vector<16xi32>, vector<16xi32>], vector<16xf32>,
          %gather3A_350 = tpu.vector_load_idx %arg13[%add3A_58, %broadcast_in_dim3A_348] : memref<128x128xf32, #tpu.memory_space<vmem>>[vector<16xi32>, vector<16xi32>], vector<16xf32>,
          %mul3A_351 = arith.mulf %gather3A_349, %gather3A_350 : vector<16xf32>
          %add3A_352 = arith.addf %add3A_346, %mul3A_351 : vector<16xf32>
          %broadcast_in_dim3A_353 = arith.constant 49 : i32
          %broadcast_in_dim3A_354 = vector.broadcast %broadcast_in_dim3A_353 : i32 to vector<16xi32>
          %gather3A_355 = tpu.vector_load_idx %arg12[%add3A_58, %broadcast_in_dim3A_354] : memref<128x128xf32, #tpu.memory_space<vmem>>[vector<16xi32>, vector<16xi32>], vector<16xf32>,
          %gather3A_356 = tpu.vector_load_idx %arg13[%add3A_58, %broadcast_in_dim3A_354] : memref<128x128xf32, #tpu.memory_space<vmem>>[vector<16xi32>, vector<16xi32>], vector<16xf32>,
          %mul3A_357 = arith.mulf %gather3A_355, %gather3A_356 : vector<16xf32>
          %add3A_358 = arith.addf %add3A_352, %mul3A_357 : vector<16xf32>
          %broadcast_in_dim3A_359 = arith.constant 50 : i32
          %broadcast_in_dim3A_360 = vector.broadcast %broadcast_in_dim3A_359 : i32 to vector<16xi32>
          %gather3A_361 = tpu.vector_load_idx %arg12[%add3A_58, %broadcast_in_dim3A_360] : memref<128x128xf32, #tpu.memory_space<vmem>>[vector<16xi32>, vector<16xi32>], vector<16xf32>,
          %gather3A_362 = tpu.vector_load_idx %arg13[%add3A_58, %broadcast_in_dim3A_360] : memref<128x128xf32, #tpu.memory_space<vmem>>[vector<16xi32>, vector<16xi32>], vector<16xf32>,
          %mul3A_363 = arith.mulf %gather3A_361, %gather3A_362 : vector<16xf32>
          %add3A_364 = arith.addf %add3A_358, %mul3A_363 : vector<16xf32>
          %broadcast_in_dim3A_365 = arith.constant 51 : i32
          %broadcast_in_dim3A_366 = vector.broadcast %broadcast_in_dim3A_365 : i32 to vector<16xi32>
          %gather3A_367 = tpu.vector_load_idx %arg12[%add3A_58, %broadcast_in_dim3A_366] : memref<128x128xf32, #tpu.memory_space<vmem>>[vector<16xi32>, vector<16xi32>], vector<16xf32>,
          %gather3A_368 = tpu.vector_load_idx %arg13[%add3A_58, %broadcast_in_dim3A_366] : memref<128x128xf32, #tpu.memory_space<vmem>>[vector<16xi32>, vector<16xi32>], vector<16xf32>,
          %mul3A_369 = arith.mulf %gather3A_367, %gather3A_368 : vector<16xf32>
          %add3A_370 = arith.addf %add3A_364, %mul3A_369 : vector<16xf32>
          %broadcast_in_dim3A_371 = arith.constant 52 : i32
          %broadcast_in_dim3A_372 = vector.broadcast %broadcast_in_dim3A_371 : i32 to vector<16xi32>
          %gather3A_373 = tpu.vector_load_idx %arg12[%add3A_58, %broadcast_in_dim3A_372] : memref<128x128xf32, #tpu.memory_space<vmem>>[vector<16xi32>, vector<16xi32>], vector<16xf32>,
          %gather3A_374 = tpu.vector_load_idx %arg13[%add3A_58, %broadcast_in_dim3A_372] : memref<128x128xf32, #tpu.memory_space<vmem>>[vector<16xi32>, vector<16xi32>], vector<16xf32>,
          %mul3A_375 = arith.mulf %gather3A_373, %gather3A_374 : vector<16xf32>
          %add3A_376 = arith.addf %add3A_370, %mul3A_375 : vector<16xf32>
          %broadcast_in_dim3A_377 = arith.constant 53 : i32
          %broadcast_in_dim3A_378 = vector.broadcast %broadcast_in_dim3A_377 : i32 to vector<16xi32>
          %gather3A_379 = tpu.vector_load_idx %arg12[%add3A_58, %broadcast_in_dim3A_378] : memref<128x128xf32, #tpu.memory_space<vmem>>[vector<16xi32>, vector<16xi32>], vector<16xf32>,
          %gather3A_380 = tpu.vector_load_idx %arg13[%add3A_58, %broadcast_in_dim3A_378] : memref<128x128xf32, #tpu.memory_space<vmem>>[vector<16xi32>, vector<16xi32>], vector<16xf32>,
          %mul3A_381 = arith.mulf %gather3A_379, %gather3A_380 : vector<16xf32>
          %add3A_382 = arith.addf %add3A_376, %mul3A_381 : vector<16xf32>
          %broadcast_in_dim3A_383 = arith.constant 54 : i32
          %broadcast_in_dim3A_384 = vector.broadcast %broadcast_in_dim3A_383 : i32 to vector<16xi32>
          %gather3A_385 = tpu.vector_load_idx %arg12[%add3A_58, %broadcast_in_dim3A_384] : memref<128x128xf32, #tpu.memory_space<vmem>>[vector<16xi32>, vector<16xi32>], vector<16xf32>,
          %gather3A_386 = tpu.vector_load_idx %arg13[%add3A_58, %broadcast_in_dim3A_384] : memref<128x128xf32, #tpu.memory_space<vmem>>[vector<16xi32>, vector<16xi32>], vector<16xf32>,
          %mul3A_387 = arith.mulf %gather3A_385, %gather3A_386 : vector<16xf32>
          %add3A_388 = arith.addf %add3A_382, %mul3A_387 : vector<16xf32>
          %broadcast_in_dim3A_389 = arith.constant 55 : i32
          %broadcast_in_dim3A_390 = vector.broadcast %broadcast_in_dim3A_389 : i32 to vector<16xi32>
          %gather3A_391 = tpu.vector_load_idx %arg12[%add3A_58, %broadcast_in_dim3A_390] : memref<128x128xf32, #tpu.memory_space<vmem>>[vector<16xi32>, vector<16xi32>], vector<16xf32>,
          %gather3A_392 = tpu.vector_load_idx %arg13[%add3A_58, %broadcast_in_dim3A_390] : memref<128x128xf32, #tpu.memory_space<vmem>>[vector<16xi32>, vector<16xi32>], vector<16xf32>,
          %mul3A_393 = arith.mulf %gather3A_391, %gather3A_392 : vector<16xf32>
          %add3A_394 = arith.addf %add3A_388, %mul3A_393 : vector<16xf32>
          %broadcast_in_dim3A_395 = arith.constant 56 : i32
          %broadcast_in_dim3A_396 = vector.broadcast %broadcast_in_dim3A_395 : i32 to vector<16xi32>
          %gather3A_397 = tpu.vector_load_idx %arg12[%add3A_58, %broadcast_in_dim3A_396] : memref<128x128xf32, #tpu.memory_space<vmem>>[vector<16xi32>, vector<16xi32>], vector<16xf32>,
          %gather3A_398 = tpu.vector_load_idx %arg13[%add3A_58, %broadcast_in_dim3A_396] : memref<128x128xf32, #tpu.memory_space<vmem>>[vector<16xi32>, vector<16xi32>], vector<16xf32>,
          %mul3A_399 = arith.mulf %gather3A_397, %gather3A_398 : vector<16xf32>
          %add3A_400 = arith.addf %add3A_394, %mul3A_399 : vector<16xf32>
          %broadcast_in_dim3A_401 = arith.constant 57 : i32
          %broadcast_in_dim3A_402 = vector.broadcast %broadcast_in_dim3A_401 : i32 to vector<16xi32>
          %gather3A_403 = tpu.vector_load_idx %arg12[%add3A_58, %broadcast_in_dim3A_402] : memref<128x128xf32, #tpu.memory_space<vmem>>[vector<16xi32>, vector<16xi32>], vector<16xf32>,
          %gather3A_404 = tpu.vector_load_idx %arg13[%add3A_58, %broadcast_in_dim3A_402] : memref<128x128xf32, #tpu.memory_space<vmem>>[vector<16xi32>, vector<16xi32>], vector<16xf32>,
          %mul3A_405 = arith.mulf %gather3A_403, %gather3A_404 : vector<16xf32>
          %add3A_406 = arith.addf %add3A_400, %mul3A_405 : vector<16xf32>
          %broadcast_in_dim3A_407 = arith.constant 58 : i32
          %broadcast_in_dim3A_408 = vector.broadcast %broadcast_in_dim3A_407 : i32 to vector<16xi32>
          %gather3A_409 = tpu.vector_load_idx %arg12[%add3A_58, %broadcast_in_dim3A_408] : memref<128x128xf32, #tpu.memory_space<vmem>>[vector<16xi32>, vector<16xi32>], vector<16xf32>,
          %gather3A_410 = tpu.vector_load_idx %arg13[%add3A_58, %broadcast_in_dim3A_408] : memref<128x128xf32, #tpu.memory_space<vmem>>[vector<16xi32>, vector<16xi32>], vector<16xf32>,
          %mul3A_411 = arith.mulf %gather3A_409, %gather3A_410 : vector<16xf32>
          %add3A_412 = arith.addf %add3A_406, %mul3A_411 : vector<16xf32>
          %broadcast_in_dim3A_413 = arith.constant 59 : i32
          %broadcast_in_dim3A_414 = vector.broadcast %broadcast_in_dim3A_413 : i32 to vector<16xi32>
          %gather3A_415 = tpu.vector_load_idx %arg12[%add3A_58, %broadcast_in_dim3A_414] : memref<128x128xf32, #tpu.memory_space<vmem>>[vector<16xi32>, vector<16xi32>], vector<16xf32>,
          %gather3A_416 = tpu.vector_load_idx %arg13[%add3A_58, %broadcast_in_dim3A_414] : memref<128x128xf32, #tpu.memory_space<vmem>>[vector<16xi32>, vector<16xi32>], vector<16xf32>,
          %mul3A_417 = arith.mulf %gather3A_415, %gather3A_416 : vector<16xf32>
          %add3A_418 = arith.addf %add3A_412, %mul3A_417 : vector<16xf32>
          %broadcast_in_dim3A_419 = arith.constant 60 : i32
          %broadcast_in_dim3A_420 = vector.broadcast %broadcast_in_dim3A_419 : i32 to vector<16xi32>
          %gather3A_421 = tpu.vector_load_idx %arg12[%add3A_58, %broadcast_in_dim3A_420] : memref<128x128xf32, #tpu.memory_space<vmem>>[vector<16xi32>, vector<16xi32>], vector<16xf32>,
          %gather3A_422 = tpu.vector_load_idx %arg13[%add3A_58, %broadcast_in_dim3A_420] : memref<128x128xf32, #tpu.memory_space<vmem>>[vector<16xi32>, vector<16xi32>], vector<16xf32>,
          %mul3A_423 = arith.mulf %gather3A_421, %gather3A_422 : vector<16xf32>
          %add3A_424 = arith.addf %add3A_418, %mul3A_423 : vector<16xf32>
          %broadcast_in_dim3A_425 = arith.constant 61 : i32
          %broadcast_in_dim3A_426 = vector.broadcast %broadcast_in_dim3A_425 : i32 to vector<16xi32>
          %gather3A_427 = tpu.vector_load_idx %arg12[%add3A_58, %broadcast_in_dim3A_426] : memref<128x128xf32, #tpu.memory_space<vmem>>[vector<16xi32>, vector<16xi32>], vector<16xf32>,
          %gather3A_428 = tpu.vector_load_idx %arg13[%add3A_58, %broadcast_in_dim3A_426] : memref<128x128xf32, #tpu.memory_space<vmem>>[vector<16xi32>, vector<16xi32>], vector<16xf32>,
          %mul3A_429 = arith.mulf %gather3A_427, %gather3A_428 : vector<16xf32>
          %add3A_430 = arith.addf %add3A_424, %mul3A_429 : vector<16xf32>
          %broadcast_in_dim3A_431 = arith.constant 62 : i32
          %broadcast_in_dim3A_432 = vector.broadcast %broadcast_in_dim3A_431 : i32 to vector<16xi32>
          %gather3A_433 = tpu.vector_load_idx %arg12[%add3A_58, %broadcast_in_dim3A_432] : memref<128x128xf32, #tpu.memory_space<vmem>>[vector<16xi32>, vector<16xi32>], vector<16xf32>,
          %gather3A_434 = tpu.vector_load_idx %arg13[%add3A_58, %broadcast_in_dim3A_432] : memref<128x128xf32, #tpu.memory_space<vmem>>[vector<16xi32>, vector<16xi32>], vector<16xf32>,
          %mul3A_435 = arith.mulf %gather3A_433, %gather3A_434 : vector<16xf32>
          %add3A_436 = arith.addf %add3A_430, %mul3A_435 : vector<16xf32>
          %broadcast_in_dim3A_437 = arith.constant 63 : i32
          %broadcast_in_dim3A_438 = vector.broadcast %broadcast_in_dim3A_437 : i32 to vector<16xi32>
          %gather3A_439 = tpu.vector_load_idx %arg12[%add3A_58, %broadcast_in_dim3A_438] : memref<128x128xf32, #tpu.memory_space<vmem>>[vector<16xi32>, vector<16xi32>], vector<16xf32>,
          %gather3A_440 = tpu.vector_load_idx %arg13[%add3A_58, %broadcast_in_dim3A_438] : memref<128x128xf32, #tpu.memory_space<vmem>>[vector<16xi32>, vector<16xi32>], vector<16xf32>,
          %mul3A_441 = arith.mulf %gather3A_439, %gather3A_440 : vector<16xf32>
          %add3A_442 = arith.addf %add3A_436, %mul3A_441 : vector<16xf32>
          %broadcast_in_dim3A_443 = arith.constant 64 : i32
          %broadcast_in_dim3A_444 = vector.broadcast %broadcast_in_dim3A_443 : i32 to vector<16xi32>
          %gather3A_445 = tpu.vector_load_idx %arg12[%add3A_58, %broadcast_in_dim3A_444] : memref<128x128xf32, #tpu.memory_space<vmem>>[vector<16xi32>, vector<16xi32>], vector<16xf32>,
          %gather3A_446 = tpu.vector_load_idx %arg13[%add3A_58, %broadcast_in_dim3A_444] : memref<128x128xf32, #tpu.memory_space<vmem>>[vector<16xi32>, vector<16xi32>], vector<16xf32>,
          %mul3A_447 = arith.mulf %gather3A_445, %gather3A_446 : vector<16xf32>
          %add3A_448 = arith.addf %add3A_442, %mul3A_447 : vector<16xf32>
          %broadcast_in_dim3A_449 = arith.constant 65 : i32
          %broadcast_in_dim3A_450 = vector.broadcast %broadcast_in_dim3A_449 : i32 to vector<16xi32>
          %gather3A_451 = tpu.vector_load_idx %arg12[%add3A_58, %broadcast_in_dim3A_450] : memref<128x128xf32, #tpu.memory_space<vmem>>[vector<16xi32>, vector<16xi32>], vector<16xf32>,
          %gather3A_452 = tpu.vector_load_idx %arg13[%add3A_58, %broadcast_in_dim3A_450] : memref<128x128xf32, #tpu.memory_space<vmem>>[vector<16xi32>, vector<16xi32>], vector<16xf32>,
          %mul3A_453 = arith.mulf %gather3A_451, %gather3A_452 : vector<16xf32>
          %add3A_454 = arith.addf %add3A_448, %mul3A_453 : vector<16xf32>
          %broadcast_in_dim3A_455 = arith.constant 66 : i32
          %broadcast_in_dim3A_456 = vector.broadcast %broadcast_in_dim3A_455 : i32 to vector<16xi32>
          %gather3A_457 = tpu.vector_load_idx %arg12[%add3A_58, %broadcast_in_dim3A_456] : memref<128x128xf32, #tpu.memory_space<vmem>>[vector<16xi32>, vector<16xi32>], vector<16xf32>,
          %gather3A_458 = tpu.vector_load_idx %arg13[%add3A_58, %broadcast_in_dim3A_456] : memref<128x128xf32, #tpu.memory_space<vmem>>[vector<16xi32>, vector<16xi32>], vector<16xf32>,
          %mul3A_459 = arith.mulf %gather3A_457, %gather3A_458 : vector<16xf32>
          %add3A_460 = arith.addf %add3A_454, %mul3A_459 : vector<16xf32>
          %broadcast_in_dim3A_461 = arith.constant 67 : i32
          %broadcast_in_dim3A_462 = vector.broadcast %broadcast_in_dim3A_461 : i32 to vector<16xi32>
          %gather3A_463 = tpu.vector_load_idx %arg12[%add3A_58, %broadcast_in_dim3A_462] : memref<128x128xf32, #tpu.memory_space<vmem>>[vector<16xi32>, vector<16xi32>], vector<16xf32>,
          %gather3A_464 = tpu.vector_load_idx %arg13[%add3A_58, %broadcast_in_dim3A_462] : memref<128x128xf32, #tpu.memory_space<vmem>>[vector<16xi32>, vector<16xi32>], vector<16xf32>,
          %mul3A_465 = arith.mulf %gather3A_463, %gather3A_464 : vector<16xf32>
          %add3A_466 = arith.addf %add3A_460, %mul3A_465 : vector<16xf32>
          %broadcast_in_dim3A_467 = arith.constant 68 : i32
          %broadcast_in_dim3A_468 = vector.broadcast %broadcast_in_dim3A_467 : i32 to vector<16xi32>
          %gather3A_469 = tpu.vector_load_idx %arg12[%add3A_58, %broadcast_in_dim3A_468] : memref<128x128xf32, #tpu.memory_space<vmem>>[vector<16xi32>, vector<16xi32>], vector<16xf32>,
          %gather3A_470 = tpu.vector_load_idx %arg13[%add3A_58, %broadcast_in_dim3A_468] : memref<128x128xf32, #tpu.memory_space<vmem>>[vector<16xi32>, vector<16xi32>], vector<16xf32>,
          %mul3A_471 = arith.mulf %gather3A_469, %gather3A_470 : vector<16xf32>
          %add3A_472 = arith.addf %add3A_466, %mul3A_471 : vector<16xf32>
          %broadcast_in_dim3A_473 = arith.constant 69 : i32
          %broadcast_in_dim3A_474 = vector.broadcast %broadcast_in_dim3A_473 : i32 to vector<16xi32>
          %gather3A_475 = tpu.vector_load_idx %arg12[%add3A_58, %broadcast_in_dim3A_474] : memref<128x128xf32, #tpu.memory_space<vmem>>[vector<16xi32>, vector<16xi32>], vector<16xf32>,
          %gather3A_476 = tpu.vector_load_idx %arg13[%add3A_58, %broadcast_in_dim3A_474] : memref<128x128xf32, #tpu.memory_space<vmem>>[vector<16xi32>, vector<16xi32>], vector<16xf32>,
          %mul3A_477 = arith.mulf %gather3A_475, %gather3A_476 : vector<16xf32>
          %add3A_478 = arith.addf %add3A_472, %mul3A_477 : vector<16xf32>
          %broadcast_in_dim3A_479 = arith.constant 70 : i32
          %broadcast_in_dim3A_480 = vector.broadcast %broadcast_in_dim3A_479 : i32 to vector<16xi32>
          %gather3A_481 = tpu.vector_load_idx %arg12[%add3A_58, %broadcast_in_dim3A_480] : memref<128x128xf32, #tpu.memory_space<vmem>>[vector<16xi32>, vector<16xi32>], vector<16xf32>,
          %gather3A_482 = tpu.vector_load_idx %arg13[%add3A_58, %broadcast_in_dim3A_480] : memref<128x128xf32, #tpu.memory_space<vmem>>[vector<16xi32>, vector<16xi32>], vector<16xf32>,
          %mul3A_483 = arith.mulf %gather3A_481, %gather3A_482 : vector<16xf32>
          %add3A_484 = arith.addf %add3A_478, %mul3A_483 : vector<16xf32>
          %broadcast_in_dim3A_485 = arith.constant 71 : i32
          %broadcast_in_dim3A_486 = vector.broadcast %broadcast_in_dim3A_485 : i32 to vector<16xi32>
          %gather3A_487 = tpu.vector_load_idx %arg12[%add3A_58, %broadcast_in_dim3A_486] : memref<128x128xf32, #tpu.memory_space<vmem>>[vector<16xi32>, vector<16xi32>], vector<16xf32>,
          %gather3A_488 = tpu.vector_load_idx %arg13[%add3A_58, %broadcast_in_dim3A_486] : memref<128x128xf32, #tpu.memory_space<vmem>>[vector<16xi32>, vector<16xi32>], vector<16xf32>,
          %mul3A_489 = arith.mulf %gather3A_487, %gather3A_488 : vector<16xf32>
          %add3A_490 = arith.addf %add3A_484, %mul3A_489 : vector<16xf32>
          %broadcast_in_dim3A_491 = arith.constant 72 : i32
          %broadcast_in_dim3A_492 = vector.broadcast %broadcast_in_dim3A_491 : i32 to vector<16xi32>
          %gather3A_493 = tpu.vector_load_idx %arg12[%add3A_58, %broadcast_in_dim3A_492] : memref<128x128xf32, #tpu.memory_space<vmem>>[vector<16xi32>, vector<16xi32>], vector<16xf32>,
          %gather3A_494 = tpu.vector_load_idx %arg13[%add3A_58, %broadcast_in_dim3A_492] : memref<128x128xf32, #tpu.memory_space<vmem>>[vector<16xi32>, vector<16xi32>], vector<16xf32>,
          %mul3A_495 = arith.mulf %gather3A_493, %gather3A_494 : vector<16xf32>
          %add3A_496 = arith.addf %add3A_490, %mul3A_495 : vector<16xf32>
          %broadcast_in_dim3A_497 = arith.constant 73 : i32
          %broadcast_in_dim3A_498 = vector.broadcast %broadcast_in_dim3A_497 : i32 to vector<16xi32>
          %gather3A_499 = tpu.vector_load_idx %arg12[%add3A_58, %broadcast_in_dim3A_498] : memref<128x128xf32, #tpu.memory_space<vmem>>[vector<16xi32>, vector<16xi32>], vector<16xf32>,
          %gather3A_500 = tpu.vector_load_idx %arg13[%add3A_58, %broadcast_in_dim3A_498] : memref<128x128xf32, #tpu.memory_space<vmem>>[vector<16xi32>, vector<16xi32>], vector<16xf32>,
          %mul3A_501 = arith.mulf %gather3A_499, %gather3A_500 : vector<16xf32>
          %add3A_502 = arith.addf %add3A_496, %mul3A_501 : vector<16xf32>
          %broadcast_in_dim3A_503 = arith.constant 74 : i32
          %broadcast_in_dim3A_504 = vector.broadcast %broadcast_in_dim3A_503 : i32 to vector<16xi32>
          %gather3A_505 = tpu.vector_load_idx %arg12[%add3A_58, %broadcast_in_dim3A_504] : memref<128x128xf32, #tpu.memory_space<vmem>>[vector<16xi32>, vector<16xi32>], vector<16xf32>,
          %gather3A_506 = tpu.vector_load_idx %arg13[%add3A_58, %broadcast_in_dim3A_504] : memref<128x128xf32, #tpu.memory_space<vmem>>[vector<16xi32>, vector<16xi32>], vector<16xf32>,
          %mul3A_507 = arith.mulf %gather3A_505, %gather3A_506 : vector<16xf32>
          %add3A_508 = arith.addf %add3A_502, %mul3A_507 : vector<16xf32>
          %broadcast_in_dim3A_509 = arith.constant 75 : i32
          %broadcast_in_dim3A_510 = vector.broadcast %broadcast_in_dim3A_509 : i32 to vector<16xi32>
          %gather3A_511 = tpu.vector_load_idx %arg12[%add3A_58, %broadcast_in_dim3A_510] : memref<128x128xf32, #tpu.memory_space<vmem>>[vector<16xi32>, vector<16xi32>], vector<16xf32>,
          %gather3A_512 = tpu.vector_load_idx %arg13[%add3A_58, %broadcast_in_dim3A_510] : memref<128x128xf32, #tpu.memory_space<vmem>>[vector<16xi32>, vector<16xi32>], vector<16xf32>,
          %mul3A_513 = arith.mulf %gather3A_511, %gather3A_512 : vector<16xf32>
          %add3A_514 = arith.addf %add3A_508, %mul3A_513 : vector<16xf32>
          %broadcast_in_dim3A_515 = arith.constant 76 : i32
          %broadcast_in_dim3A_516 = vector.broadcast %broadcast_in_dim3A_515 : i32 to vector<16xi32>
          %gather3A_517 = tpu.vector_load_idx %arg12[%add3A_58, %broadcast_in_dim3A_516] : memref<128x128xf32, #tpu.memory_space<vmem>>[vector<16xi32>, vector<16xi32>], vector<16xf32>,
          %gather3A_518 = tpu.vector_load_idx %arg13[%add3A_58, %broadcast_in_dim3A_516] : memref<128x128xf32, #tpu.memory_space<vmem>>[vector<16xi32>, vector<16xi32>], vector<16xf32>,
          %mul3A_519 = arith.mulf %gather3A_517, %gather3A_518 : vector<16xf32>
          %add3A_520 = arith.addf %add3A_514, %mul3A_519 : vector<16xf32>
          %broadcast_in_dim3A_521 = arith.constant 77 : i32
          %broadcast_in_dim3A_522 = vector.broadcast %broadcast_in_dim3A_521 : i32 to vector<16xi32>
          %gather3A_523 = tpu.vector_load_idx %arg12[%add3A_58, %broadcast_in_dim3A_522] : memref<128x128xf32, #tpu.memory_space<vmem>>[vector<16xi32>, vector<16xi32>], vector<16xf32>,
          %gather3A_524 = tpu.vector_load_idx %arg13[%add3A_58, %broadcast_in_dim3A_522] : memref<128x128xf32, #tpu.memory_space<vmem>>[vector<16xi32>, vector<16xi32>], vector<16xf32>,
          %mul3A_525 = arith.mulf %gather3A_523, %gather3A_524 : vector<16xf32>
          %add3A_526 = arith.addf %add3A_520, %mul3A_525 : vector<16xf32>
          %broadcast_in_dim3A_527 = arith.constant 78 : i32
          %broadcast_in_dim3A_528 = vector.broadcast %broadcast_in_dim3A_527 : i32 to vector<16xi32>
          %gather3A_529 = tpu.vector_load_idx %arg12[%add3A_58, %broadcast_in_dim3A_528] : memref<128x128xf32, #tpu.memory_space<vmem>>[vector<16xi32>, vector<16xi32>], vector<16xf32>,
          %gather3A_530 = tpu.vector_load_idx %arg13[%add3A_58, %broadcast_in_dim3A_528] : memref<128x128xf32, #tpu.memory_space<vmem>>[vector<16xi32>, vector<16xi32>], vector<16xf32>,
          %mul3A_531 = arith.mulf %gather3A_529, %gather3A_530 : vector<16xf32>
          %add3A_532 = arith.addf %add3A_526, %mul3A_531 : vector<16xf32>
          %broadcast_in_dim3A_533 = arith.constant 79 : i32
          %broadcast_in_dim3A_534 = vector.broadcast %broadcast_in_dim3A_533 : i32 to vector<16xi32>
          %gather3A_535 = tpu.vector_load_idx %arg12[%add3A_58, %broadcast_in_dim3A_534] : memref<128x128xf32, #tpu.memory_space<vmem>>[vector<16xi32>, vector<16xi32>], vector<16xf32>,
          %gather3A_536 = tpu.vector_load_idx %arg13[%add3A_58, %broadcast_in_dim3A_534] : memref<128x128xf32, #tpu.memory_space<vmem>>[vector<16xi32>, vector<16xi32>], vector<16xf32>,
          %mul3A_537 = arith.mulf %gather3A_535, %gather3A_536 : vector<16xf32>
          %add3A_538 = arith.addf %add3A_532, %mul3A_537 : vector<16xf32>
          %broadcast_in_dim3A_539 = arith.constant 80 : i32
          %broadcast_in_dim3A_540 = vector.broadcast %broadcast_in_dim3A_539 : i32 to vector<16xi32>
          %gather3A_541 = tpu.vector_load_idx %arg12[%add3A_58, %broadcast_in_dim3A_540] : memref<128x128xf32, #tpu.memory_space<vmem>>[vector<16xi32>, vector<16xi32>], vector<16xf32>,
          %gather3A_542 = tpu.vector_load_idx %arg13[%add3A_58, %broadcast_in_dim3A_540] : memref<128x128xf32, #tpu.memory_space<vmem>>[vector<16xi32>, vector<16xi32>], vector<16xf32>,
          %mul3A_543 = arith.mulf %gather3A_541, %gather3A_542 : vector<16xf32>
          %add3A_544 = arith.addf %add3A_538, %mul3A_543 : vector<16xf32>
          %broadcast_in_dim3A_545 = arith.constant 81 : i32
          %broadcast_in_dim3A_546 = vector.broadcast %broadcast_in_dim3A_545 : i32 to vector<16xi32>
          %gather3A_547 = tpu.vector_load_idx %arg12[%add3A_58, %broadcast_in_dim3A_546] : memref<128x128xf32, #tpu.memory_space<vmem>>[vector<16xi32>, vector<16xi32>], vector<16xf32>,
          %gather3A_548 = tpu.vector_load_idx %arg13[%add3A_58, %broadcast_in_dim3A_546] : memref<128x128xf32, #tpu.memory_space<vmem>>[vector<16xi32>, vector<16xi32>], vector<16xf32>,
          %mul3A_549 = arith.mulf %gather3A_547, %gather3A_548 : vector<16xf32>
          %add3A_550 = arith.addf %add3A_544, %mul3A_549 : vector<16xf32>
          %broadcast_in_dim3A_551 = arith.constant 82 : i32
          %broadcast_in_dim3A_552 = vector.broadcast %broadcast_in_dim3A_551 : i32 to vector<16xi32>
          %gather3A_553 = tpu.vector_load_idx %arg12[%add3A_58, %broadcast_in_dim3A_552] : memref<128x128xf32, #tpu.memory_space<vmem>>[vector<16xi32>, vector<16xi32>], vector<16xf32>,
          %gather3A_554 = tpu.vector_load_idx %arg13[%add3A_58, %broadcast_in_dim3A_552] : memref<128x128xf32, #tpu.memory_space<vmem>>[vector<16xi32>, vector<16xi32>], vector<16xf32>,
          %mul3A_555 = arith.mulf %gather3A_553, %gather3A_554 : vector<16xf32>
          %add3A_556 = arith.addf %add3A_550, %mul3A_555 : vector<16xf32>
          %broadcast_in_dim3A_557 = arith.constant 83 : i32
          %broadcast_in_dim3A_558 = vector.broadcast %broadcast_in_dim3A_557 : i32 to vector<16xi32>
          %gather3A_559 = tpu.vector_load_idx %arg12[%add3A_58, %broadcast_in_dim3A_558] : memref<128x128xf32, #tpu.memory_space<vmem>>[vector<16xi32>, vector<16xi32>], vector<16xf32>,
          %gather3A_560 = tpu.vector_load_idx %arg13[%add3A_58, %broadcast_in_dim3A_558] : memref<128x128xf32, #tpu.memory_space<vmem>>[vector<16xi32>, vector<16xi32>], vector<16xf32>,
          %mul3A_561 = arith.mulf %gather3A_559, %gather3A_560 : vector<16xf32>
          %add3A_562 = arith.addf %add3A_556, %mul3A_561 : vector<16xf32>
          %broadcast_in_dim3A_563 = arith.constant 84 : i32
          %broadcast_in_dim3A_564 = vector.broadcast %broadcast_in_dim3A_563 : i32 to vector<16xi32>
          %gather3A_565 = tpu.vector_load_idx %arg12[%add3A_58, %broadcast_in_dim3A_564] : memref<128x128xf32, #tpu.memory_space<vmem>>[vector<16xi32>, vector<16xi32>], vector<16xf32>,
          %gather3A_566 = tpu.vector_load_idx %arg13[%add3A_58, %broadcast_in_dim3A_564] : memref<128x128xf32, #tpu.memory_space<vmem>>[vector<16xi32>, vector<16xi32>], vector<16xf32>,
          %mul3A_567 = arith.mulf %gather3A_565, %gather3A_566 : vector<16xf32>
          %add3A_568 = arith.addf %add3A_562, %mul3A_567 : vector<16xf32>
          %broadcast_in_dim3A_569 = arith.constant 85 : i32
          %broadcast_in_dim3A_570 = vector.broadcast %broadcast_in_dim3A_569 : i32 to vector<16xi32>
          %gather3A_571 = tpu.vector_load_idx %arg12[%add3A_58, %broadcast_in_dim3A_570] : memref<128x128xf32, #tpu.memory_space<vmem>>[vector<16xi32>, vector<16xi32>], vector<16xf32>,
          %gather3A_572 = tpu.vector_load_idx %arg13[%add3A_58, %broadcast_in_dim3A_570] : memref<128x128xf32, #tpu.memory_space<vmem>>[vector<16xi32>, vector<16xi32>], vector<16xf32>,
          %mul3A_573 = arith.mulf %gather3A_571, %gather3A_572 : vector<16xf32>
          %add3A_574 = arith.addf %add3A_568, %mul3A_573 : vector<16xf32>
          %broadcast_in_dim3A_575 = arith.constant 86 : i32
          %broadcast_in_dim3A_576 = vector.broadcast %broadcast_in_dim3A_575 : i32 to vector<16xi32>
          %gather3A_577 = tpu.vector_load_idx %arg12[%add3A_58, %broadcast_in_dim3A_576] : memref<128x128xf32, #tpu.memory_space<vmem>>[vector<16xi32>, vector<16xi32>], vector<16xf32>,
          %gather3A_578 = tpu.vector_load_idx %arg13[%add3A_58, %broadcast_in_dim3A_576] : memref<128x128xf32, #tpu.memory_space<vmem>>[vector<16xi32>, vector<16xi32>], vector<16xf32>,
          %mul3A_579 = arith.mulf %gather3A_577, %gather3A_578 : vector<16xf32>
          %add3A_580 = arith.addf %add3A_574, %mul3A_579 : vector<16xf32>
          %broadcast_in_dim3A_581 = arith.constant 87 : i32
          %broadcast_in_dim3A_582 = vector.broadcast %broadcast_in_dim3A_581 : i32 to vector<16xi32>
          %gather3A_583 = tpu.vector_load_idx %arg12[%add3A_58, %broadcast_in_dim3A_582] : memref<128x128xf32, #tpu.memory_space<vmem>>[vector<16xi32>, vector<16xi32>], vector<16xf32>,
          %gather3A_584 = tpu.vector_load_idx %arg13[%add3A_58, %broadcast_in_dim3A_582] : memref<128x128xf32, #tpu.memory_space<vmem>>[vector<16xi32>, vector<16xi32>], vector<16xf32>,
          %mul3A_585 = arith.mulf %gather3A_583, %gather3A_584 : vector<16xf32>
          %add3A_586 = arith.addf %add3A_580, %mul3A_585 : vector<16xf32>
          %broadcast_in_dim3A_587 = arith.constant 88 : i32
          %broadcast_in_dim3A_588 = vector.broadcast %broadcast_in_dim3A_587 : i32 to vector<16xi32>
          %gather3A_589 = tpu.vector_load_idx %arg12[%add3A_58, %broadcast_in_dim3A_588] : memref<128x128xf32, #tpu.memory_space<vmem>>[vector<16xi32>, vector<16xi32>], vector<16xf32>,
          %gather3A_590 = tpu.vector_load_idx %arg13[%add3A_58, %broadcast_in_dim3A_588] : memref<128x128xf32, #tpu.memory_space<vmem>>[vector<16xi32>, vector<16xi32>], vector<16xf32>,
          %mul3A_591 = arith.mulf %gather3A_589, %gather3A_590 : vector<16xf32>
          %add3A_592 = arith.addf %add3A_586, %mul3A_591 : vector<16xf32>
          %broadcast_in_dim3A_593 = arith.constant 89 : i32
          %broadcast_in_dim3A_594 = vector.broadcast %broadcast_in_dim3A_593 : i32 to vector<16xi32>
          %gather3A_595 = tpu.vector_load_idx %arg12[%add3A_58, %broadcast_in_dim3A_594] : memref<128x128xf32, #tpu.memory_space<vmem>>[vector<16xi32>, vector<16xi32>], vector<16xf32>,
          %gather3A_596 = tpu.vector_load_idx %arg13[%add3A_58, %broadcast_in_dim3A_594] : memref<128x128xf32, #tpu.memory_space<vmem>>[vector<16xi32>, vector<16xi32>], vector<16xf32>,
          %mul3A_597 = arith.mulf %gather3A_595, %gather3A_596 : vector<16xf32>
          %add3A_598 = arith.addf %add3A_592, %mul3A_597 : vector<16xf32>
          %broadcast_in_dim3A_599 = arith.constant 90 : i32
          %broadcast_in_dim3A_600 = vector.broadcast %broadcast_in_dim3A_599 : i32 to vector<16xi32>
          %gather3A_601 = tpu.vector_load_idx %arg12[%add3A_58, %broadcast_in_dim3A_600] : memref<128x128xf32, #tpu.memory_space<vmem>>[vector<16xi32>, vector<16xi32>], vector<16xf32>,
          %gather3A_602 = tpu.vector_load_idx %arg13[%add3A_58, %broadcast_in_dim3A_600] : memref<128x128xf32, #tpu.memory_space<vmem>>[vector<16xi32>, vector<16xi32>], vector<16xf32>,
          %mul3A_603 = arith.mulf %gather3A_601, %gather3A_602 : vector<16xf32>
          %add3A_604 = arith.addf %add3A_598, %mul3A_603 : vector<16xf32>
          %broadcast_in_dim3A_605 = arith.constant 91 : i32
          %broadcast_in_dim3A_606 = vector.broadcast %broadcast_in_dim3A_605 : i32 to vector<16xi32>
          %gather3A_607 = tpu.vector_load_idx %arg12[%add3A_58, %broadcast_in_dim3A_606] : memref<128x128xf32, #tpu.memory_space<vmem>>[vector<16xi32>, vector<16xi32>], vector<16xf32>,
          %gather3A_608 = tpu.vector_load_idx %arg13[%add3A_58, %broadcast_in_dim3A_606] : memref<128x128xf32, #tpu.memory_space<vmem>>[vector<16xi32>, vector<16xi32>], vector<16xf32>,
          %mul3A_609 = arith.mulf %gather3A_607, %gather3A_608 : vector<16xf32>
          %add3A_610 = arith.addf %add3A_604, %mul3A_609 : vector<16xf32>
          %broadcast_in_dim3A_611 = arith.constant 92 : i32
          %broadcast_in_dim3A_612 = vector.broadcast %broadcast_in_dim3A_611 : i32 to vector<16xi32>
          %gather3A_613 = tpu.vector_load_idx %arg12[%add3A_58, %broadcast_in_dim3A_612] : memref<128x128xf32, #tpu.memory_space<vmem>>[vector<16xi32>, vector<16xi32>], vector<16xf32>,
          %gather3A_614 = tpu.vector_load_idx %arg13[%add3A_58, %broadcast_in_dim3A_612] : memref<128x128xf32, #tpu.memory_space<vmem>>[vector<16xi32>, vector<16xi32>], vector<16xf32>,
          %mul3A_615 = arith.mulf %gather3A_613, %gather3A_614 : vector<16xf32>
          %add3A_616 = arith.addf %add3A_610, %mul3A_615 : vector<16xf32>
          %broadcast_in_dim3A_617 = arith.constant 93 : i32
          %broadcast_in_dim3A_618 = vector.broadcast %broadcast_in_dim3A_617 : i32 to vector<16xi32>
          %gather3A_619 = tpu.vector_load_idx %arg12[%add3A_58, %broadcast_in_dim3A_618] : memref<128x128xf32, #tpu.memory_space<vmem>>[vector<16xi32>, vector<16xi32>], vector<16xf32>,
          %gather3A_620 = tpu.vector_load_idx %arg13[%add3A_58, %broadcast_in_dim3A_618] : memref<128x128xf32, #tpu.memory_space<vmem>>[vector<16xi32>, vector<16xi32>], vector<16xf32>,
          %mul3A_621 = arith.mulf %gather3A_619, %gather3A_620 : vector<16xf32>
          %add3A_622 = arith.addf %add3A_616, %mul3A_621 : vector<16xf32>
          %broadcast_in_dim3A_623 = arith.constant 94 : i32
          %broadcast_in_dim3A_624 = vector.broadcast %broadcast_in_dim3A_623 : i32 to vector<16xi32>
          %gather3A_625 = tpu.vector_load_idx %arg12[%add3A_58, %broadcast_in_dim3A_624] : memref<128x128xf32, #tpu.memory_space<vmem>>[vector<16xi32>, vector<16xi32>], vector<16xf32>,
          %gather3A_626 = tpu.vector_load_idx %arg13[%add3A_58, %broadcast_in_dim3A_624] : memref<128x128xf32, #tpu.memory_space<vmem>>[vector<16xi32>, vector<16xi32>], vector<16xf32>,
          %mul3A_627 = arith.mulf %gather3A_625, %gather3A_626 : vector<16xf32>
          %add3A_628 = arith.addf %add3A_622, %mul3A_627 : vector<16xf32>
          %broadcast_in_dim3A_629 = arith.constant 95 : i32
          %broadcast_in_dim3A_630 = vector.broadcast %broadcast_in_dim3A_629 : i32 to vector<16xi32>
          %gather3A_631 = tpu.vector_load_idx %arg12[%add3A_58, %broadcast_in_dim3A_630] : memref<128x128xf32, #tpu.memory_space<vmem>>[vector<16xi32>, vector<16xi32>], vector<16xf32>,
          %gather3A_632 = tpu.vector_load_idx %arg13[%add3A_58, %broadcast_in_dim3A_630] : memref<128x128xf32, #tpu.memory_space<vmem>>[vector<16xi32>, vector<16xi32>], vector<16xf32>,
          %mul3A_633 = arith.mulf %gather3A_631, %gather3A_632 : vector<16xf32>
          %add3A_634 = arith.addf %add3A_628, %mul3A_633 : vector<16xf32>
          %broadcast_in_dim3A_635 = arith.constant 96 : i32
          %broadcast_in_dim3A_636 = vector.broadcast %broadcast_in_dim3A_635 : i32 to vector<16xi32>
          %gather3A_637 = tpu.vector_load_idx %arg12[%add3A_58, %broadcast_in_dim3A_636] : memref<128x128xf32, #tpu.memory_space<vmem>>[vector<16xi32>, vector<16xi32>], vector<16xf32>,
          %gather3A_638 = tpu.vector_load_idx %arg13[%add3A_58, %broadcast_in_dim3A_636] : memref<128x128xf32, #tpu.memory_space<vmem>>[vector<16xi32>, vector<16xi32>], vector<16xf32>,
          %mul3A_639 = arith.mulf %gather3A_637, %gather3A_638 : vector<16xf32>
          %add3A_640 = arith.addf %add3A_634, %mul3A_639 : vector<16xf32>
          %broadcast_in_dim3A_641 = arith.constant 97 : i32
          %broadcast_in_dim3A_642 = vector.broadcast %broadcast_in_dim3A_641 : i32 to vector<16xi32>
          %gather3A_643 = tpu.vector_load_idx %arg12[%add3A_58, %broadcast_in_dim3A_642] : memref<128x128xf32, #tpu.memory_space<vmem>>[vector<16xi32>, vector<16xi32>], vector<16xf32>,
          %gather3A_644 = tpu.vector_load_idx %arg13[%add3A_58, %broadcast_in_dim3A_642] : memref<128x128xf32, #tpu.memory_space<vmem>>[vector<16xi32>, vector<16xi32>], vector<16xf32>,
          %mul3A_645 = arith.mulf %gather3A_643, %gather3A_644 : vector<16xf32>
          %add3A_646 = arith.addf %add3A_640, %mul3A_645 : vector<16xf32>
          %broadcast_in_dim3A_647 = arith.constant 98 : i32
          %broadcast_in_dim3A_648 = vector.broadcast %broadcast_in_dim3A_647 : i32 to vector<16xi32>
          %gather3A_649 = tpu.vector_load_idx %arg12[%add3A_58, %broadcast_in_dim3A_648] : memref<128x128xf32, #tpu.memory_space<vmem>>[vector<16xi32>, vector<16xi32>], vector<16xf32>,
          %gather3A_650 = tpu.vector_load_idx %arg13[%add3A_58, %broadcast_in_dim3A_648] : memref<128x128xf32, #tpu.memory_space<vmem>>[vector<16xi32>, vector<16xi32>], vector<16xf32>,
          %mul3A_651 = arith.mulf %gather3A_649, %gather3A_650 : vector<16xf32>
          %add3A_652 = arith.addf %add3A_646, %mul3A_651 : vector<16xf32>
          %broadcast_in_dim3A_653 = arith.constant 99 : i32
          %broadcast_in_dim3A_654 = vector.broadcast %broadcast_in_dim3A_653 : i32 to vector<16xi32>
          %gather3A_655 = tpu.vector_load_idx %arg12[%add3A_58, %broadcast_in_dim3A_654] : memref<128x128xf32, #tpu.memory_space<vmem>>[vector<16xi32>, vector<16xi32>], vector<16xf32>,
          %gather3A_656 = tpu.vector_load_idx %arg13[%add3A_58, %broadcast_in_dim3A_654] : memref<128x128xf32, #tpu.memory_space<vmem>>[vector<16xi32>, vector<16xi32>], vector<16xf32>,
          %mul3A_657 = arith.mulf %gather3A_655, %gather3A_656 : vector<16xf32>
          %add3A_658 = arith.addf %add3A_652, %mul3A_657 : vector<16xf32>
          %broadcast_in_dim3A_659 = arith.constant 100 : i32
          %broadcast_in_dim3A_660 = vector.broadcast %broadcast_in_dim3A_659 : i32 to vector<16xi32>
          %gather3A_661 = tpu.vector_load_idx %arg12[%add3A_58, %broadcast_in_dim3A_660] : memref<128x128xf32, #tpu.memory_space<vmem>>[vector<16xi32>, vector<16xi32>], vector<16xf32>,
          %gather3A_662 = tpu.vector_load_idx %arg13[%add3A_58, %broadcast_in_dim3A_660] : memref<128x128xf32, #tpu.memory_space<vmem>>[vector<16xi32>, vector<16xi32>], vector<16xf32>,
          %mul3A_663 = arith.mulf %gather3A_661, %gather3A_662 : vector<16xf32>
          %add3A_664 = arith.addf %add3A_658, %mul3A_663 : vector<16xf32>
          %broadcast_in_dim3A_665 = arith.constant 101 : i32
          %broadcast_in_dim3A_666 = vector.broadcast %broadcast_in_dim3A_665 : i32 to vector<16xi32>
          %gather3A_667 = tpu.vector_load_idx %arg12[%add3A_58, %broadcast_in_dim3A_666] : memref<128x128xf32, #tpu.memory_space<vmem>>[vector<16xi32>, vector<16xi32>], vector<16xf32>,
          %gather3A_668 = tpu.vector_load_idx %arg13[%add3A_58, %broadcast_in_dim3A_666] : memref<128x128xf32, #tpu.memory_space<vmem>>[vector<16xi32>, vector<16xi32>], vector<16xf32>,
          %mul3A_669 = arith.mulf %gather3A_667, %gather3A_668 : vector<16xf32>
          %add3A_670 = arith.addf %add3A_664, %mul3A_669 : vector<16xf32>
          %broadcast_in_dim3A_671 = arith.constant 102 : i32
          %broadcast_in_dim3A_672 = vector.broadcast %broadcast_in_dim3A_671 : i32 to vector<16xi32>
          %gather3A_673 = tpu.vector_load_idx %arg12[%add3A_58, %broadcast_in_dim3A_672] : memref<128x128xf32, #tpu.memory_space<vmem>>[vector<16xi32>, vector<16xi32>], vector<16xf32>,
          %gather3A_674 = tpu.vector_load_idx %arg13[%add3A_58, %broadcast_in_dim3A_672] : memref<128x128xf32, #tpu.memory_space<vmem>>[vector<16xi32>, vector<16xi32>], vector<16xf32>,
          %mul3A_675 = arith.mulf %gather3A_673, %gather3A_674 : vector<16xf32>
          %add3A_676 = arith.addf %add3A_670, %mul3A_675 : vector<16xf32>
          %broadcast_in_dim3A_677 = arith.constant 103 : i32
          %broadcast_in_dim3A_678 = vector.broadcast %broadcast_in_dim3A_677 : i32 to vector<16xi32>
          %gather3A_679 = tpu.vector_load_idx %arg12[%add3A_58, %broadcast_in_dim3A_678] : memref<128x128xf32, #tpu.memory_space<vmem>>[vector<16xi32>, vector<16xi32>], vector<16xf32>,
          %gather3A_680 = tpu.vector_load_idx %arg13[%add3A_58, %broadcast_in_dim3A_678] : memref<128x128xf32, #tpu.memory_space<vmem>>[vector<16xi32>, vector<16xi32>], vector<16xf32>,
          %mul3A_681 = arith.mulf %gather3A_679, %gather3A_680 : vector<16xf32>
          %add3A_682 = arith.addf %add3A_676, %mul3A_681 : vector<16xf32>
          %broadcast_in_dim3A_683 = arith.constant 104 : i32
          %broadcast_in_dim3A_684 = vector.broadcast %broadcast_in_dim3A_683 : i32 to vector<16xi32>
          %gather3A_685 = tpu.vector_load_idx %arg12[%add3A_58, %broadcast_in_dim3A_684] : memref<128x128xf32, #tpu.memory_space<vmem>>[vector<16xi32>, vector<16xi32>], vector<16xf32>,
          %gather3A_686 = tpu.vector_load_idx %arg13[%add3A_58, %broadcast_in_dim3A_684] : memref<128x128xf32, #tpu.memory_space<vmem>>[vector<16xi32>, vector<16xi32>], vector<16xf32>,
          %mul3A_687 = arith.mulf %gather3A_685, %gather3A_686 : vector<16xf32>
          %add3A_688 = arith.addf %add3A_682, %mul3A_687 : vector<16xf32>
          %broadcast_in_dim3A_689 = arith.constant 105 : i32
          %broadcast_in_dim3A_690 = vector.broadcast %broadcast_in_dim3A_689 : i32 to vector<16xi32>
          %gather3A_691 = tpu.vector_load_idx %arg12[%add3A_58, %broadcast_in_dim3A_690] : memref<128x128xf32, #tpu.memory_space<vmem>>[vector<16xi32>, vector<16xi32>], vector<16xf32>,
          %gather3A_692 = tpu.vector_load_idx %arg13[%add3A_58, %broadcast_in_dim3A_690] : memref<128x128xf32, #tpu.memory_space<vmem>>[vector<16xi32>, vector<16xi32>], vector<16xf32>,
          %mul3A_693 = arith.mulf %gather3A_691, %gather3A_692 : vector<16xf32>
          %add3A_694 = arith.addf %add3A_688, %mul3A_693 : vector<16xf32>
          %broadcast_in_dim3A_695 = arith.constant 106 : i32
          %broadcast_in_dim3A_696 = vector.broadcast %broadcast_in_dim3A_695 : i32 to vector<16xi32>
          %gather3A_697 = tpu.vector_load_idx %arg12[%add3A_58, %broadcast_in_dim3A_696] : memref<128x128xf32, #tpu.memory_space<vmem>>[vector<16xi32>, vector<16xi32>], vector<16xf32>,
          %gather3A_698 = tpu.vector_load_idx %arg13[%add3A_58, %broadcast_in_dim3A_696] : memref<128x128xf32, #tpu.memory_space<vmem>>[vector<16xi32>, vector<16xi32>], vector<16xf32>,
          %mul3A_699 = arith.mulf %gather3A_697, %gather3A_698 : vector<16xf32>
          %add3A_700 = arith.addf %add3A_694, %mul3A_699 : vector<16xf32>
          %broadcast_in_dim3A_701 = arith.constant 107 : i32
          %broadcast_in_dim3A_702 = vector.broadcast %broadcast_in_dim3A_701 : i32 to vector<16xi32>
          %gather3A_703 = tpu.vector_load_idx %arg12[%add3A_58, %broadcast_in_dim3A_702] : memref<128x128xf32, #tpu.memory_space<vmem>>[vector<16xi32>, vector<16xi32>], vector<16xf32>,
          %gather3A_704 = tpu.vector_load_idx %arg13[%add3A_58, %broadcast_in_dim3A_702] : memref<128x128xf32, #tpu.memory_space<vmem>>[vector<16xi32>, vector<16xi32>], vector<16xf32>,
          %mul3A_705 = arith.mulf %gather3A_703, %gather3A_704 : vector<16xf32>
          %add3A_706 = arith.addf %add3A_700, %mul3A_705 : vector<16xf32>
          %broadcast_in_dim3A_707 = arith.constant 108 : i32
          %broadcast_in_dim3A_708 = vector.broadcast %broadcast_in_dim3A_707 : i32 to vector<16xi32>
          %gather3A_709 = tpu.vector_load_idx %arg12[%add3A_58, %broadcast_in_dim3A_708] : memref<128x128xf32, #tpu.memory_space<vmem>>[vector<16xi32>, vector<16xi32>], vector<16xf32>,
          %gather3A_710 = tpu.vector_load_idx %arg13[%add3A_58, %broadcast_in_dim3A_708] : memref<128x128xf32, #tpu.memory_space<vmem>>[vector<16xi32>, vector<16xi32>], vector<16xf32>,
          %mul3A_711 = arith.mulf %gather3A_709, %gather3A_710 : vector<16xf32>
          %add3A_712 = arith.addf %add3A_706, %mul3A_711 : vector<16xf32>
          %broadcast_in_dim3A_713 = arith.constant 109 : i32
          %broadcast_in_dim3A_714 = vector.broadcast %broadcast_in_dim3A_713 : i32 to vector<16xi32>
          %gather3A_715 = tpu.vector_load_idx %arg12[%add3A_58, %broadcast_in_dim3A_714] : memref<128x128xf32, #tpu.memory_space<vmem>>[vector<16xi32>, vector<16xi32>], vector<16xf32>,
          %gather3A_716 = tpu.vector_load_idx %arg13[%add3A_58, %broadcast_in_dim3A_714] : memref<128x128xf32, #tpu.memory_space<vmem>>[vector<16xi32>, vector<16xi32>], vector<16xf32>,
          %mul3A_717 = arith.mulf %gather3A_715, %gather3A_716 : vector<16xf32>
          %add3A_718 = arith.addf %add3A_712, %mul3A_717 : vector<16xf32>
          %broadcast_in_dim3A_719 = arith.constant 110 : i32
          %broadcast_in_dim3A_720 = vector.broadcast %broadcast_in_dim3A_719 : i32 to vector<16xi32>
          %gather3A_721 = tpu.vector_load_idx %arg12[%add3A_58, %broadcast_in_dim3A_720] : memref<128x128xf32, #tpu.memory_space<vmem>>[vector<16xi32>, vector<16xi32>], vector<16xf32>,
          %gather3A_722 = tpu.vector_load_idx %arg13[%add3A_58, %broadcast_in_dim3A_720] : memref<128x128xf32, #tpu.memory_space<vmem>>[vector<16xi32>, vector<16xi32>], vector<16xf32>,
          %mul3A_723 = arith.mulf %gather3A_721, %gather3A_722 : vector<16xf32>
          %add3A_724 = arith.addf %add3A_718, %mul3A_723 : vector<16xf32>
          %broadcast_in_dim3A_725 = arith.constant 111 : i32
          %broadcast_in_dim3A_726 = vector.broadcast %broadcast_in_dim3A_725 : i32 to vector<16xi32>
          %gather3A_727 = tpu.vector_load_idx %arg12[%add3A_58, %broadcast_in_dim3A_726] : memref<128x128xf32, #tpu.memory_space<vmem>>[vector<16xi32>, vector<16xi32>], vector<16xf32>,
          %gather3A_728 = tpu.vector_load_idx %arg13[%add3A_58, %broadcast_in_dim3A_726] : memref<128x128xf32, #tpu.memory_space<vmem>>[vector<16xi32>, vector<16xi32>], vector<16xf32>,
          %mul3A_729 = arith.mulf %gather3A_727, %gather3A_728 : vector<16xf32>
          %add3A_730 = arith.addf %add3A_724, %mul3A_729 : vector<16xf32>
          %broadcast_in_dim3A_731 = arith.constant 112 : i32
          %broadcast_in_dim3A_732 = vector.broadcast %broadcast_in_dim3A_731 : i32 to vector<16xi32>
          %gather3A_733 = tpu.vector_load_idx %arg12[%add3A_58, %broadcast_in_dim3A_732] : memref<128x128xf32, #tpu.memory_space<vmem>>[vector<16xi32>, vector<16xi32>], vector<16xf32>,
          %gather3A_734 = tpu.vector_load_idx %arg13[%add3A_58, %broadcast_in_dim3A_732] : memref<128x128xf32, #tpu.memory_space<vmem>>[vector<16xi32>, vector<16xi32>], vector<16xf32>,
          %mul3A_735 = arith.mulf %gather3A_733, %gather3A_734 : vector<16xf32>
          %add3A_736 = arith.addf %add3A_730, %mul3A_735 : vector<16xf32>
          %broadcast_in_dim3A_737 = arith.constant 113 : i32
          %broadcast_in_dim3A_738 = vector.broadcast %broadcast_in_dim3A_737 : i32 to vector<16xi32>
          %gather3A_739 = tpu.vector_load_idx %arg12[%add3A_58, %broadcast_in_dim3A_738] : memref<128x128xf32, #tpu.memory_space<vmem>>[vector<16xi32>, vector<16xi32>], vector<16xf32>,
          %gather3A_740 = tpu.vector_load_idx %arg13[%add3A_58, %broadcast_in_dim3A_738] : memref<128x128xf32, #tpu.memory_space<vmem>>[vector<16xi32>, vector<16xi32>], vector<16xf32>,
          %mul3A_741 = arith.mulf %gather3A_739, %gather3A_740 : vector<16xf32>
          %add3A_742 = arith.addf %add3A_736, %mul3A_741 : vector<16xf32>
          %broadcast_in_dim3A_743 = arith.constant 114 : i32
          %broadcast_in_dim3A_744 = vector.broadcast %broadcast_in_dim3A_743 : i32 to vector<16xi32>
          %gather3A_745 = tpu.vector_load_idx %arg12[%add3A_58, %broadcast_in_dim3A_744] : memref<128x128xf32, #tpu.memory_space<vmem>>[vector<16xi32>, vector<16xi32>], vector<16xf32>,
          %gather3A_746 = tpu.vector_load_idx %arg13[%add3A_58, %broadcast_in_dim3A_744] : memref<128x128xf32, #tpu.memory_space<vmem>>[vector<16xi32>, vector<16xi32>], vector<16xf32>,
          %mul3A_747 = arith.mulf %gather3A_745, %gather3A_746 : vector<16xf32>
          %add3A_748 = arith.addf %add3A_742, %mul3A_747 : vector<16xf32>
          %broadcast_in_dim3A_749 = arith.constant 115 : i32
          %broadcast_in_dim3A_750 = vector.broadcast %broadcast_in_dim3A_749 : i32 to vector<16xi32>
          %gather3A_751 = tpu.vector_load_idx %arg12[%add3A_58, %broadcast_in_dim3A_750] : memref<128x128xf32, #tpu.memory_space<vmem>>[vector<16xi32>, vector<16xi32>], vector<16xf32>,
          %gather3A_752 = tpu.vector_load_idx %arg13[%add3A_58, %broadcast_in_dim3A_750] : memref<128x128xf32, #tpu.memory_space<vmem>>[vector<16xi32>, vector<16xi32>], vector<16xf32>,
          %mul3A_753 = arith.mulf %gather3A_751, %gather3A_752 : vector<16xf32>
          %add3A_754 = arith.addf %add3A_748, %mul3A_753 : vector<16xf32>
          %broadcast_in_dim3A_755 = arith.constant 116 : i32
          %broadcast_in_dim3A_756 = vector.broadcast %broadcast_in_dim3A_755 : i32 to vector<16xi32>
          %gather3A_757 = tpu.vector_load_idx %arg12[%add3A_58, %broadcast_in_dim3A_756] : memref<128x128xf32, #tpu.memory_space<vmem>>[vector<16xi32>, vector<16xi32>], vector<16xf32>,
          %gather3A_758 = tpu.vector_load_idx %arg13[%add3A_58, %broadcast_in_dim3A_756] : memref<128x128xf32, #tpu.memory_space<vmem>>[vector<16xi32>, vector<16xi32>], vector<16xf32>,
          %mul3A_759 = arith.mulf %gather3A_757, %gather3A_758 : vector<16xf32>
          %add3A_760 = arith.addf %add3A_754, %mul3A_759 : vector<16xf32>
          %broadcast_in_dim3A_761 = arith.constant 117 : i32
          %broadcast_in_dim3A_762 = vector.broadcast %broadcast_in_dim3A_761 : i32 to vector<16xi32>
          %gather3A_763 = tpu.vector_load_idx %arg12[%add3A_58, %broadcast_in_dim3A_762] : memref<128x128xf32, #tpu.memory_space<vmem>>[vector<16xi32>, vector<16xi32>], vector<16xf32>,
          %gather3A_764 = tpu.vector_load_idx %arg13[%add3A_58, %broadcast_in_dim3A_762] : memref<128x128xf32, #tpu.memory_space<vmem>>[vector<16xi32>, vector<16xi32>], vector<16xf32>,
          %mul3A_765 = arith.mulf %gather3A_763, %gather3A_764 : vector<16xf32>
          %add3A_766 = arith.addf %add3A_760, %mul3A_765 : vector<16xf32>
          %broadcast_in_dim3A_767 = arith.constant 118 : i32
          %broadcast_in_dim3A_768 = vector.broadcast %broadcast_in_dim3A_767 : i32 to vector<16xi32>
          %gather3A_769 = tpu.vector_load_idx %arg12[%add3A_58, %broadcast_in_dim3A_768] : memref<128x128xf32, #tpu.memory_space<vmem>>[vector<16xi32>, vector<16xi32>], vector<16xf32>,
          %gather3A_770 = tpu.vector_load_idx %arg13[%add3A_58, %broadcast_in_dim3A_768] : memref<128x128xf32, #tpu.memory_space<vmem>>[vector<16xi32>, vector<16xi32>], vector<16xf32>,
          %mul3A_771 = arith.mulf %gather3A_769, %gather3A_770 : vector<16xf32>
          %add3A_772 = arith.addf %add3A_766, %mul3A_771 : vector<16xf32>
          %broadcast_in_dim3A_773 = arith.constant 119 : i32
          %broadcast_in_dim3A_774 = vector.broadcast %broadcast_in_dim3A_773 : i32 to vector<16xi32>
          %gather3A_775 = tpu.vector_load_idx %arg12[%add3A_58, %broadcast_in_dim3A_774] : memref<128x128xf32, #tpu.memory_space<vmem>>[vector<16xi32>, vector<16xi32>], vector<16xf32>,
          %gather3A_776 = tpu.vector_load_idx %arg13[%add3A_58, %broadcast_in_dim3A_774] : memref<128x128xf32, #tpu.memory_space<vmem>>[vector<16xi32>, vector<16xi32>], vector<16xf32>,
          %mul3A_777 = arith.mulf %gather3A_775, %gather3A_776 : vector<16xf32>
          %add3A_778 = arith.addf %add3A_772, %mul3A_777 : vector<16xf32>
          %broadcast_in_dim3A_779 = arith.constant 120 : i32
          %broadcast_in_dim3A_780 = vector.broadcast %broadcast_in_dim3A_779 : i32 to vector<16xi32>
          %gather3A_781 = tpu.vector_load_idx %arg12[%add3A_58, %broadcast_in_dim3A_780] : memref<128x128xf32, #tpu.memory_space<vmem>>[vector<16xi32>, vector<16xi32>], vector<16xf32>,
          %gather3A_782 = tpu.vector_load_idx %arg13[%add3A_58, %broadcast_in_dim3A_780] : memref<128x128xf32, #tpu.memory_space<vmem>>[vector<16xi32>, vector<16xi32>], vector<16xf32>,
          %mul3A_783 = arith.mulf %gather3A_781, %gather3A_782 : vector<16xf32>
          %add3A_784 = arith.addf %add3A_778, %mul3A_783 : vector<16xf32>
          %broadcast_in_dim3A_785 = arith.constant 121 : i32
          %broadcast_in_dim3A_786 = vector.broadcast %broadcast_in_dim3A_785 : i32 to vector<16xi32>
          %gather3A_787 = tpu.vector_load_idx %arg12[%add3A_58, %broadcast_in_dim3A_786] : memref<128x128xf32, #tpu.memory_space<vmem>>[vector<16xi32>, vector<16xi32>], vector<16xf32>,
          %gather3A_788 = tpu.vector_load_idx %arg13[%add3A_58, %broadcast_in_dim3A_786] : memref<128x128xf32, #tpu.memory_space<vmem>>[vector<16xi32>, vector<16xi32>], vector<16xf32>,
          %mul3A_789 = arith.mulf %gather3A_787, %gather3A_788 : vector<16xf32>
          %add3A_790 = arith.addf %add3A_784, %mul3A_789 : vector<16xf32>
          %broadcast_in_dim3A_791 = arith.constant 122 : i32
          %broadcast_in_dim3A_792 = vector.broadcast %broadcast_in_dim3A_791 : i32 to vector<16xi32>
          %gather3A_793 = tpu.vector_load_idx %arg12[%add3A_58, %broadcast_in_dim3A_792] : memref<128x128xf32, #tpu.memory_space<vmem>>[vector<16xi32>, vector<16xi32>], vector<16xf32>,
          %gather3A_794 = tpu.vector_load_idx %arg13[%add3A_58, %broadcast_in_dim3A_792] : memref<128x128xf32, #tpu.memory_space<vmem>>[vector<16xi32>, vector<16xi32>], vector<16xf32>,
          %mul3A_795 = arith.mulf %gather3A_793, %gather3A_794 : vector<16xf32>
          %add3A_796 = arith.addf %add3A_790, %mul3A_795 : vector<16xf32>
          %broadcast_in_dim3A_797 = arith.constant 123 : i32
          %broadcast_in_dim3A_798 = vector.broadcast %broadcast_in_dim3A_797 : i32 to vector<16xi32>
          %gather3A_799 = tpu.vector_load_idx %arg12[%add3A_58, %broadcast_in_dim3A_798] : memref<128x128xf32, #tpu.memory_space<vmem>>[vector<16xi32>, vector<16xi32>], vector<16xf32>,
          %gather3A_800 = tpu.vector_load_idx %arg13[%add3A_58, %broadcast_in_dim3A_798] : memref<128x128xf32, #tpu.memory_space<vmem>>[vector<16xi32>, vector<16xi32>], vector<16xf32>,
          %mul3A_801 = arith.mulf %gather3A_799, %gather3A_800 : vector<16xf32>
          %add3A_802 = arith.addf %add3A_796, %mul3A_801 : vector<16xf32>
          %broadcast_in_dim3A_803 = arith.constant 124 : i32
          %broadcast_in_dim3A_804 = vector.broadcast %broadcast_in_dim3A_803 : i32 to vector<16xi32>
          %gather3A_805 = tpu.vector_load_idx %arg12[%add3A_58, %broadcast_in_dim3A_804] : memref<128x128xf32, #tpu.memory_space<vmem>>[vector<16xi32>, vector<16xi32>], vector<16xf32>,
          %gather3A_806 = tpu.vector_load_idx %arg13[%add3A_58, %broadcast_in_dim3A_804] : memref<128x128xf32, #tpu.memory_space<vmem>>[vector<16xi32>, vector<16xi32>], vector<16xf32>,
          %mul3A_807 = arith.mulf %gather3A_805, %gather3A_806 : vector<16xf32>
          %add3A_808 = arith.addf %add3A_802, %mul3A_807 : vector<16xf32>
          %broadcast_in_dim3A_809 = arith.constant 125 : i32
          %broadcast_in_dim3A_810 = vector.broadcast %broadcast_in_dim3A_809 : i32 to vector<16xi32>
          %gather3A_811 = tpu.vector_load_idx %arg12[%add3A_58, %broadcast_in_dim3A_810] : memref<128x128xf32, #tpu.memory_space<vmem>>[vector<16xi32>, vector<16xi32>], vector<16xf32>,
          %gather3A_812 = tpu.vector_load_idx %arg13[%add3A_58, %broadcast_in_dim3A_810] : memref<128x128xf32, #tpu.memory_space<vmem>>[vector<16xi32>, vector<16xi32>], vector<16xf32>,
          %mul3A_813 = arith.mulf %gather3A_811, %gather3A_812 : vector<16xf32>
          %add3A_814 = arith.addf %add3A_808, %mul3A_813 : vector<16xf32>
          %broadcast_in_dim3A_815 = arith.constant 126 : i32
          %broadcast_in_dim3A_816 = vector.broadcast %broadcast_in_dim3A_815 : i32 to vector<16xi32>
          %gather3A_817 = tpu.vector_load_idx %arg12[%add3A_58, %broadcast_in_dim3A_816] : memref<128x128xf32, #tpu.memory_space<vmem>>[vector<16xi32>, vector<16xi32>], vector<16xf32>,
          %gather3A_818 = tpu.vector_load_idx %arg13[%add3A_58, %broadcast_in_dim3A_816] : memref<128x128xf32, #tpu.memory_space<vmem>>[vector<16xi32>, vector<16xi32>], vector<16xf32>,
          %mul3A_819 = arith.mulf %gather3A_817, %gather3A_818 : vector<16xf32>
          %add3A_820 = arith.addf %add3A_814, %mul3A_819 : vector<16xf32>
          %broadcast_in_dim3A_821 = arith.constant 127 : i32
          %broadcast_in_dim3A_822 = vector.broadcast %broadcast_in_dim3A_821 : i32 to vector<16xi32>
          %gather3A_823 = tpu.vector_load_idx %arg12[%add3A_58, %broadcast_in_dim3A_822] : memref<128x128xf32, #tpu.memory_space<vmem>>[vector<16xi32>, vector<16xi32>], vector<16xf32>,
          %gather3A_824 = tpu.vector_load_idx %arg13[%add3A_58, %broadcast_in_dim3A_822] : memref<128x128xf32, #tpu.memory_space<vmem>>[vector<16xi32>, vector<16xi32>], vector<16xf32>,
          %mul3A_825 = arith.mulf %gather3A_823, %gather3A_824 : vector<16xf32>
          %add3A_826 = arith.addf %add3A_820, %mul3A_825 : vector<16xf32>
          %mul3A_827 = arith.constant 16 : i32
          %mul3A_828 = arith.muli %scan3A_53, %mul3A_827 : i32
          %swap3A = arith.index_cast %mul3A_828 : i32 to index
          %swap3A_829 = tpu.vector_load %arg14[%swap3A] {strides = array<i32>} : memref<128xf32, #tpu.memory_space<vmem>>, vector<16xf32>,
          tpu.vector_store %arg14[%swap3A], %add3A_826 {strides = array<i32>} : memref<128xf32, #tpu.memory_space<vmem>>, vector<16xf32>,
          %scan3A_830 = arith.constant 0 : i32
          scf.yield %scan3A_830 : i32
        }
        %scan3A_52 = arith.constant 8 : i32
        "tpu.region"() ({
          %run_scoped3A = tpu.sem_alloc : memref<!tpu.dma_semaphore, #tpu.memory_space<semaphore_mem>>
          %dma_start3A = arith.constant 0 : i32
          %dma_start3A_53 = tpu.memref_slice %arg5[%add3A_17, %dma_start3A] : memref<2500x128xf32, #tpu.memory_space<hbm>> -> memref<1x128xf32, #tpu.memory_space<hbm>>
          %dma_start3A_54 = tpu.memref_squeeze %dma_start3A_53 : memref<1x128xf32, #tpu.memory_space<hbm>> -> memref<128xf32, #tpu.memory_space<hbm>>
          %dma_start3A_55 = arith.constant 0 : i32
          %dma_start3A_56 = tpu.memref_slice %arg5[%add3A_17, %dma_start3A_55] : memref<2500x128xf32, #tpu.memory_space<hbm>> -> memref<1x128xf32, #tpu.memory_space<hbm>>
          %dma_start3A_57 = tpu.memref_squeeze %dma_start3A_56 : memref<1x128xf32, #tpu.memory_space<hbm>> -> memref<128xf32, #tpu.memory_space<hbm>>
          tpu.enqueue_dma source(%arg14 : memref<128xf32, #tpu.memory_space<vmem>>) target(%dma_start3A_57 : memref<128xf32, #tpu.memory_space<hbm>>) target_semaphore(%run_scoped3A : memref<!tpu.dma_semaphore, #tpu.memory_space<semaphore_mem>>)
          %dma_wait3A_58 = arith.constant 0 : i32
          %dma_wait3A_59 = tpu.memref_slice %arg5[%add3A_17, %dma_wait3A_58] : memref<2500x128xf32, #tpu.memory_space<hbm>> -> memref<1x128xf32, #tpu.memory_space<hbm>>
          %dma_wait3A_60 = tpu.memref_squeeze %dma_wait3A_59 : memref<1x128xf32, #tpu.memory_space<hbm>> -> memref<128xf32, #tpu.memory_space<hbm>>
          %dma_wait3A_61 = arith.constant 0 : i32
          %dma_wait3A_62 = tpu.memref_slice %arg5[%add3A_17, %dma_wait3A_61] : memref<2500x128xf32, #tpu.memory_space<hbm>> -> memref<1x128xf32, #tpu.memory_space<hbm>>
          %dma_wait3A_63 = tpu.memref_squeeze %dma_wait3A_62 : memref<1x128xf32, #tpu.memory_space<hbm>> -> memref<128xf32, #tpu.memory_space<hbm>>
          tpu.wait_dma2 semaphore(%run_scoped3A : memref<!tpu.dma_semaphore, #tpu.memory_space<semaphore_mem>>) src(%arg14 : memref<128xf32, #tpu.memory_space<vmem>>) dst(%dma_wait3A_63 : memref<128xf32, #tpu.memory_space<hbm>>)
          tpu.yield
        }) : () -> ()
      } else {
      }
      %scan3A_40 = arith.constant 0 : i32
      scf.yield %scan3A_40 : i32
    }
    %scan3A_8 = arith.constant 40 : i32
    return
  }
}

</mosaic_0001>

<sc_bundles>
// kernel: kernel.3.cloned.1.call-start
scs
__scs_entry_jumppad:
0x0: {  	(pc) =	sbr.rel $0x88, $3  }
0x1: {  	(tag) =	ssettag $0x0;
	lr =	simm.s32 $0x1  }
0x2: {  	[smem:$0x3F9F] =	sst lr;
	_ =	strace $0xD0000000  }
0x3: {  	_ = 	snop  }
0x4: {  	_ = 	snop  }
0x5: {  	_ = 	snop  }
0x6: {  	_ = 	snop  }
0x7: {  	_ = 	snop  }
__scs_overlays_trampoline_lowered:
0x8: {  	[smem:$0x3FAE] =	sst s0  }
0x9: {  	[smem:$0x3FAF] =	sst s1  }
0xa: {  	[smem:$0x3FB0] =	sst s2  }
0xb: {  	[smem:$0x3FB1] =	sst s3  }
0xc: {  	[smem:$0x3FB2] =	sst s4  }
0xd: {  	[smem:$0x3FB3] =	sst s5  }
0xe: {  	[smem:$0x3FB4] =	sst s6  }
0xf: {  	[smem:$0x3FB5] =	sst s7  }
0x10: {  	[smem:$0x3FB6] =	sst s8  }
0x11: {  	[smem:$0x3FB7] =	sst s9;
	s0 =	simm.s32 @!p0 $0x0  }
0x12: {  	s1 =	sld [smem:$0x3F9D];
	s0 =	simm.s32 @p0 $0x1  }
0x13: {  	[smem:$0x3FB8] =	sst s0;
	s0 =	simm.s32 @!p1 $0x0  }
0x14: {  	s2 =	sld [smem:$0x3F9C];
	s0 =	simm.s32 @p1 $0x1  }
0x15: {  	[smem:$0x3FB9] =	sst s0;
	s0 =	simm.s32 @!p2 $0x0  }
0x16: {  	s3 =	sld [smem:$0x3FDB];
	s0 =	simm.s32 @p2 $0x1  }
0x17: {  	s4 =	simm.s32 $0x1BF5;
	[smem:$0x3FBB] =	sst s0  }
0x18: {  	s0 =	sld [smem:$0x3F9E];
	_ =	swait.ge [sflag:s4], $0x0  }
0x19: {  	s7 =	sld [smem:$0x3F9F]  }
0x1a: {  	s8 =	sadd.s32 $0xFFFFE003, lr  }
0x1b: {  	s9 =	sadd.s32 $0xFFFFFEF7, lr;
	s5 =	simm.s32 $0xFFFFFFFF;
	p2 =	slt.u32 s8, $0xFFFFF086  }
0x1c: {  	p1 =	slt.u32 s9, $0xF7A;
	s5 =	simm.s32 @!p2 $0x0  }
0x1d: {  	s5 =	simm.s32 @p1 $0x1;
	p0 =	seq.s32 s7, s2  }
0x1e: {  	s7 =	smul.u32 @!p0 $0xF7A, s2;
	p2 =	seq.s32 @!p0 s5, $0x0  }
0x1f: {  	s9 =	smul.u32 $0xF7A, s1;
	s8 =	simm.s32 @!p0 $0x1BF5;
	p2 =	por !p2, p0  }
0x20: {  	[sflag:s8] =	ssyncset.s32 @!p0 $0xFFFFF086;
	s6 =	sadd.s32 @!p0 s3, s7;
	s7 =	simm.s32 @!p0 $0x108  }
0x21: {  	s3 =	sadd.s32 s3, s9;
	s6 =	sadd.s32 @!p0 $0x88, s6;
	s7 =	simm.s32 @p2 $0x1082  }
0x22: {  	[simem:s7], [sflag:s8] =	dma.local @!p0 [hbm:s6], $0xF7A  }
0x23: {  	s9 =	sor.u32 $0xD0000000, s2;
	s6 =	simm.s32 $0x108;
	_ =	swait.ge @!p0 [sflag:s8], $0x0  }
0x24: {  	s3 =	sadd.s32 $0x88, s3;
	s6 =	simm.s32 @!p1 $0x1082;
	[sflag:s4] =	ssyncset.s32 $0xFFFFF086  }
0x25: {  	[simem:s6], [sflag:s4] =	dma.local [hbm:s3], $0xF7A  }
0x26: {  	[smem:$0x3F9F] =	sst s1;
	(tag) =	ssettag s2;
	_ =	strace s9  }
0x27: {  	s1 =	sld [smem:$0x3FAF]  }
0x28: {  	s2 =	sld [smem:$0x3FB0]  }
0x29: {  	s4 =	sld [smem:$0x3FB2]  }
0x2a: {  	p0 =	seq.s32 s5, $0x0;
	s5 =	sld [smem:$0x3FB3]  }
0x2b: {  	s6 =	sld [smem:$0x3FB4]  }
0x2c: {  	s7 =	sld [smem:$0x3FB5]  }
0x2d: {  	s3 =	simm.s32 $0x108;
	s8 =	sld [smem:$0x3FB6]  }
0x2e: {  	s3 =	simm.s32 @!p0 $0x1082;
	s9 =	sld [smem:$0x3FB7]  }
0x2f: {  	lr =	sadd.s32 s0, s3;
	s0 =	sld [smem:$0x3FAE]  }
0x30: {  	s3 =	sld [smem:$0x3FB1]  }
0x31: {  	[smem:$0x3FBA] =	sst s10  }
0x32: {  	s10 =	sld [smem:$0x3FB8];
	_ =	sdelay $0x3  }
0x33: {  	p0 =	seq.s32 s10, $0x1;
	s10 =	sld [smem:$0x3FBA];
	_ =	sdelay $0x3  }
0x34: {  	[smem:$0x3FBA] =	sst s10  }
0x35: {  	s10 =	sld [smem:$0x3FB9];
	_ =	sdelay $0x3  }
0x36: {  	p1 =	seq.s32 s10, $0x1;
	s10 =	sld [smem:$0x3FBA];
	_ =	sdelay $0x3  }
0x37: {  	[smem:$0x3FBA] =	sst s10  }
0x38: {  	s10 =	sld [smem:$0x3FBB]  }
0x39: {  	_ = 	snop;
	(pc) =	sbr.ind lr, $3  }
0x3a: {  	_ = 	snop  }
0x3b: {  	_ = 	snop  }
0x3c: {  	p2 =	seq.s32 s10, $0x1;
	s10 =	sld [smem:$0x3FBA]  }
0x3d: {  	_ =	shalt  }
0x3e: {  	_ =	shalt  }
0x3f: {  	_ =	shalt  }
0x40: {  	_ =	shalt  }
0x41: {  	_ =	shalt  }
0x42: {  	_ =	shalt  }
0x43: {  	_ =	shalt  }
0x44: {  	_ =	shalt  }
0x45: {  	_ =	shalt  }
0x46: {  	_ =	shalt  }
0x47: {  	_ =	shalt  }
0x48: {  	_ =	shalt  }
0x49: {  	_ =	shalt  }
0x4a: {  	_ =	shalt  }
0x4b: {  	_ =	shalt  }
0x4c: {  	_ =	shalt  }
0x4d: {  	_ =	shalt  }
0x4e: {  	_ =	shalt  }
0x4f: {  	_ =	shalt  }
0x50: {  	_ =	shalt  }
0x51: {  	_ =	shalt  }
0x52: {  	_ =	shalt  }
0x53: {  	_ =	shalt  }
0x54: {  	_ =	shalt  }
0x55: {  	_ =	shalt  }
0x56: {  	_ =	shalt  }
0x57: {  	_ =	shalt  }
0x58: {  	_ =	shalt  }
0x59: {  	_ =	shalt  }
0x5a: {  	_ =	shalt  }
0x5b: {  	_ =	shalt  }
0x5c: {  	_ =	shalt  }
0x5d: {  	_ =	shalt  }
0x5e: {  	_ =	shalt  }
0x5f: {  	_ =	shalt  }
0x60: {  	_ =	shalt  }
0x61: {  	_ =	shalt  }
0x62: {  	_ =	shalt  }
0x63: {  	_ =	shalt  }
0x64: {  	_ =	shalt  }
0x65: {  	_ =	shalt  }
0x66: {  	_ =	shalt  }
0x67: {  	_ =	shalt  }
0x68: {  	_ =	shalt  }
0x69: {  	_ =	shalt  }
0x6a: {  	_ =	shalt  }
0x6b: {  	_ =	shalt  }
0x6c: {  	_ =	shalt  }
0x6d: {  	_ =	shalt  }
0x6e: {  	_ =	shalt  }
0x6f: {  	_ =	shalt  }
0x70: {  	_ =	shalt  }
0x71: {  	_ =	shalt  }
0x72: {  	_ =	shalt  }
0x73: {  	_ =	shalt  }
0x74: {  	_ =	shalt  }
0x75: {  	_ =	shalt  }
0x76: {  	_ =	shalt  }
0x77: {  	_ =	shalt  }
0x78: {  	_ =	shalt  }
0x79: {  	_ =	shalt  }
0x7a: {  	_ =	shalt  }
0x7b: {  	_ =	shalt  }
0x7c: {  	_ =	shalt  }
0x7d: {  	_ =	shalt  }
0x7e: {  	_ =	shalt  }
0x7f: {  	_ =	shalt  }
0x80: {  	_ =	shalt  }
0x81: {  	_ =	shalt  }
0x82: {  	_ =	shalt  }
0x83: {  	_ =	shalt  }
0x84: {  	_ =	shalt  }
0x85: {  	_ =	shalt  }
0x86: {  	_ =	shalt  }
0x87: {  	_ =	shalt  }
.Lfunc_end0:
.L_simem_size_0:
called_computation_lowered:
.L_overlay_start_0:
0x88: {  	s2 =	sld [smem:$0x3FD9]  }
0x89: {  	s3 =	sld [smem:$0x3FFE];
	_ =	sdelay $0x1  }
0x8a: {  	s1 =	srdreg.scid  }
0x8b: {  	s0 =	sand.u32 $0x1, s1  }
0x8c: {  	s17 =	sshll.u32 s0, $0xA;
	s2 =	sadd.s32 s3, s2  }
0x8d: {  	s2 =	sadd.s32 s2, s17  }
0x8e: {  	[smem:$0x3FC6] =	sst s2  }
0x8f: {  	_ = 	snop  }
0x90: {  	s2 =	sld [smem:$0x3FC9]  }
0x91: {  	s18 =	sld [smem:$0x3FD0];
	(tm) =	ssettm $0x1  }
0x92: {  	s4 =	sld [smem:$0x3FFB];
	_ =	sdelay $0x3  }
0x93: {  	_ =	strace s4  }
0x94: {  	s4 =	sld [smem:$0x3FFC];
	_ =	sdelay $0x3  }
0x95: {  	_ =	strace s4  }
0x96: {  	s4 =	sld [smem:$0x3FFD];
	_ =	sdelay $0x3  }
0x97: {  	_ =	strace s4  }
0x98: {  	_ =	strace $0x8FFFFFFF  }
0x99: {  	s19 =	sld [smem:$0x3FDB];
	_ =	sdelay $0x1  }
0x9a: {  	s5 =	simm.s32 $_scs_section_size  }
0x9b: {  	s6 =	simm.s32 $_size__tile_overlayer_lowered;
	s7 =	simm.s32 $_tile_overlayer_lowered  }
0x9c: {  	s22 =	simm.s32 $0x1BFF;
	s21 =	sshll.u32 s7, $0x1;
	s4 =	sadd.s32 s5, s19  }
0x9d: {  	s8 =	simm.s32 $0x0;
	s20 =	sshll.u32 s6, $0x1;
	s6 =	sadd.s32 s21, s4  }
0x9e: {  	[timem:s8], [sflag:s22] =	dma.local [hbm:s6], s20  }
0x9f: {  	_ =	swait.ge [sflag:s22], s20  }
0xa0: {  	s5 =	ssub.s32 $0x0, s20;
	[sflag:s22] =	ssyncset.done $0x0  }
0xa1: {  	[sflag:s22] =	ssyncadd.s32 s5;
	_ =	sdelay $0x1  }
0xa2: {  	s23 =	simm.s32 $0x1B8B  }
0xa3: {  	_ =	swait.ge [sflag:s23], $0x1  }
0xa4: {  	[sflag:s23] =	ssyncset.done $0x0  }
0xa5: {  	s25 =	simm.s32 $0x1B8E;
	s24 =	sld [smem:$0x3FFE];
	[sflag:s23] =	ssyncadd.s32 $0xFFFFFFFF  }
0xa6: {  	s26 =	simm.s32 $execute0_lowered;
	[smem:$0x3FD2] =	sst s25  }
0xa7: {  	s6 =	sshll.u32 s26, $0x1;
	_ =	strace $0x80000046;
	[dreg:$0x1] =	wrdreg $0xFFFFFFFF  }
0xa8: {  	s28 =	simm.s32 $_size_execute0_lowered;
	s4 =	sadd.s32 s4, s6;
	[dreg:$0x0] =	wrdreg $0x0  }
0xa9: {  	s6 =	sshll.u32 s28, $0x1;
	[dreg:$0x2] =	wrdreg s4  }
0xaa: {  	[dreg:$0x3] =	wrdreg s6  }
0xab: {  	[dreg:$0x4] =	wrdreg $0xC0  }
0xac: {  	_ =	task [dreg:s8], $0x5FFFF  }
0xad: {  	[dreg:$0x1] =	wrdreg $0xFFFFFFFF  }
0xae: {  	[dreg:$0x0] =	wrdreg $0x60  }
0xaf: {  	[dreg:$0x2] =	wrdreg s2  }
0xb0: {  	[dreg:$0x3] =	wrdreg s24  }
0xb1: {  	[dreg:$0x4] =	wrdreg s18  }
0xb2: {  	[dreg:$0x5] =	wrdreg $0x9  }
0xb3: {  	_ =	task.clear_ibuf [dreg:s8], $0x6FFFF;
	_ =	strace $0x90000046  }
0xb4: {  	s29 =	simm.s32 $0x9;
	_ =	strace $0x80000048  }
0xb5: {  	_ =	swait.ge [sflag:s29], $0x1  }
0xb6: {  	[sflag:s29] =	ssyncadd.s32 $0xFFFFFFFF  }
0xb7: {  	_ =	strace $0x90000048  }
0xb8: {  	_ =	sfence  }
0xb9: {  	s30 =	sld [smem:$0x0];
	_ =	sdelay $0x2  }
0xba: {  	s31 =	sshll.u32 s1, $0xD;
	s1 =	sshrl.u32 s1, $0x2  }
0xbb: {  	s3 =	sand.u32 $0x4000, s31;
	s1 =	sadd.s32 s1, s30  }
0xbc: {  	s0 =	sor.u32 s3, s0;
	s1 =	sshll.u32 s1, $0x11  }
0xbd: {  	s0 =	sor.u32 s1, s0  }
0xbe: {  	s0 =	sadd.s32 $0x8F2B, s0  }
0xbf: {  	[sflag:s0] =	ssyncadd.remote.s32 $0x1  }
0xc0: {  	_ =	sfence.sel $0xFFFF  }
0xc1: {  	[dreg:$0x0] =	wrdreg $0xFFFFFFFF;
	(pc) =	sbr.abs _section_cstart, $3  }
0xc2: {  	[dreg:$0x1] =	wrdreg $0xFFFFFFFF  }
0xc3: {  	_ =	task.clear_ibuf [dreg:s8], $0x2FFFF;
	_ =	strace $0x9FFFFFFF  }
0xc4: {  	(tm) =	ssettm $0x7FFFFFFF  }
0xc5: {  	_ =	shalt  }
tec
execute0_lowered:
.L_overlay_start_1:
0x0: {  	(tag) =	ssettag $0x1  }
0x1: {  	s1 =	rddreg [dreg:$0x0]  }
0x2: {  	s3 =	rddreg [dreg:$0x1]  }
0x3: {  	s10 =	rddreg [dreg:$0x2]  }
0x4: {  	s0 =	rddreg [dreg:$0x3]  }
0x5: {  	s5 =	srdreg.scid;
	s2 =	stileid.u32;
	s4 =	simm.s32 $0x0  }
0x6: {  	s12 =	simm.s32 $0x3;
	s13 =	simm.s32 $0x80;
	s14 =	simm.s32 $0x200  }
0x7: {  	s15 =	simm.s32 $0x4200;
	s16 =	simm.s32 $0x1;
	s17 =	simm.s32 $0x10200  }
0x8: {  	s18 =	simm.s32 $0x4;
	s19 =	simm.s32 $0x2;
	s20 =	simm.s32 $0x8200  }
0x9: {  	s21 =	simm.s32 $0xC200;
	s22 =	simm.s32 $0x0;
	s5 =	sand.u32 $0x1, s5  }
.Ltmp0:
0xa: {  	s6 =	sshll.u32 s2, $0x1;
	[smem:$0x7FF] =	sst s4;
	(pc) =	sbr.rel .LBB2_1-.Ltmp0, $4  }
0xb: {  	s7 =	ssub.s32 $0x2, s5;
	s5 =	sor.u32 s5, s6;
	_ =	strace $0x80000047  }
0xc: {  	v0 =	vlaneseq.u32;
	s6 =	sadd.s32 $0x9E00, s3;
	s8 =	sshrl.u32 s7, $0x1;
	s9 =	sshll.u32 s5, $0x4  }
0xd: {  	v0 =	vmul.u32 $0x80, v0;
	s11 =	ssub.s32 s7, s8;
	s7 =	sand.u32 $0x70, s9;
	s8 =	sadd.s32 s6, s9  }
0xe: {  	s9 =	sadd.s32 s3, s9;
	s10 =	sadd.s32 s10, s7;
	s11 =	smax.u32 s11, $0x1  }
.LBB2_12:
0xf: {  	s22 =	sadd.s32 $0x1, s22  }
0x10: {  	p0 =	sne.s32 s22, s11  }
.Ltmp1:
0x11: {  	_ = 	snop;
	(pc) =	sbr.rel @!p0 .LBB2_13-.Ltmp1, $1  }
0x12: {  	_ =	sdelay $0x3  }
.LBB2_1:
0x13: {  	[tilespmem:s4], [sflag:$0x3] =	stream.linear.gather [hbm4b:s8+s4], $0x80, $0x38;
	[tilespmem:$0x10280] =	vst v63  }
0x14: {  	_ =	swait.ge [sflag:s12], $0x80  }
0x15: {  	[sflag:s12] =	ssyncset.done $0x0  }
0x16: {  	[sflag:s12] =	ssyncadd.s32 $0xFFFFFF80  }
0x17: {  	[tilespmem:s13], [sflag:$0x3] =	stream.linear.gather [hbm4b:s9+s4], $0x80, $0x38;
	[tilespmem:$0x10280] =	vst v63  }
0x18: {  	_ =	swait.ge [sflag:s12], $0x80  }
.Ltmp2:
0x19: {  	[sflag:s12] =	ssyncset.done $0x0;
	(pc) =	sbr.rel .LBB2_2-.Ltmp2, $4  }
0x1a: {  	[sflag:s12] =	ssyncadd.s32 $0xFFFFFF80  }
0x1b: {  	[tilespmem:s14], [sflag:$0x1] =	stream.indirect.gather [hbm4b:s1+s13], $0x80, s4, s13, $0xb8;
	[tilespmem:$0x10280] =	vst v63  }
0x1c: {  	s23 =	simm.s32 $0x0  }
0x1d: {  	[tilespmem:s15], [sflag:$0x1] =	stream.indirect.gather [hbm4b:s1+s13], $0x80, s13, s13, $0xb8;
	[tilespmem:$0x10280] =	vst v63  }
.LBB2_11:
0x1e: {  	s23 =	sadd.s32 $0x1, s23  }
0x1f: {  	p0 =	sne.s32 s23, $0x28  }
.Ltmp3:
0x20: {  	_ = 	snop;
	(pc) =	sbr.rel @!p0 .LBB2_12-.Ltmp3, $1  }
0x21: {  	_ =	sdelay $0x3  }
.LBB2_2:
0x22: {  	s24 =	sshll.u32 s23, $0x6  }
0x23: {  	s25 =	sor.u32 s5, s24  }
0x24: {  	s24 =	sor.u32 $0x20, s25  }
0x25: {  	p0 =	sgt.u32 s24, $0x9C3  }
0x26: {  	s26 =	sshll.u32 @!p0 s24, $0x4  }
0x27: {  	s26 =	sand.u32 @!p0 $0xFF80, s26  }
0x28: {  	s26 =	sor.u32 @!p0 s7, s26  }
0x29: {  	s29 =	simm.s32 @!p0 $0x0;
	s30 =	simm.s32 @!p0 $0x100;
	s28 =	sadd.s32 @!p0 s6, s26  }
0x2a: {  	[tilespmem:s30], [sflag:$0x4] =	stream.linear.gather @!p0 [hbm4b:s28+s29], $0x80, $0x38;
	[tilespmem:$0x10280] =	vst v63  }
0x2b: {  	s28 =	simm.s32 @!p0 $0x4  }
0x2c: {  	_ =	swait.ge @!p0 [sflag:s28], $0x80  }
0x2d: {  	[sflag:s28] =	ssyncset.done @!p0 $0x0  }
0x2e: {  	s31 =	simm.s32 @!p0 $0x180;
	s26 =	sadd.s32 @!p0 s3, s26;
	[sflag:s28] =	ssyncadd.s32 @!p0 $0xFFFFFF80  }
0x2f: {  	[tilespmem:s31], [sflag:$0x4] =	stream.linear.gather @!p0 [hbm4b:s26+s29], $0x80, $0x38;
	[tilespmem:$0x10280] =	vst v63  }
0x30: {  	p1 =	sgt.u32 s25, $0x9C3;
	_ =	swait.ge @!p0 [sflag:s28], $0x80  }
.Ltmp4:
0x31: {  	[sflag:s28] =	ssyncset.done @!p0 $0x0;
	(pc) =	sbr.rel @p1 .LBB2_11-.Ltmp4, $4  }
0x32: {  	s26 =	simm.s32 @!p0 $0x80;
	[sflag:s28] =	ssyncadd.s32 @!p0 $0xFFFFFF80;
	s28 =	simm.s32 @!p0 $0x8200  }
0x33: {  	[tilespmem:s28], [sflag:$0x2] =	stream.indirect.gather @!p0 [hbm4b:s1+s26], $0x80, s30, s26, $0xb8;
	[tilespmem:$0x10280] =	vst v63  }
0x34: {  	s28 =	simm.s32 @!p0 $0xC200  }
0x35: {  	[tilespmem:s28], [sflag:$0x2] =	stream.indirect.gather @!p0 [hbm4b:s1+s26], $0x80, s31, s26, $0xb8;
	[tilespmem:$0x10280] =	vst v63  }
0x36: {  	s26 =	simm.s32 $0x0  }
0x37: {  	v1 =	vmov s26  }
0x38: {  	_ =	swait.ge [sflag:s16], $0x4000;
	v1 =	vshll.u32 v1, $0x7  }
0x39: {  	[sflag:s16] =	ssyncset.done $0x0;
	v1 =	vor.u32 v0, v1  }
0x3a: {  	[sflag:s16] =	ssyncadd.s32 $0xFFFFC000  }
0x3b: {  	_ =	swait.ge [sflag:s16], $0x4000;
	v2 =	vor.u32 $0x1, v1  }
0x3c: {  	[sflag:s16] =	ssyncset.done $0x0  }
0x3d: {  	v3 =	vor.u32 $0x2, v1;
	[sflag:s16] =	ssyncadd.s32 $0xFFFFC000  }
0x3e: {  	v4 =	vld.idx.msk [tilespmem:v1+s15+$0x0], $0xffff  }
0x3f: {  	v6 =	vor.u32 $0x3, v1;
	v5 =	vld.idx.msk [tilespmem:v1+s14+$0x0], $0xffff  }
0x40: {  	v7 =	vld.idx.msk [tilespmem:v2+s14+$0x0], $0xffff  }
0x41: {  	v8 =	vor.u32 $0x4, v1;
	v2 =	vld.idx.msk [tilespmem:v2+s15+$0x0], $0xffff  }
0x42: {  	v9 =	vld.idx.msk [tilespmem:v3+s14+$0x0], $0xffff  }
0x43: {  	v10 =	vor.u32 $0x5, v1;
	v3 =	vld.idx.msk [tilespmem:v3+s15+$0x0], $0xffff  }
0x44: {  	v11 =	vld.idx.msk [tilespmem:v6+s14+$0x0], $0xffff;
	v4 =	vmul.f32 v4, v5  }
0x45: {  	v5 =	vld.idx.msk [tilespmem:v6+s15+$0x0], $0xffff;
	v6 =	vor.u32 $0x6, v1  }
0x46: {  	v12 =	vld.idx.msk [tilespmem:v8+s14+$0x0], $0xffff;
	v2 =	vmul.f32 v2, v7;
	v4 =	vadd.f32 $0.0e+00, v4  }
0x47: {  	v40 =	vor.u32 $0x7, v1;
	v7 =	vld.idx.msk [tilespmem:v8+s15+$0x0], $0xffff  }
0x48: {  	v13 =	vld.idx.msk [tilespmem:v10+s14+$0x0], $0xffff;
	v3 =	vmul.f32 v3, v9;
	v2 =	vadd.f32 v2, v4  }
0x49: {  	v41 =	vor.u32 $0x8, v1;
	v4 =	vld.idx.msk [tilespmem:v10+s15+$0x0], $0xffff  }
0x4a: {  	v42 =	vld.idx.msk [tilespmem:v6+s14+$0x0], $0xffff;
	v2 =	vadd.f32 v3, v2;
	v3 =	vmul.f32 v5, v11  }
0x4b: {  	v5 =	vld.idx.msk [tilespmem:v6+s15+$0x0], $0xffff;
	v6 =	vor.u32 $0x9, v1  }
0x4c: {  	v43 =	vld.idx.msk [tilespmem:v40+s14+$0x0], $0xffff;
	v2 =	vadd.f32 v3, v2;
	v3 =	vmul.f32 v7, v12  }
0x4d: {  	v44 =	vor.u32 $0xA, v1;
	v7 =	vld.idx.msk [tilespmem:v40+s15+$0x0], $0xffff  }
0x4e: {  	v45 =	vld.idx.msk [tilespmem:v41+s14+$0x0], $0xffff;
	v2 =	vadd.f32 v3, v2;
	v3 =	vmul.f32 v4, v13  }
0x4f: {  	v46 =	vor.u32 $0xB, v1;
	v4 =	vld.idx.msk [tilespmem:v41+s15+$0x0], $0xffff  }
0x50: {  	v47 =	vld.idx.msk [tilespmem:v6+s14+$0x0], $0xffff;
	v2 =	vadd.f32 v3, v2;
	v3 =	vmul.f32 v5, v42  }
0x51: {  	v5 =	vld.idx.msk [tilespmem:v6+s15+$0x0], $0xffff;
	v6 =	vor.u32 $0xC, v1  }
0x52: {  	v48 =	vld.idx.msk [tilespmem:v44+s14+$0x0], $0xffff;
	v2 =	vadd.f32 v3, v2;
	v3 =	vmul.f32 v7, v43  }
0x53: {  	v49 =	vor.u32 $0xD, v1;
	v7 =	vld.idx.msk [tilespmem:v44+s15+$0x0], $0xffff  }
0x54: {  	v50 =	vld.idx.msk [tilespmem:v46+s14+$0x0], $0xffff;
	v2 =	vadd.f32 v3, v2;
	v3 =	vmul.f32 v4, v45  }
0x55: {  	v51 =	vor.u32 $0xE, v1;
	v4 =	vld.idx.msk [tilespmem:v46+s15+$0x0], $0xffff  }
0x56: {  	v52 =	vld.idx.msk [tilespmem:v6+s14+$0x0], $0xffff;
	v2 =	vadd.f32 v3, v2;
	v3 =	vmul.f32 v5, v47  }
0x57: {  	v5 =	vld.idx.msk [tilespmem:v6+s15+$0x0], $0xffff;
	v6 =	vor.u32 $0xF, v1  }
0x58: {  	v53 =	vld.idx.msk [tilespmem:v49+s14+$0x0], $0xffff;
	v2 =	vadd.f32 v3, v2;
	v3 =	vmul.f32 v7, v48  }
0x59: {  	v54 =	vor.u32 $0x10, v1;
	v7 =	vld.idx.msk [tilespmem:v49+s15+$0x0], $0xffff  }
0x5a: {  	v55 =	vld.idx.msk [tilespmem:v51+s14+$0x0], $0xffff;
	v2 =	vadd.f32 v3, v2;
	v3 =	vmul.f32 v4, v50  }
0x5b: {  	v56 =	vor.u32 $0x11, v1;
	v4 =	vld.idx.msk [tilespmem:v51+s15+$0x0], $0xffff  }
0x5c: {  	v57 =	vld.idx.msk [tilespmem:v6+s14+$0x0], $0xffff;
	v2 =	vadd.f32 v3, v2;
	v3 =	vmul.f32 v5, v52  }
0x5d: {  	v5 =	vld.idx.msk [tilespmem:v6+s15+$0x0], $0xffff;
	v6 =	vor.u32 $0x12, v1  }
0x5e: {  	v58 =	vld.idx.msk [tilespmem:v54+s14+$0x0], $0xffff;
	v2 =	vadd.f32 v3, v2;
	v3 =	vmul.f32 v7, v53  }
0x5f: {  	v59 =	vor.u32 $0x13, v1;
	v7 =	vld.idx.msk [tilespmem:v54+s15+$0x0], $0xffff  }
0x60: {  	v60 =	vld.idx.msk [tilespmem:v56+s14+$0x0], $0xffff;
	v2 =	vadd.f32 v3, v2;
	v3 =	vmul.f32 v4, v55  }
0x61: {  	v61 =	vor.u32 $0x14, v1;
	v4 =	vld.idx.msk [tilespmem:v56+s15+$0x0], $0xffff  }
0x62: {  	v62 =	vld.idx.msk [tilespmem:v6+s14+$0x0], $0xffff;
	v2 =	vadd.f32 v3, v2;
	v3 =	vmul.f32 v5, v57  }
0x63: {  	v5 =	vld.idx.msk [tilespmem:v6+s15+$0x0], $0xffff;
	v6 =	vor.u32 $0x15, v1  }
0x64: {  	v63 =	vld.idx.msk [tilespmem:v59+s14+$0x0], $0xffff;
	v2 =	vadd.f32 v3, v2;
	v3 =	vmul.f32 v7, v58  }
0x65: {  	v16 =	vor.u32 $0x16, v1;
	v7 =	vld.idx.msk [tilespmem:v59+s15+$0x0], $0xffff  }
0x66: {  	v17 =	vld.idx.msk [tilespmem:v61+s14+$0x0], $0xffff;
	v2 =	vadd.f32 v3, v2;
	v3 =	vmul.f32 v4, v60  }
0x67: {  	v18 =	vor.u32 $0x17, v1;
	v4 =	vld.idx.msk [tilespmem:v61+s15+$0x0], $0xffff  }
0x68: {  	v19 =	vld.idx.msk [tilespmem:v6+s14+$0x0], $0xffff;
	v2 =	vadd.f32 v3, v2;
	v3 =	vmul.f32 v5, v62  }
0x69: {  	v5 =	vld.idx.msk [tilespmem:v6+s15+$0x0], $0xffff;
	v6 =	vor.u32 $0x18, v1  }
0x6a: {  	v20 =	vld.idx.msk [tilespmem:v16+s14+$0x0], $0xffff;
	v2 =	vadd.f32 v3, v2;
	v3 =	vmul.f32 v7, v63  }
0x6b: {  	v21 =	vor.u32 $0x19, v1;
	v7 =	vld.idx.msk [tilespmem:v16+s15+$0x0], $0xffff  }
0x6c: {  	v22 =	vld.idx.msk [tilespmem:v18+s14+$0x0], $0xffff;
	v2 =	vadd.f32 v3, v2;
	v3 =	vmul.f32 v4, v17  }
0x6d: {  	v23 =	vor.u32 $0x1A, v1;
	v4 =	vld.idx.msk [tilespmem:v18+s15+$0x0], $0xffff  }
0x6e: {  	v24 =	vld.idx.msk [tilespmem:v6+s14+$0x0], $0xffff;
	v2 =	vadd.f32 v3, v2;
	v3 =	vmul.f32 v5, v19  }
0x6f: {  	v5 =	vld.idx.msk [tilespmem:v6+s15+$0x0], $0xffff;
	v6 =	vor.u32 $0x1B, v1  }
0x70: {  	v25 =	vld.idx.msk [tilespmem:v21+s14+$0x0], $0xffff;
	v2 =	vadd.f32 v3, v2;
	v3 =	vmul.f32 v7, v20  }
0x71: {  	v26 =	vor.u32 $0x1C, v1;
	v7 =	vld.idx.msk [tilespmem:v21+s15+$0x0], $0xffff  }
0x72: {  	v27 =	vld.idx.msk [tilespmem:v23+s14+$0x0], $0xffff;
	v2 =	vadd.f32 v3, v2;
	v3 =	vmul.f32 v4, v22  }
0x73: {  	v28 =	vor.u32 $0x1D, v1;
	v4 =	vld.idx.msk [tilespmem:v23+s15+$0x0], $0xffff  }
0x74: {  	v29 =	vld.idx.msk [tilespmem:v6+s14+$0x0], $0xffff;
	v2 =	vadd.f32 v3, v2;
	v3 =	vmul.f32 v5, v24  }
0x75: {  	v5 =	vld.idx.msk [tilespmem:v6+s15+$0x0], $0xffff;
	v6 =	vor.u32 $0x1E, v1  }
0x76: {  	v30 =	vld.idx.msk [tilespmem:v26+s14+$0x0], $0xffff;
	v2 =	vadd.f32 v3, v2;
	v3 =	vmul.f32 v7, v25  }
0x77: {  	v31 =	vor.u32 $0x1F, v1;
	v7 =	vld.idx.msk [tilespmem:v26+s15+$0x0], $0xffff  }
0x78: {  	v32 =	vld.idx.msk [tilespmem:v28+s14+$0x0], $0xffff;
	v2 =	vadd.f32 v3, v2;
	v3 =	vmul.f32 v4, v27  }
0x79: {  	v33 =	vor.u32 $0x20, v1;
	v4 =	vld.idx.msk [tilespmem:v28+s15+$0x0], $0xffff  }
0x7a: {  	v34 =	vld.idx.msk [tilespmem:v6+s14+$0x0], $0xffff;
	v2 =	vadd.f32 v3, v2;
	v3 =	vmul.f32 v5, v29  }
0x7b: {  	v5 =	vld.idx.msk [tilespmem:v6+s15+$0x0], $0xffff;
	v6 =	vor.u32 $0x21, v1  }
0x7c: {  	v35 =	vld.idx.msk [tilespmem:v31+s14+$0x0], $0xffff;
	v2 =	vadd.f32 v3, v2;
	v3 =	vmul.f32 v7, v30  }
0x7d: {  	v36 =	vor.u32 $0x22, v1;
	v7 =	vld.idx.msk [tilespmem:v31+s15+$0x0], $0xffff  }
0x7e: {  	v37 =	vld.idx.msk [tilespmem:v33+s14+$0x0], $0xffff;
	v2 =	vadd.f32 v3, v2;
	v3 =	vmul.f32 v4, v32  }
0x7f: {  	v38 =	vor.u32 $0x23, v1;
	v4 =	vld.idx.msk [tilespmem:v33+s15+$0x0], $0xffff  }
0x80: {  	v39 =	vld.idx.msk [tilespmem:v6+s14+$0x0], $0xffff;
	v2 =	vadd.f32 v3, v2;
	v3 =	vmul.f32 v5, v34  }
0x81: {  	v5 =	vld.idx.msk [tilespmem:v6+s15+$0x0], $0xffff;
	v6 =	vor.u32 $0x24, v1  }
0x82: {  	v40 =	vld.idx.msk [tilespmem:v36+s14+$0x0], $0xffff;
	v2 =	vadd.f32 v3, v2;
	v3 =	vmul.f32 v7, v35  }
0x83: {  	v41 =	vor.u32 $0x25, v1;
	v7 =	vld.idx.msk [tilespmem:v36+s15+$0x0], $0xffff  }
0x84: {  	v42 =	vld.idx.msk [tilespmem:v38+s14+$0x0], $0xffff;
	v2 =	vadd.f32 v3, v2;
	v3 =	vmul.f32 v4, v37  }
0x85: {  	v43 =	vor.u32 $0x26, v1;
	v4 =	vld.idx.msk [tilespmem:v38+s15+$0x0], $0xffff  }
0x86: {  	v44 =	vld.idx.msk [tilespmem:v6+s14+$0x0], $0xffff;
	v2 =	vadd.f32 v3, v2;
	v3 =	vmul.f32 v5, v39  }
0x87: {  	v5 =	vld.idx.msk [tilespmem:v6+s15+$0x0], $0xffff;
	v6 =	vor.u32 $0x27, v1  }
0x88: {  	v45 =	vld.idx.msk [tilespmem:v41+s14+$0x0], $0xffff;
	v2 =	vadd.f32 v3, v2;
	v3 =	vmul.f32 v7, v40  }
0x89: {  	v46 =	vor.u32 $0x28, v1;
	v7 =	vld.idx.msk [tilespmem:v41+s15+$0x0], $0xffff  }
0x8a: {  	v47 =	vld.idx.msk [tilespmem:v43+s14+$0x0], $0xffff;
	v2 =	vadd.f32 v3, v2;
	v3 =	vmul.f32 v4, v42  }
0x8b: {  	v48 =	vor.u32 $0x29, v1;
	v4 =	vld.idx.msk [tilespmem:v43+s15+$0x0], $0xffff  }
0x8c: {  	v49 =	vld.idx.msk [tilespmem:v6+s14+$0x0], $0xffff;
	v2 =	vadd.f32 v3, v2;
	v3 =	vmul.f32 v5, v44  }
0x8d: {  	v5 =	vld.idx.msk [tilespmem:v6+s15+$0x0], $0xffff;
	v6 =	vor.u32 $0x2A, v1  }
0x8e: {  	v50 =	vld.idx.msk [tilespmem:v46+s14+$0x0], $0xffff;
	v2 =	vadd.f32 v3, v2;
	v3 =	vmul.f32 v7, v45  }
0x8f: {  	v51 =	vor.u32 $0x2B, v1;
	v7 =	vld.idx.msk [tilespmem:v46+s15+$0x0], $0xffff  }
0x90: {  	v52 =	vld.idx.msk [tilespmem:v48+s14+$0x0], $0xffff;
	v2 =	vadd.f32 v3, v2;
	v3 =	vmul.f32 v4, v47  }
0x91: {  	v53 =	vor.u32 $0x2C, v1;
	v4 =	vld.idx.msk [tilespmem:v48+s15+$0x0], $0xffff  }
0x92: {  	v54 =	vld.idx.msk [tilespmem:v6+s14+$0x0], $0xffff;
	v2 =	vadd.f32 v3, v2;
	v3 =	vmul.f32 v5, v49  }
0x93: {  	v5 =	vld.idx.msk [tilespmem:v6+s15+$0x0], $0xffff;
	v6 =	vor.u32 $0x2D, v1  }
0x94: {  	v55 =	vld.idx.msk [tilespmem:v51+s14+$0x0], $0xffff;
	v2 =	vadd.f32 v3, v2;
	v3 =	vmul.f32 v7, v50  }
0x95: {  	v56 =	vor.u32 $0x2E, v1;
	v7 =	vld.idx.msk [tilespmem:v51+s15+$0x0], $0xffff  }
0x96: {  	v57 =	vld.idx.msk [tilespmem:v53+s14+$0x0], $0xffff;
	v2 =	vadd.f32 v3, v2;
	v3 =	vmul.f32 v4, v52  }
0x97: {  	v58 =	vor.u32 $0x2F, v1;
	v4 =	vld.idx.msk [tilespmem:v53+s15+$0x0], $0xffff  }
0x98: {  	v59 =	vld.idx.msk [tilespmem:v6+s14+$0x0], $0xffff;
	v2 =	vadd.f32 v3, v2;
	v3 =	vmul.f32 v5, v54  }
0x99: {  	v5 =	vld.idx.msk [tilespmem:v6+s15+$0x0], $0xffff;
	v6 =	vor.u32 $0x30, v1  }
0x9a: {  	v60 =	vld.idx.msk [tilespmem:v56+s14+$0x0], $0xffff;
	v2 =	vadd.f32 v3, v2;
	v3 =	vmul.f32 v7, v55  }
0x9b: {  	v61 =	vor.u32 $0x31, v1;
	v7 =	vld.idx.msk [tilespmem:v56+s15+$0x0], $0xffff  }
0x9c: {  	v62 =	vld.idx.msk [tilespmem:v58+s14+$0x0], $0xffff;
	v2 =	vadd.f32 v3, v2;
	v3 =	vmul.f32 v4, v57  }
0x9d: {  	v63 =	vor.u32 $0x32, v1;
	v4 =	vld.idx.msk [tilespmem:v58+s15+$0x0], $0xffff  }
0x9e: {  	v16 =	vld.idx.msk [tilespmem:v6+s14+$0x0], $0xffff;
	v2 =	vadd.f32 v3, v2;
	v3 =	vmul.f32 v5, v59  }
0x9f: {  	v5 =	vld.idx.msk [tilespmem:v6+s15+$0x0], $0xffff;
	v6 =	vor.u32 $0x33, v1  }
0xa0: {  	v17 =	vld.idx.msk [tilespmem:v61+s14+$0x0], $0xffff;
	v2 =	vadd.f32 v3, v2;
	v3 =	vmul.f32 v7, v60  }
0xa1: {  	v18 =	vor.u32 $0x34, v1;
	v7 =	vld.idx.msk [tilespmem:v61+s15+$0x0], $0xffff  }
0xa2: {  	v19 =	vld.idx.msk [tilespmem:v63+s14+$0x0], $0xffff;
	v2 =	vadd.f32 v3, v2;
	v3 =	vmul.f32 v4, v62  }
0xa3: {  	v20 =	vor.u32 $0x35, v1;
	v4 =	vld.idx.msk [tilespmem:v63+s15+$0x0], $0xffff  }
0xa4: {  	v21 =	vld.idx.msk [tilespmem:v6+s14+$0x0], $0xffff;
	v2 =	vadd.f32 v3, v2;
	v3 =	vmul.f32 v5, v16  }
0xa5: {  	v5 =	vld.idx.msk [tilespmem:v6+s15+$0x0], $0xffff;
	v6 =	vor.u32 $0x36, v1  }
0xa6: {  	v22 =	vld.idx.msk [tilespmem:v18+s14+$0x0], $0xffff;
	v2 =	vadd.f32 v3, v2;
	v3 =	vmul.f32 v7, v17  }
0xa7: {  	v23 =	vor.u32 $0x37, v1;
	v7 =	vld.idx.msk [tilespmem:v18+s15+$0x0], $0xffff  }
0xa8: {  	v24 =	vld.idx.msk [tilespmem:v20+s14+$0x0], $0xffff;
	v2 =	vadd.f32 v3, v2;
	v3 =	vmul.f32 v4, v19  }
0xa9: {  	v25 =	vor.u32 $0x38, v1;
	v4 =	vld.idx.msk [tilespmem:v20+s15+$0x0], $0xffff  }
0xaa: {  	v26 =	vld.idx.msk [tilespmem:v6+s14+$0x0], $0xffff;
	v2 =	vadd.f32 v3, v2;
	v3 =	vmul.f32 v5, v21  }
0xab: {  	v5 =	vld.idx.msk [tilespmem:v6+s15+$0x0], $0xffff;
	v6 =	vor.u32 $0x39, v1  }
0xac: {  	v27 =	vld.idx.msk [tilespmem:v23+s14+$0x0], $0xffff;
	v2 =	vadd.f32 v3, v2;
	v3 =	vmul.f32 v7, v22  }
0xad: {  	v28 =	vor.u32 $0x3A, v1;
	v7 =	vld.idx.msk [tilespmem:v23+s15+$0x0], $0xffff  }
0xae: {  	v29 =	vld.idx.msk [tilespmem:v25+s14+$0x0], $0xffff;
	v2 =	vadd.f32 v3, v2;
	v3 =	vmul.f32 v4, v24  }
0xaf: {  	v30 =	vor.u32 $0x3B, v1;
	v4 =	vld.idx.msk [tilespmem:v25+s15+$0x0], $0xffff  }
0xb0: {  	v31 =	vld.idx.msk [tilespmem:v6+s14+$0x0], $0xffff;
	v2 =	vadd.f32 v3, v2;
	v3 =	vmul.f32 v5, v26  }
0xb1: {  	v5 =	vld.idx.msk [tilespmem:v6+s15+$0x0], $0xffff;
	v6 =	vor.u32 $0x3C, v1  }
0xb2: {  	v32 =	vld.idx.msk [tilespmem:v28+s14+$0x0], $0xffff;
	v2 =	vadd.f32 v3, v2;
	v3 =	vmul.f32 v7, v27  }
0xb3: {  	v33 =	vor.u32 $0x3D, v1;
	v7 =	vld.idx.msk [tilespmem:v28+s15+$0x0], $0xffff  }
0xb4: {  	v34 =	vld.idx.msk [tilespmem:v30+s14+$0x0], $0xffff;
	v2 =	vadd.f32 v3, v2;
	v3 =	vmul.f32 v4, v29  }
0xb5: {  	v35 =	vor.u32 $0x3E, v1;
	v4 =	vld.idx.msk [tilespmem:v30+s15+$0x0], $0xffff  }
0xb6: {  	v36 =	vld.idx.msk [tilespmem:v6+s14+$0x0], $0xffff;
	v2 =	vadd.f32 v3, v2;
	v3 =	vmul.f32 v5, v31  }
0xb7: {  	v5 =	vld.idx.msk [tilespmem:v6+s15+$0x0], $0xffff;
	v6 =	vor.u32 $0x3F, v1  }
0xb8: {  	v37 =	vld.idx.msk [tilespmem:v33+s14+$0x0], $0xffff;
	v2 =	vadd.f32 v3, v2;
	v3 =	vmul.f32 v7, v32  }
0xb9: {  	v38 =	vor.u32 $0x40, v1;
	v7 =	vld.idx.msk [tilespmem:v33+s15+$0x0], $0xffff  }
0xba: {  	v39 =	vld.idx.msk [tilespmem:v35+s14+$0x0], $0xffff;
	v2 =	vadd.f32 v3, v2;
	v3 =	vmul.f32 v4, v34  }
0xbb: {  	v40 =	vor.u32 $0x41, v1;
	v4 =	vld.idx.msk [tilespmem:v35+s15+$0x0], $0xffff  }
0xbc: {  	v41 =	vld.idx.msk [tilespmem:v6+s14+$0x0], $0xffff;
	v2 =	vadd.f32 v3, v2;
	v3 =	vmul.f32 v5, v36  }
0xbd: {  	v5 =	vld.idx.msk [tilespmem:v6+s15+$0x0], $0xffff;
	v6 =	vor.u32 $0x42, v1  }
0xbe: {  	v42 =	vld.idx.msk [tilespmem:v38+s14+$0x0], $0xffff;
	v2 =	vadd.f32 v3, v2;
	v3 =	vmul.f32 v7, v37  }
0xbf: {  	v43 =	vor.u32 $0x43, v1;
	v7 =	vld.idx.msk [tilespmem:v38+s15+$0x0], $0xffff  }
0xc0: {  	v44 =	vld.idx.msk [tilespmem:v40+s14+$0x0], $0xffff;
	v2 =	vadd.f32 v3, v2;
	v3 =	vmul.f32 v4, v39  }
0xc1: {  	v45 =	vor.u32 $0x44, v1;
	v4 =	vld.idx.msk [tilespmem:v40+s15+$0x0], $0xffff  }
0xc2: {  	v46 =	vld.idx.msk [tilespmem:v6+s14+$0x0], $0xffff;
	v2 =	vadd.f32 v3, v2;
	v3 =	vmul.f32 v5, v41  }
0xc3: {  	v5 =	vld.idx.msk [tilespmem:v6+s15+$0x0], $0xffff;
	v6 =	vor.u32 $0x45, v1  }
0xc4: {  	v47 =	vld.idx.msk [tilespmem:v43+s14+$0x0], $0xffff;
	v2 =	vadd.f32 v3, v2;
	v3 =	vmul.f32 v7, v42  }
0xc5: {  	v48 =	vor.u32 $0x46, v1;
	v7 =	vld.idx.msk [tilespmem:v43+s15+$0x0], $0xffff  }
0xc6: {  	v49 =	vld.idx.msk [tilespmem:v45+s14+$0x0], $0xffff;
	v2 =	vadd.f32 v3, v2;
	v3 =	vmul.f32 v4, v44  }
0xc7: {  	v50 =	vor.u32 $0x47, v1;
	v4 =	vld.idx.msk [tilespmem:v45+s15+$0x0], $0xffff  }
0xc8: {  	v51 =	vld.idx.msk [tilespmem:v6+s14+$0x0], $0xffff;
	v2 =	vadd.f32 v3, v2;
	v3 =	vmul.f32 v5, v46  }
0xc9: {  	v5 =	vld.idx.msk [tilespmem:v6+s15+$0x0], $0xffff;
	v6 =	vor.u32 $0x48, v1  }
0xca: {  	v52 =	vld.idx.msk [tilespmem:v48+s14+$0x0], $0xffff;
	v2 =	vadd.f32 v3, v2;
	v3 =	vmul.f32 v7, v47  }
0xcb: {  	v53 =	vor.u32 $0x49, v1;
	v7 =	vld.idx.msk [tilespmem:v48+s15+$0x0], $0xffff  }
0xcc: {  	v54 =	vld.idx.msk [tilespmem:v50+s14+$0x0], $0xffff;
	v2 =	vadd.f32 v3, v2;
	v3 =	vmul.f32 v4, v49  }
0xcd: {  	v55 =	vor.u32 $0x4A, v1;
	v4 =	vld.idx.msk [tilespmem:v50+s15+$0x0], $0xffff  }
0xce: {  	v56 =	vld.idx.msk [tilespmem:v6+s14+$0x0], $0xffff;
	v2 =	vadd.f32 v3, v2;
	v3 =	vmul.f32 v5, v51  }
0xcf: {  	v5 =	vld.idx.msk [tilespmem:v6+s15+$0x0], $0xffff;
	v6 =	vor.u32 $0x4B, v1  }
0xd0: {  	v57 =	vld.idx.msk [tilespmem:v53+s14+$0x0], $0xffff;
	v2 =	vadd.f32 v3, v2;
	v3 =	vmul.f32 v7, v52  }
0xd1: {  	v58 =	vor.u32 $0x4C, v1;
	v7 =	vld.idx.msk [tilespmem:v53+s15+$0x0], $0xffff  }
0xd2: {  	v59 =	vld.idx.msk [tilespmem:v55+s14+$0x0], $0xffff;
	v2 =	vadd.f32 v3, v2;
	v3 =	vmul.f32 v4, v54  }
0xd3: {  	v60 =	vor.u32 $0x4D, v1;
	v4 =	vld.idx.msk [tilespmem:v55+s15+$0x0], $0xffff  }
0xd4: {  	v61 =	vld.idx.msk [tilespmem:v6+s14+$0x0], $0xffff;
	v2 =	vadd.f32 v3, v2;
	v3 =	vmul.f32 v5, v56  }
0xd5: {  	v5 =	vld.idx.msk [tilespmem:v6+s15+$0x0], $0xffff;
	v6 =	vor.u32 $0x4E, v1  }
0xd6: {  	v62 =	vld.idx.msk [tilespmem:v58+s14+$0x0], $0xffff;
	v2 =	vadd.f32 v3, v2;
	v3 =	vmul.f32 v7, v57  }
0xd7: {  	v63 =	vor.u32 $0x4F, v1;
	v7 =	vld.idx.msk [tilespmem:v58+s15+$0x0], $0xffff  }
0xd8: {  	v16 =	vld.idx.msk [tilespmem:v60+s14+$0x0], $0xffff;
	v2 =	vadd.f32 v3, v2;
	v3 =	vmul.f32 v4, v59  }
0xd9: {  	v17 =	vor.u32 $0x50, v1;
	v4 =	vld.idx.msk [tilespmem:v60+s15+$0x0], $0xffff  }
0xda: {  	v18 =	vld.idx.msk [tilespmem:v6+s14+$0x0], $0xffff;
	v2 =	vadd.f32 v3, v2;
	v3 =	vmul.f32 v5, v61  }
0xdb: {  	v5 =	vld.idx.msk [tilespmem:v6+s15+$0x0], $0xffff;
	v6 =	vor.u32 $0x51, v1  }
0xdc: {  	v19 =	vld.idx.msk [tilespmem:v63+s14+$0x0], $0xffff;
	v2 =	vadd.f32 v3, v2;
	v3 =	vmul.f32 v7, v62  }
0xdd: {  	v20 =	vor.u32 $0x52, v1;
	v7 =	vld.idx.msk [tilespmem:v63+s15+$0x0], $0xffff  }
0xde: {  	v21 =	vld.idx.msk [tilespmem:v17+s14+$0x0], $0xffff;
	v2 =	vadd.f32 v3, v2;
	v3 =	vmul.f32 v4, v16  }
0xdf: {  	v22 =	vor.u32 $0x53, v1;
	v4 =	vld.idx.msk [tilespmem:v17+s15+$0x0], $0xffff  }
0xe0: {  	v23 =	vld.idx.msk [tilespmem:v6+s14+$0x0], $0xffff;
	v2 =	vadd.f32 v3, v2;
	v3 =	vmul.f32 v5, v18  }
0xe1: {  	v5 =	vld.idx.msk [tilespmem:v6+s15+$0x0], $0xffff;
	v6 =	vor.u32 $0x54, v1  }
0xe2: {  	v24 =	vld.idx.msk [tilespmem:v20+s14+$0x0], $0xffff;
	v2 =	vadd.f32 v3, v2;
	v3 =	vmul.f32 v7, v19  }
0xe3: {  	v25 =	vor.u32 $0x55, v1;
	v7 =	vld.idx.msk [tilespmem:v20+s15+$0x0], $0xffff  }
0xe4: {  	v26 =	vld.idx.msk [tilespmem:v22+s14+$0x0], $0xffff;
	v2 =	vadd.f32 v3, v2;
	v3 =	vmul.f32 v4, v21  }
0xe5: {  	v27 =	vor.u32 $0x56, v1;
	v4 =	vld.idx.msk [tilespmem:v22+s15+$0x0], $0xffff  }
0xe6: {  	v28 =	vld.idx.msk [tilespmem:v6+s14+$0x0], $0xffff;
	v2 =	vadd.f32 v3, v2;
	v3 =	vmul.f32 v5, v23  }
0xe7: {  	v5 =	vld.idx.msk [tilespmem:v6+s15+$0x0], $0xffff;
	v6 =	vor.u32 $0x57, v1  }
0xe8: {  	v29 =	vld.idx.msk [tilespmem:v25+s14+$0x0], $0xffff;
	v2 =	vadd.f32 v3, v2;
	v3 =	vmul.f32 v7, v24  }
0xe9: {  	v30 =	vor.u32 $0x58, v1;
	v7 =	vld.idx.msk [tilespmem:v25+s15+$0x0], $0xffff  }
0xea: {  	v31 =	vld.idx.msk [tilespmem:v27+s14+$0x0], $0xffff;
	v2 =	vadd.f32 v3, v2;
	v3 =	vmul.f32 v4, v26  }
0xeb: {  	v32 =	vor.u32 $0x59, v1;
	v4 =	vld.idx.msk [tilespmem:v27+s15+$0x0], $0xffff  }
0xec: {  	v33 =	vld.idx.msk [tilespmem:v6+s14+$0x0], $0xffff;
	v2 =	vadd.f32 v3, v2;
	v3 =	vmul.f32 v5, v28  }
0xed: {  	v5 =	vld.idx.msk [tilespmem:v6+s15+$0x0], $0xffff;
	v6 =	vor.u32 $0x5A, v1  }
0xee: {  	v34 =	vld.idx.msk [tilespmem:v30+s14+$0x0], $0xffff;
	v2 =	vadd.f32 v3, v2;
	v3 =	vmul.f32 v7, v29  }
0xef: {  	v35 =	vor.u32 $0x5B, v1;
	v7 =	vld.idx.msk [tilespmem:v30+s15+$0x0], $0xffff  }
0xf0: {  	v36 =	vld.idx.msk [tilespmem:v32+s14+$0x0], $0xffff;
	v2 =	vadd.f32 v3, v2;
	v3 =	vmul.f32 v4, v31  }
0xf1: {  	v37 =	vor.u32 $0x5C, v1;
	v4 =	vld.idx.msk [tilespmem:v32+s15+$0x0], $0xffff  }
0xf2: {  	v38 =	vld.idx.msk [tilespmem:v6+s14+$0x0], $0xffff;
	v2 =	vadd.f32 v3, v2;
	v3 =	vmul.f32 v5, v33  }
0xf3: {  	v5 =	vld.idx.msk [tilespmem:v6+s15+$0x0], $0xffff;
	v6 =	vor.u32 $0x5D, v1  }
0xf4: {  	v39 =	vld.idx.msk [tilespmem:v35+s14+$0x0], $0xffff;
	v2 =	vadd.f32 v3, v2;
	v3 =	vmul.f32 v7, v34  }
0xf5: {  	v40 =	vor.u32 $0x5E, v1;
	v7 =	vld.idx.msk [tilespmem:v35+s15+$0x0], $0xffff  }
0xf6: {  	v41 =	vld.idx.msk [tilespmem:v37+s14+$0x0], $0xffff;
	v2 =	vadd.f32 v3, v2;
	v3 =	vmul.f32 v4, v36  }
0xf7: {  	v42 =	vor.u32 $0x5F, v1;
	v4 =	vld.idx.msk [tilespmem:v37+s15+$0x0], $0xffff  }
0xf8: {  	v43 =	vld.idx.msk [tilespmem:v6+s14+$0x0], $0xffff;
	v2 =	vadd.f32 v3, v2;
	v3 =	vmul.f32 v5, v38  }
0xf9: {  	v5 =	vld.idx.msk [tilespmem:v6+s15+$0x0], $0xffff;
	v6 =	vor.u32 $0x60, v1  }
0xfa: {  	v44 =	vld.idx.msk [tilespmem:v40+s14+$0x0], $0xffff;
	v2 =	vadd.f32 v3, v2;
	v3 =	vmul.f32 v7, v39  }
0xfb: {  	v45 =	vor.u32 $0x61, v1;
	v7 =	vld.idx.msk [tilespmem:v40+s15+$0x0], $0xffff  }
0xfc: {  	v46 =	vld.idx.msk [tilespmem:v42+s14+$0x0], $0xffff;
	v2 =	vadd.f32 v3, v2;
	v3 =	vmul.f32 v4, v41  }
0xfd: {  	v47 =	vor.u32 $0x62, v1;
	v4 =	vld.idx.msk [tilespmem:v42+s15+$0x0], $0xffff  }
0xfe: {  	v48 =	vld.idx.msk [tilespmem:v6+s14+$0x0], $0xffff;
	v2 =	vadd.f32 v3, v2;
	v3 =	vmul.f32 v5, v43  }
0xff: {  	v5 =	vld.idx.msk [tilespmem:v6+s15+$0x0], $0xffff;
	v6 =	vor.u32 $0x63, v1  }
0x100: {  	v49 =	vld.idx.msk [tilespmem:v45+s14+$0x0], $0xffff;
	v2 =	vadd.f32 v3, v2;
	v3 =	vmul.f32 v7, v44  }
0x101: {  	v50 =	vor.u32 $0x64, v1;
	v7 =	vld.idx.msk [tilespmem:v45+s15+$0x0], $0xffff  }
0x102: {  	v51 =	vld.idx.msk [tilespmem:v47+s14+$0x0], $0xffff;
	v2 =	vadd.f32 v3, v2;
	v3 =	vmul.f32 v4, v46  }
0x103: {  	v52 =	vor.u32 $0x65, v1;
	v4 =	vld.idx.msk [tilespmem:v47+s15+$0x0], $0xffff  }
0x104: {  	v53 =	vld.idx.msk [tilespmem:v6+s14+$0x0], $0xffff;
	v2 =	vadd.f32 v3, v2;
	v3 =	vmul.f32 v5, v48  }
0x105: {  	v5 =	vld.idx.msk [tilespmem:v6+s15+$0x0], $0xffff;
	v6 =	vor.u32 $0x66, v1  }
0x106: {  	v54 =	vld.idx.msk [tilespmem:v50+s14+$0x0], $0xffff;
	v2 =	vadd.f32 v3, v2;
	v3 =	vmul.f32 v7, v49  }
0x107: {  	v55 =	vor.u32 $0x67, v1;
	v7 =	vld.idx.msk [tilespmem:v50+s15+$0x0], $0xffff  }
0x108: {  	v56 =	vld.idx.msk [tilespmem:v52+s14+$0x0], $0xffff;
	v2 =	vadd.f32 v3, v2;
	v3 =	vmul.f32 v4, v51  }
0x109: {  	v57 =	vor.u32 $0x68, v1;
	v4 =	vld.idx.msk [tilespmem:v52+s15+$0x0], $0xffff  }
0x10a: {  	v58 =	vld.idx.msk [tilespmem:v6+s14+$0x0], $0xffff;
	v2 =	vadd.f32 v3, v2;
	v3 =	vmul.f32 v5, v53  }
0x10b: {  	v5 =	vld.idx.msk [tilespmem:v6+s15+$0x0], $0xffff;
	v6 =	vor.u32 $0x69, v1  }
0x10c: {  	v59 =	vld.idx.msk [tilespmem:v55+s14+$0x0], $0xffff;
	v2 =	vadd.f32 v3, v2;
	v3 =	vmul.f32 v7, v54  }
0x10d: {  	v60 =	vor.u32 $0x6A, v1;
	v7 =	vld.idx.msk [tilespmem:v55+s15+$0x0], $0xffff  }
0x10e: {  	v61 =	vld.idx.msk [tilespmem:v57+s14+$0x0], $0xffff;
	v2 =	vadd.f32 v3, v2;
	v3 =	vmul.f32 v4, v56  }
0x10f: {  	v62 =	vor.u32 $0x6B, v1;
	v4 =	vld.idx.msk [tilespmem:v57+s15+$0x0], $0xffff  }
0x110: {  	v63 =	vld.idx.msk [tilespmem:v6+s14+$0x0], $0xffff;
	v2 =	vadd.f32 v3, v2;
	v3 =	vmul.f32 v5, v58  }
0x111: {  	v5 =	vld.idx.msk [tilespmem:v6+s15+$0x0], $0xffff;
	v6 =	vor.u32 $0x6C, v1  }
0x112: {  	v16 =	vld.idx.msk [tilespmem:v60+s14+$0x0], $0xffff;
	v2 =	vadd.f32 v3, v2;
	v3 =	vmul.f32 v7, v59  }
0x113: {  	v17 =	vor.u32 $0x6D, v1;
	v7 =	vld.idx.msk [tilespmem:v60+s15+$0x0], $0xffff  }
0x114: {  	v18 =	vld.idx.msk [tilespmem:v62+s14+$0x0], $0xffff;
	v2 =	vadd.f32 v3, v2;
	v3 =	vmul.f32 v4, v61  }
0x115: {  	v19 =	vor.u32 $0x6E, v1;
	v4 =	vld.idx.msk [tilespmem:v62+s15+$0x0], $0xffff  }
0x116: {  	v20 =	vld.idx.msk [tilespmem:v6+s14+$0x0], $0xffff;
	v2 =	vadd.f32 v3, v2;
	v3 =	vmul.f32 v5, v63  }
0x117: {  	v5 =	vld.idx.msk [tilespmem:v6+s15+$0x0], $0xffff;
	v6 =	vor.u32 $0x6F, v1  }
0x118: {  	v21 =	vld.idx.msk [tilespmem:v17+s14+$0x0], $0xffff;
	v2 =	vadd.f32 v3, v2;
	v3 =	vmul.f32 v7, v16  }
0x119: {  	v22 =	vor.u32 $0x70, v1;
	v7 =	vld.idx.msk [tilespmem:v17+s15+$0x0], $0xffff  }
0x11a: {  	v23 =	vld.idx.msk [tilespmem:v19+s14+$0x0], $0xffff;
	v2 =	vadd.f32 v3, v2;
	v3 =	vmul.f32 v4, v18  }
0x11b: {  	v24 =	vor.u32 $0x71, v1;
	v4 =	vld.idx.msk [tilespmem:v19+s15+$0x0], $0xffff  }
0x11c: {  	v25 =	vld.idx.msk [tilespmem:v6+s14+$0x0], $0xffff;
	v2 =	vadd.f32 v3, v2;
	v3 =	vmul.f32 v5, v20  }
0x11d: {  	v5 =	vld.idx.msk [tilespmem:v6+s15+$0x0], $0xffff;
	v6 =	vor.u32 $0x72, v1  }
0x11e: {  	v26 =	vld.idx.msk [tilespmem:v22+s14+$0x0], $0xffff;
	v2 =	vadd.f32 v3, v2;
	v3 =	vmul.f32 v7, v21  }
0x11f: {  	v27 =	vor.u32 $0x73, v1;
	v7 =	vld.idx.msk [tilespmem:v22+s15+$0x0], $0xffff  }
0x120: {  	v28 =	vld.idx.msk [tilespmem:v24+s14+$0x0], $0xffff;
	v2 =	vadd.f32 v3, v2;
	v3 =	vmul.f32 v4, v23  }
0x121: {  	v29 =	vor.u32 $0x74, v1;
	v4 =	vld.idx.msk [tilespmem:v24+s15+$0x0], $0xffff  }
0x122: {  	v30 =	vld.idx.msk [tilespmem:v6+s14+$0x0], $0xffff;
	v2 =	vadd.f32 v3, v2;
	v3 =	vmul.f32 v5, v25  }
0x123: {  	v5 =	vld.idx.msk [tilespmem:v6+s15+$0x0], $0xffff;
	v6 =	vor.u32 $0x75, v1  }
0x124: {  	v31 =	vld.idx.msk [tilespmem:v27+s14+$0x0], $0xffff;
	v2 =	vadd.f32 v3, v2;
	v3 =	vmul.f32 v7, v26  }
0x125: {  	v32 =	vor.u32 $0x76, v1;
	v7 =	vld.idx.msk [tilespmem:v27+s15+$0x0], $0xffff  }
0x126: {  	v33 =	vld.idx.msk [tilespmem:v29+s14+$0x0], $0xffff;
	v2 =	vadd.f32 v3, v2;
	v3 =	vmul.f32 v4, v28  }
0x127: {  	v34 =	vor.u32 $0x77, v1;
	v4 =	vld.idx.msk [tilespmem:v29+s15+$0x0], $0xffff  }
0x128: {  	v35 =	vld.idx.msk [tilespmem:v6+s14+$0x0], $0xffff;
	v2 =	vadd.f32 v3, v2;
	v3 =	vmul.f32 v5, v30  }
0x129: {  	v5 =	vld.idx.msk [tilespmem:v6+s15+$0x0], $0xffff;
	v6 =	vor.u32 $0x78, v1  }
0x12a: {  	v36 =	vld.idx.msk [tilespmem:v32+s14+$0x0], $0xffff;
	v2 =	vadd.f32 v3, v2;
	v3 =	vmul.f32 v7, v31  }
0x12b: {  	v37 =	vor.u32 $0x79, v1;
	v7 =	vld.idx.msk [tilespmem:v32+s15+$0x0], $0xffff  }
0x12c: {  	v38 =	vld.idx.msk [tilespmem:v34+s14+$0x0], $0xffff;
	v2 =	vadd.f32 v3, v2;
	v3 =	vmul.f32 v4, v33  }
0x12d: {  	v39 =	vor.u32 $0x7A, v1;
	v4 =	vld.idx.msk [tilespmem:v34+s15+$0x0], $0xffff  }
0x12e: {  	v40 =	vld.idx.msk [tilespmem:v6+s14+$0x0], $0xffff;
	v2 =	vadd.f32 v3, v2;
	v3 =	vmul.f32 v5, v35  }
0x12f: {  	v5 =	vld.idx.msk [tilespmem:v6+s15+$0x0], $0xffff;
	v6 =	vor.u32 $0x7B, v1  }
0x130: {  	v41 =	vld.idx.msk [tilespmem:v37+s14+$0x0], $0xffff;
	v2 =	vadd.f32 v3, v2;
	v3 =	vmul.f32 v7, v36  }
0x131: {  	v42 =	vor.u32 $0x7C, v1;
	v7 =	vld.idx.msk [tilespmem:v37+s15+$0x0], $0xffff  }
0x132: {  	v43 =	vld.idx.msk [tilespmem:v39+s14+$0x0], $0xffff;
	v2 =	vadd.f32 v3, v2;
	v3 =	vmul.f32 v4, v38  }
0x133: {  	v44 =	vor.u32 $0x7D, v1;
	v4 =	vld.idx.msk [tilespmem:v39+s15+$0x0], $0xffff  }
0x134: {  	v45 =	vld.idx.msk [tilespmem:v6+s14+$0x0], $0xffff;
	v2 =	vadd.f32 v3, v2;
	v3 =	vmul.f32 v5, v40  }
0x135: {  	v5 =	vld.idx.msk [tilespmem:v6+s15+$0x0], $0xffff;
	v6 =	vor.u32 $0x7E, v1  }
0x136: {  	v46 =	vld.idx.msk [tilespmem:v42+s14+$0x0], $0xffff;
	v2 =	vadd.f32 v3, v2;
	v3 =	vmul.f32 v7, v41  }
0x137: {  	v1 =	vor.u32 $0x7F, v1;
	v7 =	vld.idx.msk [tilespmem:v42+s15+$0x0], $0xffff  }
0x138: {  	v47 =	vld.idx.msk [tilespmem:v44+s14+$0x0], $0xffff;
	v2 =	vadd.f32 v3, v2;
	v3 =	vmul.f32 v4, v43  }
0x139: {  	v4 =	vld.idx.msk [tilespmem:v44+s15+$0x0], $0xffff  }
0x13a: {  	v48 =	vld.idx.msk [tilespmem:v6+s14+$0x0], $0xffff;
	v2 =	vadd.f32 v3, v2;
	v3 =	vmul.f32 v5, v45  }
0x13b: {  	v5 =	vld.idx.msk [tilespmem:v6+s15+$0x0], $0xffff  }
0x13c: {  	v6 =	vld.idx.msk [tilespmem:v1+s14+$0x0], $0xffff;
	v2 =	vadd.f32 v3, v2;
	v3 =	vmul.f32 v7, v46  }
0x13d: {  	v7 =	vld.idx.msk [tilespmem:v1+s15+$0x0], $0xffff  }
0x13e: {  	v1 =	vadd.f32 v3, v2;
	v2 =	vmul.f32 v4, v47  }
0x13f: {  	s31 =	simm.s32 $0x10  }
0x140: {  	v3 =	vmov s31;
	v4 =	vmul.f32 v5, v48;
	v2 =	vadd.f32 v2, v1  }
0x141: {  	v1 =	vshll.u32 v3, $0x7  }
0x142: {  	v1 =	vor.u32 v0, v1;
	v3 =	vmul.f32 v7, v6;
	v2 =	vadd.f32 v4, v2;
	_ =	sdelay $0x1  }
0x143: {  	v4 =	vor.u32 $0x1, v1;
	v2 =	vadd.f32 v3, v2  }
0x144: {  	s26 =	simm.s32 $0x10200  }
0x145: {  	v3 =	vor.u32 $0x2, v1;
	[tilespmem:s26+$0x0] =	vst v2  }
0x146: {  	v2 =	vld.idx.msk [tilespmem:v1+s15+$0x0], $0xffff  }
0x147: {  	v6 =	vor.u32 $0x3, v1;
	v5 =	vld.idx.msk [tilespmem:v1+s14+$0x0], $0xffff  }
0x148: {  	v7 =	vld.idx.msk [tilespmem:v4+s14+$0x0], $0xffff  }
0x149: {  	v49 =	vor.u32 $0x4, v1;
	v4 =	vld.idx.msk [tilespmem:v4+s15+$0x0], $0xffff  }
0x14a: {  	v50 =	vld.idx.msk [tilespmem:v3+s14+$0x0], $0xffff  }
0x14b: {  	v51 =	vor.u32 $0x5, v1;
	v3 =	vld.idx.msk [tilespmem:v3+s15+$0x0], $0xffff  }
0x14c: {  	v52 =	vld.idx.msk [tilespmem:v6+s14+$0x0], $0xffff;
	v2 =	vmul.f32 v2, v5  }
0x14d: {  	v5 =	vld.idx.msk [tilespmem:v6+s15+$0x0], $0xffff;
	v6 =	vor.u32 $0x6, v1  }
0x14e: {  	v53 =	vld.idx.msk [tilespmem:v49+s14+$0x0], $0xffff;
	v4 =	vmul.f32 v4, v7;
	v2 =	vadd.f32 $0.0e+00, v2  }
0x14f: {  	v54 =	vor.u32 $0x7, v1;
	v7 =	vld.idx.msk [tilespmem:v49+s15+$0x0], $0xffff  }
0x150: {  	v55 =	vld.idx.msk [tilespmem:v51+s14+$0x0], $0xffff;
	v3 =	vmul.f32 v3, v50;
	v2 =	vadd.f32 v4, v2  }
0x151: {  	v56 =	vor.u32 $0x8, v1;
	v4 =	vld.idx.msk [tilespmem:v51+s15+$0x0], $0xffff  }
0x152: {  	v57 =	vld.idx.msk [tilespmem:v6+s14+$0x0], $0xffff;
	v2 =	vadd.f32 v3, v2;
	v3 =	vmul.f32 v5, v52  }
0x153: {  	v5 =	vld.idx.msk [tilespmem:v6+s15+$0x0], $0xffff;
	v6 =	vor.u32 $0x9, v1  }
0x154: {  	v58 =	vld.idx.msk [tilespmem:v54+s14+$0x0], $0xffff;
	v2 =	vadd.f32 v3, v2;
	v3 =	vmul.f32 v7, v53  }
0x155: {  	v59 =	vor.u32 $0xA, v1;
	v7 =	vld.idx.msk [tilespmem:v54+s15+$0x0], $0xffff  }
0x156: {  	v60 =	vld.idx.msk [tilespmem:v56+s14+$0x0], $0xffff;
	v2 =	vadd.f32 v3, v2;
	v3 =	vmul.f32 v4, v55  }
0x157: {  	v61 =	vor.u32 $0xB, v1;
	v4 =	vld.idx.msk [tilespmem:v56+s15+$0x0], $0xffff  }
0x158: {  	v62 =	vld.idx.msk [tilespmem:v6+s14+$0x0], $0xffff;
	v2 =	vadd.f32 v3, v2;
	v3 =	vmul.f32 v5, v57  }
0x159: {  	v5 =	vld.idx.msk [tilespmem:v6+s15+$0x0], $0xffff;
	v6 =	vor.u32 $0xC, v1  }
0x15a: {  	v63 =	vld.idx.msk [tilespmem:v59+s14+$0x0], $0xffff;
	v2 =	vadd.f32 v3, v2;
	v3 =	vmul.f32 v7, v58  }
0x15b: {  	v16 =	vor.u32 $0xD, v1;
	v7 =	vld.idx.msk [tilespmem:v59+s15+$0x0], $0xffff  }
0x15c: {  	v17 =	vld.idx.msk [tilespmem:v61+s14+$0x0], $0xffff;
	v2 =	vadd.f32 v3, v2;
	v3 =	vmul.f32 v4, v60  }
0x15d: {  	v18 =	vor.u32 $0xE, v1;
	v4 =	vld.idx.msk [tilespmem:v61+s15+$0x0], $0xffff  }
0x15e: {  	v19 =	vld.idx.msk [tilespmem:v6+s14+$0x0], $0xffff;
	v2 =	vadd.f32 v3, v2;
	v3 =	vmul.f32 v5, v62  }
0x15f: {  	v5 =	vld.idx.msk [tilespmem:v6+s15+$0x0], $0xffff;
	v6 =	vor.u32 $0xF, v1  }
0x160: {  	v20 =	vld.idx.msk [tilespmem:v16+s14+$0x0], $0xffff;
	v2 =	vadd.f32 v3, v2;
	v3 =	vmul.f32 v7, v63  }
0x161: {  	v21 =	vor.u32 $0x10, v1;
	v7 =	vld.idx.msk [tilespmem:v16+s15+$0x0], $0xffff  }
0x162: {  	v22 =	vld.idx.msk [tilespmem:v18+s14+$0x0], $0xffff;
	v2 =	vadd.f32 v3, v2;
	v3 =	vmul.f32 v4, v17  }
0x163: {  	v23 =	vor.u32 $0x11, v1;
	v4 =	vld.idx.msk [tilespmem:v18+s15+$0x0], $0xffff  }
0x164: {  	v24 =	vld.idx.msk [tilespmem:v6+s14+$0x0], $0xffff;
	v2 =	vadd.f32 v3, v2;
	v3 =	vmul.f32 v5, v19  }
0x165: {  	v5 =	vld.idx.msk [tilespmem:v6+s15+$0x0], $0xffff;
	v6 =	vor.u32 $0x12, v1  }
0x166: {  	v25 =	vld.idx.msk [tilespmem:v21+s14+$0x0], $0xffff;
	v2 =	vadd.f32 v3, v2;
	v3 =	vmul.f32 v7, v20  }
0x167: {  	v26 =	vor.u32 $0x13, v1;
	v7 =	vld.idx.msk [tilespmem:v21+s15+$0x0], $0xffff  }
0x168: {  	v27 =	vld.idx.msk [tilespmem:v23+s14+$0x0], $0xffff;
	v2 =	vadd.f32 v3, v2;
	v3 =	vmul.f32 v4, v22  }
0x169: {  	v28 =	vor.u32 $0x14, v1;
	v4 =	vld.idx.msk [tilespmem:v23+s15+$0x0], $0xffff  }
0x16a: {  	v29 =	vld.idx.msk [tilespmem:v6+s14+$0x0], $0xffff;
	v2 =	vadd.f32 v3, v2;
	v3 =	vmul.f32 v5, v24  }
0x16b: {  	v5 =	vld.idx.msk [tilespmem:v6+s15+$0x0], $0xffff;
	v6 =	vor.u32 $0x15, v1  }
0x16c: {  	v30 =	vld.idx.msk [tilespmem:v26+s14+$0x0], $0xffff;
	v2 =	vadd.f32 v3, v2;
	v3 =	vmul.f32 v7, v25  }
0x16d: {  	v31 =	vor.u32 $0x16, v1;
	v7 =	vld.idx.msk [tilespmem:v26+s15+$0x0], $0xffff  }
0x16e: {  	v32 =	vld.idx.msk [tilespmem:v28+s14+$0x0], $0xffff;
	v2 =	vadd.f32 v3, v2;
	v3 =	vmul.f32 v4, v27  }
0x16f: {  	v33 =	vor.u32 $0x17, v1;
	v4 =	vld.idx.msk [tilespmem:v28+s15+$0x0], $0xffff  }
0x170: {  	v34 =	vld.idx.msk [tilespmem:v6+s14+$0x0], $0xffff;
	v2 =	vadd.f32 v3, v2;
	v3 =	vmul.f32 v5, v29  }
0x171: {  	v5 =	vld.idx.msk [tilespmem:v6+s15+$0x0], $0xffff;
	v6 =	vor.u32 $0x18, v1  }
0x172: {  	v35 =	vld.idx.msk [tilespmem:v31+s14+$0x0], $0xffff;
	v2 =	vadd.f32 v3, v2;
	v3 =	vmul.f32 v7, v30  }
0x173: {  	v36 =	vor.u32 $0x19, v1;
	v7 =	vld.idx.msk [tilespmem:v31+s15+$0x0], $0xffff  }
0x174: {  	v37 =	vld.idx.msk [tilespmem:v33+s14+$0x0], $0xffff;
	v2 =	vadd.f32 v3, v2;
	v3 =	vmul.f32 v4, v32  }
0x175: {  	v38 =	vor.u32 $0x1A, v1;
	v4 =	vld.idx.msk [tilespmem:v33+s15+$0x0], $0xffff  }
0x176: {  	v39 =	vld.idx.msk [tilespmem:v6+s14+$0x0], $0xffff;
	v2 =	vadd.f32 v3, v2;
	v3 =	vmul.f32 v5, v34  }
0x177: {  	v5 =	vld.idx.msk [tilespmem:v6+s15+$0x0], $0xffff;
	v6 =	vor.u32 $0x1B, v1  }
0x178: {  	v40 =	vld.idx.msk [tilespmem:v36+s14+$0x0], $0xffff;
	v2 =	vadd.f32 v3, v2;
	v3 =	vmul.f32 v7, v35  }
0x179: {  	v41 =	vor.u32 $0x1C, v1;
	v7 =	vld.idx.msk [tilespmem:v36+s15+$0x0], $0xffff  }
0x17a: {  	v42 =	vld.idx.msk [tilespmem:v38+s14+$0x0], $0xffff;
	v2 =	vadd.f32 v3, v2;
	v3 =	vmul.f32 v4, v37  }
0x17b: {  	v43 =	vor.u32 $0x1D, v1;
	v4 =	vld.idx.msk [tilespmem:v38+s15+$0x0], $0xffff  }
0x17c: {  	v44 =	vld.idx.msk [tilespmem:v6+s14+$0x0], $0xffff;
	v2 =	vadd.f32 v3, v2;
	v3 =	vmul.f32 v5, v39  }
0x17d: {  	v5 =	vld.idx.msk [tilespmem:v6+s15+$0x0], $0xffff;
	v6 =	vor.u32 $0x1E, v1  }
0x17e: {  	v45 =	vld.idx.msk [tilespmem:v41+s14+$0x0], $0xffff;
	v2 =	vadd.f32 v3, v2;
	v3 =	vmul.f32 v7, v40  }
0x17f: {  	v46 =	vor.u32 $0x1F, v1;
	v7 =	vld.idx.msk [tilespmem:v41+s15+$0x0], $0xffff  }
0x180: {  	v47 =	vld.idx.msk [tilespmem:v43+s14+$0x0], $0xffff;
	v2 =	vadd.f32 v3, v2;
	v3 =	vmul.f32 v4, v42  }
0x181: {  	v48 =	vor.u32 $0x20, v1;
	v4 =	vld.idx.msk [tilespmem:v43+s15+$0x0], $0xffff  }
0x182: {  	v49 =	vld.idx.msk [tilespmem:v6+s14+$0x0], $0xffff;
	v2 =	vadd.f32 v3, v2;
	v3 =	vmul.f32 v5, v44  }
0x183: {  	v5 =	vld.idx.msk [tilespmem:v6+s15+$0x0], $0xffff;
	v6 =	vor.u32 $0x21, v1  }
0x184: {  	v50 =	vld.idx.msk [tilespmem:v46+s14+$0x0], $0xffff;
	v2 =	vadd.f32 v3, v2;
	v3 =	vmul.f32 v7, v45  }
0x185: {  	v51 =	vor.u32 $0x22, v1;
	v7 =	vld.idx.msk [tilespmem:v46+s15+$0x0], $0xffff  }
0x186: {  	v52 =	vld.idx.msk [tilespmem:v48+s14+$0x0], $0xffff;
	v2 =	vadd.f32 v3, v2;
	v3 =	vmul.f32 v4, v47  }
0x187: {  	v53 =	vor.u32 $0x23, v1;
	v4 =	vld.idx.msk [tilespmem:v48+s15+$0x0], $0xffff  }
0x188: {  	v54 =	vld.idx.msk [tilespmem:v6+s14+$0x0], $0xffff;
	v2 =	vadd.f32 v3, v2;
	v3 =	vmul.f32 v5, v49  }
0x189: {  	v5 =	vld.idx.msk [tilespmem:v6+s15+$0x0], $0xffff;
	v6 =	vor.u32 $0x24, v1  }
0x18a: {  	v55 =	vld.idx.msk [tilespmem:v51+s14+$0x0], $0xffff;
	v2 =	vadd.f32 v3, v2;
	v3 =	vmul.f32 v7, v50  }
0x18b: {  	v56 =	vor.u32 $0x25, v1;
	v7 =	vld.idx.msk [tilespmem:v51+s15+$0x0], $0xffff  }
0x18c: {  	v57 =	vld.idx.msk [tilespmem:v53+s14+$0x0], $0xffff;
	v2 =	vadd.f32 v3, v2;
	v3 =	vmul.f32 v4, v52  }
0x18d: {  	v58 =	vor.u32 $0x26, v1;
	v4 =	vld.idx.msk [tilespmem:v53+s15+$0x0], $0xffff  }
0x18e: {  	v59 =	vld.idx.msk [tilespmem:v6+s14+$0x0], $0xffff;
	v2 =	vadd.f32 v3, v2;
	v3 =	vmul.f32 v5, v54  }
0x18f: {  	v5 =	vld.idx.msk [tilespmem:v6+s15+$0x0], $0xffff;
	v6 =	vor.u32 $0x27, v1  }
0x190: {  	v60 =	vld.idx.msk [tilespmem:v56+s14+$0x0], $0xffff;
	v2 =	vadd.f32 v3, v2;
	v3 =	vmul.f32 v7, v55  }
0x191: {  	v61 =	vor.u32 $0x28, v1;
	v7 =	vld.idx.msk [tilespmem:v56+s15+$0x0], $0xffff  }
0x192: {  	v62 =	vld.idx.msk [tilespmem:v58+s14+$0x0], $0xffff;
	v2 =	vadd.f32 v3, v2;
	v3 =	vmul.f32 v4, v57  }
0x193: {  	v63 =	vor.u32 $0x29, v1;
	v4 =	vld.idx.msk [tilespmem:v58+s15+$0x0], $0xffff  }
0x194: {  	v16 =	vld.idx.msk [tilespmem:v6+s14+$0x0], $0xffff;
	v2 =	vadd.f32 v3, v2;
	v3 =	vmul.f32 v5, v59  }
0x195: {  	v5 =	vld.idx.msk [tilespmem:v6+s15+$0x0], $0xffff;
	v6 =	vor.u32 $0x2A, v1  }
0x196: {  	v17 =	vld.idx.msk [tilespmem:v61+s14+$0x0], $0xffff;
	v2 =	vadd.f32 v3, v2;
	v3 =	vmul.f32 v7, v60  }
0x197: {  	v18 =	vor.u32 $0x2B, v1;
	v7 =	vld.idx.msk [tilespmem:v61+s15+$0x0], $0xffff  }
0x198: {  	v19 =	vld.idx.msk [tilespmem:v63+s14+$0x0], $0xffff;
	v2 =	vadd.f32 v3, v2;
	v3 =	vmul.f32 v4, v62  }
0x199: {  	v20 =	vor.u32 $0x2C, v1;
	v4 =	vld.idx.msk [tilespmem:v63+s15+$0x0], $0xffff  }
0x19a: {  	v21 =	vld.idx.msk [tilespmem:v6+s14+$0x0], $0xffff;
	v2 =	vadd.f32 v3, v2;
	v3 =	vmul.f32 v5, v16  }
0x19b: {  	v5 =	vld.idx.msk [tilespmem:v6+s15+$0x0], $0xffff;
	v6 =	vor.u32 $0x2D, v1  }
0x19c: {  	v22 =	vld.idx.msk [tilespmem:v18+s14+$0x0], $0xffff;
	v2 =	vadd.f32 v3, v2;
	v3 =	vmul.f32 v7, v17  }
0x19d: {  	v23 =	vor.u32 $0x2E, v1;
	v7 =	vld.idx.msk [tilespmem:v18+s15+$0x0], $0xffff  }
0x19e: {  	v24 =	vld.idx.msk [tilespmem:v20+s14+$0x0], $0xffff;
	v2 =	vadd.f32 v3, v2;
	v3 =	vmul.f32 v4, v19  }
0x19f: {  	v25 =	vor.u32 $0x2F, v1;
	v4 =	vld.idx.msk [tilespmem:v20+s15+$0x0], $0xffff  }
0x1a0: {  	v26 =	vld.idx.msk [tilespmem:v6+s14+$0x0], $0xffff;
	v2 =	vadd.f32 v3, v2;
	v3 =	vmul.f32 v5, v21  }
0x1a1: {  	v5 =	vld.idx.msk [tilespmem:v6+s15+$0x0], $0xffff;
	v6 =	vor.u32 $0x30, v1  }
0x1a2: {  	v27 =	vld.idx.msk [tilespmem:v23+s14+$0x0], $0xffff;
	v2 =	vadd.f32 v3, v2;
	v3 =	vmul.f32 v7, v22  }
0x1a3: {  	v28 =	vor.u32 $0x31, v1;
	v7 =	vld.idx.msk [tilespmem:v23+s15+$0x0], $0xffff  }
0x1a4: {  	v29 =	vld.idx.msk [tilespmem:v25+s14+$0x0], $0xffff;
	v2 =	vadd.f32 v3, v2;
	v3 =	vmul.f32 v4, v24  }
0x1a5: {  	v30 =	vor.u32 $0x32, v1;
	v4 =	vld.idx.msk [tilespmem:v25+s15+$0x0], $0xffff  }
0x1a6: {  	v31 =	vld.idx.msk [tilespmem:v6+s14+$0x0], $0xffff;
	v2 =	vadd.f32 v3, v2;
	v3 =	vmul.f32 v5, v26  }
0x1a7: {  	v5 =	vld.idx.msk [tilespmem:v6+s15+$0x0], $0xffff;
	v6 =	vor.u32 $0x33, v1  }
0x1a8: {  	v32 =	vld.idx.msk [tilespmem:v28+s14+$0x0], $0xffff;
	v2 =	vadd.f32 v3, v2;
	v3 =	vmul.f32 v7, v27  }
0x1a9: {  	v33 =	vor.u32 $0x34, v1;
	v7 =	vld.idx.msk [tilespmem:v28+s15+$0x0], $0xffff  }
0x1aa: {  	v34 =	vld.idx.msk [tilespmem:v30+s14+$0x0], $0xffff;
	v2 =	vadd.f32 v3, v2;
	v3 =	vmul.f32 v4, v29  }
0x1ab: {  	v35 =	vor.u32 $0x35, v1;
	v4 =	vld.idx.msk [tilespmem:v30+s15+$0x0], $0xffff  }
0x1ac: {  	v36 =	vld.idx.msk [tilespmem:v6+s14+$0x0], $0xffff;
	v2 =	vadd.f32 v3, v2;
	v3 =	vmul.f32 v5, v31  }
0x1ad: {  	v5 =	vld.idx.msk [tilespmem:v6+s15+$0x0], $0xffff;
	v6 =	vor.u32 $0x36, v1  }
0x1ae: {  	v37 =	vld.idx.msk [tilespmem:v33+s14+$0x0], $0xffff;
	v2 =	vadd.f32 v3, v2;
	v3 =	vmul.f32 v7, v32  }
0x1af: {  	v38 =	vor.u32 $0x37, v1;
	v7 =	vld.idx.msk [tilespmem:v33+s15+$0x0], $0xffff  }
0x1b0: {  	v39 =	vld.idx.msk [tilespmem:v35+s14+$0x0], $0xffff;
	v2 =	vadd.f32 v3, v2;
	v3 =	vmul.f32 v4, v34  }
0x1b1: {  	v40 =	vor.u32 $0x38, v1;
	v4 =	vld.idx.msk [tilespmem:v35+s15+$0x0], $0xffff  }
0x1b2: {  	v41 =	vld.idx.msk [tilespmem:v6+s14+$0x0], $0xffff;
	v2 =	vadd.f32 v3, v2;
	v3 =	vmul.f32 v5, v36  }
0x1b3: {  	v5 =	vld.idx.msk [tilespmem:v6+s15+$0x0], $0xffff;
	v6 =	vor.u32 $0x39, v1  }
0x1b4: {  	v42 =	vld.idx.msk [tilespmem:v38+s14+$0x0], $0xffff;
	v2 =	vadd.f32 v3, v2;
	v3 =	vmul.f32 v7, v37  }
0x1b5: {  	v43 =	vor.u32 $0x3A, v1;
	v7 =	vld.idx.msk [tilespmem:v38+s15+$0x0], $0xffff  }
0x1b6: {  	v44 =	vld.idx.msk [tilespmem:v40+s14+$0x0], $0xffff;
	v2 =	vadd.f32 v3, v2;
	v3 =	vmul.f32 v4, v39  }
0x1b7: {  	v45 =	vor.u32 $0x3B, v1;
	v4 =	vld.idx.msk [tilespmem:v40+s15+$0x0], $0xffff  }
0x1b8: {  	v46 =	vld.idx.msk [tilespmem:v6+s14+$0x0], $0xffff;
	v2 =	vadd.f32 v3, v2;
	v3 =	vmul.f32 v5, v41  }
0x1b9: {  	v5 =	vld.idx.msk [tilespmem:v6+s15+$0x0], $0xffff;
	v6 =	vor.u32 $0x3C, v1  }
0x1ba: {  	v47 =	vld.idx.msk [tilespmem:v43+s14+$0x0], $0xffff;
	v2 =	vadd.f32 v3, v2;
	v3 =	vmul.f32 v7, v42  }
0x1bb: {  	v48 =	vor.u32 $0x3D, v1;
	v7 =	vld.idx.msk [tilespmem:v43+s15+$0x0], $0xffff  }
0x1bc: {  	v49 =	vld.idx.msk [tilespmem:v45+s14+$0x0], $0xffff;
	v2 =	vadd.f32 v3, v2;
	v3 =	vmul.f32 v4, v44  }
0x1bd: {  	v50 =	vor.u32 $0x3E, v1;
	v4 =	vld.idx.msk [tilespmem:v45+s15+$0x0], $0xffff  }
0x1be: {  	v51 =	vld.idx.msk [tilespmem:v6+s14+$0x0], $0xffff;
	v2 =	vadd.f32 v3, v2;
	v3 =	vmul.f32 v5, v46  }
0x1bf: {  	v5 =	vld.idx.msk [tilespmem:v6+s15+$0x0], $0xffff;
	v6 =	vor.u32 $0x3F, v1  }
0x1c0: {  	v52 =	vld.idx.msk [tilespmem:v48+s14+$0x0], $0xffff;
	v2 =	vadd.f32 v3, v2;
	v3 =	vmul.f32 v7, v47  }
0x1c1: {  	v53 =	vor.u32 $0x40, v1;
	v7 =	vld.idx.msk [tilespmem:v48+s15+$0x0], $0xffff  }
0x1c2: {  	v54 =	vld.idx.msk [tilespmem:v50+s14+$0x0], $0xffff;
	v2 =	vadd.f32 v3, v2;
	v3 =	vmul.f32 v4, v49  }
0x1c3: {  	v55 =	vor.u32 $0x41, v1;
	v4 =	vld.idx.msk [tilespmem:v50+s15+$0x0], $0xffff  }
0x1c4: {  	v56 =	vld.idx.msk [tilespmem:v6+s14+$0x0], $0xffff;
	v2 =	vadd.f32 v3, v2;
	v3 =	vmul.f32 v5, v51  }
0x1c5: {  	v5 =	vld.idx.msk [tilespmem:v6+s15+$0x0], $0xffff;
	v6 =	vor.u32 $0x42, v1  }
0x1c6: {  	v57 =	vld.idx.msk [tilespmem:v53+s14+$0x0], $0xffff;
	v2 =	vadd.f32 v3, v2;
	v3 =	vmul.f32 v7, v52  }
0x1c7: {  	v58 =	vor.u32 $0x43, v1;
	v7 =	vld.idx.msk [tilespmem:v53+s15+$0x0], $0xffff  }
0x1c8: {  	v59 =	vld.idx.msk [tilespmem:v55+s14+$0x0], $0xffff;
	v2 =	vadd.f32 v3, v2;
	v3 =	vmul.f32 v4, v54  }
0x1c9: {  	v60 =	vor.u32 $0x44, v1;
	v4 =	vld.idx.msk [tilespmem:v55+s15+$0x0], $0xffff  }
0x1ca: {  	v61 =	vld.idx.msk [tilespmem:v6+s14+$0x0], $0xffff;
	v2 =	vadd.f32 v3, v2;
	v3 =	vmul.f32 v5, v56  }
0x1cb: {  	v5 =	vld.idx.msk [tilespmem:v6+s15+$0x0], $0xffff;
	v6 =	vor.u32 $0x45, v1  }
0x1cc: {  	v62 =	vld.idx.msk [tilespmem:v58+s14+$0x0], $0xffff;
	v2 =	vadd.f32 v3, v2;
	v3 =	vmul.f32 v7, v57  }
0x1cd: {  	v63 =	vor.u32 $0x46, v1;
	v7 =	vld.idx.msk [tilespmem:v58+s15+$0x0], $0xffff  }
0x1ce: {  	v16 =	vld.idx.msk [tilespmem:v60+s14+$0x0], $0xffff;
	v2 =	vadd.f32 v3, v2;
	v3 =	vmul.f32 v4, v59  }
0x1cf: {  	v17 =	vor.u32 $0x47, v1;
	v4 =	vld.idx.msk [tilespmem:v60+s15+$0x0], $0xffff  }
0x1d0: {  	v18 =	vld.idx.msk [tilespmem:v6+s14+$0x0], $0xffff;
	v2 =	vadd.f32 v3, v2;
	v3 =	vmul.f32 v5, v61  }
0x1d1: {  	v5 =	vld.idx.msk [tilespmem:v6+s15+$0x0], $0xffff;
	v6 =	vor.u32 $0x48, v1  }
0x1d2: {  	v19 =	vld.idx.msk [tilespmem:v63+s14+$0x0], $0xffff;
	v2 =	vadd.f32 v3, v2;
	v3 =	vmul.f32 v7, v62  }
0x1d3: {  	v20 =	vor.u32 $0x49, v1;
	v7 =	vld.idx.msk [tilespmem:v63+s15+$0x0], $0xffff  }
0x1d4: {  	v21 =	vld.idx.msk [tilespmem:v17+s14+$0x0], $0xffff;
	v2 =	vadd.f32 v3, v2;
	v3 =	vmul.f32 v4, v16  }
0x1d5: {  	v22 =	vor.u32 $0x4A, v1;
	v4 =	vld.idx.msk [tilespmem:v17+s15+$0x0], $0xffff  }
0x1d6: {  	v23 =	vld.idx.msk [tilespmem:v6+s14+$0x0], $0xffff;
	v2 =	vadd.f32 v3, v2;
	v3 =	vmul.f32 v5, v18  }
0x1d7: {  	v5 =	vld.idx.msk [tilespmem:v6+s15+$0x0], $0xffff;
	v6 =	vor.u32 $0x4B, v1  }
0x1d8: {  	v24 =	vld.idx.msk [tilespmem:v20+s14+$0x0], $0xffff;
	v2 =	vadd.f32 v3, v2;
	v3 =	vmul.f32 v7, v19  }
0x1d9: {  	v25 =	vor.u32 $0x4C, v1;
	v7 =	vld.idx.msk [tilespmem:v20+s15+$0x0], $0xffff  }
0x1da: {  	v26 =	vld.idx.msk [tilespmem:v22+s14+$0x0], $0xffff;
	v2 =	vadd.f32 v3, v2;
	v3 =	vmul.f32 v4, v21  }
0x1db: {  	v27 =	vor.u32 $0x4D, v1;
	v4 =	vld.idx.msk [tilespmem:v22+s15+$0x0], $0xffff  }
0x1dc: {  	v28 =	vld.idx.msk [tilespmem:v6+s14+$0x0], $0xffff;
	v2 =	vadd.f32 v3, v2;
	v3 =	vmul.f32 v5, v23  }
0x1dd: {  	v5 =	vld.idx.msk [tilespmem:v6+s15+$0x0], $0xffff;
	v6 =	vor.u32 $0x4E, v1  }
0x1de: {  	v29 =	vld.idx.msk [tilespmem:v25+s14+$0x0], $0xffff;
	v2 =	vadd.f32 v3, v2;
	v3 =	vmul.f32 v7, v24  }
0x1df: {  	v30 =	vor.u32 $0x4F, v1;
	v7 =	vld.idx.msk [tilespmem:v25+s15+$0x0], $0xffff  }
0x1e0: {  	v31 =	vld.idx.msk [tilespmem:v27+s14+$0x0], $0xffff;
	v2 =	vadd.f32 v3, v2;
	v3 =	vmul.f32 v4, v26  }
0x1e1: {  	v32 =	vor.u32 $0x50, v1;
	v4 =	vld.idx.msk [tilespmem:v27+s15+$0x0], $0xffff  }
0x1e2: {  	v33 =	vld.idx.msk [tilespmem:v6+s14+$0x0], $0xffff;
	v2 =	vadd.f32 v3, v2;
	v3 =	vmul.f32 v5, v28  }
0x1e3: {  	v5 =	vld.idx.msk [tilespmem:v6+s15+$0x0], $0xffff;
	v6 =	vor.u32 $0x51, v1  }
0x1e4: {  	v34 =	vld.idx.msk [tilespmem:v30+s14+$0x0], $0xffff;
	v2 =	vadd.f32 v3, v2;
	v3 =	vmul.f32 v7, v29  }
0x1e5: {  	v35 =	vor.u32 $0x52, v1;
	v7 =	vld.idx.msk [tilespmem:v30+s15+$0x0], $0xffff  }
0x1e6: {  	v36 =	vld.idx.msk [tilespmem:v32+s14+$0x0], $0xffff;
	v2 =	vadd.f32 v3, v2;
	v3 =	vmul.f32 v4, v31  }
0x1e7: {  	v37 =	vor.u32 $0x53, v1;
	v4 =	vld.idx.msk [tilespmem:v32+s15+$0x0], $0xffff  }
0x1e8: {  	v38 =	vld.idx.msk [tilespmem:v6+s14+$0x0], $0xffff;
	v2 =	vadd.f32 v3, v2;
	v3 =	vmul.f32 v5, v33  }
0x1e9: {  	v5 =	vld.idx.msk [tilespmem:v6+s15+$0x0], $0xffff;
	v6 =	vor.u32 $0x54, v1  }
0x1ea: {  	v39 =	vld.idx.msk [tilespmem:v35+s14+$0x0], $0xffff;
	v2 =	vadd.f32 v3, v2;
	v3 =	vmul.f32 v7, v34  }
0x1eb: {  	v40 =	vor.u32 $0x55, v1;
	v7 =	vld.idx.msk [tilespmem:v35+s15+$0x0], $0xffff  }
0x1ec: {  	v41 =	vld.idx.msk [tilespmem:v37+s14+$0x0], $0xffff;
	v2 =	vadd.f32 v3, v2;
	v3 =	vmul.f32 v4, v36  }
0x1ed: {  	v42 =	vor.u32 $0x56, v1;
	v4 =	vld.idx.msk [tilespmem:v37+s15+$0x0], $0xffff  }
0x1ee: {  	v43 =	vld.idx.msk [tilespmem:v6+s14+$0x0], $0xffff;
	v2 =	vadd.f32 v3, v2;
	v3 =	vmul.f32 v5, v38  }
0x1ef: {  	v5 =	vld.idx.msk [tilespmem:v6+s15+$0x0], $0xffff;
	v6 =	vor.u32 $0x57, v1  }
0x1f0: {  	v44 =	vld.idx.msk [tilespmem:v40+s14+$0x0], $0xffff;
	v2 =	vadd.f32 v3, v2;
	v3 =	vmul.f32 v7, v39  }
0x1f1: {  	v45 =	vor.u32 $0x58, v1;
	v7 =	vld.idx.msk [tilespmem:v40+s15+$0x0], $0xffff  }
0x1f2: {  	v46 =	vld.idx.msk [tilespmem:v42+s14+$0x0], $0xffff;
	v2 =	vadd.f32 v3, v2;
	v3 =	vmul.f32 v4, v41  }
0x1f3: {  	v47 =	vor.u32 $0x59, v1;
	v4 =	vld.idx.msk [tilespmem:v42+s15+$0x0], $0xffff  }
0x1f4: {  	v48 =	vld.idx.msk [tilespmem:v6+s14+$0x0], $0xffff;
	v2 =	vadd.f32 v3, v2;
	v3 =	vmul.f32 v5, v43  }
0x1f5: {  	v5 =	vld.idx.msk [tilespmem:v6+s15+$0x0], $0xffff;
	v6 =	vor.u32 $0x5A, v1  }
0x1f6: {  	v49 =	vld.idx.msk [tilespmem:v45+s14+$0x0], $0xffff;
	v2 =	vadd.f32 v3, v2;
	v3 =	vmul.f32 v7, v44  }
0x1f7: {  	v50 =	vor.u32 $0x5B, v1;
	v7 =	vld.idx.msk [tilespmem:v45+s15+$0x0], $0xffff  }
0x1f8: {  	v51 =	vld.idx.msk [tilespmem:v47+s14+$0x0], $0xffff;
	v2 =	vadd.f32 v3, v2;
	v3 =	vmul.f32 v4, v46  }
0x1f9: {  	v52 =	vor.u32 $0x5C, v1;
	v4 =	vld.idx.msk [tilespmem:v47+s15+$0x0], $0xffff  }
0x1fa: {  	v53 =	vld.idx.msk [tilespmem:v6+s14+$0x0], $0xffff;
	v2 =	vadd.f32 v3, v2;
	v3 =	vmul.f32 v5, v48  }
0x1fb: {  	v5 =	vld.idx.msk [tilespmem:v6+s15+$0x0], $0xffff;
	v6 =	vor.u32 $0x5D, v1  }
0x1fc: {  	v54 =	vld.idx.msk [tilespmem:v50+s14+$0x0], $0xffff;
	v2 =	vadd.f32 v3, v2;
	v3 =	vmul.f32 v7, v49  }
0x1fd: {  	v55 =	vor.u32 $0x5E, v1;
	v7 =	vld.idx.msk [tilespmem:v50+s15+$0x0], $0xffff  }
0x1fe: {  	v56 =	vld.idx.msk [tilespmem:v52+s14+$0x0], $0xffff;
	v2 =	vadd.f32 v3, v2;
	v3 =	vmul.f32 v4, v51  }
0x1ff: {  	v57 =	vor.u32 $0x5F, v1;
	v4 =	vld.idx.msk [tilespmem:v52+s15+$0x0], $0xffff  }
0x200: {  	v58 =	vld.idx.msk [tilespmem:v6+s14+$0x0], $0xffff;
	v2 =	vadd.f32 v3, v2;
	v3 =	vmul.f32 v5, v53  }
0x201: {  	v5 =	vld.idx.msk [tilespmem:v6+s15+$0x0], $0xffff;
	v6 =	vor.u32 $0x60, v1  }
0x202: {  	v59 =	vld.idx.msk [tilespmem:v55+s14+$0x0], $0xffff;
	v2 =	vadd.f32 v3, v2;
	v3 =	vmul.f32 v7, v54  }
0x203: {  	v60 =	vor.u32 $0x61, v1;
	v7 =	vld.idx.msk [tilespmem:v55+s15+$0x0], $0xffff  }
0x204: {  	v61 =	vld.idx.msk [tilespmem:v57+s14+$0x0], $0xffff;
	v2 =	vadd.f32 v3, v2;
	v3 =	vmul.f32 v4, v56  }
0x205: {  	v62 =	vor.u32 $0x62, v1;
	v4 =	vld.idx.msk [tilespmem:v57+s15+$0x0], $0xffff  }
0x206: {  	v63 =	vld.idx.msk [tilespmem:v6+s14+$0x0], $0xffff;
	v2 =	vadd.f32 v3, v2;
	v3 =	vmul.f32 v5, v58  }
0x207: {  	v5 =	vld.idx.msk [tilespmem:v6+s15+$0x0], $0xffff;
	v6 =	vor.u32 $0x63, v1  }
0x208: {  	v16 =	vld.idx.msk [tilespmem:v60+s14+$0x0], $0xffff;
	v2 =	vadd.f32 v3, v2;
	v3 =	vmul.f32 v7, v59  }
0x209: {  	v17 =	vor.u32 $0x64, v1;
	v7 =	vld.idx.msk [tilespmem:v60+s15+$0x0], $0xffff  }
0x20a: {  	v18 =	vld.idx.msk [tilespmem:v62+s14+$0x0], $0xffff;
	v2 =	vadd.f32 v3, v2;
	v3 =	vmul.f32 v4, v61  }
0x20b: {  	v19 =	vor.u32 $0x65, v1;
	v4 =	vld.idx.msk [tilespmem:v62+s15+$0x0], $0xffff  }
0x20c: {  	v20 =	vld.idx.msk [tilespmem:v6+s14+$0x0], $0xffff;
	v2 =	vadd.f32 v3, v2;
	v3 =	vmul.f32 v5, v63  }
0x20d: {  	v5 =	vld.idx.msk [tilespmem:v6+s15+$0x0], $0xffff;
	v6 =	vor.u32 $0x66, v1  }
0x20e: {  	v21 =	vld.idx.msk [tilespmem:v17+s14+$0x0], $0xffff;
	v2 =	vadd.f32 v3, v2;
	v3 =	vmul.f32 v7, v16  }
0x20f: {  	v22 =	vor.u32 $0x67, v1;
	v7 =	vld.idx.msk [tilespmem:v17+s15+$0x0], $0xffff  }
0x210: {  	v23 =	vld.idx.msk [tilespmem:v19+s14+$0x0], $0xffff;
	v2 =	vadd.f32 v3, v2;
	v3 =	vmul.f32 v4, v18  }
0x211: {  	v24 =	vor.u32 $0x68, v1;
	v4 =	vld.idx.msk [tilespmem:v19+s15+$0x0], $0xffff  }
0x212: {  	v25 =	vld.idx.msk [tilespmem:v6+s14+$0x0], $0xffff;
	v2 =	vadd.f32 v3, v2;
	v3 =	vmul.f32 v5, v20  }
0x213: {  	v5 =	vld.idx.msk [tilespmem:v6+s15+$0x0], $0xffff;
	v6 =	vor.u32 $0x69, v1  }
0x214: {  	v26 =	vld.idx.msk [tilespmem:v22+s14+$0x0], $0xffff;
	v2 =	vadd.f32 v3, v2;
	v3 =	vmul.f32 v7, v21  }
0x215: {  	v27 =	vor.u32 $0x6A, v1;
	v7 =	vld.idx.msk [tilespmem:v22+s15+$0x0], $0xffff  }
0x216: {  	v28 =	vld.idx.msk [tilespmem:v24+s14+$0x0], $0xffff;
	v2 =	vadd.f32 v3, v2;
	v3 =	vmul.f32 v4, v23  }
0x217: {  	v29 =	vor.u32 $0x6B, v1;
	v4 =	vld.idx.msk [tilespmem:v24+s15+$0x0], $0xffff  }
0x218: {  	v30 =	vld.idx.msk [tilespmem:v6+s14+$0x0], $0xffff;
	v2 =	vadd.f32 v3, v2;
	v3 =	vmul.f32 v5, v25  }
0x219: {  	v5 =	vld.idx.msk [tilespmem:v6+s15+$0x0], $0xffff;
	v6 =	vor.u32 $0x6C, v1  }
0x21a: {  	v31 =	vld.idx.msk [tilespmem:v27+s14+$0x0], $0xffff;
	v2 =	vadd.f32 v3, v2;
	v3 =	vmul.f32 v7, v26  }
0x21b: {  	v32 =	vor.u32 $0x6D, v1;
	v7 =	vld.idx.msk [tilespmem:v27+s15+$0x0], $0xffff  }
0x21c: {  	v33 =	vld.idx.msk [tilespmem:v29+s14+$0x0], $0xffff;
	v2 =	vadd.f32 v3, v2;
	v3 =	vmul.f32 v4, v28  }
0x21d: {  	v34 =	vor.u32 $0x6E, v1;
	v4 =	vld.idx.msk [tilespmem:v29+s15+$0x0], $0xffff  }
0x21e: {  	v35 =	vld.idx.msk [tilespmem:v6+s14+$0x0], $0xffff;
	v2 =	vadd.f32 v3, v2;
	v3 =	vmul.f32 v5, v30  }
0x21f: {  	v5 =	vld.idx.msk [tilespmem:v6+s15+$0x0], $0xffff;
	v6 =	vor.u32 $0x6F, v1  }
0x220: {  	v36 =	vld.idx.msk [tilespmem:v32+s14+$0x0], $0xffff;
	v2 =	vadd.f32 v3, v2;
	v3 =	vmul.f32 v7, v31  }
0x221: {  	v37 =	vor.u32 $0x70, v1;
	v7 =	vld.idx.msk [tilespmem:v32+s15+$0x0], $0xffff  }
0x222: {  	v38 =	vld.idx.msk [tilespmem:v34+s14+$0x0], $0xffff;
	v2 =	vadd.f32 v3, v2;
	v3 =	vmul.f32 v4, v33  }
0x223: {  	v39 =	vor.u32 $0x71, v1;
	v4 =	vld.idx.msk [tilespmem:v34+s15+$0x0], $0xffff  }
0x224: {  	v40 =	vld.idx.msk [tilespmem:v6+s14+$0x0], $0xffff;
	v2 =	vadd.f32 v3, v2;
	v3 =	vmul.f32 v5, v35  }
0x225: {  	v5 =	vld.idx.msk [tilespmem:v6+s15+$0x0], $0xffff;
	v6 =	vor.u32 $0x72, v1  }
0x226: {  	v41 =	vld.idx.msk [tilespmem:v37+s14+$0x0], $0xffff;
	v2 =	vadd.f32 v3, v2;
	v3 =	vmul.f32 v7, v36  }
0x227: {  	v42 =	vor.u32 $0x73, v1;
	v7 =	vld.idx.msk [tilespmem:v37+s15+$0x0], $0xffff  }
0x228: {  	v43 =	vld.idx.msk [tilespmem:v39+s14+$0x0], $0xffff;
	v2 =	vadd.f32 v3, v2;
	v3 =	vmul.f32 v4, v38  }
0x229: {  	v44 =	vor.u32 $0x74, v1;
	v4 =	vld.idx.msk [tilespmem:v39+s15+$0x0], $0xffff  }
0x22a: {  	v45 =	vld.idx.msk [tilespmem:v6+s14+$0x0], $0xffff;
	v2 =	vadd.f32 v3, v2;
	v3 =	vmul.f32 v5, v40  }
0x22b: {  	v5 =	vld.idx.msk [tilespmem:v6+s15+$0x0], $0xffff;
	v6 =	vor.u32 $0x75, v1  }
0x22c: {  	v46 =	vld.idx.msk [tilespmem:v42+s14+$0x0], $0xffff;
	v2 =	vadd.f32 v3, v2;
	v3 =	vmul.f32 v7, v41  }
0x22d: {  	v47 =	vor.u32 $0x76, v1;
	v7 =	vld.idx.msk [tilespmem:v42+s15+$0x0], $0xffff  }
0x22e: {  	v48 =	vld.idx.msk [tilespmem:v44+s14+$0x0], $0xffff;
	v2 =	vadd.f32 v3, v2;
	v3 =	vmul.f32 v4, v43  }
0x22f: {  	v49 =	vor.u32 $0x77, v1;
	v4 =	vld.idx.msk [tilespmem:v44+s15+$0x0], $0xffff  }
0x230: {  	v50 =	vld.idx.msk [tilespmem:v6+s14+$0x0], $0xffff;
	v2 =	vadd.f32 v3, v2;
	v3 =	vmul.f32 v5, v45  }
0x231: {  	v5 =	vld.idx.msk [tilespmem:v6+s15+$0x0], $0xffff;
	v6 =	vor.u32 $0x78, v1  }
0x232: {  	v51 =	vld.idx.msk [tilespmem:v47+s14+$0x0], $0xffff;
	v2 =	vadd.f32 v3, v2;
	v3 =	vmul.f32 v7, v46  }
0x233: {  	v52 =	vor.u32 $0x79, v1;
	v7 =	vld.idx.msk [tilespmem:v47+s15+$0x0], $0xffff  }
0x234: {  	v53 =	vld.idx.msk [tilespmem:v49+s14+$0x0], $0xffff;
	v2 =	vadd.f32 v3, v2;
	v3 =	vmul.f32 v4, v48  }
0x235: {  	v54 =	vor.u32 $0x7A, v1;
	v4 =	vld.idx.msk [tilespmem:v49+s15+$0x0], $0xffff  }
0x236: {  	v55 =	vld.idx.msk [tilespmem:v6+s14+$0x0], $0xffff;
	v2 =	vadd.f32 v3, v2;
	v3 =	vmul.f32 v5, v50  }
0x237: {  	v5 =	vld.idx.msk [tilespmem:v6+s15+$0x0], $0xffff;
	v6 =	vor.u32 $0x7B, v1  }
0x238: {  	v56 =	vld.idx.msk [tilespmem:v52+s14+$0x0], $0xffff;
	v2 =	vadd.f32 v3, v2;
	v3 =	vmul.f32 v7, v51  }
0x239: {  	v57 =	vor.u32 $0x7C, v1;
	v7 =	vld.idx.msk [tilespmem:v52+s15+$0x0], $0xffff  }
0x23a: {  	v58 =	vld.idx.msk [tilespmem:v54+s14+$0x0], $0xffff;
	v2 =	vadd.f32 v3, v2;
	v3 =	vmul.f32 v4, v53  }
0x23b: {  	v4 =	vld.idx.msk [tilespmem:v54+s15+$0x0], $0xffff  }
0x23c: {  	v60 =	vld.idx.msk [tilespmem:v6+s14+$0x0], $0xffff;
	v2 =	vadd.f32 v3, v2;
	v3 =	vmul.f32 v5, v55  }
0x23d: {  	v59 =	vor.u32 $0x7D, v1;
	v5 =	vld.idx.msk [tilespmem:v6+s15+$0x0], $0xffff  }
0x23e: {  	v61 =	vld.idx.msk [tilespmem:v57+s14+$0x0], $0xffff;
	v2 =	vadd.f32 v3, v2;
	v3 =	vmul.f32 v7, v56  }
0x23f: {  	v6 =	vor.u32 $0x7E, v1;
	v7 =	vld.idx.msk [tilespmem:v57+s15+$0x0], $0xffff  }
0x240: {  	v2 =	vadd.f32 v3, v2;
	v3 =	vmul.f32 v4, v58  }
0x241: {  	v1 =	vor.u32 $0x7F, v1  }
0x242: {  	v62 =	vld.idx.msk [tilespmem:v59+s14+$0x0], $0xffff;
	v2 =	vadd.f32 v3, v2;
	v3 =	vmul.f32 v5, v60  }
0x243: {  	v4 =	vld.idx.msk [tilespmem:v59+s15+$0x0], $0xffff  }
0x244: {  	v63 =	vld.idx.msk [tilespmem:v6+s14+$0x0], $0xffff;
	v2 =	vadd.f32 v3, v2;
	v3 =	vmul.f32 v7, v61  }
0x245: {  	v5 =	vld.idx.msk [tilespmem:v6+s15+$0x0], $0xffff  }
0x246: {  	v6 =	vadd.f32 v3, v2;
	v2 =	vld.idx.msk [tilespmem:v1+s14+$0x0], $0xffff  }
0x247: {  	v3 =	vld.idx.msk [tilespmem:v1+s15+$0x0], $0xffff  }
0x248: {  	v4 =	vmul.f32 v4, v62  }
0x249: {  	s28 =	simm.s32 $0x20  }
0x24a: {  	v7 =	vmov s28;
	v5 =	vmul.f32 v5, v63;
	v4 =	vadd.f32 v4, v6  }
0x24b: {  	s28 =	simm.s32 $0x30;
	v1 =	vshll.u32 v7, $0x7  }
.LBB2_4:
0x24c: {  	p1 =	sne.s32 s28, $0x70;
	v1 =	vor.u32 v0, v1;
	v4 =	vadd.f32 v5, v4;
	v2 =	vmul.f32 v3, v2;
	_ =	sdelay $0x1  }
0x24d: {  	v3 =	vor.u32 $0x1, v1;
	v2 =	vadd.f32 v2, v4  }
0x24e: {  	s26 =	sadd.s32 $0x10, s26  }
0x24f: {  	v4 =	vor.u32 $0x2, v1;
	[tilespmem:s26+$0x0] =	vst v2  }
0x250: {  	v2 =	vld.idx.msk [tilespmem:v1+s15+$0x0], $0xffff  }
0x251: {  	v6 =	vor.u32 $0x3, v1;
	v5 =	vld.idx.msk [tilespmem:v1+s14+$0x0], $0xffff  }
0x252: {  	v7 =	vld.idx.msk [tilespmem:v3+s14+$0x0], $0xffff  }
0x253: {  	v8 =	vor.u32 $0x4, v1;
	v3 =	vld.idx.msk [tilespmem:v3+s15+$0x0], $0xffff  }
0x254: {  	v9 =	vld.idx.msk [tilespmem:v4+s14+$0x0], $0xffff  }
0x255: {  	v10 =	vor.u32 $0x5, v1;
	v4 =	vld.idx.msk [tilespmem:v4+s15+$0x0], $0xffff  }
0x256: {  	v11 =	vld.idx.msk [tilespmem:v6+s14+$0x0], $0xffff  }
0x257: {  	v2 =	vmul.f32 v2, v5;
	v5 =	vld.idx.msk [tilespmem:v6+s15+$0x0], $0xffff;
	v6 =	vor.u32 $0x6, v1  }
0x258: {  	v12 =	vld.idx.msk [tilespmem:v8+s14+$0x0], $0xffff  }
0x259: {  	v2 =	vadd.f32 $0.0e+00, v2;
	v3 =	vmul.f32 v3, v7;
	v7 =	vld.idx.msk [tilespmem:v8+s15+$0x0], $0xffff;
	v8 =	vor.u32 $0x7, v1  }
0x25a: {  	v13 =	vld.idx.msk [tilespmem:v10+s14+$0x0], $0xffff  }
0x25b: {  	v2 =	vadd.f32 v3, v2;
	v3 =	vmul.f32 v4, v9;
	v9 =	vor.u32 $0x8, v1;
	v4 =	vld.idx.msk [tilespmem:v10+s15+$0x0], $0xffff  }
0x25c: {  	v10 =	vld.idx.msk [tilespmem:v6+s14+$0x0], $0xffff  }
0x25d: {  	v2 =	vadd.f32 v3, v2;
	v3 =	vmul.f32 v5, v11;
	v5 =	vld.idx.msk [tilespmem:v6+s15+$0x0], $0xffff;
	v6 =	vor.u32 $0x9, v1  }
0x25e: {  	v11 =	vld.idx.msk [tilespmem:v8+s14+$0x0], $0xffff  }
0x25f: {  	v2 =	vadd.f32 v3, v2;
	v3 =	vmul.f32 v7, v12;
	v7 =	vld.idx.msk [tilespmem:v8+s15+$0x0], $0xffff;
	v8 =	vor.u32 $0xA, v1  }
0x260: {  	v12 =	vld.idx.msk [tilespmem:v9+s14+$0x0], $0xffff  }
0x261: {  	v2 =	vadd.f32 v3, v2;
	v3 =	vmul.f32 v4, v13;
	v4 =	vld.idx.msk [tilespmem:v9+s15+$0x0], $0xffff;
	v9 =	vor.u32 $0xB, v1  }
0x262: {  	v13 =	vld.idx.msk [tilespmem:v6+s14+$0x0], $0xffff  }
0x263: {  	v2 =	vadd.f32 v3, v2;
	v3 =	vmul.f32 v5, v10;
	v5 =	vld.idx.msk [tilespmem:v6+s15+$0x0], $0xffff;
	v6 =	vor.u32 $0xC, v1  }
0x264: {  	v10 =	vld.idx.msk [tilespmem:v8+s14+$0x0], $0xffff  }
0x265: {  	v2 =	vadd.f32 v3, v2;
	v3 =	vmul.f32 v7, v11;
	v7 =	vld.idx.msk [tilespmem:v8+s15+$0x0], $0xffff;
	v8 =	vor.u32 $0xD, v1  }
0x266: {  	v11 =	vld.idx.msk [tilespmem:v9+s14+$0x0], $0xffff  }
0x267: {  	v2 =	vadd.f32 v3, v2;
	v3 =	vmul.f32 v4, v12;
	v4 =	vld.idx.msk [tilespmem:v9+s15+$0x0], $0xffff;
	v9 =	vor.u32 $0xE, v1  }
0x268: {  	v12 =	vld.idx.msk [tilespmem:v6+s14+$0x0], $0xffff  }
0x269: {  	v2 =	vadd.f32 v3, v2;
	v3 =	vmul.f32 v5, v13;
	v5 =	vld.idx.msk [tilespmem:v6+s15+$0x0], $0xffff;
	v6 =	vor.u32 $0xF, v1  }
0x26a: {  	v13 =	vld.idx.msk [tilespmem:v8+s14+$0x0], $0xffff  }
0x26b: {  	v2 =	vadd.f32 v3, v2;
	v3 =	vmul.f32 v7, v10;
	v7 =	vld.idx.msk [tilespmem:v8+s15+$0x0], $0xffff;
	v8 =	vor.u32 $0x10, v1  }
0x26c: {  	v10 =	vld.idx.msk [tilespmem:v9+s14+$0x0], $0xffff  }
0x26d: {  	v2 =	vadd.f32 v3, v2;
	v3 =	vmul.f32 v4, v11;
	v4 =	vld.idx.msk [tilespmem:v9+s15+$0x0], $0xffff;
	v9 =	vor.u32 $0x11, v1  }
0x26e: {  	v11 =	vld.idx.msk [tilespmem:v6+s14+$0x0], $0xffff  }
0x26f: {  	v2 =	vadd.f32 v3, v2;
	v3 =	vmul.f32 v5, v12;
	v5 =	vld.idx.msk [tilespmem:v6+s15+$0x0], $0xffff;
	v6 =	vor.u32 $0x12, v1  }
0x270: {  	v12 =	vld.idx.msk [tilespmem:v8+s14+$0x0], $0xffff  }
0x271: {  	v2 =	vadd.f32 v3, v2;
	v3 =	vmul.f32 v7, v13;
	v7 =	vld.idx.msk [tilespmem:v8+s15+$0x0], $0xffff;
	v8 =	vor.u32 $0x13, v1  }
0x272: {  	v13 =	vld.idx.msk [tilespmem:v9+s14+$0x0], $0xffff  }
0x273: {  	v2 =	vadd.f32 v3, v2;
	v3 =	vmul.f32 v4, v10;
	v4 =	vld.idx.msk [tilespmem:v9+s15+$0x0], $0xffff;
	v9 =	vor.u32 $0x14, v1  }
0x274: {  	v10 =	vld.idx.msk [tilespmem:v6+s14+$0x0], $0xffff  }
0x275: {  	v2 =	vadd.f32 v3, v2;
	v3 =	vmul.f32 v5, v11;
	v5 =	vld.idx.msk [tilespmem:v6+s15+$0x0], $0xffff;
	v6 =	vor.u32 $0x15, v1  }
0x276: {  	v11 =	vld.idx.msk [tilespmem:v8+s14+$0x0], $0xffff  }
0x277: {  	v2 =	vadd.f32 v3, v2;
	v3 =	vmul.f32 v7, v12;
	v7 =	vld.idx.msk [tilespmem:v8+s15+$0x0], $0xffff;
	v8 =	vor.u32 $0x16, v1  }
0x278: {  	v12 =	vld.idx.msk [tilespmem:v9+s14+$0x0], $0xffff  }
0x279: {  	v2 =	vadd.f32 v3, v2;
	v3 =	vmul.f32 v4, v13;
	v4 =	vld.idx.msk [tilespmem:v9+s15+$0x0], $0xffff;
	v9 =	vor.u32 $0x17, v1  }
0x27a: {  	v13 =	vld.idx.msk [tilespmem:v6+s14+$0x0], $0xffff  }
0x27b: {  	v2 =	vadd.f32 v3, v2;
	v3 =	vmul.f32 v5, v10;
	v5 =	vld.idx.msk [tilespmem:v6+s15+$0x0], $0xffff;
	v6 =	vor.u32 $0x18, v1  }
0x27c: {  	v10 =	vld.idx.msk [tilespmem:v8+s14+$0x0], $0xffff  }
0x27d: {  	v2 =	vadd.f32 v3, v2;
	v3 =	vmul.f32 v7, v11;
	v7 =	vld.idx.msk [tilespmem:v8+s15+$0x0], $0xffff;
	v8 =	vor.u32 $0x19, v1  }
0x27e: {  	v11 =	vld.idx.msk [tilespmem:v9+s14+$0x0], $0xffff  }
0x27f: {  	v2 =	vadd.f32 v3, v2;
	v3 =	vmul.f32 v4, v12;
	v4 =	vld.idx.msk [tilespmem:v9+s15+$0x0], $0xffff;
	v9 =	vor.u32 $0x1A, v1  }
0x280: {  	v12 =	vld.idx.msk [tilespmem:v6+s14+$0x0], $0xffff  }
0x281: {  	v2 =	vadd.f32 v3, v2;
	v3 =	vmul.f32 v5, v13;
	v5 =	vld.idx.msk [tilespmem:v6+s15+$0x0], $0xffff;
	v6 =	vor.u32 $0x1B, v1  }
0x282: {  	v13 =	vld.idx.msk [tilespmem:v8+s14+$0x0], $0xffff  }
0x283: {  	v2 =	vadd.f32 v3, v2;
	v3 =	vmul.f32 v7, v10;
	v7 =	vld.idx.msk [tilespmem:v8+s15+$0x0], $0xffff;
	v8 =	vor.u32 $0x1C, v1  }
0x284: {  	v10 =	vld.idx.msk [tilespmem:v9+s14+$0x0], $0xffff  }
0x285: {  	v2 =	vadd.f32 v3, v2;
	v3 =	vmul.f32 v4, v11;
	v4 =	vld.idx.msk [tilespmem:v9+s15+$0x0], $0xffff;
	v9 =	vor.u32 $0x1D, v1  }
0x286: {  	v11 =	vld.idx.msk [tilespmem:v6+s14+$0x0], $0xffff  }
0x287: {  	v2 =	vadd.f32 v3, v2;
	v3 =	vmul.f32 v5, v12;
	v5 =	vld.idx.msk [tilespmem:v6+s15+$0x0], $0xffff;
	v6 =	vor.u32 $0x1E, v1  }
0x288: {  	v12 =	vld.idx.msk [tilespmem:v8+s14+$0x0], $0xffff  }
0x289: {  	v2 =	vadd.f32 v3, v2;
	v3 =	vmul.f32 v7, v13;
	v7 =	vld.idx.msk [tilespmem:v8+s15+$0x0], $0xffff;
	v8 =	vor.u32 $0x1F, v1  }
0x28a: {  	v13 =	vld.idx.msk [tilespmem:v9+s14+$0x0], $0xffff  }
0x28b: {  	v2 =	vadd.f32 v3, v2;
	v3 =	vmul.f32 v4, v10;
	v4 =	vld.idx.msk [tilespmem:v9+s15+$0x0], $0xffff;
	v9 =	vor.u32 $0x20, v1  }
0x28c: {  	v10 =	vld.idx.msk [tilespmem:v6+s14+$0x0], $0xffff  }
0x28d: {  	v2 =	vadd.f32 v3, v2;
	v3 =	vmul.f32 v5, v11;
	v5 =	vld.idx.msk [tilespmem:v6+s15+$0x0], $0xffff;
	v6 =	vor.u32 $0x21, v1  }
0x28e: {  	v11 =	vld.idx.msk [tilespmem:v8+s14+$0x0], $0xffff  }
0x28f: {  	v2 =	vadd.f32 v3, v2;
	v3 =	vmul.f32 v7, v12;
	v7 =	vld.idx.msk [tilespmem:v8+s15+$0x0], $0xffff;
	v8 =	vor.u32 $0x22, v1  }
0x290: {  	v12 =	vld.idx.msk [tilespmem:v9+s14+$0x0], $0xffff  }
0x291: {  	v2 =	vadd.f32 v3, v2;
	v3 =	vmul.f32 v4, v13;
	v4 =	vld.idx.msk [tilespmem:v9+s15+$0x0], $0xffff;
	v9 =	vor.u32 $0x23, v1  }
0x292: {  	v13 =	vld.idx.msk [tilespmem:v6+s14+$0x0], $0xffff  }
0x293: {  	v2 =	vadd.f32 v3, v2;
	v3 =	vmul.f32 v5, v10;
	v5 =	vld.idx.msk [tilespmem:v6+s15+$0x0], $0xffff;
	v6 =	vor.u32 $0x24, v1  }
0x294: {  	v10 =	vld.idx.msk [tilespmem:v8+s14+$0x0], $0xffff  }
0x295: {  	v2 =	vadd.f32 v3, v2;
	v3 =	vmul.f32 v7, v11;
	v7 =	vld.idx.msk [tilespmem:v8+s15+$0x0], $0xffff;
	v8 =	vor.u32 $0x25, v1  }
0x296: {  	v11 =	vld.idx.msk [tilespmem:v9+s14+$0x0], $0xffff  }
0x297: {  	v2 =	vadd.f32 v3, v2;
	v3 =	vmul.f32 v4, v12;
	v4 =	vld.idx.msk [tilespmem:v9+s15+$0x0], $0xffff;
	v9 =	vor.u32 $0x26, v1  }
0x298: {  	v12 =	vld.idx.msk [tilespmem:v6+s14+$0x0], $0xffff  }
0x299: {  	v2 =	vadd.f32 v3, v2;
	v3 =	vmul.f32 v5, v13;
	v5 =	vld.idx.msk [tilespmem:v6+s15+$0x0], $0xffff;
	v6 =	vor.u32 $0x27, v1  }
0x29a: {  	v13 =	vld.idx.msk [tilespmem:v8+s14+$0x0], $0xffff  }
0x29b: {  	v2 =	vadd.f32 v3, v2;
	v3 =	vmul.f32 v7, v10;
	v7 =	vld.idx.msk [tilespmem:v8+s15+$0x0], $0xffff;
	v8 =	vor.u32 $0x28, v1  }
0x29c: {  	v10 =	vld.idx.msk [tilespmem:v9+s14+$0x0], $0xffff  }
0x29d: {  	v2 =	vadd.f32 v3, v2;
	v3 =	vmul.f32 v4, v11;
	v4 =	vld.idx.msk [tilespmem:v9+s15+$0x0], $0xffff;
	v9 =	vor.u32 $0x29, v1  }
0x29e: {  	v11 =	vld.idx.msk [tilespmem:v6+s14+$0x0], $0xffff  }
0x29f: {  	v2 =	vadd.f32 v3, v2;
	v3 =	vmul.f32 v5, v12;
	v5 =	vld.idx.msk [tilespmem:v6+s15+$0x0], $0xffff;
	v6 =	vor.u32 $0x2A, v1  }
0x2a0: {  	v12 =	vld.idx.msk [tilespmem:v8+s14+$0x0], $0xffff  }
0x2a1: {  	v2 =	vadd.f32 v3, v2;
	v3 =	vmul.f32 v7, v13;
	v7 =	vld.idx.msk [tilespmem:v8+s15+$0x0], $0xffff;
	v8 =	vor.u32 $0x2B, v1  }
0x2a2: {  	v13 =	vld.idx.msk [tilespmem:v9+s14+$0x0], $0xffff  }
0x2a3: {  	v2 =	vadd.f32 v3, v2;
	v3 =	vmul.f32 v4, v10;
	v4 =	vld.idx.msk [tilespmem:v9+s15+$0x0], $0xffff;
	v9 =	vor.u32 $0x2C, v1  }
0x2a4: {  	v10 =	vld.idx.msk [tilespmem:v6+s14+$0x0], $0xffff  }
0x2a5: {  	v2 =	vadd.f32 v3, v2;
	v3 =	vmul.f32 v5, v11;
	v5 =	vld.idx.msk [tilespmem:v6+s15+$0x0], $0xffff;
	v6 =	vor.u32 $0x2D, v1  }
0x2a6: {  	v11 =	vld.idx.msk [tilespmem:v8+s14+$0x0], $0xffff  }
0x2a7: {  	v2 =	vadd.f32 v3, v2;
	v3 =	vmul.f32 v7, v12;
	v7 =	vld.idx.msk [tilespmem:v8+s15+$0x0], $0xffff;
	v8 =	vor.u32 $0x2E, v1  }
0x2a8: {  	v12 =	vld.idx.msk [tilespmem:v9+s14+$0x0], $0xffff  }
0x2a9: {  	v2 =	vadd.f32 v3, v2;
	v3 =	vmul.f32 v4, v13;
	v4 =	vld.idx.msk [tilespmem:v9+s15+$0x0], $0xffff;
	v9 =	vor.u32 $0x2F, v1  }
0x2aa: {  	v13 =	vld.idx.msk [tilespmem:v6+s14+$0x0], $0xffff  }
0x2ab: {  	v2 =	vadd.f32 v3, v2;
	v3 =	vmul.f32 v5, v10;
	v5 =	vld.idx.msk [tilespmem:v6+s15+$0x0], $0xffff;
	v6 =	vor.u32 $0x30, v1  }
0x2ac: {  	v10 =	vld.idx.msk [tilespmem:v8+s14+$0x0], $0xffff  }
0x2ad: {  	v2 =	vadd.f32 v3, v2;
	v3 =	vmul.f32 v7, v11;
	v7 =	vld.idx.msk [tilespmem:v8+s15+$0x0], $0xffff;
	v8 =	vor.u32 $0x31, v1  }
0x2ae: {  	v11 =	vld.idx.msk [tilespmem:v9+s14+$0x0], $0xffff  }
0x2af: {  	v2 =	vadd.f32 v3, v2;
	v3 =	vmul.f32 v4, v12;
	v4 =	vld.idx.msk [tilespmem:v9+s15+$0x0], $0xffff;
	v9 =	vor.u32 $0x32, v1  }
0x2b0: {  	v12 =	vld.idx.msk [tilespmem:v6+s14+$0x0], $0xffff  }
0x2b1: {  	v2 =	vadd.f32 v3, v2;
	v3 =	vmul.f32 v5, v13;
	v5 =	vld.idx.msk [tilespmem:v6+s15+$0x0], $0xffff;
	v6 =	vor.u32 $0x33, v1  }
0x2b2: {  	v13 =	vld.idx.msk [tilespmem:v8+s14+$0x0], $0xffff  }
0x2b3: {  	v2 =	vadd.f32 v3, v2;
	v3 =	vmul.f32 v7, v10;
	v7 =	vld.idx.msk [tilespmem:v8+s15+$0x0], $0xffff;
	v8 =	vor.u32 $0x34, v1  }
0x2b4: {  	v10 =	vld.idx.msk [tilespmem:v9+s14+$0x0], $0xffff  }
0x2b5: {  	v2 =	vadd.f32 v3, v2;
	v3 =	vmul.f32 v4, v11;
	v4 =	vld.idx.msk [tilespmem:v9+s15+$0x0], $0xffff;
	v9 =	vor.u32 $0x35, v1  }
0x2b6: {  	v11 =	vld.idx.msk [tilespmem:v6+s14+$0x0], $0xffff  }
0x2b7: {  	v2 =	vadd.f32 v3, v2;
	v3 =	vmul.f32 v5, v12;
	v5 =	vld.idx.msk [tilespmem:v6+s15+$0x0], $0xffff;
	v6 =	vor.u32 $0x36, v1  }
0x2b8: {  	v12 =	vld.idx.msk [tilespmem:v8+s14+$0x0], $0xffff  }
0x2b9: {  	v2 =	vadd.f32 v3, v2;
	v3 =	vmul.f32 v7, v13;
	v7 =	vld.idx.msk [tilespmem:v8+s15+$0x0], $0xffff;
	v8 =	vor.u32 $0x37, v1  }
0x2ba: {  	v13 =	vld.idx.msk [tilespmem:v9+s14+$0x0], $0xffff  }
0x2bb: {  	v2 =	vadd.f32 v3, v2;
	v3 =	vmul.f32 v4, v10;
	v4 =	vld.idx.msk [tilespmem:v9+s15+$0x0], $0xffff;
	v9 =	vor.u32 $0x38, v1  }
0x2bc: {  	v10 =	vld.idx.msk [tilespmem:v6+s14+$0x0], $0xffff  }
0x2bd: {  	v2 =	vadd.f32 v3, v2;
	v3 =	vmul.f32 v5, v11;
	v5 =	vld.idx.msk [tilespmem:v6+s15+$0x0], $0xffff;
	v6 =	vor.u32 $0x39, v1  }
0x2be: {  	v11 =	vld.idx.msk [tilespmem:v8+s14+$0x0], $0xffff  }
0x2bf: {  	v2 =	vadd.f32 v3, v2;
	v3 =	vmul.f32 v7, v12;
	v7 =	vld.idx.msk [tilespmem:v8+s15+$0x0], $0xffff;
	v8 =	vor.u32 $0x3A, v1  }
0x2c0: {  	v12 =	vld.idx.msk [tilespmem:v9+s14+$0x0], $0xffff  }
0x2c1: {  	v2 =	vadd.f32 v3, v2;
	v3 =	vmul.f32 v4, v13;
	v4 =	vld.idx.msk [tilespmem:v9+s15+$0x0], $0xffff;
	v9 =	vor.u32 $0x3B, v1  }
0x2c2: {  	v13 =	vld.idx.msk [tilespmem:v6+s14+$0x0], $0xffff  }
0x2c3: {  	v2 =	vadd.f32 v3, v2;
	v3 =	vmul.f32 v5, v10;
	v5 =	vld.idx.msk [tilespmem:v6+s15+$0x0], $0xffff;
	v6 =	vor.u32 $0x3C, v1  }
0x2c4: {  	v10 =	vld.idx.msk [tilespmem:v8+s14+$0x0], $0xffff  }
0x2c5: {  	v2 =	vadd.f32 v3, v2;
	v3 =	vmul.f32 v7, v11;
	v7 =	vld.idx.msk [tilespmem:v8+s15+$0x0], $0xffff;
	v8 =	vor.u32 $0x3D, v1  }
0x2c6: {  	v11 =	vld.idx.msk [tilespmem:v9+s14+$0x0], $0xffff  }
0x2c7: {  	v2 =	vadd.f32 v3, v2;
	v3 =	vmul.f32 v4, v12;
	v4 =	vld.idx.msk [tilespmem:v9+s15+$0x0], $0xffff;
	v9 =	vor.u32 $0x3E, v1  }
0x2c8: {  	v12 =	vld.idx.msk [tilespmem:v6+s14+$0x0], $0xffff  }
0x2c9: {  	v2 =	vadd.f32 v3, v2;
	v3 =	vmul.f32 v5, v13;
	v5 =	vld.idx.msk [tilespmem:v6+s15+$0x0], $0xffff;
	v6 =	vor.u32 $0x3F, v1  }
0x2ca: {  	v13 =	vld.idx.msk [tilespmem:v8+s14+$0x0], $0xffff  }
0x2cb: {  	v2 =	vadd.f32 v3, v2;
	v3 =	vmul.f32 v7, v10;
	v7 =	vld.idx.msk [tilespmem:v8+s15+$0x0], $0xffff;
	v8 =	vor.u32 $0x40, v1  }
0x2cc: {  	v10 =	vld.idx.msk [tilespmem:v9+s14+$0x0], $0xffff  }
0x2cd: {  	v2 =	vadd.f32 v3, v2;
	v3 =	vmul.f32 v4, v11;
	v4 =	vld.idx.msk [tilespmem:v9+s15+$0x0], $0xffff;
	v9 =	vor.u32 $0x41, v1  }
0x2ce: {  	v11 =	vld.idx.msk [tilespmem:v6+s14+$0x0], $0xffff  }
0x2cf: {  	v2 =	vadd.f32 v3, v2;
	v3 =	vmul.f32 v5, v12;
	v5 =	vld.idx.msk [tilespmem:v6+s15+$0x0], $0xffff;
	v6 =	vor.u32 $0x42, v1  }
0x2d0: {  	v12 =	vld.idx.msk [tilespmem:v8+s14+$0x0], $0xffff  }
0x2d1: {  	v2 =	vadd.f32 v3, v2;
	v3 =	vmul.f32 v7, v13;
	v7 =	vld.idx.msk [tilespmem:v8+s15+$0x0], $0xffff;
	v8 =	vor.u32 $0x43, v1  }
0x2d2: {  	v13 =	vld.idx.msk [tilespmem:v9+s14+$0x0], $0xffff  }
0x2d3: {  	v2 =	vadd.f32 v3, v2;
	v3 =	vmul.f32 v4, v10;
	v4 =	vld.idx.msk [tilespmem:v9+s15+$0x0], $0xffff;
	v9 =	vor.u32 $0x44, v1  }
0x2d4: {  	v10 =	vld.idx.msk [tilespmem:v6+s14+$0x0], $0xffff  }
0x2d5: {  	v2 =	vadd.f32 v3, v2;
	v3 =	vmul.f32 v5, v11;
	v5 =	vld.idx.msk [tilespmem:v6+s15+$0x0], $0xffff;
	v6 =	vor.u32 $0x45, v1  }
0x2d6: {  	v11 =	vld.idx.msk [tilespmem:v8+s14+$0x0], $0xffff  }
0x2d7: {  	v2 =	vadd.f32 v3, v2;
	v3 =	vmul.f32 v7, v12;
	v7 =	vld.idx.msk [tilespmem:v8+s15+$0x0], $0xffff;
	v8 =	vor.u32 $0x46, v1  }
0x2d8: {  	v12 =	vld.idx.msk [tilespmem:v9+s14+$0x0], $0xffff  }
0x2d9: {  	v2 =	vadd.f32 v3, v2;
	v3 =	vmul.f32 v4, v13;
	v4 =	vld.idx.msk [tilespmem:v9+s15+$0x0], $0xffff;
	v9 =	vor.u32 $0x47, v1  }
0x2da: {  	v13 =	vld.idx.msk [tilespmem:v6+s14+$0x0], $0xffff  }
0x2db: {  	v2 =	vadd.f32 v3, v2;
	v3 =	vmul.f32 v5, v10;
	v5 =	vld.idx.msk [tilespmem:v6+s15+$0x0], $0xffff;
	v6 =	vor.u32 $0x48, v1  }
0x2dc: {  	v10 =	vld.idx.msk [tilespmem:v8+s14+$0x0], $0xffff  }
0x2dd: {  	v2 =	vadd.f32 v3, v2;
	v3 =	vmul.f32 v7, v11;
	v7 =	vld.idx.msk [tilespmem:v8+s15+$0x0], $0xffff;
	v8 =	vor.u32 $0x49, v1  }
0x2de: {  	v11 =	vld.idx.msk [tilespmem:v9+s14+$0x0], $0xffff  }
0x2df: {  	v2 =	vadd.f32 v3, v2;
	v3 =	vmul.f32 v4, v12;
	v4 =	vld.idx.msk [tilespmem:v9+s15+$0x0], $0xffff;
	v9 =	vor.u32 $0x4A, v1  }
0x2e0: {  	v12 =	vld.idx.msk [tilespmem:v6+s14+$0x0], $0xffff  }
0x2e1: {  	v2 =	vadd.f32 v3, v2;
	v3 =	vmul.f32 v5, v13;
	v5 =	vld.idx.msk [tilespmem:v6+s15+$0x0], $0xffff;
	v6 =	vor.u32 $0x4B, v1  }
0x2e2: {  	v13 =	vld.idx.msk [tilespmem:v8+s14+$0x0], $0xffff  }
0x2e3: {  	v2 =	vadd.f32 v3, v2;
	v3 =	vmul.f32 v7, v10;
	v7 =	vld.idx.msk [tilespmem:v8+s15+$0x0], $0xffff;
	v8 =	vor.u32 $0x4C, v1  }
0x2e4: {  	v10 =	vld.idx.msk [tilespmem:v9+s14+$0x0], $0xffff  }
0x2e5: {  	v2 =	vadd.f32 v3, v2;
	v3 =	vmul.f32 v4, v11;
	v4 =	vld.idx.msk [tilespmem:v9+s15+$0x0], $0xffff;
	v9 =	vor.u32 $0x4D, v1  }
0x2e6: {  	v11 =	vld.idx.msk [tilespmem:v6+s14+$0x0], $0xffff  }
0x2e7: {  	v2 =	vadd.f32 v3, v2;
	v3 =	vmul.f32 v5, v12;
	v5 =	vld.idx.msk [tilespmem:v6+s15+$0x0], $0xffff;
	v6 =	vor.u32 $0x4E, v1  }
0x2e8: {  	v12 =	vld.idx.msk [tilespmem:v8+s14+$0x0], $0xffff  }
0x2e9: {  	v2 =	vadd.f32 v3, v2;
	v3 =	vmul.f32 v7, v13;
	v7 =	vld.idx.msk [tilespmem:v8+s15+$0x0], $0xffff;
	v8 =	vor.u32 $0x4F, v1  }
0x2ea: {  	v13 =	vld.idx.msk [tilespmem:v9+s14+$0x0], $0xffff  }
0x2eb: {  	v2 =	vadd.f32 v3, v2;
	v3 =	vmul.f32 v4, v10;
	v4 =	vld.idx.msk [tilespmem:v9+s15+$0x0], $0xffff;
	v9 =	vor.u32 $0x50, v1  }
0x2ec: {  	v10 =	vld.idx.msk [tilespmem:v6+s14+$0x0], $0xffff  }
0x2ed: {  	v2 =	vadd.f32 v3, v2;
	v3 =	vmul.f32 v5, v11;
	v5 =	vld.idx.msk [tilespmem:v6+s15+$0x0], $0xffff;
	v6 =	vor.u32 $0x51, v1  }
0x2ee: {  	v11 =	vld.idx.msk [tilespmem:v8+s14+$0x0], $0xffff  }
0x2ef: {  	v2 =	vadd.f32 v3, v2;
	v3 =	vmul.f32 v7, v12;
	v7 =	vld.idx.msk [tilespmem:v8+s15+$0x0], $0xffff;
	v8 =	vor.u32 $0x52, v1  }
0x2f0: {  	v12 =	vld.idx.msk [tilespmem:v9+s14+$0x0], $0xffff  }
0x2f1: {  	v2 =	vadd.f32 v3, v2;
	v3 =	vmul.f32 v4, v13;
	v4 =	vld.idx.msk [tilespmem:v9+s15+$0x0], $0xffff;
	v9 =	vor.u32 $0x53, v1  }
0x2f2: {  	v13 =	vld.idx.msk [tilespmem:v6+s14+$0x0], $0xffff  }
0x2f3: {  	v2 =	vadd.f32 v3, v2;
	v3 =	vmul.f32 v5, v10;
	v5 =	vld.idx.msk [tilespmem:v6+s15+$0x0], $0xffff;
	v6 =	vor.u32 $0x54, v1  }
0x2f4: {  	v10 =	vld.idx.msk [tilespmem:v8+s14+$0x0], $0xffff  }
0x2f5: {  	v2 =	vadd.f32 v3, v2;
	v3 =	vmul.f32 v7, v11;
	v7 =	vld.idx.msk [tilespmem:v8+s15+$0x0], $0xffff;
	v8 =	vor.u32 $0x55, v1  }
0x2f6: {  	v11 =	vld.idx.msk [tilespmem:v9+s14+$0x0], $0xffff  }
0x2f7: {  	v2 =	vadd.f32 v3, v2;
	v3 =	vmul.f32 v4, v12;
	v4 =	vld.idx.msk [tilespmem:v9+s15+$0x0], $0xffff;
	v9 =	vor.u32 $0x56, v1  }
0x2f8: {  	v12 =	vld.idx.msk [tilespmem:v6+s14+$0x0], $0xffff  }
0x2f9: {  	v2 =	vadd.f32 v3, v2;
	v3 =	vmul.f32 v5, v13;
	v5 =	vld.idx.msk [tilespmem:v6+s15+$0x0], $0xffff;
	v6 =	vor.u32 $0x57, v1  }
0x2fa: {  	v13 =	vld.idx.msk [tilespmem:v8+s14+$0x0], $0xffff  }
0x2fb: {  	v2 =	vadd.f32 v3, v2;
	v3 =	vmul.f32 v7, v10;
	v7 =	vld.idx.msk [tilespmem:v8+s15+$0x0], $0xffff;
	v8 =	vor.u32 $0x58, v1  }
0x2fc: {  	v10 =	vld.idx.msk [tilespmem:v9+s14+$0x0], $0xffff  }
0x2fd: {  	v2 =	vadd.f32 v3, v2;
	v3 =	vmul.f32 v4, v11;
	v4 =	vld.idx.msk [tilespmem:v9+s15+$0x0], $0xffff;
	v9 =	vor.u32 $0x59, v1  }
0x2fe: {  	v11 =	vld.idx.msk [tilespmem:v6+s14+$0x0], $0xffff  }
0x2ff: {  	v2 =	vadd.f32 v3, v2;
	v3 =	vmul.f32 v5, v12;
	v5 =	vld.idx.msk [tilespmem:v6+s15+$0x0], $0xffff;
	v6 =	vor.u32 $0x5A, v1  }
0x300: {  	v12 =	vld.idx.msk [tilespmem:v8+s14+$0x0], $0xffff  }
0x301: {  	v2 =	vadd.f32 v3, v2;
	v3 =	vmul.f32 v7, v13;
	v7 =	vld.idx.msk [tilespmem:v8+s15+$0x0], $0xffff;
	v8 =	vor.u32 $0x5B, v1  }
0x302: {  	v13 =	vld.idx.msk [tilespmem:v9+s14+$0x0], $0xffff  }
0x303: {  	v2 =	vadd.f32 v3, v2;
	v3 =	vmul.f32 v4, v10;
	v4 =	vld.idx.msk [tilespmem:v9+s15+$0x0], $0xffff;
	v9 =	vor.u32 $0x5C, v1  }
0x304: {  	v10 =	vld.idx.msk [tilespmem:v6+s14+$0x0], $0xffff  }
0x305: {  	v2 =	vadd.f32 v3, v2;
	v3 =	vmul.f32 v5, v11;
	v5 =	vld.idx.msk [tilespmem:v6+s15+$0x0], $0xffff;
	v6 =	vor.u32 $0x5D, v1  }
0x306: {  	v11 =	vld.idx.msk [tilespmem:v8+s14+$0x0], $0xffff  }
0x307: {  	v2 =	vadd.f32 v3, v2;
	v3 =	vmul.f32 v7, v12;
	v7 =	vld.idx.msk [tilespmem:v8+s15+$0x0], $0xffff;
	v8 =	vor.u32 $0x5E, v1  }
0x308: {  	v12 =	vld.idx.msk [tilespmem:v9+s14+$0x0], $0xffff  }
0x309: {  	v2 =	vadd.f32 v3, v2;
	v3 =	vmul.f32 v4, v13;
	v4 =	vld.idx.msk [tilespmem:v9+s15+$0x0], $0xffff;
	v9 =	vor.u32 $0x5F, v1  }
0x30a: {  	v13 =	vld.idx.msk [tilespmem:v6+s14+$0x0], $0xffff  }
0x30b: {  	v2 =	vadd.f32 v3, v2;
	v3 =	vmul.f32 v5, v10;
	v5 =	vld.idx.msk [tilespmem:v6+s15+$0x0], $0xffff;
	v6 =	vor.u32 $0x60, v1  }
0x30c: {  	v10 =	vld.idx.msk [tilespmem:v8+s14+$0x0], $0xffff  }
0x30d: {  	v2 =	vadd.f32 v3, v2;
	v3 =	vmul.f32 v7, v11;
	v7 =	vld.idx.msk [tilespmem:v8+s15+$0x0], $0xffff;
	v8 =	vor.u32 $0x61, v1  }
0x30e: {  	v11 =	vld.idx.msk [tilespmem:v9+s14+$0x0], $0xffff  }
0x30f: {  	v2 =	vadd.f32 v3, v2;
	v3 =	vmul.f32 v4, v12;
	v4 =	vld.idx.msk [tilespmem:v9+s15+$0x0], $0xffff;
	v9 =	vor.u32 $0x62, v1  }
0x310: {  	v12 =	vld.idx.msk [tilespmem:v6+s14+$0x0], $0xffff  }
0x311: {  	v2 =	vadd.f32 v3, v2;
	v3 =	vmul.f32 v5, v13;
	v5 =	vld.idx.msk [tilespmem:v6+s15+$0x0], $0xffff;
	v6 =	vor.u32 $0x63, v1  }
0x312: {  	v13 =	vld.idx.msk [tilespmem:v8+s14+$0x0], $0xffff  }
0x313: {  	v2 =	vadd.f32 v3, v2;
	v3 =	vmul.f32 v7, v10;
	v7 =	vld.idx.msk [tilespmem:v8+s15+$0x0], $0xffff;
	v8 =	vor.u32 $0x64, v1  }
0x314: {  	v10 =	vld.idx.msk [tilespmem:v9+s14+$0x0], $0xffff  }
0x315: {  	v2 =	vadd.f32 v3, v2;
	v3 =	vmul.f32 v4, v11;
	v4 =	vld.idx.msk [tilespmem:v9+s15+$0x0], $0xffff;
	v9 =	vor.u32 $0x65, v1  }
0x316: {  	v11 =	vld.idx.msk [tilespmem:v6+s14+$0x0], $0xffff  }
0x317: {  	v2 =	vadd.f32 v3, v2;
	v3 =	vmul.f32 v5, v12;
	v5 =	vld.idx.msk [tilespmem:v6+s15+$0x0], $0xffff;
	v6 =	vor.u32 $0x66, v1  }
0x318: {  	v12 =	vld.idx.msk [tilespmem:v8+s14+$0x0], $0xffff  }
0x319: {  	v2 =	vadd.f32 v3, v2;
	v3 =	vmul.f32 v7, v13;
	v7 =	vld.idx.msk [tilespmem:v8+s15+$0x0], $0xffff;
	v8 =	vor.u32 $0x67, v1  }
0x31a: {  	v13 =	vld.idx.msk [tilespmem:v9+s14+$0x0], $0xffff  }
0x31b: {  	v2 =	vadd.f32 v3, v2;
	v3 =	vmul.f32 v4, v10;
	v4 =	vld.idx.msk [tilespmem:v9+s15+$0x0], $0xffff;
	v9 =	vor.u32 $0x68, v1  }
0x31c: {  	v10 =	vld.idx.msk [tilespmem:v6+s14+$0x0], $0xffff  }
0x31d: {  	v2 =	vadd.f32 v3, v2;
	v3 =	vmul.f32 v5, v11;
	v5 =	vld.idx.msk [tilespmem:v6+s15+$0x0], $0xffff;
	v6 =	vor.u32 $0x69, v1  }
0x31e: {  	v11 =	vld.idx.msk [tilespmem:v8+s14+$0x0], $0xffff  }
0x31f: {  	v2 =	vadd.f32 v3, v2;
	v3 =	vmul.f32 v7, v12;
	v7 =	vld.idx.msk [tilespmem:v8+s15+$0x0], $0xffff;
	v8 =	vor.u32 $0x6A, v1  }
0x320: {  	v12 =	vld.idx.msk [tilespmem:v9+s14+$0x0], $0xffff  }
0x321: {  	v2 =	vadd.f32 v3, v2;
	v3 =	vmul.f32 v4, v13;
	v4 =	vld.idx.msk [tilespmem:v9+s15+$0x0], $0xffff;
	v9 =	vor.u32 $0x6B, v1  }
0x322: {  	v13 =	vld.idx.msk [tilespmem:v6+s14+$0x0], $0xffff  }
0x323: {  	v2 =	vadd.f32 v3, v2;
	v3 =	vmul.f32 v5, v10;
	v5 =	vld.idx.msk [tilespmem:v6+s15+$0x0], $0xffff;
	v6 =	vor.u32 $0x6C, v1  }
0x324: {  	v10 =	vld.idx.msk [tilespmem:v8+s14+$0x0], $0xffff  }
0x325: {  	v2 =	vadd.f32 v3, v2;
	v3 =	vmul.f32 v7, v11;
	v7 =	vld.idx.msk [tilespmem:v8+s15+$0x0], $0xffff;
	v8 =	vor.u32 $0x6D, v1  }
0x326: {  	v11 =	vld.idx.msk [tilespmem:v9+s14+$0x0], $0xffff  }
0x327: {  	v2 =	vadd.f32 v3, v2;
	v3 =	vmul.f32 v4, v12;
	v4 =	vld.idx.msk [tilespmem:v9+s15+$0x0], $0xffff;
	v9 =	vor.u32 $0x6E, v1  }
0x328: {  	v12 =	vld.idx.msk [tilespmem:v6+s14+$0x0], $0xffff  }
0x329: {  	v2 =	vadd.f32 v3, v2;
	v3 =	vmul.f32 v5, v13;
	v5 =	vld.idx.msk [tilespmem:v6+s15+$0x0], $0xffff;
	v6 =	vor.u32 $0x6F, v1  }
0x32a: {  	v13 =	vld.idx.msk [tilespmem:v8+s14+$0x0], $0xffff  }
0x32b: {  	v2 =	vadd.f32 v3, v2;
	v3 =	vmul.f32 v7, v10;
	v7 =	vld.idx.msk [tilespmem:v8+s15+$0x0], $0xffff;
	v8 =	vor.u32 $0x70, v1  }
0x32c: {  	v10 =	vld.idx.msk [tilespmem:v9+s14+$0x0], $0xffff  }
0x32d: {  	v2 =	vadd.f32 v3, v2;
	v3 =	vmul.f32 v4, v11;
	v4 =	vld.idx.msk [tilespmem:v9+s15+$0x0], $0xffff;
	v9 =	vor.u32 $0x71, v1  }
0x32e: {  	v11 =	vld.idx.msk [tilespmem:v6+s14+$0x0], $0xffff  }
0x32f: {  	v2 =	vadd.f32 v3, v2;
	v3 =	vmul.f32 v5, v12;
	v5 =	vld.idx.msk [tilespmem:v6+s15+$0x0], $0xffff;
	v6 =	vor.u32 $0x72, v1  }
0x330: {  	v12 =	vld.idx.msk [tilespmem:v8+s14+$0x0], $0xffff  }
0x331: {  	v2 =	vadd.f32 v3, v2;
	v3 =	vmul.f32 v7, v13;
	v7 =	vld.idx.msk [tilespmem:v8+s15+$0x0], $0xffff;
	v8 =	vor.u32 $0x73, v1  }
0x332: {  	v13 =	vld.idx.msk [tilespmem:v9+s14+$0x0], $0xffff  }
0x333: {  	v2 =	vadd.f32 v3, v2;
	v3 =	vmul.f32 v4, v10;
	v4 =	vld.idx.msk [tilespmem:v9+s15+$0x0], $0xffff;
	v9 =	vor.u32 $0x74, v1  }
0x334: {  	v10 =	vld.idx.msk [tilespmem:v6+s14+$0x0], $0xffff  }
0x335: {  	v2 =	vadd.f32 v3, v2;
	v3 =	vmul.f32 v5, v11;
	v5 =	vld.idx.msk [tilespmem:v6+s15+$0x0], $0xffff;
	v6 =	vor.u32 $0x75, v1  }
0x336: {  	v11 =	vld.idx.msk [tilespmem:v8+s14+$0x0], $0xffff  }
0x337: {  	v2 =	vadd.f32 v3, v2;
	v3 =	vmul.f32 v7, v12;
	v7 =	vld.idx.msk [tilespmem:v8+s15+$0x0], $0xffff;
	v8 =	vor.u32 $0x76, v1  }
0x338: {  	v12 =	vld.idx.msk [tilespmem:v9+s14+$0x0], $0xffff  }
0x339: {  	v2 =	vadd.f32 v3, v2;
	v3 =	vmul.f32 v4, v13;
	v4 =	vld.idx.msk [tilespmem:v9+s15+$0x0], $0xffff;
	v9 =	vor.u32 $0x77, v1  }
0x33a: {  	v13 =	vld.idx.msk [tilespmem:v6+s14+$0x0], $0xffff  }
0x33b: {  	v2 =	vadd.f32 v3, v2;
	v3 =	vmul.f32 v5, v10;
	v5 =	vld.idx.msk [tilespmem:v6+s15+$0x0], $0xffff;
	v6 =	vor.u32 $0x78, v1  }
0x33c: {  	v10 =	vld.idx.msk [tilespmem:v8+s14+$0x0], $0xffff  }
0x33d: {  	v2 =	vadd.f32 v3, v2;
	v3 =	vmul.f32 v7, v11;
	v7 =	vld.idx.msk [tilespmem:v8+s15+$0x0], $0xffff;
	v8 =	vor.u32 $0x79, v1  }
0x33e: {  	v11 =	vld.idx.msk [tilespmem:v9+s14+$0x0], $0xffff  }
0x33f: {  	v2 =	vadd.f32 v3, v2;
	v3 =	vmul.f32 v4, v12;
	v4 =	vld.idx.msk [tilespmem:v9+s15+$0x0], $0xffff;
	v9 =	vor.u32 $0x7A, v1  }
0x340: {  	v12 =	vld.idx.msk [tilespmem:v6+s14+$0x0], $0xffff  }
0x341: {  	v2 =	vadd.f32 v3, v2;
	v3 =	vmul.f32 v5, v13;
	v5 =	vld.idx.msk [tilespmem:v6+s15+$0x0], $0xffff;
	v6 =	vor.u32 $0x7B, v1  }
0x342: {  	v13 =	vld.idx.msk [tilespmem:v8+s14+$0x0], $0xffff  }
0x343: {  	v2 =	vadd.f32 v3, v2;
	v3 =	vmul.f32 v7, v10;
	v7 =	vld.idx.msk [tilespmem:v8+s15+$0x0], $0xffff;
	v8 =	vor.u32 $0x7C, v1  }
0x344: {  	v10 =	vld.idx.msk [tilespmem:v9+s14+$0x0], $0xffff  }
0x345: {  	v2 =	vadd.f32 v3, v2;
	v3 =	vmul.f32 v4, v11;
	v4 =	vld.idx.msk [tilespmem:v9+s15+$0x0], $0xffff;
	v9 =	vor.u32 $0x7D, v1  }
0x346: {  	v11 =	vld.idx.msk [tilespmem:v6+s14+$0x0], $0xffff  }
0x347: {  	v2 =	vadd.f32 v3, v2;
	v3 =	vmul.f32 v5, v12;
	v5 =	vld.idx.msk [tilespmem:v6+s15+$0x0], $0xffff;
	v6 =	vor.u32 $0x7E, v1  }
0x348: {  	v12 =	vld.idx.msk [tilespmem:v8+s14+$0x0], $0xffff  }
0x349: {  	v1 =	vor.u32 $0x7F, v1;
	v2 =	vadd.f32 v3, v2;
	v3 =	vmul.f32 v7, v13;
	v7 =	vld.idx.msk [tilespmem:v8+s15+$0x0], $0xffff  }
0x34a: {  	v8 =	vld.idx.msk [tilespmem:v9+s14+$0x0], $0xffff  }
0x34b: {  	v2 =	vadd.f32 v3, v2;
	v3 =	vmul.f32 v4, v10;
	v4 =	vld.idx.msk [tilespmem:v9+s15+$0x0], $0xffff  }
0x34c: {  	v9 =	vld.idx.msk [tilespmem:v6+s14+$0x0], $0xffff  }
0x34d: {  	v3 =	vadd.f32 v3, v2;
	v5 =	vmul.f32 v5, v11;
	v6 =	vld.idx.msk [tilespmem:v6+s15+$0x0], $0xffff  }
0x34e: {  	v2 =	vld.idx.msk [tilespmem:v1+s14+$0x0], $0xffff  }
0x34f: {  	v5 =	vadd.f32 v5, v3;
	v7 =	vmul.f32 v7, v12;
	v3 =	vld.idx.msk [tilespmem:v1+s15+$0x0], $0xffff  }
.Ltmp5:
0x350: {  	(pc) =	sbr.rel @p1 .LBB2_4-.Ltmp5, $3  }
0x351: {  	v1 =	vadd.f32 v7, v5;
	v4 =	vmul.f32 v4, v8;
	_ =	sdelay $0x1  }
0x352: {  	v7 =	vmov s28;
	v4 =	vadd.f32 v4, v1;
	v5 =	vmul.f32 v6, v9  }
0x353: {  	s28 =	sadd.s32 $0x10, s28;
	v1 =	vshll.u32 v7, $0x7  }
0x354: {  	v1 =	vor.u32 v0, v1;
	v4 =	vadd.f32 v5, v4;
	v2 =	vmul.f32 v3, v2;
	_ =	sdelay $0x1  }
0x355: {  	v3 =	vor.u32 $0x1, v1;
	v2 =	vadd.f32 v2, v4  }
0x356: {  	s26 =	sadd.s32 $0x10, s26  }
0x357: {  	v31 =	vor.u32 $0x2, v1;
	[tilespmem:s26+$0x0] =	vst v2  }
0x358: {  	v2 =	vld.idx.msk [tilespmem:v1+s15+$0x0], $0xffff  }
0x359: {  	v6 =	vor.u32 $0x3, v1;
	v32 =	vld.idx.msk [tilespmem:v1+s14+$0x0], $0xffff  }
0x35a: {  	v7 =	vld.idx.msk [tilespmem:v3+s14+$0x0], $0xffff  }
0x35b: {  	v8 =	vor.u32 $0x4, v1;
	v3 =	vld.idx.msk [tilespmem:v3+s15+$0x0], $0xffff  }
0x35c: {  	v9 =	vld.idx.msk [tilespmem:v31+s14+$0x0], $0xffff  }
0x35d: {  	v10 =	vor.u32 $0x5, v1;
	v4 =	vld.idx.msk [tilespmem:v31+s15+$0x0], $0xffff  }
0x35e: {  	v11 =	vld.idx.msk [tilespmem:v6+s14+$0x0], $0xffff;
	v2 =	vmul.f32 v2, v32  }
0x35f: {  	v34 =	vor.u32 $0x6, v1;
	v33 =	vld.idx.msk [tilespmem:v6+s15+$0x0], $0xffff  }
0x360: {  	v12 =	vld.idx.msk [tilespmem:v8+s14+$0x0], $0xffff;
	v3 =	vmul.f32 v3, v7;
	v2 =	vadd.f32 $0.0e+00, v2  }
0x361: {  	v36 =	vor.u32 $0x7, v1;
	v35 =	vld.idx.msk [tilespmem:v8+s15+$0x0], $0xffff  }
0x362: {  	v13 =	vld.idx.msk [tilespmem:v10+s14+$0x0], $0xffff;
	v2 =	vadd.f32 v3, v2;
	v3 =	vmul.f32 v4, v9  }
0x363: {  	v38 =	vor.u32 $0x8, v1;
	v37 =	vld.idx.msk [tilespmem:v10+s15+$0x0], $0xffff  }
0x364: {  	v39 =	vld.idx.msk [tilespmem:v34+s14+$0x0], $0xffff;
	v2 =	vadd.f32 v3, v2;
	v3 =	vmul.f32 v33, v11  }
0x365: {  	v41 =	vor.u32 $0x9, v1;
	v40 =	vld.idx.msk [tilespmem:v34+s15+$0x0], $0xffff  }
0x366: {  	v42 =	vld.idx.msk [tilespmem:v36+s14+$0x0], $0xffff;
	v2 =	vadd.f32 v3, v2;
	v3 =	vmul.f32 v35, v12  }
0x367: {  	v44 =	vor.u32 $0xA, v1;
	v43 =	vld.idx.msk [tilespmem:v36+s15+$0x0], $0xffff  }
0x368: {  	v45 =	vld.idx.msk [tilespmem:v38+s14+$0x0], $0xffff;
	v2 =	vadd.f32 v3, v2;
	v3 =	vmul.f32 v37, v13  }
0x369: {  	v47 =	vor.u32 $0xB, v1;
	v46 =	vld.idx.msk [tilespmem:v38+s15+$0x0], $0xffff  }
0x36a: {  	v48 =	vld.idx.msk [tilespmem:v41+s14+$0x0], $0xffff;
	v2 =	vadd.f32 v3, v2;
	v3 =	vmul.f32 v40, v39  }
0x36b: {  	v50 =	vor.u32 $0xC, v1;
	v49 =	vld.idx.msk [tilespmem:v41+s15+$0x0], $0xffff  }
0x36c: {  	v51 =	vld.idx.msk [tilespmem:v44+s14+$0x0], $0xffff;
	v2 =	vadd.f32 v3, v2;
	v3 =	vmul.f32 v43, v42  }
0x36d: {  	v53 =	vor.u32 $0xD, v1;
	v52 =	vld.idx.msk [tilespmem:v44+s15+$0x0], $0xffff  }
0x36e: {  	v54 =	vld.idx.msk [tilespmem:v47+s14+$0x0], $0xffff;
	v2 =	vadd.f32 v3, v2;
	v3 =	vmul.f32 v46, v45  }
0x36f: {  	v56 =	vor.u32 $0xE, v1;
	v55 =	vld.idx.msk [tilespmem:v47+s15+$0x0], $0xffff  }
0x370: {  	v57 =	vld.idx.msk [tilespmem:v50+s14+$0x0], $0xffff;
	v2 =	vadd.f32 v3, v2;
	v3 =	vmul.f32 v49, v48  }
0x371: {  	v59 =	vor.u32 $0xF, v1;
	v58 =	vld.idx.msk [tilespmem:v50+s15+$0x0], $0xffff  }
0x372: {  	v60 =	vld.idx.msk [tilespmem:v53+s14+$0x0], $0xffff;
	v2 =	vadd.f32 v3, v2;
	v3 =	vmul.f32 v52, v51  }
0x373: {  	v62 =	vor.u32 $0x10, v1;
	v61 =	vld.idx.msk [tilespmem:v53+s15+$0x0], $0xffff  }
0x374: {  	v63 =	vld.idx.msk [tilespmem:v56+s14+$0x0], $0xffff;
	v2 =	vadd.f32 v3, v2;
	v3 =	vmul.f32 v55, v54  }
0x375: {  	v17 =	vor.u32 $0x11, v1;
	v16 =	vld.idx.msk [tilespmem:v56+s15+$0x0], $0xffff  }
0x376: {  	v18 =	vld.idx.msk [tilespmem:v59+s14+$0x0], $0xffff;
	v2 =	vadd.f32 v3, v2;
	v3 =	vmul.f32 v58, v57  }
0x377: {  	v20 =	vor.u32 $0x12, v1;
	v19 =	vld.idx.msk [tilespmem:v59+s15+$0x0], $0xffff  }
0x378: {  	v21 =	vld.idx.msk [tilespmem:v62+s14+$0x0], $0xffff;
	v2 =	vadd.f32 v3, v2;
	v3 =	vmul.f32 v61, v60  }
0x379: {  	v23 =	vor.u32 $0x13, v1;
	v22 =	vld.idx.msk [tilespmem:v62+s15+$0x0], $0xffff  }
0x37a: {  	v24 =	vld.idx.msk [tilespmem:v17+s14+$0x0], $0xffff;
	v2 =	vadd.f32 v3, v2;
	v3 =	vmul.f32 v16, v63  }
0x37b: {  	v26 =	vor.u32 $0x14, v1;
	v25 =	vld.idx.msk [tilespmem:v17+s15+$0x0], $0xffff  }
0x37c: {  	v27 =	vld.idx.msk [tilespmem:v20+s14+$0x0], $0xffff;
	v2 =	vadd.f32 v3, v2;
	v3 =	vmul.f32 v19, v18  }
0x37d: {  	v29 =	vor.u32 $0x15, v1;
	v28 =	vld.idx.msk [tilespmem:v20+s15+$0x0], $0xffff  }
0x37e: {  	v30 =	vld.idx.msk [tilespmem:v23+s14+$0x0], $0xffff;
	v2 =	vadd.f32 v3, v2;
	v3 =	vmul.f32 v22, v21  }
0x37f: {  	v31 =	vld.idx.msk [tilespmem:v23+s15+$0x0], $0xffff;
	v32 =	vor.u32 $0x16, v1  }
0x380: {  	v34 =	vld.idx.msk [tilespmem:v26+s15+$0x0], $0xffff;
	v2 =	vadd.f32 v3, v2;
	v3 =	vmul.f32 v25, v24  }
0x381: {  	v33 =	vld.idx.msk [tilespmem:v26+s14+$0x0], $0xffff;
	v35 =	vor.u32 $0x17, v1  }
0x382: {  	v36 =	vld.idx.msk [tilespmem:v29+s14+$0x0], $0xffff;
	v2 =	vadd.f32 v3, v2;
	v3 =	vmul.f32 v28, v27  }
0x383: {  	v38 =	vor.u32 $0x18, v1;
	v37 =	vld.idx.msk [tilespmem:v29+s15+$0x0], $0xffff  }
0x384: {  	v39 =	vld.idx.msk [tilespmem:v32+s14+$0x0], $0xffff;
	v2 =	vadd.f32 v3, v2;
	v3 =	vmul.f32 v31, v30  }
0x385: {  	v41 =	vor.u32 $0x19, v1;
	v40 =	vld.idx.msk [tilespmem:v32+s15+$0x0], $0xffff  }
0x386: {  	v42 =	vld.idx.msk [tilespmem:v35+s14+$0x0], $0xffff;
	v2 =	vadd.f32 v3, v2;
	v3 =	vmul.f32 v34, v33  }
0x387: {  	v44 =	vor.u32 $0x1A, v1;
	v43 =	vld.idx.msk [tilespmem:v35+s15+$0x0], $0xffff  }
0x388: {  	v45 =	vld.idx.msk [tilespmem:v38+s14+$0x0], $0xffff;
	v2 =	vadd.f32 v3, v2;
	v3 =	vmul.f32 v37, v36  }
0x389: {  	v47 =	vor.u32 $0x1B, v1;
	v46 =	vld.idx.msk [tilespmem:v38+s15+$0x0], $0xffff  }
0x38a: {  	v48 =	vld.idx.msk [tilespmem:v41+s14+$0x0], $0xffff;
	v2 =	vadd.f32 v3, v2;
	v3 =	vmul.f32 v40, v39  }
0x38b: {  	v50 =	vor.u32 $0x1C, v1;
	v49 =	vld.idx.msk [tilespmem:v41+s15+$0x0], $0xffff  }
0x38c: {  	v51 =	vld.idx.msk [tilespmem:v44+s14+$0x0], $0xffff;
	v2 =	vadd.f32 v3, v2;
	v3 =	vmul.f32 v43, v42  }
0x38d: {  	v53 =	vor.u32 $0x1D, v1;
	v52 =	vld.idx.msk [tilespmem:v44+s15+$0x0], $0xffff  }
0x38e: {  	v54 =	vld.idx.msk [tilespmem:v47+s14+$0x0], $0xffff;
	v2 =	vadd.f32 v3, v2;
	v3 =	vmul.f32 v46, v45  }
0x38f: {  	v56 =	vor.u32 $0x1E, v1;
	v55 =	vld.idx.msk [tilespmem:v47+s15+$0x0], $0xffff  }
0x390: {  	v57 =	vld.idx.msk [tilespmem:v50+s14+$0x0], $0xffff;
	v2 =	vadd.f32 v3, v2;
	v3 =	vmul.f32 v49, v48  }
0x391: {  	v59 =	vor.u32 $0x1F, v1;
	v58 =	vld.idx.msk [tilespmem:v50+s15+$0x0], $0xffff  }
0x392: {  	v60 =	vld.idx.msk [tilespmem:v53+s14+$0x0], $0xffff;
	v2 =	vadd.f32 v3, v2;
	v3 =	vmul.f32 v52, v51  }
0x393: {  	v62 =	vor.u32 $0x20, v1;
	v61 =	vld.idx.msk [tilespmem:v53+s15+$0x0], $0xffff  }
0x394: {  	v63 =	vld.idx.msk [tilespmem:v56+s14+$0x0], $0xffff;
	v2 =	vadd.f32 v3, v2;
	v3 =	vmul.f32 v55, v54  }
0x395: {  	v17 =	vor.u32 $0x21, v1;
	v16 =	vld.idx.msk [tilespmem:v56+s15+$0x0], $0xffff  }
0x396: {  	v18 =	vld.idx.msk [tilespmem:v59+s14+$0x0], $0xffff;
	v2 =	vadd.f32 v3, v2;
	v3 =	vmul.f32 v58, v57  }
0x397: {  	v20 =	vor.u32 $0x22, v1;
	v19 =	vld.idx.msk [tilespmem:v59+s15+$0x0], $0xffff  }
0x398: {  	v21 =	vld.idx.msk [tilespmem:v62+s14+$0x0], $0xffff;
	v2 =	vadd.f32 v3, v2;
	v3 =	vmul.f32 v61, v60  }
0x399: {  	v23 =	vor.u32 $0x23, v1;
	v22 =	vld.idx.msk [tilespmem:v62+s15+$0x0], $0xffff  }
0x39a: {  	v24 =	vld.idx.msk [tilespmem:v17+s14+$0x0], $0xffff;
	v2 =	vadd.f32 v3, v2;
	v3 =	vmul.f32 v16, v63  }
0x39b: {  	v26 =	vor.u32 $0x24, v1;
	v25 =	vld.idx.msk [tilespmem:v17+s15+$0x0], $0xffff  }
0x39c: {  	v27 =	vld.idx.msk [tilespmem:v20+s14+$0x0], $0xffff;
	v2 =	vadd.f32 v3, v2;
	v3 =	vmul.f32 v19, v18  }
0x39d: {  	v29 =	vor.u32 $0x25, v1;
	v28 =	vld.idx.msk [tilespmem:v20+s15+$0x0], $0xffff  }
0x39e: {  	v30 =	vld.idx.msk [tilespmem:v23+s14+$0x0], $0xffff;
	v2 =	vadd.f32 v3, v2;
	v3 =	vmul.f32 v22, v21  }
0x39f: {  	v32 =	vor.u32 $0x26, v1;
	v31 =	vld.idx.msk [tilespmem:v23+s15+$0x0], $0xffff  }
0x3a0: {  	v33 =	vld.idx.msk [tilespmem:v26+s14+$0x0], $0xffff;
	v2 =	vadd.f32 v3, v2;
	v3 =	vmul.f32 v25, v24  }
0x3a1: {  	v35 =	vor.u32 $0x27, v1;
	v34 =	vld.idx.msk [tilespmem:v26+s15+$0x0], $0xffff  }
0x3a2: {  	v36 =	vld.idx.msk [tilespmem:v29+s14+$0x0], $0xffff;
	v2 =	vadd.f32 v3, v2;
	v3 =	vmul.f32 v28, v27  }
0x3a3: {  	v38 =	vor.u32 $0x28, v1;
	v37 =	vld.idx.msk [tilespmem:v29+s15+$0x0], $0xffff  }
0x3a4: {  	v39 =	vld.idx.msk [tilespmem:v32+s14+$0x0], $0xffff;
	v2 =	vadd.f32 v3, v2;
	v3 =	vmul.f32 v31, v30  }
0x3a5: {  	v41 =	vor.u32 $0x29, v1;
	v40 =	vld.idx.msk [tilespmem:v32+s15+$0x0], $0xffff  }
0x3a6: {  	v42 =	vld.idx.msk [tilespmem:v35+s14+$0x0], $0xffff;
	v2 =	vadd.f32 v3, v2;
	v3 =	vmul.f32 v34, v33  }
0x3a7: {  	v44 =	vor.u32 $0x2A, v1;
	v43 =	vld.idx.msk [tilespmem:v35+s15+$0x0], $0xffff  }
0x3a8: {  	v45 =	vld.idx.msk [tilespmem:v38+s14+$0x0], $0xffff;
	v2 =	vadd.f32 v3, v2;
	v3 =	vmul.f32 v37, v36  }
0x3a9: {  	v47 =	vor.u32 $0x2B, v1;
	v46 =	vld.idx.msk [tilespmem:v38+s15+$0x0], $0xffff  }
0x3aa: {  	v48 =	vld.idx.msk [tilespmem:v41+s14+$0x0], $0xffff;
	v2 =	vadd.f32 v3, v2;
	v3 =	vmul.f32 v40, v39  }
0x3ab: {  	v50 =	vor.u32 $0x2C, v1;
	v49 =	vld.idx.msk [tilespmem:v41+s15+$0x0], $0xffff  }
0x3ac: {  	v51 =	vld.idx.msk [tilespmem:v44+s14+$0x0], $0xffff;
	v2 =	vadd.f32 v3, v2;
	v3 =	vmul.f32 v43, v42  }
0x3ad: {  	v53 =	vor.u32 $0x2D, v1;
	v52 =	vld.idx.msk [tilespmem:v44+s15+$0x0], $0xffff  }
0x3ae: {  	v54 =	vld.idx.msk [tilespmem:v47+s14+$0x0], $0xffff;
	v2 =	vadd.f32 v3, v2;
	v3 =	vmul.f32 v46, v45  }
0x3af: {  	v56 =	vor.u32 $0x2E, v1;
	v55 =	vld.idx.msk [tilespmem:v47+s15+$0x0], $0xffff  }
0x3b0: {  	v57 =	vld.idx.msk [tilespmem:v50+s14+$0x0], $0xffff;
	v2 =	vadd.f32 v3, v2;
	v3 =	vmul.f32 v49, v48  }
0x3b1: {  	v59 =	vor.u32 $0x2F, v1;
	v58 =	vld.idx.msk [tilespmem:v50+s15+$0x0], $0xffff  }
0x3b2: {  	v60 =	vld.idx.msk [tilespmem:v53+s14+$0x0], $0xffff;
	v2 =	vadd.f32 v3, v2;
	v3 =	vmul.f32 v52, v51  }
0x3b3: {  	v62 =	vor.u32 $0x30, v1;
	v61 =	vld.idx.msk [tilespmem:v53+s15+$0x0], $0xffff  }
0x3b4: {  	v63 =	vld.idx.msk [tilespmem:v56+s14+$0x0], $0xffff;
	v2 =	vadd.f32 v3, v2;
	v3 =	vmul.f32 v55, v54  }
0x3b5: {  	v17 =	vor.u32 $0x31, v1;
	v16 =	vld.idx.msk [tilespmem:v56+s15+$0x0], $0xffff  }
0x3b6: {  	v18 =	vld.idx.msk [tilespmem:v59+s14+$0x0], $0xffff;
	v2 =	vadd.f32 v3, v2;
	v3 =	vmul.f32 v58, v57  }
0x3b7: {  	v20 =	vor.u32 $0x32, v1;
	v19 =	vld.idx.msk [tilespmem:v59+s15+$0x0], $0xffff  }
0x3b8: {  	v21 =	vld.idx.msk [tilespmem:v62+s14+$0x0], $0xffff;
	v2 =	vadd.f32 v3, v2;
	v3 =	vmul.f32 v61, v60  }
0x3b9: {  	v23 =	vor.u32 $0x33, v1;
	v22 =	vld.idx.msk [tilespmem:v62+s15+$0x0], $0xffff  }
0x3ba: {  	v24 =	vld.idx.msk [tilespmem:v17+s14+$0x0], $0xffff;
	v2 =	vadd.f32 v3, v2;
	v3 =	vmul.f32 v16, v63  }
0x3bb: {  	v26 =	vor.u32 $0x34, v1;
	v25 =	vld.idx.msk [tilespmem:v17+s15+$0x0], $0xffff  }
0x3bc: {  	v27 =	vld.idx.msk [tilespmem:v20+s14+$0x0], $0xffff;
	v2 =	vadd.f32 v3, v2;
	v3 =	vmul.f32 v19, v18  }
0x3bd: {  	v29 =	vor.u32 $0x35, v1;
	v28 =	vld.idx.msk [tilespmem:v20+s15+$0x0], $0xffff  }
0x3be: {  	v30 =	vld.idx.msk [tilespmem:v23+s14+$0x0], $0xffff;
	v2 =	vadd.f32 v3, v2;
	v3 =	vmul.f32 v22, v21  }
0x3bf: {  	v32 =	vor.u32 $0x36, v1;
	v31 =	vld.idx.msk [tilespmem:v23+s15+$0x0], $0xffff  }
0x3c0: {  	v33 =	vld.idx.msk [tilespmem:v26+s14+$0x0], $0xffff;
	v2 =	vadd.f32 v3, v2;
	v3 =	vmul.f32 v25, v24  }
0x3c1: {  	v35 =	vor.u32 $0x37, v1;
	v34 =	vld.idx.msk [tilespmem:v26+s15+$0x0], $0xffff  }
0x3c2: {  	v36 =	vld.idx.msk [tilespmem:v29+s14+$0x0], $0xffff;
	v2 =	vadd.f32 v3, v2;
	v3 =	vmul.f32 v28, v27  }
0x3c3: {  	v38 =	vor.u32 $0x38, v1;
	v37 =	vld.idx.msk [tilespmem:v29+s15+$0x0], $0xffff  }
0x3c4: {  	v39 =	vld.idx.msk [tilespmem:v32+s14+$0x0], $0xffff;
	v2 =	vadd.f32 v3, v2;
	v3 =	vmul.f32 v31, v30  }
0x3c5: {  	v41 =	vor.u32 $0x39, v1;
	v40 =	vld.idx.msk [tilespmem:v32+s15+$0x0], $0xffff  }
0x3c6: {  	v42 =	vld.idx.msk [tilespmem:v35+s14+$0x0], $0xffff;
	v2 =	vadd.f32 v3, v2;
	v3 =	vmul.f32 v34, v33  }
0x3c7: {  	v44 =	vor.u32 $0x3A, v1;
	v43 =	vld.idx.msk [tilespmem:v35+s15+$0x0], $0xffff  }
0x3c8: {  	v45 =	vld.idx.msk [tilespmem:v38+s14+$0x0], $0xffff;
	v2 =	vadd.f32 v3, v2;
	v3 =	vmul.f32 v37, v36  }
0x3c9: {  	v47 =	vor.u32 $0x3B, v1;
	v46 =	vld.idx.msk [tilespmem:v38+s15+$0x0], $0xffff  }
0x3ca: {  	v48 =	vld.idx.msk [tilespmem:v41+s14+$0x0], $0xffff;
	v2 =	vadd.f32 v3, v2;
	v3 =	vmul.f32 v40, v39  }
0x3cb: {  	v50 =	vor.u32 $0x3C, v1;
	v49 =	vld.idx.msk [tilespmem:v41+s15+$0x0], $0xffff  }
0x3cc: {  	v51 =	vld.idx.msk [tilespmem:v44+s14+$0x0], $0xffff;
	v2 =	vadd.f32 v3, v2;
	v3 =	vmul.f32 v43, v42  }
0x3cd: {  	v53 =	vor.u32 $0x3D, v1;
	v52 =	vld.idx.msk [tilespmem:v44+s15+$0x0], $0xffff  }
0x3ce: {  	v54 =	vld.idx.msk [tilespmem:v47+s14+$0x0], $0xffff;
	v2 =	vadd.f32 v3, v2;
	v3 =	vmul.f32 v46, v45  }
0x3cf: {  	v56 =	vor.u32 $0x3E, v1;
	v55 =	vld.idx.msk [tilespmem:v47+s15+$0x0], $0xffff  }
0x3d0: {  	v57 =	vld.idx.msk [tilespmem:v50+s14+$0x0], $0xffff;
	v2 =	vadd.f32 v3, v2;
	v3 =	vmul.f32 v49, v48  }
0x3d1: {  	v59 =	vor.u32 $0x3F, v1;
	v58 =	vld.idx.msk [tilespmem:v50+s15+$0x0], $0xffff  }
0x3d2: {  	v60 =	vld.idx.msk [tilespmem:v53+s14+$0x0], $0xffff;
	v2 =	vadd.f32 v3, v2;
	v3 =	vmul.f32 v52, v51  }
0x3d3: {  	v62 =	vor.u32 $0x40, v1;
	v61 =	vld.idx.msk [tilespmem:v53+s15+$0x0], $0xffff  }
0x3d4: {  	v63 =	vld.idx.msk [tilespmem:v56+s14+$0x0], $0xffff;
	v2 =	vadd.f32 v3, v2;
	v3 =	vmul.f32 v55, v54  }
0x3d5: {  	v17 =	vor.u32 $0x41, v1;
	v16 =	vld.idx.msk [tilespmem:v56+s15+$0x0], $0xffff  }
0x3d6: {  	v18 =	vld.idx.msk [tilespmem:v59+s14+$0x0], $0xffff;
	v2 =	vadd.f32 v3, v2;
	v3 =	vmul.f32 v58, v57  }
0x3d7: {  	v20 =	vor.u32 $0x42, v1;
	v19 =	vld.idx.msk [tilespmem:v59+s15+$0x0], $0xffff  }
0x3d8: {  	v21 =	vld.idx.msk [tilespmem:v62+s14+$0x0], $0xffff;
	v2 =	vadd.f32 v3, v2;
	v3 =	vmul.f32 v61, v60  }
0x3d9: {  	v23 =	vor.u32 $0x43, v1;
	v22 =	vld.idx.msk [tilespmem:v62+s15+$0x0], $0xffff  }
0x3da: {  	v24 =	vld.idx.msk [tilespmem:v17+s14+$0x0], $0xffff;
	v2 =	vadd.f32 v3, v2;
	v3 =	vmul.f32 v16, v63  }
0x3db: {  	v26 =	vor.u32 $0x44, v1;
	v25 =	vld.idx.msk [tilespmem:v17+s15+$0x0], $0xffff  }
0x3dc: {  	v27 =	vld.idx.msk [tilespmem:v20+s14+$0x0], $0xffff;
	v2 =	vadd.f32 v3, v2;
	v3 =	vmul.f32 v19, v18  }
0x3dd: {  	v29 =	vor.u32 $0x45, v1;
	v28 =	vld.idx.msk [tilespmem:v20+s15+$0x0], $0xffff  }
0x3de: {  	v30 =	vld.idx.msk [tilespmem:v23+s14+$0x0], $0xffff;
	v2 =	vadd.f32 v3, v2;
	v3 =	vmul.f32 v22, v21  }
0x3df: {  	v32 =	vor.u32 $0x46, v1;
	v31 =	vld.idx.msk [tilespmem:v23+s15+$0x0], $0xffff  }
0x3e0: {  	v33 =	vld.idx.msk [tilespmem:v26+s14+$0x0], $0xffff;
	v2 =	vadd.f32 v3, v2;
	v3 =	vmul.f32 v25, v24  }
0x3e1: {  	v35 =	vor.u32 $0x47, v1;
	v34 =	vld.idx.msk [tilespmem:v26+s15+$0x0], $0xffff  }
0x3e2: {  	v36 =	vld.idx.msk [tilespmem:v29+s14+$0x0], $0xffff;
	v2 =	vadd.f32 v3, v2;
	v3 =	vmul.f32 v28, v27  }
0x3e3: {  	v38 =	vor.u32 $0x48, v1;
	v37 =	vld.idx.msk [tilespmem:v29+s15+$0x0], $0xffff  }
0x3e4: {  	v39 =	vld.idx.msk [tilespmem:v32+s14+$0x0], $0xffff;
	v2 =	vadd.f32 v3, v2;
	v3 =	vmul.f32 v31, v30  }
0x3e5: {  	v41 =	vor.u32 $0x49, v1;
	v40 =	vld.idx.msk [tilespmem:v32+s15+$0x0], $0xffff  }
0x3e6: {  	v42 =	vld.idx.msk [tilespmem:v35+s14+$0x0], $0xffff;
	v2 =	vadd.f32 v3, v2;
	v3 =	vmul.f32 v34, v33  }
0x3e7: {  	v44 =	vor.u32 $0x4A, v1;
	v43 =	vld.idx.msk [tilespmem:v35+s15+$0x0], $0xffff  }
0x3e8: {  	v45 =	vld.idx.msk [tilespmem:v38+s14+$0x0], $0xffff;
	v2 =	vadd.f32 v3, v2;
	v3 =	vmul.f32 v37, v36  }
0x3e9: {  	v47 =	vor.u32 $0x4B, v1;
	v46 =	vld.idx.msk [tilespmem:v38+s15+$0x0], $0xffff  }
0x3ea: {  	v48 =	vld.idx.msk [tilespmem:v41+s14+$0x0], $0xffff;
	v2 =	vadd.f32 v3, v2;
	v3 =	vmul.f32 v40, v39  }
0x3eb: {  	v50 =	vor.u32 $0x4C, v1;
	v49 =	vld.idx.msk [tilespmem:v41+s15+$0x0], $0xffff  }
0x3ec: {  	v51 =	vld.idx.msk [tilespmem:v44+s14+$0x0], $0xffff;
	v2 =	vadd.f32 v3, v2;
	v3 =	vmul.f32 v43, v42  }
0x3ed: {  	v53 =	vor.u32 $0x4D, v1;
	v52 =	vld.idx.msk [tilespmem:v44+s15+$0x0], $0xffff  }
0x3ee: {  	v54 =	vld.idx.msk [tilespmem:v47+s14+$0x0], $0xffff;
	v2 =	vadd.f32 v3, v2;
	v3 =	vmul.f32 v46, v45  }
0x3ef: {  	v56 =	vor.u32 $0x4E, v1;
	v55 =	vld.idx.msk [tilespmem:v47+s15+$0x0], $0xffff  }
0x3f0: {  	v57 =	vld.idx.msk [tilespmem:v50+s14+$0x0], $0xffff;
	v2 =	vadd.f32 v3, v2;
	v3 =	vmul.f32 v49, v48  }
0x3f1: {  	v59 =	vor.u32 $0x4F, v1;
	v58 =	vld.idx.msk [tilespmem:v50+s15+$0x0], $0xffff  }
0x3f2: {  	v60 =	vld.idx.msk [tilespmem:v53+s14+$0x0], $0xffff;
	v2 =	vadd.f32 v3, v2;
	v3 =	vmul.f32 v52, v51  }
0x3f3: {  	v62 =	vor.u32 $0x50, v1;
	v61 =	vld.idx.msk [tilespmem:v53+s15+$0x0], $0xffff  }
0x3f4: {  	v63 =	vld.idx.msk [tilespmem:v56+s14+$0x0], $0xffff;
	v2 =	vadd.f32 v3, v2;
	v3 =	vmul.f32 v55, v54  }
0x3f5: {  	v17 =	vor.u32 $0x51, v1;
	v16 =	vld.idx.msk [tilespmem:v56+s15+$0x0], $0xffff  }
0x3f6: {  	v18 =	vld.idx.msk [tilespmem:v59+s14+$0x0], $0xffff;
	v2 =	vadd.f32 v3, v2;
	v3 =	vmul.f32 v58, v57  }
0x3f7: {  	v20 =	vor.u32 $0x52, v1;
	v19 =	vld.idx.msk [tilespmem:v59+s15+$0x0], $0xffff  }
0x3f8: {  	v21 =	vld.idx.msk [tilespmem:v62+s14+$0x0], $0xffff;
	v2 =	vadd.f32 v3, v2;
	v3 =	vmul.f32 v61, v60  }
0x3f9: {  	v23 =	vor.u32 $0x53, v1;
	v22 =	vld.idx.msk [tilespmem:v62+s15+$0x0], $0xffff  }
0x3fa: {  	v24 =	vld.idx.msk [tilespmem:v17+s14+$0x0], $0xffff;
	v2 =	vadd.f32 v3, v2;
	v3 =	vmul.f32 v16, v63  }
0x3fb: {  	v26 =	vor.u32 $0x54, v1;
	v25 =	vld.idx.msk [tilespmem:v17+s15+$0x0], $0xffff  }
0x3fc: {  	v27 =	vld.idx.msk [tilespmem:v20+s14+$0x0], $0xffff;
	v2 =	vadd.f32 v3, v2;
	v3 =	vmul.f32 v19, v18  }
0x3fd: {  	v29 =	vor.u32 $0x55, v1;
	v28 =	vld.idx.msk [tilespmem:v20+s15+$0x0], $0xffff  }
0x3fe: {  	v30 =	vld.idx.msk [tilespmem:v23+s14+$0x0], $0xffff;
	v2 =	vadd.f32 v3, v2;
	v3 =	vmul.f32 v22, v21  }
0x3ff: {  	v32 =	vor.u32 $0x56, v1;
	v31 =	vld.idx.msk [tilespmem:v23+s15+$0x0], $0xffff  }
0x400: {  	v33 =	vld.idx.msk [tilespmem:v26+s14+$0x0], $0xffff;
	v2 =	vadd.f32 v3, v2;
	v3 =	vmul.f32 v25, v24  }
0x401: {  	v35 =	vor.u32 $0x57, v1;
	v34 =	vld.idx.msk [tilespmem:v26+s15+$0x0], $0xffff  }
0x402: {  	v36 =	vld.idx.msk [tilespmem:v29+s14+$0x0], $0xffff;
	v2 =	vadd.f32 v3, v2;
	v3 =	vmul.f32 v28, v27  }
0x403: {  	v38 =	vor.u32 $0x58, v1;
	v37 =	vld.idx.msk [tilespmem:v29+s15+$0x0], $0xffff  }
0x404: {  	v39 =	vld.idx.msk [tilespmem:v32+s14+$0x0], $0xffff;
	v2 =	vadd.f32 v3, v2;
	v3 =	vmul.f32 v31, v30  }
0x405: {  	v41 =	vor.u32 $0x59, v1;
	v40 =	vld.idx.msk [tilespmem:v32+s15+$0x0], $0xffff  }
0x406: {  	v42 =	vld.idx.msk [tilespmem:v35+s14+$0x0], $0xffff;
	v2 =	vadd.f32 v3, v2;
	v3 =	vmul.f32 v34, v33  }
0x407: {  	v44 =	vor.u32 $0x5A, v1;
	v43 =	vld.idx.msk [tilespmem:v35+s15+$0x0], $0xffff  }
0x408: {  	v45 =	vld.idx.msk [tilespmem:v38+s14+$0x0], $0xffff;
	v2 =	vadd.f32 v3, v2;
	v3 =	vmul.f32 v37, v36  }
0x409: {  	v47 =	vor.u32 $0x5B, v1;
	v46 =	vld.idx.msk [tilespmem:v38+s15+$0x0], $0xffff  }
0x40a: {  	v48 =	vld.idx.msk [tilespmem:v41+s14+$0x0], $0xffff;
	v2 =	vadd.f32 v3, v2;
	v3 =	vmul.f32 v40, v39  }
0x40b: {  	v50 =	vor.u32 $0x5C, v1;
	v49 =	vld.idx.msk [tilespmem:v41+s15+$0x0], $0xffff  }
0x40c: {  	v51 =	vld.idx.msk [tilespmem:v44+s14+$0x0], $0xffff;
	v2 =	vadd.f32 v3, v2;
	v3 =	vmul.f32 v43, v42  }
0x40d: {  	v53 =	vor.u32 $0x5D, v1;
	v52 =	vld.idx.msk [tilespmem:v44+s15+$0x0], $0xffff  }
0x40e: {  	v54 =	vld.idx.msk [tilespmem:v47+s14+$0x0], $0xffff;
	v2 =	vadd.f32 v3, v2;
	v3 =	vmul.f32 v46, v45  }
0x40f: {  	v56 =	vor.u32 $0x5E, v1;
	v55 =	vld.idx.msk [tilespmem:v47+s15+$0x0], $0xffff  }
0x410: {  	v57 =	vld.idx.msk [tilespmem:v50+s14+$0x0], $0xffff;
	v2 =	vadd.f32 v3, v2;
	v3 =	vmul.f32 v49, v48  }
0x411: {  	v59 =	vor.u32 $0x5F, v1;
	v58 =	vld.idx.msk [tilespmem:v50+s15+$0x0], $0xffff  }
0x412: {  	v60 =	vld.idx.msk [tilespmem:v53+s14+$0x0], $0xffff;
	v2 =	vadd.f32 v3, v2;
	v3 =	vmul.f32 v52, v51  }
0x413: {  	v62 =	vor.u32 $0x60, v1;
	v61 =	vld.idx.msk [tilespmem:v53+s15+$0x0], $0xffff  }
0x414: {  	v63 =	vld.idx.msk [tilespmem:v56+s14+$0x0], $0xffff;
	v2 =	vadd.f32 v3, v2;
	v3 =	vmul.f32 v55, v54  }
0x415: {  	v17 =	vor.u32 $0x61, v1;
	v16 =	vld.idx.msk [tilespmem:v56+s15+$0x0], $0xffff  }
0x416: {  	v18 =	vld.idx.msk [tilespmem:v59+s14+$0x0], $0xffff;
	v2 =	vadd.f32 v3, v2;
	v3 =	vmul.f32 v58, v57  }
0x417: {  	v20 =	vor.u32 $0x62, v1;
	v19 =	vld.idx.msk [tilespmem:v59+s15+$0x0], $0xffff  }
0x418: {  	v21 =	vld.idx.msk [tilespmem:v62+s14+$0x0], $0xffff;
	v2 =	vadd.f32 v3, v2;
	v3 =	vmul.f32 v61, v60  }
0x419: {  	v23 =	vor.u32 $0x63, v1;
	v22 =	vld.idx.msk [tilespmem:v62+s15+$0x0], $0xffff  }
0x41a: {  	v24 =	vld.idx.msk [tilespmem:v17+s14+$0x0], $0xffff;
	v2 =	vadd.f32 v3, v2;
	v3 =	vmul.f32 v16, v63  }
0x41b: {  	v26 =	vor.u32 $0x64, v1;
	v25 =	vld.idx.msk [tilespmem:v17+s15+$0x0], $0xffff  }
0x41c: {  	v27 =	vld.idx.msk [tilespmem:v20+s14+$0x0], $0xffff;
	v2 =	vadd.f32 v3, v2;
	v3 =	vmul.f32 v19, v18  }
0x41d: {  	v29 =	vor.u32 $0x65, v1;
	v28 =	vld.idx.msk [tilespmem:v20+s15+$0x0], $0xffff  }
0x41e: {  	v30 =	vld.idx.msk [tilespmem:v23+s14+$0x0], $0xffff;
	v2 =	vadd.f32 v3, v2;
	v3 =	vmul.f32 v22, v21  }
0x41f: {  	v32 =	vor.u32 $0x66, v1;
	v31 =	vld.idx.msk [tilespmem:v23+s15+$0x0], $0xffff  }
0x420: {  	v33 =	vld.idx.msk [tilespmem:v26+s14+$0x0], $0xffff;
	v2 =	vadd.f32 v3, v2;
	v3 =	vmul.f32 v25, v24  }
0x421: {  	v35 =	vor.u32 $0x67, v1;
	v34 =	vld.idx.msk [tilespmem:v26+s15+$0x0], $0xffff  }
0x422: {  	v36 =	vld.idx.msk [tilespmem:v29+s14+$0x0], $0xffff;
	v2 =	vadd.f32 v3, v2;
	v3 =	vmul.f32 v28, v27  }
0x423: {  	v38 =	vor.u32 $0x68, v1;
	v37 =	vld.idx.msk [tilespmem:v29+s15+$0x0], $0xffff  }
0x424: {  	v39 =	vld.idx.msk [tilespmem:v32+s14+$0x0], $0xffff;
	v2 =	vadd.f32 v3, v2;
	v3 =	vmul.f32 v31, v30  }
0x425: {  	v41 =	vor.u32 $0x69, v1;
	v40 =	vld.idx.msk [tilespmem:v32+s15+$0x0], $0xffff  }
0x426: {  	v42 =	vld.idx.msk [tilespmem:v35+s14+$0x0], $0xffff;
	v2 =	vadd.f32 v3, v2;
	v3 =	vmul.f32 v34, v33  }
0x427: {  	v44 =	vor.u32 $0x6A, v1;
	v43 =	vld.idx.msk [tilespmem:v35+s15+$0x0], $0xffff  }
0x428: {  	v45 =	vld.idx.msk [tilespmem:v38+s14+$0x0], $0xffff;
	v2 =	vadd.f32 v3, v2;
	v3 =	vmul.f32 v37, v36  }
0x429: {  	v47 =	vor.u32 $0x6B, v1;
	v46 =	vld.idx.msk [tilespmem:v38+s15+$0x0], $0xffff  }
0x42a: {  	v48 =	vld.idx.msk [tilespmem:v41+s14+$0x0], $0xffff;
	v2 =	vadd.f32 v3, v2;
	v3 =	vmul.f32 v40, v39  }
0x42b: {  	v50 =	vor.u32 $0x6C, v1;
	v49 =	vld.idx.msk [tilespmem:v41+s15+$0x0], $0xffff  }
0x42c: {  	v51 =	vld.idx.msk [tilespmem:v44+s14+$0x0], $0xffff;
	v2 =	vadd.f32 v3, v2;
	v3 =	vmul.f32 v43, v42  }
0x42d: {  	v53 =	vor.u32 $0x6D, v1;
	v52 =	vld.idx.msk [tilespmem:v44+s15+$0x0], $0xffff  }
0x42e: {  	v54 =	vld.idx.msk [tilespmem:v47+s14+$0x0], $0xffff;
	v2 =	vadd.f32 v3, v2;
	v3 =	vmul.f32 v46, v45  }
0x42f: {  	v56 =	vor.u32 $0x6E, v1;
	v55 =	vld.idx.msk [tilespmem:v47+s15+$0x0], $0xffff  }
0x430: {  	v57 =	vld.idx.msk [tilespmem:v50+s14+$0x0], $0xffff;
	v2 =	vadd.f32 v3, v2;
	v3 =	vmul.f32 v49, v48  }
0x431: {  	v59 =	vor.u32 $0x6F, v1;
	v58 =	vld.idx.msk [tilespmem:v50+s15+$0x0], $0xffff  }
0x432: {  	v60 =	vld.idx.msk [tilespmem:v53+s14+$0x0], $0xffff;
	v2 =	vadd.f32 v3, v2;
	v3 =	vmul.f32 v52, v51  }
0x433: {  	v62 =	vor.u32 $0x70, v1;
	v61 =	vld.idx.msk [tilespmem:v53+s15+$0x0], $0xffff  }
0x434: {  	v63 =	vld.idx.msk [tilespmem:v56+s14+$0x0], $0xffff;
	v2 =	vadd.f32 v3, v2;
	v3 =	vmul.f32 v55, v54  }
0x435: {  	v17 =	vor.u32 $0x71, v1;
	v16 =	vld.idx.msk [tilespmem:v56+s15+$0x0], $0xffff  }
0x436: {  	v18 =	vld.idx.msk [tilespmem:v59+s14+$0x0], $0xffff;
	v2 =	vadd.f32 v3, v2;
	v3 =	vmul.f32 v58, v57  }
0x437: {  	v20 =	vor.u32 $0x72, v1;
	v19 =	vld.idx.msk [tilespmem:v59+s15+$0x0], $0xffff  }
0x438: {  	v21 =	vld.idx.msk [tilespmem:v62+s14+$0x0], $0xffff;
	v2 =	vadd.f32 v3, v2;
	v3 =	vmul.f32 v61, v60  }
0x439: {  	v23 =	vor.u32 $0x73, v1;
	v22 =	vld.idx.msk [tilespmem:v62+s15+$0x0], $0xffff  }
0x43a: {  	v24 =	vld.idx.msk [tilespmem:v17+s14+$0x0], $0xffff;
	v2 =	vadd.f32 v3, v2;
	v3 =	vmul.f32 v16, v63  }
0x43b: {  	v26 =	vor.u32 $0x74, v1;
	v25 =	vld.idx.msk [tilespmem:v17+s15+$0x0], $0xffff  }
0x43c: {  	v27 =	vld.idx.msk [tilespmem:v20+s14+$0x0], $0xffff;
	v2 =	vadd.f32 v3, v2;
	v3 =	vmul.f32 v19, v18  }
0x43d: {  	v29 =	vor.u32 $0x75, v1;
	v28 =	vld.idx.msk [tilespmem:v20+s15+$0x0], $0xffff  }
0x43e: {  	v30 =	vld.idx.msk [tilespmem:v23+s14+$0x0], $0xffff;
	v2 =	vadd.f32 v3, v2;
	v3 =	vmul.f32 v22, v21  }
0x43f: {  	v32 =	vor.u32 $0x76, v1;
	v31 =	vld.idx.msk [tilespmem:v23+s15+$0x0], $0xffff  }
0x440: {  	v33 =	vld.idx.msk [tilespmem:v26+s14+$0x0], $0xffff;
	v2 =	vadd.f32 v3, v2;
	v3 =	vmul.f32 v25, v24  }
0x441: {  	v35 =	vor.u32 $0x77, v1;
	v34 =	vld.idx.msk [tilespmem:v26+s15+$0x0], $0xffff  }
0x442: {  	v36 =	vld.idx.msk [tilespmem:v29+s14+$0x0], $0xffff;
	v2 =	vadd.f32 v3, v2;
	v3 =	vmul.f32 v28, v27  }
0x443: {  	v38 =	vor.u32 $0x78, v1;
	v37 =	vld.idx.msk [tilespmem:v29+s15+$0x0], $0xffff  }
0x444: {  	v39 =	vld.idx.msk [tilespmem:v32+s14+$0x0], $0xffff;
	v2 =	vadd.f32 v3, v2;
	v3 =	vmul.f32 v31, v30  }
0x445: {  	v41 =	vor.u32 $0x79, v1;
	v40 =	vld.idx.msk [tilespmem:v32+s15+$0x0], $0xffff  }
0x446: {  	v42 =	vld.idx.msk [tilespmem:v35+s14+$0x0], $0xffff;
	v2 =	vadd.f32 v3, v2;
	v3 =	vmul.f32 v34, v33  }
0x447: {  	v44 =	vor.u32 $0x7A, v1;
	v43 =	vld.idx.msk [tilespmem:v35+s15+$0x0], $0xffff  }
0x448: {  	v45 =	vld.idx.msk [tilespmem:v38+s14+$0x0], $0xffff;
	v2 =	vadd.f32 v3, v2;
	v3 =	vmul.f32 v37, v36  }
0x449: {  	v47 =	vor.u32 $0x7B, v1;
	v46 =	vld.idx.msk [tilespmem:v38+s15+$0x0], $0xffff  }
0x44a: {  	v48 =	vld.idx.msk [tilespmem:v41+s14+$0x0], $0xffff;
	v2 =	vadd.f32 v3, v2;
	v3 =	vmul.f32 v40, v39  }
0x44b: {  	v50 =	vor.u32 $0x7C, v1;
	v49 =	vld.idx.msk [tilespmem:v41+s15+$0x0], $0xffff  }
0x44c: {  	v51 =	vld.idx.msk [tilespmem:v44+s14+$0x0], $0xffff;
	v2 =	vadd.f32 v3, v2;
	v3 =	vmul.f32 v43, v42  }
0x44d: {  	v53 =	vor.u32 $0x7D, v1;
	v52 =	vld.idx.msk [tilespmem:v44+s15+$0x0], $0xffff  }
0x44e: {  	v54 =	vld.idx.msk [tilespmem:v47+s14+$0x0], $0xffff;
	v2 =	vadd.f32 v3, v2;
	v3 =	vmul.f32 v46, v45  }
0x44f: {  	v56 =	vor.u32 $0x7E, v1;
	v55 =	vld.idx.msk [tilespmem:v47+s15+$0x0], $0xffff  }
0x450: {  	v57 =	vld.idx.msk [tilespmem:v50+s14+$0x0], $0xffff;
	v2 =	vadd.f32 v3, v2;
	v3 =	vmul.f32 v49, v48  }
0x451: {  	v1 =	vor.u32 $0x7F, v1;
	v58 =	vld.idx.msk [tilespmem:v50+s15+$0x0], $0xffff  }
0x452: {  	v59 =	vld.idx.msk [tilespmem:v53+s14+$0x0], $0xffff;
	v2 =	vadd.f32 v3, v2;
	v3 =	vmul.f32 v52, v51  }
0x453: {  	v60 =	vld.idx.msk [tilespmem:v53+s15+$0x0], $0xffff  }
0x454: {  	v62 =	vld.idx.msk [tilespmem:v56+s15+$0x0], $0xffff;
	v2 =	vadd.f32 v3, v2;
	v3 =	vmul.f32 v55, v54  }
0x455: {  	v61 =	vld.idx.msk [tilespmem:v56+s14+$0x0], $0xffff  }
0x456: {  	v63 =	vld.idx.msk [tilespmem:v1+s14+$0x0], $0xffff;
	v2 =	vadd.f32 v3, v2;
	v3 =	vmul.f32 v58, v57  }
0x457: {  	v1 =	vld.idx.msk [tilespmem:v1+s15+$0x0], $0xffff  }
0x458: {  	v2 =	vadd.f32 v3, v2;
	v3 =	vmul.f32 v60, v59;
	_ =	sdelay $0x1  }
0x459: {  	v2 =	vadd.f32 v3, v2;
	v3 =	vmul.f32 v62, v61;
	_ =	sdelay $0x1  }
0x45a: {  	v1 =	vmul.f32 v1, v63;
	v2 =	vadd.f32 v3, v2;
	_ =	sdelay $0x1  }
0x45b: {  	s28 =	sshll.u32 s25, $0x4;
	v1 =	vadd.f32 v1, v2  }
0x45c: {  	p1 =	sgt.u32 s25, $0x983;
	s29 =	sand.u32 $0xFD80, s28;
	s26 =	sadd.s32 $0x10, s26  }
.Ltmp6:
0x45d: {  	s31 =	sadd.s32 s29, s10;
	[tilespmem:s26+$0x0] =	vst v1;
	(pc) =	sbr.rel @p1 .LBB2_7-.Ltmp6, $4  }
0x45e: {  	[hbm4b:s31+s4] =	stream.linear.scatter [tilespmem:s17], [sflag:$0x4], $0x80, $0x38;
	[tilespmem:$0x10280] =	vst v63  }
0x45f: {  	_ =	swait.ge [sflag:s18], $0x80  }
0x460: {  	[sflag:s18] =	ssyncset.done $0x0  }
0x461: {  	[sflag:s18] =	ssyncadd.s32 $0xFFFFFF80  }
0x462: {  	s25 =	sadd.s32 $0x400, s28  }
0x463: {  	s25 =	sand.u32 $0x1FF80, s25  }
0x464: {  	s25 =	sor.u32 s7, s25  }
0x465: {  	s26 =	sadd.s32 s6, s25  }
0x466: {  	[tilespmem:s4], [sflag:$0x4] =	stream.linear.gather [hbm4b:s26+s4], $0x80, $0x38;
	[tilespmem:$0x10280] =	vst v63  }
0x467: {  	_ =	swait.ge [sflag:s18], $0x80  }
0x468: {  	[sflag:s18] =	ssyncset.done $0x0  }
0x469: {  	s25 =	sadd.s32 s3, s25;
	[sflag:s18] =	ssyncadd.s32 $0xFFFFFF80  }
0x46a: {  	[tilespmem:s13], [sflag:$0x4] =	stream.linear.gather [hbm4b:s25+s4], $0x80, $0x38;
	[tilespmem:$0x10280] =	vst v63  }
0x46b: {  	_ =	swait.ge [sflag:s18], $0x80  }
.Ltmp7:
0x46c: {  	[sflag:s18] =	ssyncset.done $0x0;
	(pc) =	sbr.rel .LBB2_8-.Ltmp7, $4  }
0x46d: {  	[sflag:s18] =	ssyncadd.s32 $0xFFFFFF80  }
0x46e: {  	[tilespmem:s14], [sflag:$0x1] =	stream.indirect.gather [hbm4b:s1+s13], $0x80, s4, s13, $0xb8;
	[tilespmem:$0x10280] =	vst v63  }
0x46f: {  	_ = 	snop  }
0x470: {  	[tilespmem:s15], [sflag:$0x1] =	stream.indirect.gather [hbm4b:s1+s13], $0x80, s13, s13, $0xb8;
	[tilespmem:$0x10280] =	vst v63  }
.LBB2_7:
.Ltmp8:
0x471: {  	(pc) =	sbr.rel @p0 .LBB2_11-.Ltmp8, $1  }
0x472: {  	_ =	sdelay $0x3  }
.LBB2_8:
0x473: {  	s25 =	simm.s32 $0x0  }
0x474: {  	v1 =	vmov s25  }
0x475: {  	_ =	swait.ge [sflag:s19], $0x4000;
	v1 =	vshll.u32 v1, $0x7  }
0x476: {  	[sflag:s19] =	ssyncset.done $0x0;
	v1 =	vor.u32 v0, v1  }
0x477: {  	[sflag:s19] =	ssyncadd.s32 $0xFFFFC000  }
0x478: {  	_ =	swait.ge [sflag:s19], $0x4000;
	v2 =	vor.u32 $0x1, v1  }
0x479: {  	[sflag:s19] =	ssyncset.done $0x0  }
0x47a: {  	v3 =	vor.u32 $0x2, v1;
	[sflag:s19] =	ssyncadd.s32 $0xFFFFC000  }
0x47b: {  	v4 =	vld.idx.msk [tilespmem:v1+s21+$0x0], $0xffff  }
0x47c: {  	v6 =	vor.u32 $0x3, v1;
	v5 =	vld.idx.msk [tilespmem:v1+s20+$0x0], $0xffff  }
0x47d: {  	v7 =	vld.idx.msk [tilespmem:v2+s20+$0x0], $0xffff  }
0x47e: {  	v8 =	vor.u32 $0x4, v1;
	v2 =	vld.idx.msk [tilespmem:v2+s21+$0x0], $0xffff  }
0x47f: {  	v9 =	vld.idx.msk [tilespmem:v3+s20+$0x0], $0xffff  }
0x480: {  	v10 =	vor.u32 $0x5, v1;
	v3 =	vld.idx.msk [tilespmem:v3+s21+$0x0], $0xffff  }
0x481: {  	v11 =	vld.idx.msk [tilespmem:v6+s20+$0x0], $0xffff;
	v4 =	vmul.f32 v4, v5  }
0x482: {  	v5 =	vld.idx.msk [tilespmem:v6+s21+$0x0], $0xffff;
	v6 =	vor.u32 $0x6, v1  }
0x483: {  	v12 =	vld.idx.msk [tilespmem:v8+s20+$0x0], $0xffff;
	v2 =	vmul.f32 v2, v7;
	v4 =	vadd.f32 $0.0e+00, v4  }
0x484: {  	v40 =	vor.u32 $0x7, v1;
	v7 =	vld.idx.msk [tilespmem:v8+s21+$0x0], $0xffff  }
0x485: {  	v13 =	vld.idx.msk [tilespmem:v10+s20+$0x0], $0xffff;
	v3 =	vmul.f32 v3, v9;
	v2 =	vadd.f32 v2, v4  }
0x486: {  	v41 =	vor.u32 $0x8, v1;
	v4 =	vld.idx.msk [tilespmem:v10+s21+$0x0], $0xffff  }
0x487: {  	v42 =	vld.idx.msk [tilespmem:v6+s20+$0x0], $0xffff;
	v2 =	vadd.f32 v3, v2;
	v3 =	vmul.f32 v5, v11  }
0x488: {  	v5 =	vld.idx.msk [tilespmem:v6+s21+$0x0], $0xffff;
	v6 =	vor.u32 $0x9, v1  }
0x489: {  	v43 =	vld.idx.msk [tilespmem:v40+s20+$0x0], $0xffff;
	v2 =	vadd.f32 v3, v2;
	v3 =	vmul.f32 v7, v12  }
0x48a: {  	v44 =	vor.u32 $0xA, v1;
	v7 =	vld.idx.msk [tilespmem:v40+s21+$0x0], $0xffff  }
0x48b: {  	v45 =	vld.idx.msk [tilespmem:v41+s20+$0x0], $0xffff;
	v2 =	vadd.f32 v3, v2;
	v3 =	vmul.f32 v4, v13  }
0x48c: {  	v46 =	vor.u32 $0xB, v1;
	v4 =	vld.idx.msk [tilespmem:v41+s21+$0x0], $0xffff  }
0x48d: {  	v47 =	vld.idx.msk [tilespmem:v6+s20+$0x0], $0xffff;
	v2 =	vadd.f32 v3, v2;
	v3 =	vmul.f32 v5, v42  }
0x48e: {  	v5 =	vld.idx.msk [tilespmem:v6+s21+$0x0], $0xffff;
	v6 =	vor.u32 $0xC, v1  }
0x48f: {  	v48 =	vld.idx.msk [tilespmem:v44+s20+$0x0], $0xffff;
	v2 =	vadd.f32 v3, v2;
	v3 =	vmul.f32 v7, v43  }
0x490: {  	v49 =	vor.u32 $0xD, v1;
	v7 =	vld.idx.msk [tilespmem:v44+s21+$0x0], $0xffff  }
0x491: {  	v50 =	vld.idx.msk [tilespmem:v46+s20+$0x0], $0xffff;
	v2 =	vadd.f32 v3, v2;
	v3 =	vmul.f32 v4, v45  }
0x492: {  	v51 =	vor.u32 $0xE, v1;
	v4 =	vld.idx.msk [tilespmem:v46+s21+$0x0], $0xffff  }
0x493: {  	v52 =	vld.idx.msk [tilespmem:v6+s20+$0x0], $0xffff;
	v2 =	vadd.f32 v3, v2;
	v3 =	vmul.f32 v5, v47  }
0x494: {  	v5 =	vld.idx.msk [tilespmem:v6+s21+$0x0], $0xffff;
	v6 =	vor.u32 $0xF, v1  }
0x495: {  	v53 =	vld.idx.msk [tilespmem:v49+s20+$0x0], $0xffff;
	v2 =	vadd.f32 v3, v2;
	v3 =	vmul.f32 v7, v48  }
0x496: {  	v54 =	vor.u32 $0x10, v1;
	v7 =	vld.idx.msk [tilespmem:v49+s21+$0x0], $0xffff  }
0x497: {  	v55 =	vld.idx.msk [tilespmem:v51+s20+$0x0], $0xffff;
	v2 =	vadd.f32 v3, v2;
	v3 =	vmul.f32 v4, v50  }
0x498: {  	v56 =	vor.u32 $0x11, v1;
	v4 =	vld.idx.msk [tilespmem:v51+s21+$0x0], $0xffff  }
0x499: {  	v57 =	vld.idx.msk [tilespmem:v6+s20+$0x0], $0xffff;
	v2 =	vadd.f32 v3, v2;
	v3 =	vmul.f32 v5, v52  }
0x49a: {  	v5 =	vld.idx.msk [tilespmem:v6+s21+$0x0], $0xffff;
	v6 =	vor.u32 $0x12, v1  }
0x49b: {  	v58 =	vld.idx.msk [tilespmem:v54+s20+$0x0], $0xffff;
	v2 =	vadd.f32 v3, v2;
	v3 =	vmul.f32 v7, v53  }
0x49c: {  	v59 =	vor.u32 $0x13, v1;
	v7 =	vld.idx.msk [tilespmem:v54+s21+$0x0], $0xffff  }
0x49d: {  	v60 =	vld.idx.msk [tilespmem:v56+s20+$0x0], $0xffff;
	v2 =	vadd.f32 v3, v2;
	v3 =	vmul.f32 v4, v55  }
0x49e: {  	v61 =	vor.u32 $0x14, v1;
	v4 =	vld.idx.msk [tilespmem:v56+s21+$0x0], $0xffff  }
0x49f: {  	v62 =	vld.idx.msk [tilespmem:v6+s20+$0x0], $0xffff;
	v2 =	vadd.f32 v3, v2;
	v3 =	vmul.f32 v5, v57  }
0x4a0: {  	v5 =	vld.idx.msk [tilespmem:v6+s21+$0x0], $0xffff;
	v6 =	vor.u32 $0x15, v1  }
0x4a1: {  	v63 =	vld.idx.msk [tilespmem:v59+s20+$0x0], $0xffff;
	v2 =	vadd.f32 v3, v2;
	v3 =	vmul.f32 v7, v58  }
0x4a2: {  	v16 =	vor.u32 $0x16, v1;
	v7 =	vld.idx.msk [tilespmem:v59+s21+$0x0], $0xffff  }
0x4a3: {  	v17 =	vld.idx.msk [tilespmem:v61+s20+$0x0], $0xffff;
	v2 =	vadd.f32 v3, v2;
	v3 =	vmul.f32 v4, v60  }
0x4a4: {  	v18 =	vor.u32 $0x17, v1;
	v4 =	vld.idx.msk [tilespmem:v61+s21+$0x0], $0xffff  }
0x4a5: {  	v19 =	vld.idx.msk [tilespmem:v6+s20+$0x0], $0xffff;
	v2 =	vadd.f32 v3, v2;
	v3 =	vmul.f32 v5, v62  }
0x4a6: {  	v5 =	vld.idx.msk [tilespmem:v6+s21+$0x0], $0xffff;
	v6 =	vor.u32 $0x18, v1  }
0x4a7: {  	v20 =	vld.idx.msk [tilespmem:v16+s20+$0x0], $0xffff;
	v2 =	vadd.f32 v3, v2;
	v3 =	vmul.f32 v7, v63  }
0x4a8: {  	v21 =	vor.u32 $0x19, v1;
	v7 =	vld.idx.msk [tilespmem:v16+s21+$0x0], $0xffff  }
0x4a9: {  	v22 =	vld.idx.msk [tilespmem:v18+s20+$0x0], $0xffff;
	v2 =	vadd.f32 v3, v2;
	v3 =	vmul.f32 v4, v17  }
0x4aa: {  	v23 =	vor.u32 $0x1A, v1;
	v4 =	vld.idx.msk [tilespmem:v18+s21+$0x0], $0xffff  }
0x4ab: {  	v24 =	vld.idx.msk [tilespmem:v6+s20+$0x0], $0xffff;
	v2 =	vadd.f32 v3, v2;
	v3 =	vmul.f32 v5, v19  }
0x4ac: {  	v5 =	vld.idx.msk [tilespmem:v6+s21+$0x0], $0xffff;
	v6 =	vor.u32 $0x1B, v1  }
0x4ad: {  	v25 =	vld.idx.msk [tilespmem:v21+s20+$0x0], $0xffff;
	v2 =	vadd.f32 v3, v2;
	v3 =	vmul.f32 v7, v20  }
0x4ae: {  	v26 =	vor.u32 $0x1C, v1;
	v7 =	vld.idx.msk [tilespmem:v21+s21+$0x0], $0xffff  }
0x4af: {  	v27 =	vld.idx.msk [tilespmem:v23+s20+$0x0], $0xffff;
	v2 =	vadd.f32 v3, v2;
	v3 =	vmul.f32 v4, v22  }
0x4b0: {  	v28 =	vor.u32 $0x1D, v1;
	v4 =	vld.idx.msk [tilespmem:v23+s21+$0x0], $0xffff  }
0x4b1: {  	v29 =	vld.idx.msk [tilespmem:v6+s20+$0x0], $0xffff;
	v2 =	vadd.f32 v3, v2;
	v3 =	vmul.f32 v5, v24  }
0x4b2: {  	v5 =	vld.idx.msk [tilespmem:v6+s21+$0x0], $0xffff;
	v6 =	vor.u32 $0x1E, v1  }
0x4b3: {  	v30 =	vld.idx.msk [tilespmem:v26+s20+$0x0], $0xffff;
	v2 =	vadd.f32 v3, v2;
	v3 =	vmul.f32 v7, v25  }
0x4b4: {  	v31 =	vor.u32 $0x1F, v1;
	v7 =	vld.idx.msk [tilespmem:v26+s21+$0x0], $0xffff  }
0x4b5: {  	v32 =	vld.idx.msk [tilespmem:v28+s20+$0x0], $0xffff;
	v2 =	vadd.f32 v3, v2;
	v3 =	vmul.f32 v4, v27  }
0x4b6: {  	v33 =	vor.u32 $0x20, v1;
	v4 =	vld.idx.msk [tilespmem:v28+s21+$0x0], $0xffff  }
0x4b7: {  	v34 =	vld.idx.msk [tilespmem:v6+s20+$0x0], $0xffff;
	v2 =	vadd.f32 v3, v2;
	v3 =	vmul.f32 v5, v29  }
0x4b8: {  	v5 =	vld.idx.msk [tilespmem:v6+s21+$0x0], $0xffff;
	v6 =	vor.u32 $0x21, v1  }
0x4b9: {  	v35 =	vld.idx.msk [tilespmem:v31+s20+$0x0], $0xffff;
	v2 =	vadd.f32 v3, v2;
	v3 =	vmul.f32 v7, v30  }
0x4ba: {  	v36 =	vor.u32 $0x22, v1;
	v7 =	vld.idx.msk [tilespmem:v31+s21+$0x0], $0xffff  }
0x4bb: {  	v37 =	vld.idx.msk [tilespmem:v33+s20+$0x0], $0xffff;
	v2 =	vadd.f32 v3, v2;
	v3 =	vmul.f32 v4, v32  }
0x4bc: {  	v38 =	vor.u32 $0x23, v1;
	v4 =	vld.idx.msk [tilespmem:v33+s21+$0x0], $0xffff  }
0x4bd: {  	v39 =	vld.idx.msk [tilespmem:v6+s20+$0x0], $0xffff;
	v2 =	vadd.f32 v3, v2;
	v3 =	vmul.f32 v5, v34  }
0x4be: {  	v5 =	vld.idx.msk [tilespmem:v6+s21+$0x0], $0xffff;
	v6 =	vor.u32 $0x24, v1  }
0x4bf: {  	v40 =	vld.idx.msk [tilespmem:v36+s20+$0x0], $0xffff;
	v2 =	vadd.f32 v3, v2;
	v3 =	vmul.f32 v7, v35  }
0x4c0: {  	v41 =	vor.u32 $0x25, v1;
	v7 =	vld.idx.msk [tilespmem:v36+s21+$0x0], $0xffff  }
0x4c1: {  	v42 =	vld.idx.msk [tilespmem:v38+s20+$0x0], $0xffff;
	v2 =	vadd.f32 v3, v2;
	v3 =	vmul.f32 v4, v37  }
0x4c2: {  	v43 =	vor.u32 $0x26, v1;
	v4 =	vld.idx.msk [tilespmem:v38+s21+$0x0], $0xffff  }
0x4c3: {  	v44 =	vld.idx.msk [tilespmem:v6+s20+$0x0], $0xffff;
	v2 =	vadd.f32 v3, v2;
	v3 =	vmul.f32 v5, v39  }
0x4c4: {  	v5 =	vld.idx.msk [tilespmem:v6+s21+$0x0], $0xffff;
	v6 =	vor.u32 $0x27, v1  }
0x4c5: {  	v45 =	vld.idx.msk [tilespmem:v41+s20+$0x0], $0xffff;
	v2 =	vadd.f32 v3, v2;
	v3 =	vmul.f32 v7, v40  }
0x4c6: {  	v46 =	vor.u32 $0x28, v1;
	v7 =	vld.idx.msk [tilespmem:v41+s21+$0x0], $0xffff  }
0x4c7: {  	v47 =	vld.idx.msk [tilespmem:v43+s20+$0x0], $0xffff;
	v2 =	vadd.f32 v3, v2;
	v3 =	vmul.f32 v4, v42  }
0x4c8: {  	v48 =	vor.u32 $0x29, v1;
	v4 =	vld.idx.msk [tilespmem:v43+s21+$0x0], $0xffff  }
0x4c9: {  	v49 =	vld.idx.msk [tilespmem:v6+s20+$0x0], $0xffff;
	v2 =	vadd.f32 v3, v2;
	v3 =	vmul.f32 v5, v44  }
0x4ca: {  	v5 =	vld.idx.msk [tilespmem:v6+s21+$0x0], $0xffff;
	v6 =	vor.u32 $0x2A, v1  }
0x4cb: {  	v50 =	vld.idx.msk [tilespmem:v46+s20+$0x0], $0xffff;
	v2 =	vadd.f32 v3, v2;
	v3 =	vmul.f32 v7, v45  }
0x4cc: {  	v51 =	vor.u32 $0x2B, v1;
	v7 =	vld.idx.msk [tilespmem:v46+s21+$0x0], $0xffff  }
0x4cd: {  	v52 =	vld.idx.msk [tilespmem:v48+s20+$0x0], $0xffff;
	v2 =	vadd.f32 v3, v2;
	v3 =	vmul.f32 v4, v47  }
0x4ce: {  	v53 =	vor.u32 $0x2C, v1;
	v4 =	vld.idx.msk [tilespmem:v48+s21+$0x0], $0xffff  }
0x4cf: {  	v54 =	vld.idx.msk [tilespmem:v6+s20+$0x0], $0xffff;
	v2 =	vadd.f32 v3, v2;
	v3 =	vmul.f32 v5, v49  }
0x4d0: {  	v5 =	vld.idx.msk [tilespmem:v6+s21+$0x0], $0xffff;
	v6 =	vor.u32 $0x2D, v1  }
0x4d1: {  	v55 =	vld.idx.msk [tilespmem:v51+s20+$0x0], $0xffff;
	v2 =	vadd.f32 v3, v2;
	v3 =	vmul.f32 v7, v50  }
0x4d2: {  	v56 =	vor.u32 $0x2E, v1;
	v7 =	vld.idx.msk [tilespmem:v51+s21+$0x0], $0xffff  }
0x4d3: {  	v57 =	vld.idx.msk [tilespmem:v53+s20+$0x0], $0xffff;
	v2 =	vadd.f32 v3, v2;
	v3 =	vmul.f32 v4, v52  }
0x4d4: {  	v58 =	vor.u32 $0x2F, v1;
	v4 =	vld.idx.msk [tilespmem:v53+s21+$0x0], $0xffff  }
0x4d5: {  	v59 =	vld.idx.msk [tilespmem:v6+s20+$0x0], $0xffff;
	v2 =	vadd.f32 v3, v2;
	v3 =	vmul.f32 v5, v54  }
0x4d6: {  	v5 =	vld.idx.msk [tilespmem:v6+s21+$0x0], $0xffff;
	v6 =	vor.u32 $0x30, v1  }
0x4d7: {  	v60 =	vld.idx.msk [tilespmem:v56+s20+$0x0], $0xffff;
	v2 =	vadd.f32 v3, v2;
	v3 =	vmul.f32 v7, v55  }
0x4d8: {  	v61 =	vor.u32 $0x31, v1;
	v7 =	vld.idx.msk [tilespmem:v56+s21+$0x0], $0xffff  }
0x4d9: {  	v62 =	vld.idx.msk [tilespmem:v58+s20+$0x0], $0xffff;
	v2 =	vadd.f32 v3, v2;
	v3 =	vmul.f32 v4, v57  }
0x4da: {  	v63 =	vor.u32 $0x32, v1;
	v4 =	vld.idx.msk [tilespmem:v58+s21+$0x0], $0xffff  }
0x4db: {  	v16 =	vld.idx.msk [tilespmem:v6+s20+$0x0], $0xffff;
	v2 =	vadd.f32 v3, v2;
	v3 =	vmul.f32 v5, v59  }
0x4dc: {  	v5 =	vld.idx.msk [tilespmem:v6+s21+$0x0], $0xffff;
	v6 =	vor.u32 $0x33, v1  }
0x4dd: {  	v17 =	vld.idx.msk [tilespmem:v61+s20+$0x0], $0xffff;
	v2 =	vadd.f32 v3, v2;
	v3 =	vmul.f32 v7, v60  }
0x4de: {  	v18 =	vor.u32 $0x34, v1;
	v7 =	vld.idx.msk [tilespmem:v61+s21+$0x0], $0xffff  }
0x4df: {  	v19 =	vld.idx.msk [tilespmem:v63+s20+$0x0], $0xffff;
	v2 =	vadd.f32 v3, v2;
	v3 =	vmul.f32 v4, v62  }
0x4e0: {  	v20 =	vor.u32 $0x35, v1;
	v4 =	vld.idx.msk [tilespmem:v63+s21+$0x0], $0xffff  }
0x4e1: {  	v21 =	vld.idx.msk [tilespmem:v6+s20+$0x0], $0xffff;
	v2 =	vadd.f32 v3, v2;
	v3 =	vmul.f32 v5, v16  }
0x4e2: {  	v5 =	vld.idx.msk [tilespmem:v6+s21+$0x0], $0xffff;
	v6 =	vor.u32 $0x36, v1  }
0x4e3: {  	v22 =	vld.idx.msk [tilespmem:v18+s20+$0x0], $0xffff;
	v2 =	vadd.f32 v3, v2;
	v3 =	vmul.f32 v7, v17  }
0x4e4: {  	v23 =	vor.u32 $0x37, v1;
	v7 =	vld.idx.msk [tilespmem:v18+s21+$0x0], $0xffff  }
0x4e5: {  	v24 =	vld.idx.msk [tilespmem:v20+s20+$0x0], $0xffff;
	v2 =	vadd.f32 v3, v2;
	v3 =	vmul.f32 v4, v19  }
0x4e6: {  	v25 =	vor.u32 $0x38, v1;
	v4 =	vld.idx.msk [tilespmem:v20+s21+$0x0], $0xffff  }
0x4e7: {  	v26 =	vld.idx.msk [tilespmem:v6+s20+$0x0], $0xffff;
	v2 =	vadd.f32 v3, v2;
	v3 =	vmul.f32 v5, v21  }
0x4e8: {  	v5 =	vld.idx.msk [tilespmem:v6+s21+$0x0], $0xffff;
	v6 =	vor.u32 $0x39, v1  }
0x4e9: {  	v27 =	vld.idx.msk [tilespmem:v23+s20+$0x0], $0xffff;
	v2 =	vadd.f32 v3, v2;
	v3 =	vmul.f32 v7, v22  }
0x4ea: {  	v28 =	vor.u32 $0x3A, v1;
	v7 =	vld.idx.msk [tilespmem:v23+s21+$0x0], $0xffff  }
0x4eb: {  	v29 =	vld.idx.msk [tilespmem:v25+s20+$0x0], $0xffff;
	v2 =	vadd.f32 v3, v2;
	v3 =	vmul.f32 v4, v24  }
0x4ec: {  	v30 =	vor.u32 $0x3B, v1;
	v4 =	vld.idx.msk [tilespmem:v25+s21+$0x0], $0xffff  }
0x4ed: {  	v31 =	vld.idx.msk [tilespmem:v6+s20+$0x0], $0xffff;
	v2 =	vadd.f32 v3, v2;
	v3 =	vmul.f32 v5, v26  }
0x4ee: {  	v5 =	vld.idx.msk [tilespmem:v6+s21+$0x0], $0xffff;
	v6 =	vor.u32 $0x3C, v1  }
0x4ef: {  	v32 =	vld.idx.msk [tilespmem:v28+s20+$0x0], $0xffff;
	v2 =	vadd.f32 v3, v2;
	v3 =	vmul.f32 v7, v27  }
0x4f0: {  	v33 =	vor.u32 $0x3D, v1;
	v7 =	vld.idx.msk [tilespmem:v28+s21+$0x0], $0xffff  }
0x4f1: {  	v34 =	vld.idx.msk [tilespmem:v30+s20+$0x0], $0xffff;
	v2 =	vadd.f32 v3, v2;
	v3 =	vmul.f32 v4, v29  }
0x4f2: {  	v35 =	vor.u32 $0x3E, v1;
	v4 =	vld.idx.msk [tilespmem:v30+s21+$0x0], $0xffff  }
0x4f3: {  	v36 =	vld.idx.msk [tilespmem:v6+s20+$0x0], $0xffff;
	v2 =	vadd.f32 v3, v2;
	v3 =	vmul.f32 v5, v31  }
0x4f4: {  	v5 =	vld.idx.msk [tilespmem:v6+s21+$0x0], $0xffff;
	v6 =	vor.u32 $0x3F, v1  }
0x4f5: {  	v37 =	vld.idx.msk [tilespmem:v33+s20+$0x0], $0xffff;
	v2 =	vadd.f32 v3, v2;
	v3 =	vmul.f32 v7, v32  }
0x4f6: {  	v38 =	vor.u32 $0x40, v1;
	v7 =	vld.idx.msk [tilespmem:v33+s21+$0x0], $0xffff  }
0x4f7: {  	v39 =	vld.idx.msk [tilespmem:v35+s20+$0x0], $0xffff;
	v2 =	vadd.f32 v3, v2;
	v3 =	vmul.f32 v4, v34  }
0x4f8: {  	v40 =	vor.u32 $0x41, v1;
	v4 =	vld.idx.msk [tilespmem:v35+s21+$0x0], $0xffff  }
0x4f9: {  	v41 =	vld.idx.msk [tilespmem:v6+s20+$0x0], $0xffff;
	v2 =	vadd.f32 v3, v2;
	v3 =	vmul.f32 v5, v36  }
0x4fa: {  	v5 =	vld.idx.msk [tilespmem:v6+s21+$0x0], $0xffff;
	v6 =	vor.u32 $0x42, v1  }
0x4fb: {  	v42 =	vld.idx.msk [tilespmem:v38+s20+$0x0], $0xffff;
	v2 =	vadd.f32 v3, v2;
	v3 =	vmul.f32 v7, v37  }
0x4fc: {  	v43 =	vor.u32 $0x43, v1;
	v7 =	vld.idx.msk [tilespmem:v38+s21+$0x0], $0xffff  }
0x4fd: {  	v44 =	vld.idx.msk [tilespmem:v40+s20+$0x0], $0xffff;
	v2 =	vadd.f32 v3, v2;
	v3 =	vmul.f32 v4, v39  }
0x4fe: {  	v45 =	vor.u32 $0x44, v1;
	v4 =	vld.idx.msk [tilespmem:v40+s21+$0x0], $0xffff  }
0x4ff: {  	v46 =	vld.idx.msk [tilespmem:v6+s20+$0x0], $0xffff;
	v2 =	vadd.f32 v3, v2;
	v3 =	vmul.f32 v5, v41  }
0x500: {  	v5 =	vld.idx.msk [tilespmem:v6+s21+$0x0], $0xffff;
	v6 =	vor.u32 $0x45, v1  }
0x501: {  	v47 =	vld.idx.msk [tilespmem:v43+s20+$0x0], $0xffff;
	v2 =	vadd.f32 v3, v2;
	v3 =	vmul.f32 v7, v42  }
0x502: {  	v48 =	vor.u32 $0x46, v1;
	v7 =	vld.idx.msk [tilespmem:v43+s21+$0x0], $0xffff  }
0x503: {  	v49 =	vld.idx.msk [tilespmem:v45+s20+$0x0], $0xffff;
	v2 =	vadd.f32 v3, v2;
	v3 =	vmul.f32 v4, v44  }
0x504: {  	v50 =	vor.u32 $0x47, v1;
	v4 =	vld.idx.msk [tilespmem:v45+s21+$0x0], $0xffff  }
0x505: {  	v51 =	vld.idx.msk [tilespmem:v6+s20+$0x0], $0xffff;
	v2 =	vadd.f32 v3, v2;
	v3 =	vmul.f32 v5, v46  }
0x506: {  	v5 =	vld.idx.msk [tilespmem:v6+s21+$0x0], $0xffff;
	v6 =	vor.u32 $0x48, v1  }
0x507: {  	v52 =	vld.idx.msk [tilespmem:v48+s20+$0x0], $0xffff;
	v2 =	vadd.f32 v3, v2;
	v3 =	vmul.f32 v7, v47  }
0x508: {  	v53 =	vor.u32 $0x49, v1;
	v7 =	vld.idx.msk [tilespmem:v48+s21+$0x0], $0xffff  }
0x509: {  	v54 =	vld.idx.msk [tilespmem:v50+s20+$0x0], $0xffff;
	v2 =	vadd.f32 v3, v2;
	v3 =	vmul.f32 v4, v49  }
0x50a: {  	v55 =	vor.u32 $0x4A, v1;
	v4 =	vld.idx.msk [tilespmem:v50+s21+$0x0], $0xffff  }
0x50b: {  	v56 =	vld.idx.msk [tilespmem:v6+s20+$0x0], $0xffff;
	v2 =	vadd.f32 v3, v2;
	v3 =	vmul.f32 v5, v51  }
0x50c: {  	v5 =	vld.idx.msk [tilespmem:v6+s21+$0x0], $0xffff;
	v6 =	vor.u32 $0x4B, v1  }
0x50d: {  	v57 =	vld.idx.msk [tilespmem:v53+s20+$0x0], $0xffff;
	v2 =	vadd.f32 v3, v2;
	v3 =	vmul.f32 v7, v52  }
0x50e: {  	v58 =	vor.u32 $0x4C, v1;
	v7 =	vld.idx.msk [tilespmem:v53+s21+$0x0], $0xffff  }
0x50f: {  	v59 =	vld.idx.msk [tilespmem:v55+s20+$0x0], $0xffff;
	v2 =	vadd.f32 v3, v2;
	v3 =	vmul.f32 v4, v54  }
0x510: {  	v60 =	vor.u32 $0x4D, v1;
	v4 =	vld.idx.msk [tilespmem:v55+s21+$0x0], $0xffff  }
0x511: {  	v61 =	vld.idx.msk [tilespmem:v6+s20+$0x0], $0xffff;
	v2 =	vadd.f32 v3, v2;
	v3 =	vmul.f32 v5, v56  }
0x512: {  	v5 =	vld.idx.msk [tilespmem:v6+s21+$0x0], $0xffff;
	v6 =	vor.u32 $0x4E, v1  }
0x513: {  	v62 =	vld.idx.msk [tilespmem:v58+s20+$0x0], $0xffff;
	v2 =	vadd.f32 v3, v2;
	v3 =	vmul.f32 v7, v57  }
0x514: {  	v63 =	vor.u32 $0x4F, v1;
	v7 =	vld.idx.msk [tilespmem:v58+s21+$0x0], $0xffff  }
0x515: {  	v16 =	vld.idx.msk [tilespmem:v60+s20+$0x0], $0xffff;
	v2 =	vadd.f32 v3, v2;
	v3 =	vmul.f32 v4, v59  }
0x516: {  	v17 =	vor.u32 $0x50, v1;
	v4 =	vld.idx.msk [tilespmem:v60+s21+$0x0], $0xffff  }
0x517: {  	v18 =	vld.idx.msk [tilespmem:v6+s20+$0x0], $0xffff;
	v2 =	vadd.f32 v3, v2;
	v3 =	vmul.f32 v5, v61  }
0x518: {  	v5 =	vld.idx.msk [tilespmem:v6+s21+$0x0], $0xffff;
	v6 =	vor.u32 $0x51, v1  }
0x519: {  	v19 =	vld.idx.msk [tilespmem:v63+s20+$0x0], $0xffff;
	v2 =	vadd.f32 v3, v2;
	v3 =	vmul.f32 v7, v62  }
0x51a: {  	v20 =	vor.u32 $0x52, v1;
	v7 =	vld.idx.msk [tilespmem:v63+s21+$0x0], $0xffff  }
0x51b: {  	v21 =	vld.idx.msk [tilespmem:v17+s20+$0x0], $0xffff;
	v2 =	vadd.f32 v3, v2;
	v3 =	vmul.f32 v4, v16  }
0x51c: {  	v22 =	vor.u32 $0x53, v1;
	v4 =	vld.idx.msk [tilespmem:v17+s21+$0x0], $0xffff  }
0x51d: {  	v23 =	vld.idx.msk [tilespmem:v6+s20+$0x0], $0xffff;
	v2 =	vadd.f32 v3, v2;
	v3 =	vmul.f32 v5, v18  }
0x51e: {  	v5 =	vld.idx.msk [tilespmem:v6+s21+$0x0], $0xffff;
	v6 =	vor.u32 $0x54, v1  }
0x51f: {  	v24 =	vld.idx.msk [tilespmem:v20+s20+$0x0], $0xffff;
	v2 =	vadd.f32 v3, v2;
	v3 =	vmul.f32 v7, v19  }
0x520: {  	v25 =	vor.u32 $0x55, v1;
	v7 =	vld.idx.msk [tilespmem:v20+s21+$0x0], $0xffff  }
0x521: {  	v26 =	vld.idx.msk [tilespmem:v22+s20+$0x0], $0xffff;
	v2 =	vadd.f32 v3, v2;
	v3 =	vmul.f32 v4, v21  }
0x522: {  	v27 =	vor.u32 $0x56, v1;
	v4 =	vld.idx.msk [tilespmem:v22+s21+$0x0], $0xffff  }
0x523: {  	v28 =	vld.idx.msk [tilespmem:v6+s20+$0x0], $0xffff;
	v2 =	vadd.f32 v3, v2;
	v3 =	vmul.f32 v5, v23  }
0x524: {  	v5 =	vld.idx.msk [tilespmem:v6+s21+$0x0], $0xffff;
	v6 =	vor.u32 $0x57, v1  }
0x525: {  	v29 =	vld.idx.msk [tilespmem:v25+s20+$0x0], $0xffff;
	v2 =	vadd.f32 v3, v2;
	v3 =	vmul.f32 v7, v24  }
0x526: {  	v30 =	vor.u32 $0x58, v1;
	v7 =	vld.idx.msk [tilespmem:v25+s21+$0x0], $0xffff  }
0x527: {  	v31 =	vld.idx.msk [tilespmem:v27+s20+$0x0], $0xffff;
	v2 =	vadd.f32 v3, v2;
	v3 =	vmul.f32 v4, v26  }
0x528: {  	v32 =	vor.u32 $0x59, v1;
	v4 =	vld.idx.msk [tilespmem:v27+s21+$0x0], $0xffff  }
0x529: {  	v33 =	vld.idx.msk [tilespmem:v6+s20+$0x0], $0xffff;
	v2 =	vadd.f32 v3, v2;
	v3 =	vmul.f32 v5, v28  }
0x52a: {  	v5 =	vld.idx.msk [tilespmem:v6+s21+$0x0], $0xffff;
	v6 =	vor.u32 $0x5A, v1  }
0x52b: {  	v34 =	vld.idx.msk [tilespmem:v30+s20+$0x0], $0xffff;
	v2 =	vadd.f32 v3, v2;
	v3 =	vmul.f32 v7, v29  }
0x52c: {  	v35 =	vor.u32 $0x5B, v1;
	v7 =	vld.idx.msk [tilespmem:v30+s21+$0x0], $0xffff  }
0x52d: {  	v36 =	vld.idx.msk [tilespmem:v32+s20+$0x0], $0xffff;
	v2 =	vadd.f32 v3, v2;
	v3 =	vmul.f32 v4, v31  }
0x52e: {  	v37 =	vor.u32 $0x5C, v1;
	v4 =	vld.idx.msk [tilespmem:v32+s21+$0x0], $0xffff  }
0x52f: {  	v38 =	vld.idx.msk [tilespmem:v6+s20+$0x0], $0xffff;
	v2 =	vadd.f32 v3, v2;
	v3 =	vmul.f32 v5, v33  }
0x530: {  	v5 =	vld.idx.msk [tilespmem:v6+s21+$0x0], $0xffff;
	v6 =	vor.u32 $0x5D, v1  }
0x531: {  	v39 =	vld.idx.msk [tilespmem:v35+s20+$0x0], $0xffff;
	v2 =	vadd.f32 v3, v2;
	v3 =	vmul.f32 v7, v34  }
0x532: {  	v40 =	vor.u32 $0x5E, v1;
	v7 =	vld.idx.msk [tilespmem:v35+s21+$0x0], $0xffff  }
0x533: {  	v41 =	vld.idx.msk [tilespmem:v37+s20+$0x0], $0xffff;
	v2 =	vadd.f32 v3, v2;
	v3 =	vmul.f32 v4, v36  }
0x534: {  	v42 =	vor.u32 $0x5F, v1;
	v4 =	vld.idx.msk [tilespmem:v37+s21+$0x0], $0xffff  }
0x535: {  	v43 =	vld.idx.msk [tilespmem:v6+s20+$0x0], $0xffff;
	v2 =	vadd.f32 v3, v2;
	v3 =	vmul.f32 v5, v38  }
0x536: {  	v5 =	vld.idx.msk [tilespmem:v6+s21+$0x0], $0xffff;
	v6 =	vor.u32 $0x60, v1  }
0x537: {  	v44 =	vld.idx.msk [tilespmem:v40+s20+$0x0], $0xffff;
	v2 =	vadd.f32 v3, v2;
	v3 =	vmul.f32 v7, v39  }
0x538: {  	v45 =	vor.u32 $0x61, v1;
	v7 =	vld.idx.msk [tilespmem:v40+s21+$0x0], $0xffff  }
0x539: {  	v46 =	vld.idx.msk [tilespmem:v42+s20+$0x0], $0xffff;
	v2 =	vadd.f32 v3, v2;
	v3 =	vmul.f32 v4, v41  }
0x53a: {  	v47 =	vor.u32 $0x62, v1;
	v4 =	vld.idx.msk [tilespmem:v42+s21+$0x0], $0xffff  }
0x53b: {  	v48 =	vld.idx.msk [tilespmem:v6+s20+$0x0], $0xffff;
	v2 =	vadd.f32 v3, v2;
	v3 =	vmul.f32 v5, v43  }
0x53c: {  	v5 =	vld.idx.msk [tilespmem:v6+s21+$0x0], $0xffff;
	v6 =	vor.u32 $0x63, v1  }
0x53d: {  	v49 =	vld.idx.msk [tilespmem:v45+s20+$0x0], $0xffff;
	v2 =	vadd.f32 v3, v2;
	v3 =	vmul.f32 v7, v44  }
0x53e: {  	v50 =	vor.u32 $0x64, v1;
	v7 =	vld.idx.msk [tilespmem:v45+s21+$0x0], $0xffff  }
0x53f: {  	v51 =	vld.idx.msk [tilespmem:v47+s20+$0x0], $0xffff;
	v2 =	vadd.f32 v3, v2;
	v3 =	vmul.f32 v4, v46  }
0x540: {  	v52 =	vor.u32 $0x65, v1;
	v4 =	vld.idx.msk [tilespmem:v47+s21+$0x0], $0xffff  }
0x541: {  	v53 =	vld.idx.msk [tilespmem:v6+s20+$0x0], $0xffff;
	v2 =	vadd.f32 v3, v2;
	v3 =	vmul.f32 v5, v48  }
0x542: {  	v5 =	vld.idx.msk [tilespmem:v6+s21+$0x0], $0xffff;
	v6 =	vor.u32 $0x66, v1  }
0x543: {  	v54 =	vld.idx.msk [tilespmem:v50+s20+$0x0], $0xffff;
	v2 =	vadd.f32 v3, v2;
	v3 =	vmul.f32 v7, v49  }
0x544: {  	v55 =	vor.u32 $0x67, v1;
	v7 =	vld.idx.msk [tilespmem:v50+s21+$0x0], $0xffff  }
0x545: {  	v56 =	vld.idx.msk [tilespmem:v52+s20+$0x0], $0xffff;
	v2 =	vadd.f32 v3, v2;
	v3 =	vmul.f32 v4, v51  }
0x546: {  	v57 =	vor.u32 $0x68, v1;
	v4 =	vld.idx.msk [tilespmem:v52+s21+$0x0], $0xffff  }
0x547: {  	v58 =	vld.idx.msk [tilespmem:v6+s20+$0x0], $0xffff;
	v2 =	vadd.f32 v3, v2;
	v3 =	vmul.f32 v5, v53  }
0x548: {  	v5 =	vld.idx.msk [tilespmem:v6+s21+$0x0], $0xffff;
	v6 =	vor.u32 $0x69, v1  }
0x549: {  	v59 =	vld.idx.msk [tilespmem:v55+s20+$0x0], $0xffff;
	v2 =	vadd.f32 v3, v2;
	v3 =	vmul.f32 v7, v54  }
0x54a: {  	v60 =	vor.u32 $0x6A, v1;
	v7 =	vld.idx.msk [tilespmem:v55+s21+$0x0], $0xffff  }
0x54b: {  	v61 =	vld.idx.msk [tilespmem:v57+s20+$0x0], $0xffff;
	v2 =	vadd.f32 v3, v2;
	v3 =	vmul.f32 v4, v56  }
0x54c: {  	v62 =	vor.u32 $0x6B, v1;
	v4 =	vld.idx.msk [tilespmem:v57+s21+$0x0], $0xffff  }
0x54d: {  	v63 =	vld.idx.msk [tilespmem:v6+s20+$0x0], $0xffff;
	v2 =	vadd.f32 v3, v2;
	v3 =	vmul.f32 v5, v58  }
0x54e: {  	v5 =	vld.idx.msk [tilespmem:v6+s21+$0x0], $0xffff;
	v6 =	vor.u32 $0x6C, v1  }
0x54f: {  	v16 =	vld.idx.msk [tilespmem:v60+s20+$0x0], $0xffff;
	v2 =	vadd.f32 v3, v2;
	v3 =	vmul.f32 v7, v59  }
0x550: {  	v17 =	vor.u32 $0x6D, v1;
	v7 =	vld.idx.msk [tilespmem:v60+s21+$0x0], $0xffff  }
0x551: {  	v18 =	vld.idx.msk [tilespmem:v62+s20+$0x0], $0xffff;
	v2 =	vadd.f32 v3, v2;
	v3 =	vmul.f32 v4, v61  }
0x552: {  	v19 =	vor.u32 $0x6E, v1;
	v4 =	vld.idx.msk [tilespmem:v62+s21+$0x0], $0xffff  }
0x553: {  	v20 =	vld.idx.msk [tilespmem:v6+s20+$0x0], $0xffff;
	v2 =	vadd.f32 v3, v2;
	v3 =	vmul.f32 v5, v63  }
0x554: {  	v5 =	vld.idx.msk [tilespmem:v6+s21+$0x0], $0xffff;
	v6 =	vor.u32 $0x6F, v1  }
0x555: {  	v21 =	vld.idx.msk [tilespmem:v17+s20+$0x0], $0xffff;
	v2 =	vadd.f32 v3, v2;
	v3 =	vmul.f32 v7, v16  }
0x556: {  	v22 =	vor.u32 $0x70, v1;
	v7 =	vld.idx.msk [tilespmem:v17+s21+$0x0], $0xffff  }
0x557: {  	v23 =	vld.idx.msk [tilespmem:v19+s20+$0x0], $0xffff;
	v2 =	vadd.f32 v3, v2;
	v3 =	vmul.f32 v4, v18  }
0x558: {  	v24 =	vor.u32 $0x71, v1;
	v4 =	vld.idx.msk [tilespmem:v19+s21+$0x0], $0xffff  }
0x559: {  	v25 =	vld.idx.msk [tilespmem:v6+s20+$0x0], $0xffff;
	v2 =	vadd.f32 v3, v2;
	v3 =	vmul.f32 v5, v20  }
0x55a: {  	v5 =	vld.idx.msk [tilespmem:v6+s21+$0x0], $0xffff;
	v6 =	vor.u32 $0x72, v1  }
0x55b: {  	v26 =	vld.idx.msk [tilespmem:v22+s20+$0x0], $0xffff;
	v2 =	vadd.f32 v3, v2;
	v3 =	vmul.f32 v7, v21  }
0x55c: {  	v27 =	vor.u32 $0x73, v1;
	v7 =	vld.idx.msk [tilespmem:v22+s21+$0x0], $0xffff  }
0x55d: {  	v28 =	vld.idx.msk [tilespmem:v24+s20+$0x0], $0xffff;
	v2 =	vadd.f32 v3, v2;
	v3 =	vmul.f32 v4, v23  }
0x55e: {  	v29 =	vor.u32 $0x74, v1;
	v4 =	vld.idx.msk [tilespmem:v24+s21+$0x0], $0xffff  }
0x55f: {  	v30 =	vld.idx.msk [tilespmem:v6+s20+$0x0], $0xffff;
	v2 =	vadd.f32 v3, v2;
	v3 =	vmul.f32 v5, v25  }
0x560: {  	v5 =	vld.idx.msk [tilespmem:v6+s21+$0x0], $0xffff;
	v6 =	vor.u32 $0x75, v1  }
0x561: {  	v31 =	vld.idx.msk [tilespmem:v27+s20+$0x0], $0xffff;
	v2 =	vadd.f32 v3, v2;
	v3 =	vmul.f32 v7, v26  }
0x562: {  	v32 =	vor.u32 $0x76, v1;
	v7 =	vld.idx.msk [tilespmem:v27+s21+$0x0], $0xffff  }
0x563: {  	v33 =	vld.idx.msk [tilespmem:v29+s20+$0x0], $0xffff;
	v2 =	vadd.f32 v3, v2;
	v3 =	vmul.f32 v4, v28  }
0x564: {  	v34 =	vor.u32 $0x77, v1;
	v4 =	vld.idx.msk [tilespmem:v29+s21+$0x0], $0xffff  }
0x565: {  	v35 =	vld.idx.msk [tilespmem:v6+s20+$0x0], $0xffff;
	v2 =	vadd.f32 v3, v2;
	v3 =	vmul.f32 v5, v30  }
0x566: {  	v5 =	vld.idx.msk [tilespmem:v6+s21+$0x0], $0xffff;
	v6 =	vor.u32 $0x78, v1  }
0x567: {  	v36 =	vld.idx.msk [tilespmem:v32+s20+$0x0], $0xffff;
	v2 =	vadd.f32 v3, v2;
	v3 =	vmul.f32 v7, v31  }
0x568: {  	v37 =	vor.u32 $0x79, v1;
	v7 =	vld.idx.msk [tilespmem:v32+s21+$0x0], $0xffff  }
0x569: {  	v38 =	vld.idx.msk [tilespmem:v34+s20+$0x0], $0xffff;
	v2 =	vadd.f32 v3, v2;
	v3 =	vmul.f32 v4, v33  }
0x56a: {  	v39 =	vor.u32 $0x7A, v1;
	v4 =	vld.idx.msk [tilespmem:v34+s21+$0x0], $0xffff  }
0x56b: {  	v40 =	vld.idx.msk [tilespmem:v6+s20+$0x0], $0xffff;
	v2 =	vadd.f32 v3, v2;
	v3 =	vmul.f32 v5, v35  }
0x56c: {  	v5 =	vld.idx.msk [tilespmem:v6+s21+$0x0], $0xffff;
	v6 =	vor.u32 $0x7B, v1  }
0x56d: {  	v41 =	vld.idx.msk [tilespmem:v37+s20+$0x0], $0xffff;
	v2 =	vadd.f32 v3, v2;
	v3 =	vmul.f32 v7, v36  }
0x56e: {  	v42 =	vor.u32 $0x7C, v1;
	v7 =	vld.idx.msk [tilespmem:v37+s21+$0x0], $0xffff  }
0x56f: {  	v43 =	vld.idx.msk [tilespmem:v39+s20+$0x0], $0xffff;
	v2 =	vadd.f32 v3, v2;
	v3 =	vmul.f32 v4, v38  }
0x570: {  	v44 =	vor.u32 $0x7D, v1;
	v4 =	vld.idx.msk [tilespmem:v39+s21+$0x0], $0xffff  }
0x571: {  	v45 =	vld.idx.msk [tilespmem:v6+s20+$0x0], $0xffff;
	v2 =	vadd.f32 v3, v2;
	v3 =	vmul.f32 v5, v40  }
0x572: {  	v5 =	vld.idx.msk [tilespmem:v6+s21+$0x0], $0xffff;
	v6 =	vor.u32 $0x7E, v1  }
0x573: {  	v46 =	vld.idx.msk [tilespmem:v42+s20+$0x0], $0xffff;
	v2 =	vadd.f32 v3, v2;
	v3 =	vmul.f32 v7, v41  }
0x574: {  	v1 =	vor.u32 $0x7F, v1;
	v7 =	vld.idx.msk [tilespmem:v42+s21+$0x0], $0xffff  }
0x575: {  	v47 =	vld.idx.msk [tilespmem:v44+s20+$0x0], $0xffff;
	v2 =	vadd.f32 v3, v2;
	v3 =	vmul.f32 v4, v43  }
0x576: {  	v4 =	vld.idx.msk [tilespmem:v44+s21+$0x0], $0xffff  }
0x577: {  	v48 =	vld.idx.msk [tilespmem:v6+s20+$0x0], $0xffff;
	v2 =	vadd.f32 v3, v2;
	v3 =	vmul.f32 v5, v45  }
0x578: {  	v5 =	vld.idx.msk [tilespmem:v6+s21+$0x0], $0xffff  }
0x579: {  	v6 =	vld.idx.msk [tilespmem:v1+s20+$0x0], $0xffff;
	v2 =	vadd.f32 v3, v2;
	v3 =	vmul.f32 v7, v46  }
0x57a: {  	v7 =	vld.idx.msk [tilespmem:v1+s21+$0x0], $0xffff  }
0x57b: {  	v1 =	vadd.f32 v3, v2;
	v2 =	vmul.f32 v4, v47  }
0x57c: {  	s31 =	simm.s32 $0x10  }
0x57d: {  	v3 =	vmov s31;
	v4 =	vmul.f32 v5, v48;
	v2 =	vadd.f32 v2, v1  }
0x57e: {  	v1 =	vshll.u32 v3, $0x7  }
0x57f: {  	v1 =	vor.u32 v0, v1;
	v3 =	vmul.f32 v7, v6;
	v2 =	vadd.f32 v4, v2;
	_ =	sdelay $0x1  }
0x580: {  	v4 =	vor.u32 $0x1, v1;
	v2 =	vadd.f32 v3, v2  }
0x581: {  	s25 =	simm.s32 $0x10200  }
0x582: {  	v3 =	vor.u32 $0x2, v1;
	[tilespmem:s25+$0x0] =	vst v2  }
0x583: {  	v2 =	vld.idx.msk [tilespmem:v1+s21+$0x0], $0xffff  }
0x584: {  	v6 =	vor.u32 $0x3, v1;
	v5 =	vld.idx.msk [tilespmem:v1+s20+$0x0], $0xffff  }
0x585: {  	v7 =	vld.idx.msk [tilespmem:v4+s20+$0x0], $0xffff  }
0x586: {  	v49 =	vor.u32 $0x4, v1;
	v4 =	vld.idx.msk [tilespmem:v4+s21+$0x0], $0xffff  }
0x587: {  	v50 =	vld.idx.msk [tilespmem:v3+s20+$0x0], $0xffff  }
0x588: {  	v51 =	vor.u32 $0x5, v1;
	v3 =	vld.idx.msk [tilespmem:v3+s21+$0x0], $0xffff  }
0x589: {  	v52 =	vld.idx.msk [tilespmem:v6+s20+$0x0], $0xffff;
	v2 =	vmul.f32 v2, v5  }
0x58a: {  	v5 =	vld.idx.msk [tilespmem:v6+s21+$0x0], $0xffff;
	v6 =	vor.u32 $0x6, v1  }
0x58b: {  	v53 =	vld.idx.msk [tilespmem:v49+s20+$0x0], $0xffff;
	v4 =	vmul.f32 v4, v7;
	v2 =	vadd.f32 $0.0e+00, v2  }
0x58c: {  	v54 =	vor.u32 $0x7, v1;
	v7 =	vld.idx.msk [tilespmem:v49+s21+$0x0], $0xffff  }
0x58d: {  	v55 =	vld.idx.msk [tilespmem:v51+s20+$0x0], $0xffff;
	v3 =	vmul.f32 v3, v50;
	v2 =	vadd.f32 v4, v2  }
0x58e: {  	v56 =	vor.u32 $0x8, v1;
	v4 =	vld.idx.msk [tilespmem:v51+s21+$0x0], $0xffff  }
0x58f: {  	v57 =	vld.idx.msk [tilespmem:v6+s20+$0x0], $0xffff;
	v2 =	vadd.f32 v3, v2;
	v3 =	vmul.f32 v5, v52  }
0x590: {  	v5 =	vld.idx.msk [tilespmem:v6+s21+$0x0], $0xffff;
	v6 =	vor.u32 $0x9, v1  }
0x591: {  	v58 =	vld.idx.msk [tilespmem:v54+s20+$0x0], $0xffff;
	v2 =	vadd.f32 v3, v2;
	v3 =	vmul.f32 v7, v53  }
0x592: {  	v59 =	vor.u32 $0xA, v1;
	v7 =	vld.idx.msk [tilespmem:v54+s21+$0x0], $0xffff  }
0x593: {  	v60 =	vld.idx.msk [tilespmem:v56+s20+$0x0], $0xffff;
	v2 =	vadd.f32 v3, v2;
	v3 =	vmul.f32 v4, v55  }
0x594: {  	v61 =	vor.u32 $0xB, v1;
	v4 =	vld.idx.msk [tilespmem:v56+s21+$0x0], $0xffff  }
0x595: {  	v62 =	vld.idx.msk [tilespmem:v6+s20+$0x0], $0xffff;
	v2 =	vadd.f32 v3, v2;
	v3 =	vmul.f32 v5, v57  }
0x596: {  	v5 =	vld.idx.msk [tilespmem:v6+s21+$0x0], $0xffff;
	v6 =	vor.u32 $0xC, v1  }
0x597: {  	v63 =	vld.idx.msk [tilespmem:v59+s20+$0x0], $0xffff;
	v2 =	vadd.f32 v3, v2;
	v3 =	vmul.f32 v7, v58  }
0x598: {  	v16 =	vor.u32 $0xD, v1;
	v7 =	vld.idx.msk [tilespmem:v59+s21+$0x0], $0xffff  }
0x599: {  	v17 =	vld.idx.msk [tilespmem:v61+s20+$0x0], $0xffff;
	v2 =	vadd.f32 v3, v2;
	v3 =	vmul.f32 v4, v60  }
0x59a: {  	v18 =	vor.u32 $0xE, v1;
	v4 =	vld.idx.msk [tilespmem:v61+s21+$0x0], $0xffff  }
0x59b: {  	v19 =	vld.idx.msk [tilespmem:v6+s20+$0x0], $0xffff;
	v2 =	vadd.f32 v3, v2;
	v3 =	vmul.f32 v5, v62  }
0x59c: {  	v5 =	vld.idx.msk [tilespmem:v6+s21+$0x0], $0xffff;
	v6 =	vor.u32 $0xF, v1  }
0x59d: {  	v20 =	vld.idx.msk [tilespmem:v16+s20+$0x0], $0xffff;
	v2 =	vadd.f32 v3, v2;
	v3 =	vmul.f32 v7, v63  }
0x59e: {  	v21 =	vor.u32 $0x10, v1;
	v7 =	vld.idx.msk [tilespmem:v16+s21+$0x0], $0xffff  }
0x59f: {  	v22 =	vld.idx.msk [tilespmem:v18+s20+$0x0], $0xffff;
	v2 =	vadd.f32 v3, v2;
	v3 =	vmul.f32 v4, v17  }
0x5a0: {  	v23 =	vor.u32 $0x11, v1;
	v4 =	vld.idx.msk [tilespmem:v18+s21+$0x0], $0xffff  }
0x5a1: {  	v24 =	vld.idx.msk [tilespmem:v6+s20+$0x0], $0xffff;
	v2 =	vadd.f32 v3, v2;
	v3 =	vmul.f32 v5, v19  }
0x5a2: {  	v5 =	vld.idx.msk [tilespmem:v6+s21+$0x0], $0xffff;
	v6 =	vor.u32 $0x12, v1  }
0x5a3: {  	v25 =	vld.idx.msk [tilespmem:v21+s20+$0x0], $0xffff;
	v2 =	vadd.f32 v3, v2;
	v3 =	vmul.f32 v7, v20  }
0x5a4: {  	v26 =	vor.u32 $0x13, v1;
	v7 =	vld.idx.msk [tilespmem:v21+s21+$0x0], $0xffff  }
0x5a5: {  	v27 =	vld.idx.msk [tilespmem:v23+s20+$0x0], $0xffff;
	v2 =	vadd.f32 v3, v2;
	v3 =	vmul.f32 v4, v22  }
0x5a6: {  	v28 =	vor.u32 $0x14, v1;
	v4 =	vld.idx.msk [tilespmem:v23+s21+$0x0], $0xffff  }
0x5a7: {  	v29 =	vld.idx.msk [tilespmem:v6+s20+$0x0], $0xffff;
	v2 =	vadd.f32 v3, v2;
	v3 =	vmul.f32 v5, v24  }
0x5a8: {  	v5 =	vld.idx.msk [tilespmem:v6+s21+$0x0], $0xffff;
	v6 =	vor.u32 $0x15, v1  }
0x5a9: {  	v30 =	vld.idx.msk [tilespmem:v26+s20+$0x0], $0xffff;
	v2 =	vadd.f32 v3, v2;
	v3 =	vmul.f32 v7, v25  }
0x5aa: {  	v31 =	vor.u32 $0x16, v1;
	v7 =	vld.idx.msk [tilespmem:v26+s21+$0x0], $0xffff  }
0x5ab: {  	v32 =	vld.idx.msk [tilespmem:v28+s20+$0x0], $0xffff;
	v2 =	vadd.f32 v3, v2;
	v3 =	vmul.f32 v4, v27  }
0x5ac: {  	v33 =	vor.u32 $0x17, v1;
	v4 =	vld.idx.msk [tilespmem:v28+s21+$0x0], $0xffff  }
0x5ad: {  	v34 =	vld.idx.msk [tilespmem:v6+s20+$0x0], $0xffff;
	v2 =	vadd.f32 v3, v2;
	v3 =	vmul.f32 v5, v29  }
0x5ae: {  	v5 =	vld.idx.msk [tilespmem:v6+s21+$0x0], $0xffff;
	v6 =	vor.u32 $0x18, v1  }
0x5af: {  	v35 =	vld.idx.msk [tilespmem:v31+s20+$0x0], $0xffff;
	v2 =	vadd.f32 v3, v2;
	v3 =	vmul.f32 v7, v30  }
0x5b0: {  	v36 =	vor.u32 $0x19, v1;
	v7 =	vld.idx.msk [tilespmem:v31+s21+$0x0], $0xffff  }
0x5b1: {  	v37 =	vld.idx.msk [tilespmem:v33+s20+$0x0], $0xffff;
	v2 =	vadd.f32 v3, v2;
	v3 =	vmul.f32 v4, v32  }
0x5b2: {  	v38 =	vor.u32 $0x1A, v1;
	v4 =	vld.idx.msk [tilespmem:v33+s21+$0x0], $0xffff  }
0x5b3: {  	v39 =	vld.idx.msk [tilespmem:v6+s20+$0x0], $0xffff;
	v2 =	vadd.f32 v3, v2;
	v3 =	vmul.f32 v5, v34  }
0x5b4: {  	v5 =	vld.idx.msk [tilespmem:v6+s21+$0x0], $0xffff;
	v6 =	vor.u32 $0x1B, v1  }
0x5b5: {  	v40 =	vld.idx.msk [tilespmem:v36+s20+$0x0], $0xffff;
	v2 =	vadd.f32 v3, v2;
	v3 =	vmul.f32 v7, v35  }
0x5b6: {  	v41 =	vor.u32 $0x1C, v1;
	v7 =	vld.idx.msk [tilespmem:v36+s21+$0x0], $0xffff  }
0x5b7: {  	v42 =	vld.idx.msk [tilespmem:v38+s20+$0x0], $0xffff;
	v2 =	vadd.f32 v3, v2;
	v3 =	vmul.f32 v4, v37  }
0x5b8: {  	v43 =	vor.u32 $0x1D, v1;
	v4 =	vld.idx.msk [tilespmem:v38+s21+$0x0], $0xffff  }
0x5b9: {  	v44 =	vld.idx.msk [tilespmem:v6+s20+$0x0], $0xffff;
	v2 =	vadd.f32 v3, v2;
	v3 =	vmul.f32 v5, v39  }
0x5ba: {  	v5 =	vld.idx.msk [tilespmem:v6+s21+$0x0], $0xffff;
	v6 =	vor.u32 $0x1E, v1  }
0x5bb: {  	v45 =	vld.idx.msk [tilespmem:v41+s20+$0x0], $0xffff;
	v2 =	vadd.f32 v3, v2;
	v3 =	vmul.f32 v7, v40  }
0x5bc: {  	v46 =	vor.u32 $0x1F, v1;
	v7 =	vld.idx.msk [tilespmem:v41+s21+$0x0], $0xffff  }
0x5bd: {  	v47 =	vld.idx.msk [tilespmem:v43+s20+$0x0], $0xffff;
	v2 =	vadd.f32 v3, v2;
	v3 =	vmul.f32 v4, v42  }
0x5be: {  	v48 =	vor.u32 $0x20, v1;
	v4 =	vld.idx.msk [tilespmem:v43+s21+$0x0], $0xffff  }
0x5bf: {  	v49 =	vld.idx.msk [tilespmem:v6+s20+$0x0], $0xffff;
	v2 =	vadd.f32 v3, v2;
	v3 =	vmul.f32 v5, v44  }
0x5c0: {  	v5 =	vld.idx.msk [tilespmem:v6+s21+$0x0], $0xffff;
	v6 =	vor.u32 $0x21, v1  }
0x5c1: {  	v50 =	vld.idx.msk [tilespmem:v46+s20+$0x0], $0xffff;
	v2 =	vadd.f32 v3, v2;
	v3 =	vmul.f32 v7, v45  }
0x5c2: {  	v51 =	vor.u32 $0x22, v1;
	v7 =	vld.idx.msk [tilespmem:v46+s21+$0x0], $0xffff  }
0x5c3: {  	v52 =	vld.idx.msk [tilespmem:v48+s20+$0x0], $0xffff;
	v2 =	vadd.f32 v3, v2;
	v3 =	vmul.f32 v4, v47  }
0x5c4: {  	v53 =	vor.u32 $0x23, v1;
	v4 =	vld.idx.msk [tilespmem:v48+s21+$0x0], $0xffff  }
0x5c5: {  	v54 =	vld.idx.msk [tilespmem:v6+s20+$0x0], $0xffff;
	v2 =	vadd.f32 v3, v2;
	v3 =	vmul.f32 v5, v49  }
0x5c6: {  	v5 =	vld.idx.msk [tilespmem:v6+s21+$0x0], $0xffff;
	v6 =	vor.u32 $0x24, v1  }
0x5c7: {  	v55 =	vld.idx.msk [tilespmem:v51+s20+$0x0], $0xffff;
	v2 =	vadd.f32 v3, v2;
	v3 =	vmul.f32 v7, v50  }
0x5c8: {  	v56 =	vor.u32 $0x25, v1;
	v7 =	vld.idx.msk [tilespmem:v51+s21+$0x0], $0xffff  }
0x5c9: {  	v57 =	vld.idx.msk [tilespmem:v53+s20+$0x0], $0xffff;
	v2 =	vadd.f32 v3, v2;
	v3 =	vmul.f32 v4, v52  }
0x5ca: {  	v58 =	vor.u32 $0x26, v1;
	v4 =	vld.idx.msk [tilespmem:v53+s21+$0x0], $0xffff  }
0x5cb: {  	v59 =	vld.idx.msk [tilespmem:v6+s20+$0x0], $0xffff;
	v2 =	vadd.f32 v3, v2;
	v3 =	vmul.f32 v5, v54  }
0x5cc: {  	v5 =	vld.idx.msk [tilespmem:v6+s21+$0x0], $0xffff;
	v6 =	vor.u32 $0x27, v1  }
0x5cd: {  	v60 =	vld.idx.msk [tilespmem:v56+s20+$0x0], $0xffff;
	v2 =	vadd.f32 v3, v2;
	v3 =	vmul.f32 v7, v55  }
0x5ce: {  	v61 =	vor.u32 $0x28, v1;
	v7 =	vld.idx.msk [tilespmem:v56+s21+$0x0], $0xffff  }
0x5cf: {  	v62 =	vld.idx.msk [tilespmem:v58+s20+$0x0], $0xffff;
	v2 =	vadd.f32 v3, v2;
	v3 =	vmul.f32 v4, v57  }
0x5d0: {  	v63 =	vor.u32 $0x29, v1;
	v4 =	vld.idx.msk [tilespmem:v58+s21+$0x0], $0xffff  }
0x5d1: {  	v16 =	vld.idx.msk [tilespmem:v6+s20+$0x0], $0xffff;
	v2 =	vadd.f32 v3, v2;
	v3 =	vmul.f32 v5, v59  }
0x5d2: {  	v5 =	vld.idx.msk [tilespmem:v6+s21+$0x0], $0xffff;
	v6 =	vor.u32 $0x2A, v1  }
0x5d3: {  	v17 =	vld.idx.msk [tilespmem:v61+s20+$0x0], $0xffff;
	v2 =	vadd.f32 v3, v2;
	v3 =	vmul.f32 v7, v60  }
0x5d4: {  	v18 =	vor.u32 $0x2B, v1;
	v7 =	vld.idx.msk [tilespmem:v61+s21+$0x0], $0xffff  }
0x5d5: {  	v19 =	vld.idx.msk [tilespmem:v63+s20+$0x0], $0xffff;
	v2 =	vadd.f32 v3, v2;
	v3 =	vmul.f32 v4, v62  }
0x5d6: {  	v20 =	vor.u32 $0x2C, v1;
	v4 =	vld.idx.msk [tilespmem:v63+s21+$0x0], $0xffff  }
0x5d7: {  	v21 =	vld.idx.msk [tilespmem:v6+s20+$0x0], $0xffff;
	v2 =	vadd.f32 v3, v2;
	v3 =	vmul.f32 v5, v16  }
0x5d8: {  	v5 =	vld.idx.msk [tilespmem:v6+s21+$0x0], $0xffff;
	v6 =	vor.u32 $0x2D, v1  }
0x5d9: {  	v22 =	vld.idx.msk [tilespmem:v18+s20+$0x0], $0xffff;
	v2 =	vadd.f32 v3, v2;
	v3 =	vmul.f32 v7, v17  }
0x5da: {  	v23 =	vor.u32 $0x2E, v1;
	v7 =	vld.idx.msk [tilespmem:v18+s21+$0x0], $0xffff  }
0x5db: {  	v24 =	vld.idx.msk [tilespmem:v20+s20+$0x0], $0xffff;
	v2 =	vadd.f32 v3, v2;
	v3 =	vmul.f32 v4, v19  }
0x5dc: {  	v25 =	vor.u32 $0x2F, v1;
	v4 =	vld.idx.msk [tilespmem:v20+s21+$0x0], $0xffff  }
0x5dd: {  	v26 =	vld.idx.msk [tilespmem:v6+s20+$0x0], $0xffff;
	v2 =	vadd.f32 v3, v2;
	v3 =	vmul.f32 v5, v21  }
0x5de: {  	v5 =	vld.idx.msk [tilespmem:v6+s21+$0x0], $0xffff;
	v6 =	vor.u32 $0x30, v1  }
0x5df: {  	v27 =	vld.idx.msk [tilespmem:v23+s20+$0x0], $0xffff;
	v2 =	vadd.f32 v3, v2;
	v3 =	vmul.f32 v7, v22  }
0x5e0: {  	v28 =	vor.u32 $0x31, v1;
	v7 =	vld.idx.msk [tilespmem:v23+s21+$0x0], $0xffff  }
0x5e1: {  	v29 =	vld.idx.msk [tilespmem:v25+s20+$0x0], $0xffff;
	v2 =	vadd.f32 v3, v2;
	v3 =	vmul.f32 v4, v24  }
0x5e2: {  	v30 =	vor.u32 $0x32, v1;
	v4 =	vld.idx.msk [tilespmem:v25+s21+$0x0], $0xffff  }
0x5e3: {  	v31 =	vld.idx.msk [tilespmem:v6+s20+$0x0], $0xffff;
	v2 =	vadd.f32 v3, v2;
	v3 =	vmul.f32 v5, v26  }
0x5e4: {  	v5 =	vld.idx.msk [tilespmem:v6+s21+$0x0], $0xffff;
	v6 =	vor.u32 $0x33, v1  }
0x5e5: {  	v32 =	vld.idx.msk [tilespmem:v28+s20+$0x0], $0xffff;
	v2 =	vadd.f32 v3, v2;
	v3 =	vmul.f32 v7, v27  }
0x5e6: {  	v33 =	vor.u32 $0x34, v1;
	v7 =	vld.idx.msk [tilespmem:v28+s21+$0x0], $0xffff  }
0x5e7: {  	v34 =	vld.idx.msk [tilespmem:v30+s20+$0x0], $0xffff;
	v2 =	vadd.f32 v3, v2;
	v3 =	vmul.f32 v4, v29  }
0x5e8: {  	v35 =	vor.u32 $0x35, v1;
	v4 =	vld.idx.msk [tilespmem:v30+s21+$0x0], $0xffff  }
0x5e9: {  	v36 =	vld.idx.msk [tilespmem:v6+s20+$0x0], $0xffff;
	v2 =	vadd.f32 v3, v2;
	v3 =	vmul.f32 v5, v31  }
0x5ea: {  	v5 =	vld.idx.msk [tilespmem:v6+s21+$0x0], $0xffff;
	v6 =	vor.u32 $0x36, v1  }
0x5eb: {  	v37 =	vld.idx.msk [tilespmem:v33+s20+$0x0], $0xffff;
	v2 =	vadd.f32 v3, v2;
	v3 =	vmul.f32 v7, v32  }
0x5ec: {  	v38 =	vor.u32 $0x37, v1;
	v7 =	vld.idx.msk [tilespmem:v33+s21+$0x0], $0xffff  }
0x5ed: {  	v39 =	vld.idx.msk [tilespmem:v35+s20+$0x0], $0xffff;
	v2 =	vadd.f32 v3, v2;
	v3 =	vmul.f32 v4, v34  }
0x5ee: {  	v40 =	vor.u32 $0x38, v1;
	v4 =	vld.idx.msk [tilespmem:v35+s21+$0x0], $0xffff  }
0x5ef: {  	v41 =	vld.idx.msk [tilespmem:v6+s20+$0x0], $0xffff;
	v2 =	vadd.f32 v3, v2;
	v3 =	vmul.f32 v5, v36  }
0x5f0: {  	v5 =	vld.idx.msk [tilespmem:v6+s21+$0x0], $0xffff;
	v6 =	vor.u32 $0x39, v1  }
0x5f1: {  	v42 =	vld.idx.msk [tilespmem:v38+s20+$0x0], $0xffff;
	v2 =	vadd.f32 v3, v2;
	v3 =	vmul.f32 v7, v37  }
0x5f2: {  	v43 =	vor.u32 $0x3A, v1;
	v7 =	vld.idx.msk [tilespmem:v38+s21+$0x0], $0xffff  }
0x5f3: {  	v44 =	vld.idx.msk [tilespmem:v40+s20+$0x0], $0xffff;
	v2 =	vadd.f32 v3, v2;
	v3 =	vmul.f32 v4, v39  }
0x5f4: {  	v45 =	vor.u32 $0x3B, v1;
	v4 =	vld.idx.msk [tilespmem:v40+s21+$0x0], $0xffff  }
0x5f5: {  	v46 =	vld.idx.msk [tilespmem:v6+s20+$0x0], $0xffff;
	v2 =	vadd.f32 v3, v2;
	v3 =	vmul.f32 v5, v41  }
0x5f6: {  	v5 =	vld.idx.msk [tilespmem:v6+s21+$0x0], $0xffff;
	v6 =	vor.u32 $0x3C, v1  }
0x5f7: {  	v47 =	vld.idx.msk [tilespmem:v43+s20+$0x0], $0xffff;
	v2 =	vadd.f32 v3, v2;
	v3 =	vmul.f32 v7, v42  }
0x5f8: {  	v48 =	vor.u32 $0x3D, v1;
	v7 =	vld.idx.msk [tilespmem:v43+s21+$0x0], $0xffff  }
0x5f9: {  	v49 =	vld.idx.msk [tilespmem:v45+s20+$0x0], $0xffff;
	v2 =	vadd.f32 v3, v2;
	v3 =	vmul.f32 v4, v44  }
0x5fa: {  	v50 =	vor.u32 $0x3E, v1;
	v4 =	vld.idx.msk [tilespmem:v45+s21+$0x0], $0xffff  }
0x5fb: {  	v51 =	vld.idx.msk [tilespmem:v6+s20+$0x0], $0xffff;
	v2 =	vadd.f32 v3, v2;
	v3 =	vmul.f32 v5, v46  }
0x5fc: {  	v5 =	vld.idx.msk [tilespmem:v6+s21+$0x0], $0xffff;
	v6 =	vor.u32 $0x3F, v1  }
0x5fd: {  	v52 =	vld.idx.msk [tilespmem:v48+s20+$0x0], $0xffff;
	v2 =	vadd.f32 v3, v2;
	v3 =	vmul.f32 v7, v47  }
0x5fe: {  	v53 =	vor.u32 $0x40, v1;
	v7 =	vld.idx.msk [tilespmem:v48+s21+$0x0], $0xffff  }
0x5ff: {  	v54 =	vld.idx.msk [tilespmem:v50+s20+$0x0], $0xffff;
	v2 =	vadd.f32 v3, v2;
	v3 =	vmul.f32 v4, v49  }
0x600: {  	v55 =	vor.u32 $0x41, v1;
	v4 =	vld.idx.msk [tilespmem:v50+s21+$0x0], $0xffff  }
0x601: {  	v56 =	vld.idx.msk [tilespmem:v6+s20+$0x0], $0xffff;
	v2 =	vadd.f32 v3, v2;
	v3 =	vmul.f32 v5, v51  }
0x602: {  	v5 =	vld.idx.msk [tilespmem:v6+s21+$0x0], $0xffff;
	v6 =	vor.u32 $0x42, v1  }
0x603: {  	v57 =	vld.idx.msk [tilespmem:v53+s20+$0x0], $0xffff;
	v2 =	vadd.f32 v3, v2;
	v3 =	vmul.f32 v7, v52  }
0x604: {  	v58 =	vor.u32 $0x43, v1;
	v7 =	vld.idx.msk [tilespmem:v53+s21+$0x0], $0xffff  }
0x605: {  	v59 =	vld.idx.msk [tilespmem:v55+s20+$0x0], $0xffff;
	v2 =	vadd.f32 v3, v2;
	v3 =	vmul.f32 v4, v54  }
0x606: {  	v60 =	vor.u32 $0x44, v1;
	v4 =	vld.idx.msk [tilespmem:v55+s21+$0x0], $0xffff  }
0x607: {  	v61 =	vld.idx.msk [tilespmem:v6+s20+$0x0], $0xffff;
	v2 =	vadd.f32 v3, v2;
	v3 =	vmul.f32 v5, v56  }
0x608: {  	v5 =	vld.idx.msk [tilespmem:v6+s21+$0x0], $0xffff;
	v6 =	vor.u32 $0x45, v1  }
0x609: {  	v62 =	vld.idx.msk [tilespmem:v58+s20+$0x0], $0xffff;
	v2 =	vadd.f32 v3, v2;
	v3 =	vmul.f32 v7, v57  }
0x60a: {  	v63 =	vor.u32 $0x46, v1;
	v7 =	vld.idx.msk [tilespmem:v58+s21+$0x0], $0xffff  }
0x60b: {  	v16 =	vld.idx.msk [tilespmem:v60+s20+$0x0], $0xffff;
	v2 =	vadd.f32 v3, v2;
	v3 =	vmul.f32 v4, v59  }
0x60c: {  	v17 =	vor.u32 $0x47, v1;
	v4 =	vld.idx.msk [tilespmem:v60+s21+$0x0], $0xffff  }
0x60d: {  	v18 =	vld.idx.msk [tilespmem:v6+s20+$0x0], $0xffff;
	v2 =	vadd.f32 v3, v2;
	v3 =	vmul.f32 v5, v61  }
0x60e: {  	v5 =	vld.idx.msk [tilespmem:v6+s21+$0x0], $0xffff;
	v6 =	vor.u32 $0x48, v1  }
0x60f: {  	v19 =	vld.idx.msk [tilespmem:v63+s20+$0x0], $0xffff;
	v2 =	vadd.f32 v3, v2;
	v3 =	vmul.f32 v7, v62  }
0x610: {  	v20 =	vor.u32 $0x49, v1;
	v7 =	vld.idx.msk [tilespmem:v63+s21+$0x0], $0xffff  }
0x611: {  	v21 =	vld.idx.msk [tilespmem:v17+s20+$0x0], $0xffff;
	v2 =	vadd.f32 v3, v2;
	v3 =	vmul.f32 v4, v16  }
0x612: {  	v22 =	vor.u32 $0x4A, v1;
	v4 =	vld.idx.msk [tilespmem:v17+s21+$0x0], $0xffff  }
0x613: {  	v23 =	vld.idx.msk [tilespmem:v6+s20+$0x0], $0xffff;
	v2 =	vadd.f32 v3, v2;
	v3 =	vmul.f32 v5, v18  }
0x614: {  	v5 =	vld.idx.msk [tilespmem:v6+s21+$0x0], $0xffff;
	v6 =	vor.u32 $0x4B, v1  }
0x615: {  	v24 =	vld.idx.msk [tilespmem:v20+s20+$0x0], $0xffff;
	v2 =	vadd.f32 v3, v2;
	v3 =	vmul.f32 v7, v19  }
0x616: {  	v25 =	vor.u32 $0x4C, v1;
	v7 =	vld.idx.msk [tilespmem:v20+s21+$0x0], $0xffff  }
0x617: {  	v26 =	vld.idx.msk [tilespmem:v22+s20+$0x0], $0xffff;
	v2 =	vadd.f32 v3, v2;
	v3 =	vmul.f32 v4, v21  }
0x618: {  	v27 =	vor.u32 $0x4D, v1;
	v4 =	vld.idx.msk [tilespmem:v22+s21+$0x0], $0xffff  }
0x619: {  	v28 =	vld.idx.msk [tilespmem:v6+s20+$0x0], $0xffff;
	v2 =	vadd.f32 v3, v2;
	v3 =	vmul.f32 v5, v23  }
0x61a: {  	v5 =	vld.idx.msk [tilespmem:v6+s21+$0x0], $0xffff;
	v6 =	vor.u32 $0x4E, v1  }
0x61b: {  	v29 =	vld.idx.msk [tilespmem:v25+s20+$0x0], $0xffff;
	v2 =	vadd.f32 v3, v2;
	v3 =	vmul.f32 v7, v24  }
0x61c: {  	v30 =	vor.u32 $0x4F, v1;
	v7 =	vld.idx.msk [tilespmem:v25+s21+$0x0], $0xffff  }
0x61d: {  	v31 =	vld.idx.msk [tilespmem:v27+s20+$0x0], $0xffff;
	v2 =	vadd.f32 v3, v2;
	v3 =	vmul.f32 v4, v26  }
0x61e: {  	v32 =	vor.u32 $0x50, v1;
	v4 =	vld.idx.msk [tilespmem:v27+s21+$0x0], $0xffff  }
0x61f: {  	v33 =	vld.idx.msk [tilespmem:v6+s20+$0x0], $0xffff;
	v2 =	vadd.f32 v3, v2;
	v3 =	vmul.f32 v5, v28  }
0x620: {  	v5 =	vld.idx.msk [tilespmem:v6+s21+$0x0], $0xffff;
	v6 =	vor.u32 $0x51, v1  }
0x621: {  	v34 =	vld.idx.msk [tilespmem:v30+s20+$0x0], $0xffff;
	v2 =	vadd.f32 v3, v2;
	v3 =	vmul.f32 v7, v29  }
0x622: {  	v35 =	vor.u32 $0x52, v1;
	v7 =	vld.idx.msk [tilespmem:v30+s21+$0x0], $0xffff  }
0x623: {  	v36 =	vld.idx.msk [tilespmem:v32+s20+$0x0], $0xffff;
	v2 =	vadd.f32 v3, v2;
	v3 =	vmul.f32 v4, v31  }
0x624: {  	v37 =	vor.u32 $0x53, v1;
	v4 =	vld.idx.msk [tilespmem:v32+s21+$0x0], $0xffff  }
0x625: {  	v38 =	vld.idx.msk [tilespmem:v6+s20+$0x0], $0xffff;
	v2 =	vadd.f32 v3, v2;
	v3 =	vmul.f32 v5, v33  }
0x626: {  	v5 =	vld.idx.msk [tilespmem:v6+s21+$0x0], $0xffff;
	v6 =	vor.u32 $0x54, v1  }
0x627: {  	v39 =	vld.idx.msk [tilespmem:v35+s20+$0x0], $0xffff;
	v2 =	vadd.f32 v3, v2;
	v3 =	vmul.f32 v7, v34  }
0x628: {  	v40 =	vor.u32 $0x55, v1;
	v7 =	vld.idx.msk [tilespmem:v35+s21+$0x0], $0xffff  }
0x629: {  	v41 =	vld.idx.msk [tilespmem:v37+s20+$0x0], $0xffff;
	v2 =	vadd.f32 v3, v2;
	v3 =	vmul.f32 v4, v36  }
0x62a: {  	v42 =	vor.u32 $0x56, v1;
	v4 =	vld.idx.msk [tilespmem:v37+s21+$0x0], $0xffff  }
0x62b: {  	v43 =	vld.idx.msk [tilespmem:v6+s20+$0x0], $0xffff;
	v2 =	vadd.f32 v3, v2;
	v3 =	vmul.f32 v5, v38  }
0x62c: {  	v5 =	vld.idx.msk [tilespmem:v6+s21+$0x0], $0xffff;
	v6 =	vor.u32 $0x57, v1  }
0x62d: {  	v44 =	vld.idx.msk [tilespmem:v40+s20+$0x0], $0xffff;
	v2 =	vadd.f32 v3, v2;
	v3 =	vmul.f32 v7, v39  }
0x62e: {  	v45 =	vor.u32 $0x58, v1;
	v7 =	vld.idx.msk [tilespmem:v40+s21+$0x0], $0xffff  }
0x62f: {  	v46 =	vld.idx.msk [tilespmem:v42+s20+$0x0], $0xffff;
	v2 =	vadd.f32 v3, v2;
	v3 =	vmul.f32 v4, v41  }
0x630: {  	v47 =	vor.u32 $0x59, v1;
	v4 =	vld.idx.msk [tilespmem:v42+s21+$0x0], $0xffff  }
0x631: {  	v48 =	vld.idx.msk [tilespmem:v6+s20+$0x0], $0xffff;
	v2 =	vadd.f32 v3, v2;
	v3 =	vmul.f32 v5, v43  }
0x632: {  	v5 =	vld.idx.msk [tilespmem:v6+s21+$0x0], $0xffff;
	v6 =	vor.u32 $0x5A, v1  }
0x633: {  	v49 =	vld.idx.msk [tilespmem:v45+s20+$0x0], $0xffff;
	v2 =	vadd.f32 v3, v2;
	v3 =	vmul.f32 v7, v44  }
0x634: {  	v50 =	vor.u32 $0x5B, v1;
	v7 =	vld.idx.msk [tilespmem:v45+s21+$0x0], $0xffff  }
0x635: {  	v51 =	vld.idx.msk [tilespmem:v47+s20+$0x0], $0xffff;
	v2 =	vadd.f32 v3, v2;
	v3 =	vmul.f32 v4, v46  }
0x636: {  	v52 =	vor.u32 $0x5C, v1;
	v4 =	vld.idx.msk [tilespmem:v47+s21+$0x0], $0xffff  }
0x637: {  	v53 =	vld.idx.msk [tilespmem:v6+s20+$0x0], $0xffff;
	v2 =	vadd.f32 v3, v2;
	v3 =	vmul.f32 v5, v48  }
0x638: {  	v5 =	vld.idx.msk [tilespmem:v6+s21+$0x0], $0xffff;
	v6 =	vor.u32 $0x5D, v1  }
0x639: {  	v54 =	vld.idx.msk [tilespmem:v50+s20+$0x0], $0xffff;
	v2 =	vadd.f32 v3, v2;
	v3 =	vmul.f32 v7, v49  }
0x63a: {  	v55 =	vor.u32 $0x5E, v1;
	v7 =	vld.idx.msk [tilespmem:v50+s21+$0x0], $0xffff  }
0x63b: {  	v56 =	vld.idx.msk [tilespmem:v52+s20+$0x0], $0xffff;
	v2 =	vadd.f32 v3, v2;
	v3 =	vmul.f32 v4, v51  }
0x63c: {  	v57 =	vor.u32 $0x5F, v1;
	v4 =	vld.idx.msk [tilespmem:v52+s21+$0x0], $0xffff  }
0x63d: {  	v58 =	vld.idx.msk [tilespmem:v6+s20+$0x0], $0xffff;
	v2 =	vadd.f32 v3, v2;
	v3 =	vmul.f32 v5, v53  }
0x63e: {  	v5 =	vld.idx.msk [tilespmem:v6+s21+$0x0], $0xffff;
	v6 =	vor.u32 $0x60, v1  }
0x63f: {  	v59 =	vld.idx.msk [tilespmem:v55+s20+$0x0], $0xffff;
	v2 =	vadd.f32 v3, v2;
	v3 =	vmul.f32 v7, v54  }
0x640: {  	v60 =	vor.u32 $0x61, v1;
	v7 =	vld.idx.msk [tilespmem:v55+s21+$0x0], $0xffff  }
0x641: {  	v61 =	vld.idx.msk [tilespmem:v57+s20+$0x0], $0xffff;
	v2 =	vadd.f32 v3, v2;
	v3 =	vmul.f32 v4, v56  }
0x642: {  	v62 =	vor.u32 $0x62, v1;
	v4 =	vld.idx.msk [tilespmem:v57+s21+$0x0], $0xffff  }
0x643: {  	v63 =	vld.idx.msk [tilespmem:v6+s20+$0x0], $0xffff;
	v2 =	vadd.f32 v3, v2;
	v3 =	vmul.f32 v5, v58  }
0x644: {  	v5 =	vld.idx.msk [tilespmem:v6+s21+$0x0], $0xffff;
	v6 =	vor.u32 $0x63, v1  }
0x645: {  	v16 =	vld.idx.msk [tilespmem:v60+s20+$0x0], $0xffff;
	v2 =	vadd.f32 v3, v2;
	v3 =	vmul.f32 v7, v59  }
0x646: {  	v17 =	vor.u32 $0x64, v1;
	v7 =	vld.idx.msk [tilespmem:v60+s21+$0x0], $0xffff  }
0x647: {  	v18 =	vld.idx.msk [tilespmem:v62+s20+$0x0], $0xffff;
	v2 =	vadd.f32 v3, v2;
	v3 =	vmul.f32 v4, v61  }
0x648: {  	v19 =	vor.u32 $0x65, v1;
	v4 =	vld.idx.msk [tilespmem:v62+s21+$0x0], $0xffff  }
0x649: {  	v20 =	vld.idx.msk [tilespmem:v6+s20+$0x0], $0xffff;
	v2 =	vadd.f32 v3, v2;
	v3 =	vmul.f32 v5, v63  }
0x64a: {  	v5 =	vld.idx.msk [tilespmem:v6+s21+$0x0], $0xffff;
	v6 =	vor.u32 $0x66, v1  }
0x64b: {  	v21 =	vld.idx.msk [tilespmem:v17+s20+$0x0], $0xffff;
	v2 =	vadd.f32 v3, v2;
	v3 =	vmul.f32 v7, v16  }
0x64c: {  	v22 =	vor.u32 $0x67, v1;
	v7 =	vld.idx.msk [tilespmem:v17+s21+$0x0], $0xffff  }
0x64d: {  	v23 =	vld.idx.msk [tilespmem:v19+s20+$0x0], $0xffff;
	v2 =	vadd.f32 v3, v2;
	v3 =	vmul.f32 v4, v18  }
0x64e: {  	v24 =	vor.u32 $0x68, v1;
	v4 =	vld.idx.msk [tilespmem:v19+s21+$0x0], $0xffff  }
0x64f: {  	v25 =	vld.idx.msk [tilespmem:v6+s20+$0x0], $0xffff;
	v2 =	vadd.f32 v3, v2;
	v3 =	vmul.f32 v5, v20  }
0x650: {  	v5 =	vld.idx.msk [tilespmem:v6+s21+$0x0], $0xffff;
	v6 =	vor.u32 $0x69, v1  }
0x651: {  	v26 =	vld.idx.msk [tilespmem:v22+s20+$0x0], $0xffff;
	v2 =	vadd.f32 v3, v2;
	v3 =	vmul.f32 v7, v21  }
0x652: {  	v27 =	vor.u32 $0x6A, v1;
	v7 =	vld.idx.msk [tilespmem:v22+s21+$0x0], $0xffff  }
0x653: {  	v28 =	vld.idx.msk [tilespmem:v24+s20+$0x0], $0xffff;
	v2 =	vadd.f32 v3, v2;
	v3 =	vmul.f32 v4, v23  }
0x654: {  	v29 =	vor.u32 $0x6B, v1;
	v4 =	vld.idx.msk [tilespmem:v24+s21+$0x0], $0xffff  }
0x655: {  	v30 =	vld.idx.msk [tilespmem:v6+s20+$0x0], $0xffff;
	v2 =	vadd.f32 v3, v2;
	v3 =	vmul.f32 v5, v25  }
0x656: {  	v5 =	vld.idx.msk [tilespmem:v6+s21+$0x0], $0xffff;
	v6 =	vor.u32 $0x6C, v1  }
0x657: {  	v31 =	vld.idx.msk [tilespmem:v27+s20+$0x0], $0xffff;
	v2 =	vadd.f32 v3, v2;
	v3 =	vmul.f32 v7, v26  }
0x658: {  	v32 =	vor.u32 $0x6D, v1;
	v7 =	vld.idx.msk [tilespmem:v27+s21+$0x0], $0xffff  }
0x659: {  	v33 =	vld.idx.msk [tilespmem:v29+s20+$0x0], $0xffff;
	v2 =	vadd.f32 v3, v2;
	v3 =	vmul.f32 v4, v28  }
0x65a: {  	v34 =	vor.u32 $0x6E, v1;
	v4 =	vld.idx.msk [tilespmem:v29+s21+$0x0], $0xffff  }
0x65b: {  	v35 =	vld.idx.msk [tilespmem:v6+s20+$0x0], $0xffff;
	v2 =	vadd.f32 v3, v2;
	v3 =	vmul.f32 v5, v30  }
0x65c: {  	v5 =	vld.idx.msk [tilespmem:v6+s21+$0x0], $0xffff;
	v6 =	vor.u32 $0x6F, v1  }
0x65d: {  	v36 =	vld.idx.msk [tilespmem:v32+s20+$0x0], $0xffff;
	v2 =	vadd.f32 v3, v2;
	v3 =	vmul.f32 v7, v31  }
0x65e: {  	v37 =	vor.u32 $0x70, v1;
	v7 =	vld.idx.msk [tilespmem:v32+s21+$0x0], $0xffff  }
0x65f: {  	v38 =	vld.idx.msk [tilespmem:v34+s20+$0x0], $0xffff;
	v2 =	vadd.f32 v3, v2;
	v3 =	vmul.f32 v4, v33  }
0x660: {  	v39 =	vor.u32 $0x71, v1;
	v4 =	vld.idx.msk [tilespmem:v34+s21+$0x0], $0xffff  }
0x661: {  	v40 =	vld.idx.msk [tilespmem:v6+s20+$0x0], $0xffff;
	v2 =	vadd.f32 v3, v2;
	v3 =	vmul.f32 v5, v35  }
0x662: {  	v5 =	vld.idx.msk [tilespmem:v6+s21+$0x0], $0xffff;
	v6 =	vor.u32 $0x72, v1  }
0x663: {  	v41 =	vld.idx.msk [tilespmem:v37+s20+$0x0], $0xffff;
	v2 =	vadd.f32 v3, v2;
	v3 =	vmul.f32 v7, v36  }
0x664: {  	v42 =	vor.u32 $0x73, v1;
	v7 =	vld.idx.msk [tilespmem:v37+s21+$0x0], $0xffff  }
0x665: {  	v43 =	vld.idx.msk [tilespmem:v39+s20+$0x0], $0xffff;
	v2 =	vadd.f32 v3, v2;
	v3 =	vmul.f32 v4, v38  }
0x666: {  	v44 =	vor.u32 $0x74, v1;
	v4 =	vld.idx.msk [tilespmem:v39+s21+$0x0], $0xffff  }
0x667: {  	v45 =	vld.idx.msk [tilespmem:v6+s20+$0x0], $0xffff;
	v2 =	vadd.f32 v3, v2;
	v3 =	vmul.f32 v5, v40  }
0x668: {  	v5 =	vld.idx.msk [tilespmem:v6+s21+$0x0], $0xffff;
	v6 =	vor.u32 $0x75, v1  }
0x669: {  	v46 =	vld.idx.msk [tilespmem:v42+s20+$0x0], $0xffff;
	v2 =	vadd.f32 v3, v2;
	v3 =	vmul.f32 v7, v41  }
0x66a: {  	v47 =	vor.u32 $0x76, v1;
	v7 =	vld.idx.msk [tilespmem:v42+s21+$0x0], $0xffff  }
0x66b: {  	v48 =	vld.idx.msk [tilespmem:v44+s20+$0x0], $0xffff;
	v2 =	vadd.f32 v3, v2;
	v3 =	vmul.f32 v4, v43  }
0x66c: {  	v49 =	vor.u32 $0x77, v1;
	v4 =	vld.idx.msk [tilespmem:v44+s21+$0x0], $0xffff  }
0x66d: {  	v50 =	vld.idx.msk [tilespmem:v6+s20+$0x0], $0xffff;
	v2 =	vadd.f32 v3, v2;
	v3 =	vmul.f32 v5, v45  }
0x66e: {  	v5 =	vld.idx.msk [tilespmem:v6+s21+$0x0], $0xffff;
	v6 =	vor.u32 $0x78, v1  }
0x66f: {  	v51 =	vld.idx.msk [tilespmem:v47+s20+$0x0], $0xffff;
	v2 =	vadd.f32 v3, v2;
	v3 =	vmul.f32 v7, v46  }
0x670: {  	v52 =	vor.u32 $0x79, v1;
	v7 =	vld.idx.msk [tilespmem:v47+s21+$0x0], $0xffff  }
0x671: {  	v53 =	vld.idx.msk [tilespmem:v49+s20+$0x0], $0xffff;
	v2 =	vadd.f32 v3, v2;
	v3 =	vmul.f32 v4, v48  }
0x672: {  	v54 =	vor.u32 $0x7A, v1;
	v4 =	vld.idx.msk [tilespmem:v49+s21+$0x0], $0xffff  }
0x673: {  	v55 =	vld.idx.msk [tilespmem:v6+s20+$0x0], $0xffff;
	v2 =	vadd.f32 v3, v2;
	v3 =	vmul.f32 v5, v50  }
0x674: {  	v5 =	vld.idx.msk [tilespmem:v6+s21+$0x0], $0xffff;
	v6 =	vor.u32 $0x7B, v1  }
0x675: {  	v56 =	vld.idx.msk [tilespmem:v52+s20+$0x0], $0xffff;
	v2 =	vadd.f32 v3, v2;
	v3 =	vmul.f32 v7, v51  }
0x676: {  	v57 =	vor.u32 $0x7C, v1;
	v7 =	vld.idx.msk [tilespmem:v52+s21+$0x0], $0xffff  }
0x677: {  	v58 =	vld.idx.msk [tilespmem:v54+s20+$0x0], $0xffff;
	v2 =	vadd.f32 v3, v2;
	v3 =	vmul.f32 v4, v53  }
0x678: {  	v4 =	vld.idx.msk [tilespmem:v54+s21+$0x0], $0xffff  }
0x679: {  	v60 =	vld.idx.msk [tilespmem:v6+s20+$0x0], $0xffff;
	v2 =	vadd.f32 v3, v2;
	v3 =	vmul.f32 v5, v55  }
0x67a: {  	v59 =	vor.u32 $0x7D, v1;
	v5 =	vld.idx.msk [tilespmem:v6+s21+$0x0], $0xffff  }
0x67b: {  	v61 =	vld.idx.msk [tilespmem:v57+s20+$0x0], $0xffff;
	v2 =	vadd.f32 v3, v2;
	v3 =	vmul.f32 v7, v56  }
0x67c: {  	v6 =	vor.u32 $0x7E, v1;
	v7 =	vld.idx.msk [tilespmem:v57+s21+$0x0], $0xffff  }
0x67d: {  	v2 =	vadd.f32 v3, v2;
	v3 =	vmul.f32 v4, v58  }
0x67e: {  	v1 =	vor.u32 $0x7F, v1  }
0x67f: {  	v62 =	vld.idx.msk [tilespmem:v59+s20+$0x0], $0xffff;
	v2 =	vadd.f32 v3, v2;
	v3 =	vmul.f32 v5, v60  }
0x680: {  	v4 =	vld.idx.msk [tilespmem:v59+s21+$0x0], $0xffff  }
0x681: {  	v63 =	vld.idx.msk [tilespmem:v6+s20+$0x0], $0xffff;
	v2 =	vadd.f32 v3, v2;
	v3 =	vmul.f32 v7, v61  }
0x682: {  	v5 =	vld.idx.msk [tilespmem:v6+s21+$0x0], $0xffff  }
0x683: {  	v6 =	vadd.f32 v3, v2;
	v2 =	vld.idx.msk [tilespmem:v1+s20+$0x0], $0xffff  }
0x684: {  	v3 =	vld.idx.msk [tilespmem:v1+s21+$0x0], $0xffff  }
0x685: {  	v4 =	vmul.f32 v4, v62  }
0x686: {  	s26 =	simm.s32 $0x20  }
0x687: {  	v7 =	vmov s26;
	v5 =	vmul.f32 v5, v63;
	v4 =	vadd.f32 v4, v6  }
0x688: {  	s26 =	simm.s32 $0x30;
	v1 =	vshll.u32 v7, $0x7  }
.LBB2_9:
0x689: {  	p0 =	sne.s32 s26, $0x70;
	v1 =	vor.u32 v0, v1;
	v4 =	vadd.f32 v5, v4;
	v2 =	vmul.f32 v3, v2;
	_ =	sdelay $0x1  }
0x68a: {  	v3 =	vor.u32 $0x1, v1;
	v2 =	vadd.f32 v2, v4  }
0x68b: {  	s25 =	sadd.s32 $0x10, s25  }
0x68c: {  	v4 =	vor.u32 $0x2, v1;
	[tilespmem:s25+$0x0] =	vst v2  }
0x68d: {  	v2 =	vld.idx.msk [tilespmem:v1+s21+$0x0], $0xffff  }
0x68e: {  	v6 =	vor.u32 $0x3, v1;
	v5 =	vld.idx.msk [tilespmem:v1+s20+$0x0], $0xffff  }
0x68f: {  	v7 =	vld.idx.msk [tilespmem:v3+s20+$0x0], $0xffff  }
0x690: {  	v8 =	vor.u32 $0x4, v1;
	v3 =	vld.idx.msk [tilespmem:v3+s21+$0x0], $0xffff  }
0x691: {  	v9 =	vld.idx.msk [tilespmem:v4+s20+$0x0], $0xffff  }
0x692: {  	v10 =	vor.u32 $0x5, v1;
	v4 =	vld.idx.msk [tilespmem:v4+s21+$0x0], $0xffff  }
0x693: {  	v11 =	vld.idx.msk [tilespmem:v6+s20+$0x0], $0xffff  }
0x694: {  	v2 =	vmul.f32 v2, v5;
	v5 =	vld.idx.msk [tilespmem:v6+s21+$0x0], $0xffff;
	v6 =	vor.u32 $0x6, v1  }
0x695: {  	v12 =	vld.idx.msk [tilespmem:v8+s20+$0x0], $0xffff  }
0x696: {  	v2 =	vadd.f32 $0.0e+00, v2;
	v3 =	vmul.f32 v3, v7;
	v7 =	vld.idx.msk [tilespmem:v8+s21+$0x0], $0xffff;
	v8 =	vor.u32 $0x7, v1  }
0x697: {  	v13 =	vld.idx.msk [tilespmem:v10+s20+$0x0], $0xffff  }
0x698: {  	v2 =	vadd.f32 v3, v2;
	v3 =	vmul.f32 v4, v9;
	v9 =	vor.u32 $0x8, v1;
	v4 =	vld.idx.msk [tilespmem:v10+s21+$0x0], $0xffff  }
0x699: {  	v10 =	vld.idx.msk [tilespmem:v6+s20+$0x0], $0xffff  }
0x69a: {  	v2 =	vadd.f32 v3, v2;
	v3 =	vmul.f32 v5, v11;
	v5 =	vld.idx.msk [tilespmem:v6+s21+$0x0], $0xffff;
	v6 =	vor.u32 $0x9, v1  }
0x69b: {  	v11 =	vld.idx.msk [tilespmem:v8+s20+$0x0], $0xffff  }
0x69c: {  	v2 =	vadd.f32 v3, v2;
	v3 =	vmul.f32 v7, v12;
	v7 =	vld.idx.msk [tilespmem:v8+s21+$0x0], $0xffff;
	v8 =	vor.u32 $0xA, v1  }
0x69d: {  	v12 =	vld.idx.msk [tilespmem:v9+s20+$0x0], $0xffff  }
0x69e: {  	v2 =	vadd.f32 v3, v2;
	v3 =	vmul.f32 v4, v13;
	v4 =	vld.idx.msk [tilespmem:v9+s21+$0x0], $0xffff;
	v9 =	vor.u32 $0xB, v1  }
0x69f: {  	v13 =	vld.idx.msk [tilespmem:v6+s20+$0x0], $0xffff  }
0x6a0: {  	v2 =	vadd.f32 v3, v2;
	v3 =	vmul.f32 v5, v10;
	v5 =	vld.idx.msk [tilespmem:v6+s21+$0x0], $0xffff;
	v6 =	vor.u32 $0xC, v1  }
0x6a1: {  	v10 =	vld.idx.msk [tilespmem:v8+s20+$0x0], $0xffff  }
0x6a2: {  	v2 =	vadd.f32 v3, v2;
	v3 =	vmul.f32 v7, v11;
	v7 =	vld.idx.msk [tilespmem:v8+s21+$0x0], $0xffff;
	v8 =	vor.u32 $0xD, v1  }
0x6a3: {  	v11 =	vld.idx.msk [tilespmem:v9+s20+$0x0], $0xffff  }
0x6a4: {  	v2 =	vadd.f32 v3, v2;
	v3 =	vmul.f32 v4, v12;
	v4 =	vld.idx.msk [tilespmem:v9+s21+$0x0], $0xffff;
	v9 =	vor.u32 $0xE, v1  }
0x6a5: {  	v12 =	vld.idx.msk [tilespmem:v6+s20+$0x0], $0xffff  }
0x6a6: {  	v2 =	vadd.f32 v3, v2;
	v3 =	vmul.f32 v5, v13;
	v5 =	vld.idx.msk [tilespmem:v6+s21+$0x0], $0xffff;
	v6 =	vor.u32 $0xF, v1  }
0x6a7: {  	v13 =	vld.idx.msk [tilespmem:v8+s20+$0x0], $0xffff  }
0x6a8: {  	v2 =	vadd.f32 v3, v2;
	v3 =	vmul.f32 v7, v10;
	v7 =	vld.idx.msk [tilespmem:v8+s21+$0x0], $0xffff;
	v8 =	vor.u32 $0x10, v1  }
0x6a9: {  	v10 =	vld.idx.msk [tilespmem:v9+s20+$0x0], $0xffff  }
0x6aa: {  	v2 =	vadd.f32 v3, v2;
	v3 =	vmul.f32 v4, v11;
	v4 =	vld.idx.msk [tilespmem:v9+s21+$0x0], $0xffff;
	v9 =	vor.u32 $0x11, v1  }
0x6ab: {  	v11 =	vld.idx.msk [tilespmem:v6+s20+$0x0], $0xffff  }
0x6ac: {  	v2 =	vadd.f32 v3, v2;
	v3 =	vmul.f32 v5, v12;
	v5 =	vld.idx.msk [tilespmem:v6+s21+$0x0], $0xffff;
	v6 =	vor.u32 $0x12, v1  }
0x6ad: {  	v12 =	vld.idx.msk [tilespmem:v8+s20+$0x0], $0xffff  }
0x6ae: {  	v2 =	vadd.f32 v3, v2;
	v3 =	vmul.f32 v7, v13;
	v7 =	vld.idx.msk [tilespmem:v8+s21+$0x0], $0xffff;
	v8 =	vor.u32 $0x13, v1  }
0x6af: {  	v13 =	vld.idx.msk [tilespmem:v9+s20+$0x0], $0xffff  }
0x6b0: {  	v2 =	vadd.f32 v3, v2;
	v3 =	vmul.f32 v4, v10;
	v4 =	vld.idx.msk [tilespmem:v9+s21+$0x0], $0xffff;
	v9 =	vor.u32 $0x14, v1  }
0x6b1: {  	v10 =	vld.idx.msk [tilespmem:v6+s20+$0x0], $0xffff  }
0x6b2: {  	v2 =	vadd.f32 v3, v2;
	v3 =	vmul.f32 v5, v11;
	v5 =	vld.idx.msk [tilespmem:v6+s21+$0x0], $0xffff;
	v6 =	vor.u32 $0x15, v1  }
0x6b3: {  	v11 =	vld.idx.msk [tilespmem:v8+s20+$0x0], $0xffff  }
0x6b4: {  	v2 =	vadd.f32 v3, v2;
	v3 =	vmul.f32 v7, v12;
	v7 =	vld.idx.msk [tilespmem:v8+s21+$0x0], $0xffff;
	v8 =	vor.u32 $0x16, v1  }
0x6b5: {  	v12 =	vld.idx.msk [tilespmem:v9+s20+$0x0], $0xffff  }
0x6b6: {  	v2 =	vadd.f32 v3, v2;
	v3 =	vmul.f32 v4, v13;
	v4 =	vld.idx.msk [tilespmem:v9+s21+$0x0], $0xffff;
	v9 =	vor.u32 $0x17, v1  }
0x6b7: {  	v13 =	vld.idx.msk [tilespmem:v6+s20+$0x0], $0xffff  }
0x6b8: {  	v2 =	vadd.f32 v3, v2;
	v3 =	vmul.f32 v5, v10;
	v5 =	vld.idx.msk [tilespmem:v6+s21+$0x0], $0xffff;
	v6 =	vor.u32 $0x18, v1  }
0x6b9: {  	v10 =	vld.idx.msk [tilespmem:v8+s20+$0x0], $0xffff  }
0x6ba: {  	v2 =	vadd.f32 v3, v2;
	v3 =	vmul.f32 v7, v11;
	v7 =	vld.idx.msk [tilespmem:v8+s21+$0x0], $0xffff;
	v8 =	vor.u32 $0x19, v1  }
0x6bb: {  	v11 =	vld.idx.msk [tilespmem:v9+s20+$0x0], $0xffff  }
0x6bc: {  	v2 =	vadd.f32 v3, v2;
	v3 =	vmul.f32 v4, v12;
	v4 =	vld.idx.msk [tilespmem:v9+s21+$0x0], $0xffff;
	v9 =	vor.u32 $0x1A, v1  }
0x6bd: {  	v12 =	vld.idx.msk [tilespmem:v6+s20+$0x0], $0xffff  }
0x6be: {  	v2 =	vadd.f32 v3, v2;
	v3 =	vmul.f32 v5, v13;
	v5 =	vld.idx.msk [tilespmem:v6+s21+$0x0], $0xffff;
	v6 =	vor.u32 $0x1B, v1  }
0x6bf: {  	v13 =	vld.idx.msk [tilespmem:v8+s20+$0x0], $0xffff  }
0x6c0: {  	v2 =	vadd.f32 v3, v2;
	v3 =	vmul.f32 v7, v10;
	v7 =	vld.idx.msk [tilespmem:v8+s21+$0x0], $0xffff;
	v8 =	vor.u32 $0x1C, v1  }
0x6c1: {  	v10 =	vld.idx.msk [tilespmem:v9+s20+$0x0], $0xffff  }
0x6c2: {  	v2 =	vadd.f32 v3, v2;
	v3 =	vmul.f32 v4, v11;
	v4 =	vld.idx.msk [tilespmem:v9+s21+$0x0], $0xffff;
	v9 =	vor.u32 $0x1D, v1  }
0x6c3: {  	v11 =	vld.idx.msk [tilespmem:v6+s20+$0x0], $0xffff  }
0x6c4: {  	v2 =	vadd.f32 v3, v2;
	v3 =	vmul.f32 v5, v12;
	v5 =	vld.idx.msk [tilespmem:v6+s21+$0x0], $0xffff;
	v6 =	vor.u32 $0x1E, v1  }
0x6c5: {  	v12 =	vld.idx.msk [tilespmem:v8+s20+$0x0], $0xffff  }
0x6c6: {  	v2 =	vadd.f32 v3, v2;
	v3 =	vmul.f32 v7, v13;
	v7 =	vld.idx.msk [tilespmem:v8+s21+$0x0], $0xffff;
	v8 =	vor.u32 $0x1F, v1  }
0x6c7: {  	v13 =	vld.idx.msk [tilespmem:v9+s20+$0x0], $0xffff  }
0x6c8: {  	v2 =	vadd.f32 v3, v2;
	v3 =	vmul.f32 v4, v10;
	v4 =	vld.idx.msk [tilespmem:v9+s21+$0x0], $0xffff;
	v9 =	vor.u32 $0x20, v1  }
0x6c9: {  	v10 =	vld.idx.msk [tilespmem:v6+s20+$0x0], $0xffff  }
0x6ca: {  	v2 =	vadd.f32 v3, v2;
	v3 =	vmul.f32 v5, v11;
	v5 =	vld.idx.msk [tilespmem:v6+s21+$0x0], $0xffff;
	v6 =	vor.u32 $0x21, v1  }
0x6cb: {  	v11 =	vld.idx.msk [tilespmem:v8+s20+$0x0], $0xffff  }
0x6cc: {  	v2 =	vadd.f32 v3, v2;
	v3 =	vmul.f32 v7, v12;
	v7 =	vld.idx.msk [tilespmem:v8+s21+$0x0], $0xffff;
	v8 =	vor.u32 $0x22, v1  }
0x6cd: {  	v12 =	vld.idx.msk [tilespmem:v9+s20+$0x0], $0xffff  }
0x6ce: {  	v2 =	vadd.f32 v3, v2;
	v3 =	vmul.f32 v4, v13;
	v4 =	vld.idx.msk [tilespmem:v9+s21+$0x0], $0xffff;
	v9 =	vor.u32 $0x23, v1  }
0x6cf: {  	v13 =	vld.idx.msk [tilespmem:v6+s20+$0x0], $0xffff  }
0x6d0: {  	v2 =	vadd.f32 v3, v2;
	v3 =	vmul.f32 v5, v10;
	v5 =	vld.idx.msk [tilespmem:v6+s21+$0x0], $0xffff;
	v6 =	vor.u32 $0x24, v1  }
0x6d1: {  	v10 =	vld.idx.msk [tilespmem:v8+s20+$0x0], $0xffff  }
0x6d2: {  	v2 =	vadd.f32 v3, v2;
	v3 =	vmul.f32 v7, v11;
	v7 =	vld.idx.msk [tilespmem:v8+s21+$0x0], $0xffff;
	v8 =	vor.u32 $0x25, v1  }
0x6d3: {  	v11 =	vld.idx.msk [tilespmem:v9+s20+$0x0], $0xffff  }
0x6d4: {  	v2 =	vadd.f32 v3, v2;
	v3 =	vmul.f32 v4, v12;
	v4 =	vld.idx.msk [tilespmem:v9+s21+$0x0], $0xffff;
	v9 =	vor.u32 $0x26, v1  }
0x6d5: {  	v12 =	vld.idx.msk [tilespmem:v6+s20+$0x0], $0xffff  }
0x6d6: {  	v2 =	vadd.f32 v3, v2;
	v3 =	vmul.f32 v5, v13;
	v5 =	vld.idx.msk [tilespmem:v6+s21+$0x0], $0xffff;
	v6 =	vor.u32 $0x27, v1  }
0x6d7: {  	v13 =	vld.idx.msk [tilespmem:v8+s20+$0x0], $0xffff  }
0x6d8: {  	v2 =	vadd.f32 v3, v2;
	v3 =	vmul.f32 v7, v10;
	v7 =	vld.idx.msk [tilespmem:v8+s21+$0x0], $0xffff;
	v8 =	vor.u32 $0x28, v1  }
0x6d9: {  	v10 =	vld.idx.msk [tilespmem:v9+s20+$0x0], $0xffff  }
0x6da: {  	v2 =	vadd.f32 v3, v2;
	v3 =	vmul.f32 v4, v11;
	v4 =	vld.idx.msk [tilespmem:v9+s21+$0x0], $0xffff;
	v9 =	vor.u32 $0x29, v1  }
0x6db: {  	v11 =	vld.idx.msk [tilespmem:v6+s20+$0x0], $0xffff  }
0x6dc: {  	v2 =	vadd.f32 v3, v2;
	v3 =	vmul.f32 v5, v12;
	v5 =	vld.idx.msk [tilespmem:v6+s21+$0x0], $0xffff;
	v6 =	vor.u32 $0x2A, v1  }
0x6dd: {  	v12 =	vld.idx.msk [tilespmem:v8+s20+$0x0], $0xffff  }
0x6de: {  	v2 =	vadd.f32 v3, v2;
	v3 =	vmul.f32 v7, v13;
	v7 =	vld.idx.msk [tilespmem:v8+s21+$0x0], $0xffff;
	v8 =	vor.u32 $0x2B, v1  }
0x6df: {  	v13 =	vld.idx.msk [tilespmem:v9+s20+$0x0], $0xffff  }
0x6e0: {  	v2 =	vadd.f32 v3, v2;
	v3 =	vmul.f32 v4, v10;
	v4 =	vld.idx.msk [tilespmem:v9+s21+$0x0], $0xffff;
	v9 =	vor.u32 $0x2C, v1  }
0x6e1: {  	v10 =	vld.idx.msk [tilespmem:v6+s20+$0x0], $0xffff  }
0x6e2: {  	v2 =	vadd.f32 v3, v2;
	v3 =	vmul.f32 v5, v11;
	v5 =	vld.idx.msk [tilespmem:v6+s21+$0x0], $0xffff;
	v6 =	vor.u32 $0x2D, v1  }
0x6e3: {  	v11 =	vld.idx.msk [tilespmem:v8+s20+$0x0], $0xffff  }
0x6e4: {  	v2 =	vadd.f32 v3, v2;
	v3 =	vmul.f32 v7, v12;
	v7 =	vld.idx.msk [tilespmem:v8+s21+$0x0], $0xffff;
	v8 =	vor.u32 $0x2E, v1  }
0x6e5: {  	v12 =	vld.idx.msk [tilespmem:v9+s20+$0x0], $0xffff  }
0x6e6: {  	v2 =	vadd.f32 v3, v2;
	v3 =	vmul.f32 v4, v13;
	v4 =	vld.idx.msk [tilespmem:v9+s21+$0x0], $0xffff;
	v9 =	vor.u32 $0x2F, v1  }
0x6e7: {  	v13 =	vld.idx.msk [tilespmem:v6+s20+$0x0], $0xffff  }
0x6e8: {  	v2 =	vadd.f32 v3, v2;
	v3 =	vmul.f32 v5, v10;
	v5 =	vld.idx.msk [tilespmem:v6+s21+$0x0], $0xffff;
	v6 =	vor.u32 $0x30, v1  }
0x6e9: {  	v10 =	vld.idx.msk [tilespmem:v8+s20+$0x0], $0xffff  }
0x6ea: {  	v2 =	vadd.f32 v3, v2;
	v3 =	vmul.f32 v7, v11;
	v7 =	vld.idx.msk [tilespmem:v8+s21+$0x0], $0xffff;
	v8 =	vor.u32 $0x31, v1  }
0x6eb: {  	v11 =	vld.idx.msk [tilespmem:v9+s20+$0x0], $0xffff  }
0x6ec: {  	v2 =	vadd.f32 v3, v2;
	v3 =	vmul.f32 v4, v12;
	v4 =	vld.idx.msk [tilespmem:v9+s21+$0x0], $0xffff;
	v9 =	vor.u32 $0x32, v1  }
0x6ed: {  	v12 =	vld.idx.msk [tilespmem:v6+s20+$0x0], $0xffff  }
0x6ee: {  	v2 =	vadd.f32 v3, v2;
	v3 =	vmul.f32 v5, v13;
	v5 =	vld.idx.msk [tilespmem:v6+s21+$0x0], $0xffff;
	v6 =	vor.u32 $0x33, v1  }
0x6ef: {  	v13 =	vld.idx.msk [tilespmem:v8+s20+$0x0], $0xffff  }
0x6f0: {  	v2 =	vadd.f32 v3, v2;
	v3 =	vmul.f32 v7, v10;
	v7 =	vld.idx.msk [tilespmem:v8+s21+$0x0], $0xffff;
	v8 =	vor.u32 $0x34, v1  }
0x6f1: {  	v10 =	vld.idx.msk [tilespmem:v9+s20+$0x0], $0xffff  }
0x6f2: {  	v2 =	vadd.f32 v3, v2;
	v3 =	vmul.f32 v4, v11;
	v4 =	vld.idx.msk [tilespmem:v9+s21+$0x0], $0xffff;
	v9 =	vor.u32 $0x35, v1  }
0x6f3: {  	v11 =	vld.idx.msk [tilespmem:v6+s20+$0x0], $0xffff  }
0x6f4: {  	v2 =	vadd.f32 v3, v2;
	v3 =	vmul.f32 v5, v12;
	v5 =	vld.idx.msk [tilespmem:v6+s21+$0x0], $0xffff;
	v6 =	vor.u32 $0x36, v1  }
0x6f5: {  	v12 =	vld.idx.msk [tilespmem:v8+s20+$0x0], $0xffff  }
0x6f6: {  	v2 =	vadd.f32 v3, v2;
	v3 =	vmul.f32 v7, v13;
	v7 =	vld.idx.msk [tilespmem:v8+s21+$0x0], $0xffff;
	v8 =	vor.u32 $0x37, v1  }
0x6f7: {  	v13 =	vld.idx.msk [tilespmem:v9+s20+$0x0], $0xffff  }
0x6f8: {  	v2 =	vadd.f32 v3, v2;
	v3 =	vmul.f32 v4, v10;
	v4 =	vld.idx.msk [tilespmem:v9+s21+$0x0], $0xffff;
	v9 =	vor.u32 $0x38, v1  }
0x6f9: {  	v10 =	vld.idx.msk [tilespmem:v6+s20+$0x0], $0xffff  }
0x6fa: {  	v2 =	vadd.f32 v3, v2;
	v3 =	vmul.f32 v5, v11;
	v5 =	vld.idx.msk [tilespmem:v6+s21+$0x0], $0xffff;
	v6 =	vor.u32 $0x39, v1  }
0x6fb: {  	v11 =	vld.idx.msk [tilespmem:v8+s20+$0x0], $0xffff  }
0x6fc: {  	v2 =	vadd.f32 v3, v2;
	v3 =	vmul.f32 v7, v12;
	v7 =	vld.idx.msk [tilespmem:v8+s21+$0x0], $0xffff;
	v8 =	vor.u32 $0x3A, v1  }
0x6fd: {  	v12 =	vld.idx.msk [tilespmem:v9+s20+$0x0], $0xffff  }
0x6fe: {  	v2 =	vadd.f32 v3, v2;
	v3 =	vmul.f32 v4, v13;
	v4 =	vld.idx.msk [tilespmem:v9+s21+$0x0], $0xffff;
	v9 =	vor.u32 $0x3B, v1  }
0x6ff: {  	v13 =	vld.idx.msk [tilespmem:v6+s20+$0x0], $0xffff  }
0x700: {  	v2 =	vadd.f32 v3, v2;
	v3 =	vmul.f32 v5, v10;
	v5 =	vld.idx.msk [tilespmem:v6+s21+$0x0], $0xffff;
	v6 =	vor.u32 $0x3C, v1  }
0x701: {  	v10 =	vld.idx.msk [tilespmem:v8+s20+$0x0], $0xffff  }
0x702: {  	v2 =	vadd.f32 v3, v2;
	v3 =	vmul.f32 v7, v11;
	v7 =	vld.idx.msk [tilespmem:v8+s21+$0x0], $0xffff;
	v8 =	vor.u32 $0x3D, v1  }
0x703: {  	v11 =	vld.idx.msk [tilespmem:v9+s20+$0x0], $0xffff  }
0x704: {  	v2 =	vadd.f32 v3, v2;
	v3 =	vmul.f32 v4, v12;
	v4 =	vld.idx.msk [tilespmem:v9+s21+$0x0], $0xffff;
	v9 =	vor.u32 $0x3E, v1  }
0x705: {  	v12 =	vld.idx.msk [tilespmem:v6+s20+$0x0], $0xffff  }
0x706: {  	v2 =	vadd.f32 v3, v2;
	v3 =	vmul.f32 v5, v13;
	v5 =	vld.idx.msk [tilespmem:v6+s21+$0x0], $0xffff;
	v6 =	vor.u32 $0x3F, v1  }
0x707: {  	v13 =	vld.idx.msk [tilespmem:v8+s20+$0x0], $0xffff  }
0x708: {  	v2 =	vadd.f32 v3, v2;
	v3 =	vmul.f32 v7, v10;
	v7 =	vld.idx.msk [tilespmem:v8+s21+$0x0], $0xffff;
	v8 =	vor.u32 $0x40, v1  }
0x709: {  	v10 =	vld.idx.msk [tilespmem:v9+s20+$0x0], $0xffff  }
0x70a: {  	v2 =	vadd.f32 v3, v2;
	v3 =	vmul.f32 v4, v11;
	v4 =	vld.idx.msk [tilespmem:v9+s21+$0x0], $0xffff;
	v9 =	vor.u32 $0x41, v1  }
0x70b: {  	v11 =	vld.idx.msk [tilespmem:v6+s20+$0x0], $0xffff  }
0x70c: {  	v2 =	vadd.f32 v3, v2;
	v3 =	vmul.f32 v5, v12;
	v5 =	vld.idx.msk [tilespmem:v6+s21+$0x0], $0xffff;
	v6 =	vor.u32 $0x42, v1  }
0x70d: {  	v12 =	vld.idx.msk [tilespmem:v8+s20+$0x0], $0xffff  }
0x70e: {  	v2 =	vadd.f32 v3, v2;
	v3 =	vmul.f32 v7, v13;
	v7 =	vld.idx.msk [tilespmem:v8+s21+$0x0], $0xffff;
	v8 =	vor.u32 $0x43, v1  }
0x70f: {  	v13 =	vld.idx.msk [tilespmem:v9+s20+$0x0], $0xffff  }
0x710: {  	v2 =	vadd.f32 v3, v2;
	v3 =	vmul.f32 v4, v10;
	v4 =	vld.idx.msk [tilespmem:v9+s21+$0x0], $0xffff;
	v9 =	vor.u32 $0x44, v1  }
0x711: {  	v10 =	vld.idx.msk [tilespmem:v6+s20+$0x0], $0xffff  }
0x712: {  	v2 =	vadd.f32 v3, v2;
	v3 =	vmul.f32 v5, v11;
	v5 =	vld.idx.msk [tilespmem:v6+s21+$0x0], $0xffff;
	v6 =	vor.u32 $0x45, v1  }
0x713: {  	v11 =	vld.idx.msk [tilespmem:v8+s20+$0x0], $0xffff  }
0x714: {  	v2 =	vadd.f32 v3, v2;
	v3 =	vmul.f32 v7, v12;
	v7 =	vld.idx.msk [tilespmem:v8+s21+$0x0], $0xffff;
	v8 =	vor.u32 $0x46, v1  }
0x715: {  	v12 =	vld.idx.msk [tilespmem:v9+s20+$0x0], $0xffff  }
0x716: {  	v2 =	vadd.f32 v3, v2;
	v3 =	vmul.f32 v4, v13;
	v4 =	vld.idx.msk [tilespmem:v9+s21+$0x0], $0xffff;
	v9 =	vor.u32 $0x47, v1  }
0x717: {  	v13 =	vld.idx.msk [tilespmem:v6+s20+$0x0], $0xffff  }
0x718: {  	v2 =	vadd.f32 v3, v2;
	v3 =	vmul.f32 v5, v10;
	v5 =	vld.idx.msk [tilespmem:v6+s21+$0x0], $0xffff;
	v6 =	vor.u32 $0x48, v1  }
0x719: {  	v10 =	vld.idx.msk [tilespmem:v8+s20+$0x0], $0xffff  }
0x71a: {  	v2 =	vadd.f32 v3, v2;
	v3 =	vmul.f32 v7, v11;
	v7 =	vld.idx.msk [tilespmem:v8+s21+$0x0], $0xffff;
	v8 =	vor.u32 $0x49, v1  }
0x71b: {  	v11 =	vld.idx.msk [tilespmem:v9+s20+$0x0], $0xffff  }
0x71c: {  	v2 =	vadd.f32 v3, v2;
	v3 =	vmul.f32 v4, v12;
	v4 =	vld.idx.msk [tilespmem:v9+s21+$0x0], $0xffff;
	v9 =	vor.u32 $0x4A, v1  }
0x71d: {  	v12 =	vld.idx.msk [tilespmem:v6+s20+$0x0], $0xffff  }
0x71e: {  	v2 =	vadd.f32 v3, v2;
	v3 =	vmul.f32 v5, v13;
	v5 =	vld.idx.msk [tilespmem:v6+s21+$0x0], $0xffff;
	v6 =	vor.u32 $0x4B, v1  }
0x71f: {  	v13 =	vld.idx.msk [tilespmem:v8+s20+$0x0], $0xffff  }
0x720: {  	v2 =	vadd.f32 v3, v2;
	v3 =	vmul.f32 v7, v10;
	v7 =	vld.idx.msk [tilespmem:v8+s21+$0x0], $0xffff;
	v8 =	vor.u32 $0x4C, v1  }
0x721: {  	v10 =	vld.idx.msk [tilespmem:v9+s20+$0x0], $0xffff  }
0x722: {  	v2 =	vadd.f32 v3, v2;
	v3 =	vmul.f32 v4, v11;
	v4 =	vld.idx.msk [tilespmem:v9+s21+$0x0], $0xffff;
	v9 =	vor.u32 $0x4D, v1  }
0x723: {  	v11 =	vld.idx.msk [tilespmem:v6+s20+$0x0], $0xffff  }
0x724: {  	v2 =	vadd.f32 v3, v2;
	v3 =	vmul.f32 v5, v12;
	v5 =	vld.idx.msk [tilespmem:v6+s21+$0x0], $0xffff;
	v6 =	vor.u32 $0x4E, v1  }
0x725: {  	v12 =	vld.idx.msk [tilespmem:v8+s20+$0x0], $0xffff  }
0x726: {  	v2 =	vadd.f32 v3, v2;
	v3 =	vmul.f32 v7, v13;
	v7 =	vld.idx.msk [tilespmem:v8+s21+$0x0], $0xffff;
	v8 =	vor.u32 $0x4F, v1  }
0x727: {  	v13 =	vld.idx.msk [tilespmem:v9+s20+$0x0], $0xffff  }
0x728: {  	v2 =	vadd.f32 v3, v2;
	v3 =	vmul.f32 v4, v10;
	v4 =	vld.idx.msk [tilespmem:v9+s21+$0x0], $0xffff;
	v9 =	vor.u32 $0x50, v1  }
0x729: {  	v10 =	vld.idx.msk [tilespmem:v6+s20+$0x0], $0xffff  }
0x72a: {  	v2 =	vadd.f32 v3, v2;
	v3 =	vmul.f32 v5, v11;
	v5 =	vld.idx.msk [tilespmem:v6+s21+$0x0], $0xffff;
	v6 =	vor.u32 $0x51, v1  }
0x72b: {  	v11 =	vld.idx.msk [tilespmem:v8+s20+$0x0], $0xffff  }
0x72c: {  	v2 =	vadd.f32 v3, v2;
	v3 =	vmul.f32 v7, v12;
	v7 =	vld.idx.msk [tilespmem:v8+s21+$0x0], $0xffff;
	v8 =	vor.u32 $0x52, v1  }
0x72d: {  	v12 =	vld.idx.msk [tilespmem:v9+s20+$0x0], $0xffff  }
0x72e: {  	v2 =	vadd.f32 v3, v2;
	v3 =	vmul.f32 v4, v13;
	v4 =	vld.idx.msk [tilespmem:v9+s21+$0x0], $0xffff;
	v9 =	vor.u32 $0x53, v1  }
0x72f: {  	v13 =	vld.idx.msk [tilespmem:v6+s20+$0x0], $0xffff  }
0x730: {  	v2 =	vadd.f32 v3, v2;
	v3 =	vmul.f32 v5, v10;
	v5 =	vld.idx.msk [tilespmem:v6+s21+$0x0], $0xffff;
	v6 =	vor.u32 $0x54, v1  }
0x731: {  	v10 =	vld.idx.msk [tilespmem:v8+s20+$0x0], $0xffff  }
0x732: {  	v2 =	vadd.f32 v3, v2;
	v3 =	vmul.f32 v7, v11;
	v7 =	vld.idx.msk [tilespmem:v8+s21+$0x0], $0xffff;
	v8 =	vor.u32 $0x55, v1  }
0x733: {  	v11 =	vld.idx.msk [tilespmem:v9+s20+$0x0], $0xffff  }
0x734: {  	v2 =	vadd.f32 v3, v2;
	v3 =	vmul.f32 v4, v12;
	v4 =	vld.idx.msk [tilespmem:v9+s21+$0x0], $0xffff;
	v9 =	vor.u32 $0x56, v1  }
0x735: {  	v12 =	vld.idx.msk [tilespmem:v6+s20+$0x0], $0xffff  }
0x736: {  	v2 =	vadd.f32 v3, v2;
	v3 =	vmul.f32 v5, v13;
	v5 =	vld.idx.msk [tilespmem:v6+s21+$0x0], $0xffff;
	v6 =	vor.u32 $0x57, v1  }
0x737: {  	v13 =	vld.idx.msk [tilespmem:v8+s20+$0x0], $0xffff  }
0x738: {  	v2 =	vadd.f32 v3, v2;
	v3 =	vmul.f32 v7, v10;
	v7 =	vld.idx.msk [tilespmem:v8+s21+$0x0], $0xffff;
	v8 =	vor.u32 $0x58, v1  }
0x739: {  	v10 =	vld.idx.msk [tilespmem:v9+s20+$0x0], $0xffff  }
0x73a: {  	v2 =	vadd.f32 v3, v2;
	v3 =	vmul.f32 v4, v11;
	v4 =	vld.idx.msk [tilespmem:v9+s21+$0x0], $0xffff;
	v9 =	vor.u32 $0x59, v1  }
0x73b: {  	v11 =	vld.idx.msk [tilespmem:v6+s20+$0x0], $0xffff  }
0x73c: {  	v2 =	vadd.f32 v3, v2;
	v3 =	vmul.f32 v5, v12;
	v5 =	vld.idx.msk [tilespmem:v6+s21+$0x0], $0xffff;
	v6 =	vor.u32 $0x5A, v1  }
0x73d: {  	v12 =	vld.idx.msk [tilespmem:v8+s20+$0x0], $0xffff  }
0x73e: {  	v2 =	vadd.f32 v3, v2;
	v3 =	vmul.f32 v7, v13;
	v7 =	vld.idx.msk [tilespmem:v8+s21+$0x0], $0xffff;
	v8 =	vor.u32 $0x5B, v1  }
0x73f: {  	v13 =	vld.idx.msk [tilespmem:v9+s20+$0x0], $0xffff  }
0x740: {  	v2 =	vadd.f32 v3, v2;
	v3 =	vmul.f32 v4, v10;
	v4 =	vld.idx.msk [tilespmem:v9+s21+$0x0], $0xffff;
	v9 =	vor.u32 $0x5C, v1  }
0x741: {  	v10 =	vld.idx.msk [tilespmem:v6+s20+$0x0], $0xffff  }
0x742: {  	v2 =	vadd.f32 v3, v2;
	v3 =	vmul.f32 v5, v11;
	v5 =	vld.idx.msk [tilespmem:v6+s21+$0x0], $0xffff;
	v6 =	vor.u32 $0x5D, v1  }
0x743: {  	v11 =	vld.idx.msk [tilespmem:v8+s20+$0x0], $0xffff  }
0x744: {  	v2 =	vadd.f32 v3, v2;
	v3 =	vmul.f32 v7, v12;
	v7 =	vld.idx.msk [tilespmem:v8+s21+$0x0], $0xffff;
	v8 =	vor.u32 $0x5E, v1  }
0x745: {  	v12 =	vld.idx.msk [tilespmem:v9+s20+$0x0], $0xffff  }
0x746: {  	v2 =	vadd.f32 v3, v2;
	v3 =	vmul.f32 v4, v13;
	v4 =	vld.idx.msk [tilespmem:v9+s21+$0x0], $0xffff;
	v9 =	vor.u32 $0x5F, v1  }
0x747: {  	v13 =	vld.idx.msk [tilespmem:v6+s20+$0x0], $0xffff  }
0x748: {  	v2 =	vadd.f32 v3, v2;
	v3 =	vmul.f32 v5, v10;
	v5 =	vld.idx.msk [tilespmem:v6+s21+$0x0], $0xffff;
	v6 =	vor.u32 $0x60, v1  }
0x749: {  	v10 =	vld.idx.msk [tilespmem:v8+s20+$0x0], $0xffff  }
0x74a: {  	v2 =	vadd.f32 v3, v2;
	v3 =	vmul.f32 v7, v11;
	v7 =	vld.idx.msk [tilespmem:v8+s21+$0x0], $0xffff;
	v8 =	vor.u32 $0x61, v1  }
0x74b: {  	v11 =	vld.idx.msk [tilespmem:v9+s20+$0x0], $0xffff  }
0x74c: {  	v2 =	vadd.f32 v3, v2;
	v3 =	vmul.f32 v4, v12;
	v4 =	vld.idx.msk [tilespmem:v9+s21+$0x0], $0xffff;
	v9 =	vor.u32 $0x62, v1  }
0x74d: {  	v12 =	vld.idx.msk [tilespmem:v6+s20+$0x0], $0xffff  }
0x74e: {  	v2 =	vadd.f32 v3, v2;
	v3 =	vmul.f32 v5, v13;
	v5 =	vld.idx.msk [tilespmem:v6+s21+$0x0], $0xffff;
	v6 =	vor.u32 $0x63, v1  }
0x74f: {  	v13 =	vld.idx.msk [tilespmem:v8+s20+$0x0], $0xffff  }
0x750: {  	v2 =	vadd.f32 v3, v2;
	v3 =	vmul.f32 v7, v10;
	v7 =	vld.idx.msk [tilespmem:v8+s21+$0x0], $0xffff;
	v8 =	vor.u32 $0x64, v1  }
0x751: {  	v10 =	vld.idx.msk [tilespmem:v9+s20+$0x0], $0xffff  }
0x752: {  	v2 =	vadd.f32 v3, v2;
	v3 =	vmul.f32 v4, v11;
	v4 =	vld.idx.msk [tilespmem:v9+s21+$0x0], $0xffff;
	v9 =	vor.u32 $0x65, v1  }
0x753: {  	v11 =	vld.idx.msk [tilespmem:v6+s20+$0x0], $0xffff  }
0x754: {  	v2 =	vadd.f32 v3, v2;
	v3 =	vmul.f32 v5, v12;
	v5 =	vld.idx.msk [tilespmem:v6+s21+$0x0], $0xffff;
	v6 =	vor.u32 $0x66, v1  }
0x755: {  	v12 =	vld.idx.msk [tilespmem:v8+s20+$0x0], $0xffff  }
0x756: {  	v2 =	vadd.f32 v3, v2;
	v3 =	vmul.f32 v7, v13;
	v7 =	vld.idx.msk [tilespmem:v8+s21+$0x0], $0xffff;
	v8 =	vor.u32 $0x67, v1  }
0x757: {  	v13 =	vld.idx.msk [tilespmem:v9+s20+$0x0], $0xffff  }
0x758: {  	v2 =	vadd.f32 v3, v2;
	v3 =	vmul.f32 v4, v10;
	v4 =	vld.idx.msk [tilespmem:v9+s21+$0x0], $0xffff;
	v9 =	vor.u32 $0x68, v1  }
0x759: {  	v10 =	vld.idx.msk [tilespmem:v6+s20+$0x0], $0xffff  }
0x75a: {  	v2 =	vadd.f32 v3, v2;
	v3 =	vmul.f32 v5, v11;
	v5 =	vld.idx.msk [tilespmem:v6+s21+$0x0], $0xffff;
	v6 =	vor.u32 $0x69, v1  }
0x75b: {  	v11 =	vld.idx.msk [tilespmem:v8+s20+$0x0], $0xffff  }
0x75c: {  	v2 =	vadd.f32 v3, v2;
	v3 =	vmul.f32 v7, v12;
	v7 =	vld.idx.msk [tilespmem:v8+s21+$0x0], $0xffff;
	v8 =	vor.u32 $0x6A, v1  }
0x75d: {  	v12 =	vld.idx.msk [tilespmem:v9+s20+$0x0], $0xffff  }
0x75e: {  	v2 =	vadd.f32 v3, v2;
	v3 =	vmul.f32 v4, v13;
	v4 =	vld.idx.msk [tilespmem:v9+s21+$0x0], $0xffff;
	v9 =	vor.u32 $0x6B, v1  }
0x75f: {  	v13 =	vld.idx.msk [tilespmem:v6+s20+$0x0], $0xffff  }
0x760: {  	v2 =	vadd.f32 v3, v2;
	v3 =	vmul.f32 v5, v10;
	v5 =	vld.idx.msk [tilespmem:v6+s21+$0x0], $0xffff;
	v6 =	vor.u32 $0x6C, v1  }
0x761: {  	v10 =	vld.idx.msk [tilespmem:v8+s20+$0x0], $0xffff  }
0x762: {  	v2 =	vadd.f32 v3, v2;
	v3 =	vmul.f32 v7, v11;
	v7 =	vld.idx.msk [tilespmem:v8+s21+$0x0], $0xffff;
	v8 =	vor.u32 $0x6D, v1  }
0x763: {  	v11 =	vld.idx.msk [tilespmem:v9+s20+$0x0], $0xffff  }
0x764: {  	v2 =	vadd.f32 v3, v2;
	v3 =	vmul.f32 v4, v12;
	v4 =	vld.idx.msk [tilespmem:v9+s21+$0x0], $0xffff;
	v9 =	vor.u32 $0x6E, v1  }
0x765: {  	v12 =	vld.idx.msk [tilespmem:v6+s20+$0x0], $0xffff  }
0x766: {  	v2 =	vadd.f32 v3, v2;
	v3 =	vmul.f32 v5, v13;
	v5 =	vld.idx.msk [tilespmem:v6+s21+$0x0], $0xffff;
	v6 =	vor.u32 $0x6F, v1  }
0x767: {  	v13 =	vld.idx.msk [tilespmem:v8+s20+$0x0], $0xffff  }
0x768: {  	v2 =	vadd.f32 v3, v2;
	v3 =	vmul.f32 v7, v10;
	v7 =	vld.idx.msk [tilespmem:v8+s21+$0x0], $0xffff;
	v8 =	vor.u32 $0x70, v1  }
0x769: {  	v10 =	vld.idx.msk [tilespmem:v9+s20+$0x0], $0xffff  }
0x76a: {  	v2 =	vadd.f32 v3, v2;
	v3 =	vmul.f32 v4, v11;
	v4 =	vld.idx.msk [tilespmem:v9+s21+$0x0], $0xffff;
	v9 =	vor.u32 $0x71, v1  }
0x76b: {  	v11 =	vld.idx.msk [tilespmem:v6+s20+$0x0], $0xffff  }
0x76c: {  	v2 =	vadd.f32 v3, v2;
	v3 =	vmul.f32 v5, v12;
	v5 =	vld.idx.msk [tilespmem:v6+s21+$0x0], $0xffff;
	v6 =	vor.u32 $0x72, v1  }
0x76d: {  	v12 =	vld.idx.msk [tilespmem:v8+s20+$0x0], $0xffff  }
0x76e: {  	v2 =	vadd.f32 v3, v2;
	v3 =	vmul.f32 v7, v13;
	v7 =	vld.idx.msk [tilespmem:v8+s21+$0x0], $0xffff;
	v8 =	vor.u32 $0x73, v1  }
0x76f: {  	v13 =	vld.idx.msk [tilespmem:v9+s20+$0x0], $0xffff  }
0x770: {  	v2 =	vadd.f32 v3, v2;
	v3 =	vmul.f32 v4, v10;
	v4 =	vld.idx.msk [tilespmem:v9+s21+$0x0], $0xffff;
	v9 =	vor.u32 $0x74, v1  }
0x771: {  	v10 =	vld.idx.msk [tilespmem:v6+s20+$0x0], $0xffff  }
0x772: {  	v2 =	vadd.f32 v3, v2;
	v3 =	vmul.f32 v5, v11;
	v5 =	vld.idx.msk [tilespmem:v6+s21+$0x0], $0xffff;
	v6 =	vor.u32 $0x75, v1  }
0x773: {  	v11 =	vld.idx.msk [tilespmem:v8+s20+$0x0], $0xffff  }
0x774: {  	v2 =	vadd.f32 v3, v2;
	v3 =	vmul.f32 v7, v12;
	v7 =	vld.idx.msk [tilespmem:v8+s21+$0x0], $0xffff;
	v8 =	vor.u32 $0x76, v1  }
0x775: {  	v12 =	vld.idx.msk [tilespmem:v9+s20+$0x0], $0xffff  }
0x776: {  	v2 =	vadd.f32 v3, v2;
	v3 =	vmul.f32 v4, v13;
	v4 =	vld.idx.msk [tilespmem:v9+s21+$0x0], $0xffff;
	v9 =	vor.u32 $0x77, v1  }
0x777: {  	v13 =	vld.idx.msk [tilespmem:v6+s20+$0x0], $0xffff  }
0x778: {  	v2 =	vadd.f32 v3, v2;
	v3 =	vmul.f32 v5, v10;
	v5 =	vld.idx.msk [tilespmem:v6+s21+$0x0], $0xffff;
	v6 =	vor.u32 $0x78, v1  }
0x779: {  	v10 =	vld.idx.msk [tilespmem:v8+s20+$0x0], $0xffff  }
0x77a: {  	v2 =	vadd.f32 v3, v2;
	v3 =	vmul.f32 v7, v11;
	v7 =	vld.idx.msk [tilespmem:v8+s21+$0x0], $0xffff;
	v8 =	vor.u32 $0x79, v1  }
0x77b: {  	v11 =	vld.idx.msk [tilespmem:v9+s20+$0x0], $0xffff  }
0x77c: {  	v2 =	vadd.f32 v3, v2;
	v3 =	vmul.f32 v4, v12;
	v4 =	vld.idx.msk [tilespmem:v9+s21+$0x0], $0xffff;
	v9 =	vor.u32 $0x7A, v1  }
0x77d: {  	v12 =	vld.idx.msk [tilespmem:v6+s20+$0x0], $0xffff  }
0x77e: {  	v2 =	vadd.f32 v3, v2;
	v3 =	vmul.f32 v5, v13;
	v5 =	vld.idx.msk [tilespmem:v6+s21+$0x0], $0xffff;
	v6 =	vor.u32 $0x7B, v1  }
0x77f: {  	v13 =	vld.idx.msk [tilespmem:v8+s20+$0x0], $0xffff  }
0x780: {  	v2 =	vadd.f32 v3, v2;
	v3 =	vmul.f32 v7, v10;
	v7 =	vld.idx.msk [tilespmem:v8+s21+$0x0], $0xffff;
	v8 =	vor.u32 $0x7C, v1  }
0x781: {  	v10 =	vld.idx.msk [tilespmem:v9+s20+$0x0], $0xffff  }
0x782: {  	v2 =	vadd.f32 v3, v2;
	v3 =	vmul.f32 v4, v11;
	v4 =	vld.idx.msk [tilespmem:v9+s21+$0x0], $0xffff;
	v9 =	vor.u32 $0x7D, v1  }
0x783: {  	v11 =	vld.idx.msk [tilespmem:v6+s20+$0x0], $0xffff  }
0x784: {  	v2 =	vadd.f32 v3, v2;
	v3 =	vmul.f32 v5, v12;
	v5 =	vld.idx.msk [tilespmem:v6+s21+$0x0], $0xffff;
	v6 =	vor.u32 $0x7E, v1  }
0x785: {  	v12 =	vld.idx.msk [tilespmem:v8+s20+$0x0], $0xffff  }
0x786: {  	v1 =	vor.u32 $0x7F, v1;
	v2 =	vadd.f32 v3, v2;
	v3 =	vmul.f32 v7, v13;
	v7 =	vld.idx.msk [tilespmem:v8+s21+$0x0], $0xffff  }
0x787: {  	v8 =	vld.idx.msk [tilespmem:v9+s20+$0x0], $0xffff  }
0x788: {  	v2 =	vadd.f32 v3, v2;
	v3 =	vmul.f32 v4, v10;
	v4 =	vld.idx.msk [tilespmem:v9+s21+$0x0], $0xffff  }
0x789: {  	v9 =	vld.idx.msk [tilespmem:v6+s20+$0x0], $0xffff  }
0x78a: {  	v3 =	vadd.f32 v3, v2;
	v5 =	vmul.f32 v5, v11;
	v6 =	vld.idx.msk [tilespmem:v6+s21+$0x0], $0xffff  }
0x78b: {  	v2 =	vld.idx.msk [tilespmem:v1+s20+$0x0], $0xffff  }
0x78c: {  	v5 =	vadd.f32 v5, v3;
	v7 =	vmul.f32 v7, v12;
	v3 =	vld.idx.msk [tilespmem:v1+s21+$0x0], $0xffff  }
.Ltmp9:
0x78d: {  	(pc) =	sbr.rel @p0 .LBB2_9-.Ltmp9, $3  }
0x78e: {  	v1 =	vadd.f32 v7, v5;
	v4 =	vmul.f32 v4, v8;
	_ =	sdelay $0x1  }
0x78f: {  	v7 =	vmov s26;
	v4 =	vadd.f32 v4, v1;
	v5 =	vmul.f32 v6, v9  }
0x790: {  	s26 =	sadd.s32 $0x10, s26;
	v1 =	vshll.u32 v7, $0x7  }
0x791: {  	v1 =	vor.u32 v0, v1;
	v4 =	vadd.f32 v5, v4;
	v2 =	vmul.f32 v3, v2;
	_ =	sdelay $0x1  }
0x792: {  	v3 =	vor.u32 $0x1, v1;
	v2 =	vadd.f32 v2, v4  }
0x793: {  	s25 =	sadd.s32 $0x10, s25  }
0x794: {  	v31 =	vor.u32 $0x2, v1;
	[tilespmem:s25+$0x0] =	vst v2  }
0x795: {  	v2 =	vld.idx.msk [tilespmem:v1+s21+$0x0], $0xffff  }
0x796: {  	v6 =	vor.u32 $0x3, v1;
	v32 =	vld.idx.msk [tilespmem:v1+s20+$0x0], $0xffff  }
0x797: {  	v7 =	vld.idx.msk [tilespmem:v3+s20+$0x0], $0xffff  }
0x798: {  	v8 =	vor.u32 $0x4, v1;
	v3 =	vld.idx.msk [tilespmem:v3+s21+$0x0], $0xffff  }
0x799: {  	v9 =	vld.idx.msk [tilespmem:v31+s20+$0x0], $0xffff  }
0x79a: {  	v10 =	vor.u32 $0x5, v1;
	v4 =	vld.idx.msk [tilespmem:v31+s21+$0x0], $0xffff  }
0x79b: {  	v11 =	vld.idx.msk [tilespmem:v6+s20+$0x0], $0xffff;
	v2 =	vmul.f32 v2, v32  }
0x79c: {  	v34 =	vor.u32 $0x6, v1;
	v33 =	vld.idx.msk [tilespmem:v6+s21+$0x0], $0xffff  }
0x79d: {  	v12 =	vld.idx.msk [tilespmem:v8+s20+$0x0], $0xffff;
	v3 =	vmul.f32 v3, v7;
	v2 =	vadd.f32 $0.0e+00, v2  }
0x79e: {  	v36 =	vor.u32 $0x7, v1;
	v35 =	vld.idx.msk [tilespmem:v8+s21+$0x0], $0xffff  }
0x79f: {  	v13 =	vld.idx.msk [tilespmem:v10+s20+$0x0], $0xffff;
	v2 =	vadd.f32 v3, v2;
	v3 =	vmul.f32 v4, v9  }
0x7a0: {  	v38 =	vor.u32 $0x8, v1;
	v37 =	vld.idx.msk [tilespmem:v10+s21+$0x0], $0xffff  }
0x7a1: {  	v39 =	vld.idx.msk [tilespmem:v34+s20+$0x0], $0xffff;
	v2 =	vadd.f32 v3, v2;
	v3 =	vmul.f32 v33, v11  }
0x7a2: {  	v41 =	vor.u32 $0x9, v1;
	v40 =	vld.idx.msk [tilespmem:v34+s21+$0x0], $0xffff  }
0x7a3: {  	v42 =	vld.idx.msk [tilespmem:v36+s20+$0x0], $0xffff;
	v2 =	vadd.f32 v3, v2;
	v3 =	vmul.f32 v35, v12  }
0x7a4: {  	v44 =	vor.u32 $0xA, v1;
	v43 =	vld.idx.msk [tilespmem:v36+s21+$0x0], $0xffff  }
0x7a5: {  	v45 =	vld.idx.msk [tilespmem:v38+s20+$0x0], $0xffff;
	v2 =	vadd.f32 v3, v2;
	v3 =	vmul.f32 v37, v13  }
0x7a6: {  	v47 =	vor.u32 $0xB, v1;
	v46 =	vld.idx.msk [tilespmem:v38+s21+$0x0], $0xffff  }
0x7a7: {  	v48 =	vld.idx.msk [tilespmem:v41+s20+$0x0], $0xffff;
	v2 =	vadd.f32 v3, v2;
	v3 =	vmul.f32 v40, v39  }
0x7a8: {  	v50 =	vor.u32 $0xC, v1;
	v49 =	vld.idx.msk [tilespmem:v41+s21+$0x0], $0xffff  }
0x7a9: {  	v51 =	vld.idx.msk [tilespmem:v44+s20+$0x0], $0xffff;
	v2 =	vadd.f32 v3, v2;
	v3 =	vmul.f32 v43, v42  }
0x7aa: {  	v53 =	vor.u32 $0xD, v1;
	v52 =	vld.idx.msk [tilespmem:v44+s21+$0x0], $0xffff  }
0x7ab: {  	v54 =	vld.idx.msk [tilespmem:v47+s20+$0x0], $0xffff;
	v2 =	vadd.f32 v3, v2;
	v3 =	vmul.f32 v46, v45  }
0x7ac: {  	v56 =	vor.u32 $0xE, v1;
	v55 =	vld.idx.msk [tilespmem:v47+s21+$0x0], $0xffff  }
0x7ad: {  	v57 =	vld.idx.msk [tilespmem:v50+s20+$0x0], $0xffff;
	v2 =	vadd.f32 v3, v2;
	v3 =	vmul.f32 v49, v48  }
0x7ae: {  	v59 =	vor.u32 $0xF, v1;
	v58 =	vld.idx.msk [tilespmem:v50+s21+$0x0], $0xffff  }
0x7af: {  	v60 =	vld.idx.msk [tilespmem:v53+s20+$0x0], $0xffff;
	v2 =	vadd.f32 v3, v2;
	v3 =	vmul.f32 v52, v51  }
0x7b0: {  	v62 =	vor.u32 $0x10, v1;
	v61 =	vld.idx.msk [tilespmem:v53+s21+$0x0], $0xffff  }
0x7b1: {  	v63 =	vld.idx.msk [tilespmem:v56+s20+$0x0], $0xffff;
	v2 =	vadd.f32 v3, v2;
	v3 =	vmul.f32 v55, v54  }
0x7b2: {  	v17 =	vor.u32 $0x11, v1;
	v16 =	vld.idx.msk [tilespmem:v56+s21+$0x0], $0xffff  }
0x7b3: {  	v18 =	vld.idx.msk [tilespmem:v59+s20+$0x0], $0xffff;
	v2 =	vadd.f32 v3, v2;
	v3 =	vmul.f32 v58, v57  }
0x7b4: {  	v20 =	vor.u32 $0x12, v1;
	v19 =	vld.idx.msk [tilespmem:v59+s21+$0x0], $0xffff  }
0x7b5: {  	v21 =	vld.idx.msk [tilespmem:v62+s20+$0x0], $0xffff;
	v2 =	vadd.f32 v3, v2;
	v3 =	vmul.f32 v61, v60  }
0x7b6: {  	v23 =	vor.u32 $0x13, v1;
	v22 =	vld.idx.msk [tilespmem:v62+s21+$0x0], $0xffff  }
0x7b7: {  	v24 =	vld.idx.msk [tilespmem:v17+s20+$0x0], $0xffff;
	v2 =	vadd.f32 v3, v2;
	v3 =	vmul.f32 v16, v63  }
0x7b8: {  	v26 =	vor.u32 $0x14, v1;
	v25 =	vld.idx.msk [tilespmem:v17+s21+$0x0], $0xffff  }
0x7b9: {  	v27 =	vld.idx.msk [tilespmem:v20+s20+$0x0], $0xffff;
	v2 =	vadd.f32 v3, v2;
	v3 =	vmul.f32 v19, v18  }
0x7ba: {  	v29 =	vor.u32 $0x15, v1;
	v28 =	vld.idx.msk [tilespmem:v20+s21+$0x0], $0xffff  }
0x7bb: {  	v30 =	vld.idx.msk [tilespmem:v23+s20+$0x0], $0xffff;
	v2 =	vadd.f32 v3, v2;
	v3 =	vmul.f32 v22, v21  }
0x7bc: {  	v31 =	vld.idx.msk [tilespmem:v23+s21+$0x0], $0xffff;
	v32 =	vor.u32 $0x16, v1  }
0x7bd: {  	v34 =	vld.idx.msk [tilespmem:v26+s21+$0x0], $0xffff;
	v2 =	vadd.f32 v3, v2;
	v3 =	vmul.f32 v25, v24  }
0x7be: {  	v33 =	vld.idx.msk [tilespmem:v26+s20+$0x0], $0xffff;
	v35 =	vor.u32 $0x17, v1  }
0x7bf: {  	v36 =	vld.idx.msk [tilespmem:v29+s20+$0x0], $0xffff;
	v2 =	vadd.f32 v3, v2;
	v3 =	vmul.f32 v28, v27  }
0x7c0: {  	v38 =	vor.u32 $0x18, v1;
	v37 =	vld.idx.msk [tilespmem:v29+s21+$0x0], $0xffff  }
0x7c1: {  	v39 =	vld.idx.msk [tilespmem:v32+s20+$0x0], $0xffff;
	v2 =	vadd.f32 v3, v2;
	v3 =	vmul.f32 v31, v30  }
0x7c2: {  	v41 =	vor.u32 $0x19, v1;
	v40 =	vld.idx.msk [tilespmem:v32+s21+$0x0], $0xffff  }
0x7c3: {  	v42 =	vld.idx.msk [tilespmem:v35+s20+$0x0], $0xffff;
	v2 =	vadd.f32 v3, v2;
	v3 =	vmul.f32 v34, v33  }
0x7c4: {  	v44 =	vor.u32 $0x1A, v1;
	v43 =	vld.idx.msk [tilespmem:v35+s21+$0x0], $0xffff  }
0x7c5: {  	v45 =	vld.idx.msk [tilespmem:v38+s20+$0x0], $0xffff;
	v2 =	vadd.f32 v3, v2;
	v3 =	vmul.f32 v37, v36  }
0x7c6: {  	v47 =	vor.u32 $0x1B, v1;
	v46 =	vld.idx.msk [tilespmem:v38+s21+$0x0], $0xffff  }
0x7c7: {  	v48 =	vld.idx.msk [tilespmem:v41+s20+$0x0], $0xffff;
	v2 =	vadd.f32 v3, v2;
	v3 =	vmul.f32 v40, v39  }
0x7c8: {  	v50 =	vor.u32 $0x1C, v1;
	v49 =	vld.idx.msk [tilespmem:v41+s21+$0x0], $0xffff  }
0x7c9: {  	v51 =	vld.idx.msk [tilespmem:v44+s20+$0x0], $0xffff;
	v2 =	vadd.f32 v3, v2;
	v3 =	vmul.f32 v43, v42  }
0x7ca: {  	v53 =	vor.u32 $0x1D, v1;
	v52 =	vld.idx.msk [tilespmem:v44+s21+$0x0], $0xffff  }
0x7cb: {  	v54 =	vld.idx.msk [tilespmem:v47+s20+$0x0], $0xffff;
	v2 =	vadd.f32 v3, v2;
	v3 =	vmul.f32 v46, v45  }
0x7cc: {  	v56 =	vor.u32 $0x1E, v1;
	v55 =	vld.idx.msk [tilespmem:v47+s21+$0x0], $0xffff  }
0x7cd: {  	v57 =	vld.idx.msk [tilespmem:v50+s20+$0x0], $0xffff;
	v2 =	vadd.f32 v3, v2;
	v3 =	vmul.f32 v49, v48  }
0x7ce: {  	v59 =	vor.u32 $0x1F, v1;
	v58 =	vld.idx.msk [tilespmem:v50+s21+$0x0], $0xffff  }
0x7cf: {  	v60 =	vld.idx.msk [tilespmem:v53+s20+$0x0], $0xffff;
	v2 =	vadd.f32 v3, v2;
	v3 =	vmul.f32 v52, v51  }
0x7d0: {  	v62 =	vor.u32 $0x20, v1;
	v61 =	vld.idx.msk [tilespmem:v53+s21+$0x0], $0xffff  }
0x7d1: {  	v63 =	vld.idx.msk [tilespmem:v56+s20+$0x0], $0xffff;
	v2 =	vadd.f32 v3, v2;
	v3 =	vmul.f32 v55, v54  }
0x7d2: {  	v17 =	vor.u32 $0x21, v1;
	v16 =	vld.idx.msk [tilespmem:v56+s21+$0x0], $0xffff  }
0x7d3: {  	v18 =	vld.idx.msk [tilespmem:v59+s20+$0x0], $0xffff;
	v2 =	vadd.f32 v3, v2;
	v3 =	vmul.f32 v58, v57  }
0x7d4: {  	v20 =	vor.u32 $0x22, v1;
	v19 =	vld.idx.msk [tilespmem:v59+s21+$0x0], $0xffff  }
0x7d5: {  	v21 =	vld.idx.msk [tilespmem:v62+s20+$0x0], $0xffff;
	v2 =	vadd.f32 v3, v2;
	v3 =	vmul.f32 v61, v60  }
0x7d6: {  	v23 =	vor.u32 $0x23, v1;
	v22 =	vld.idx.msk [tilespmem:v62+s21+$0x0], $0xffff  }
0x7d7: {  	v24 =	vld.idx.msk [tilespmem:v17+s20+$0x0], $0xffff;
	v2 =	vadd.f32 v3, v2;
	v3 =	vmul.f32 v16, v63  }
0x7d8: {  	v26 =	vor.u32 $0x24, v1;
	v25 =	vld.idx.msk [tilespmem:v17+s21+$0x0], $0xffff  }
0x7d9: {  	v27 =	vld.idx.msk [tilespmem:v20+s20+$0x0], $0xffff;
	v2 =	vadd.f32 v3, v2;
	v3 =	vmul.f32 v19, v18  }
0x7da: {  	v29 =	vor.u32 $0x25, v1;
	v28 =	vld.idx.msk [tilespmem:v20+s21+$0x0], $0xffff  }
0x7db: {  	v30 =	vld.idx.msk [tilespmem:v23+s20+$0x0], $0xffff;
	v2 =	vadd.f32 v3, v2;
	v3 =	vmul.f32 v22, v21  }
0x7dc: {  	v32 =	vor.u32 $0x26, v1;
	v31 =	vld.idx.msk [tilespmem:v23+s21+$0x0], $0xffff  }
0x7dd: {  	v33 =	vld.idx.msk [tilespmem:v26+s20+$0x0], $0xffff;
	v2 =	vadd.f32 v3, v2;
	v3 =	vmul.f32 v25, v24  }
0x7de: {  	v35 =	vor.u32 $0x27, v1;
	v34 =	vld.idx.msk [tilespmem:v26+s21+$0x0], $0xffff  }
0x7df: {  	v36 =	vld.idx.msk [tilespmem:v29+s20+$0x0], $0xffff;
	v2 =	vadd.f32 v3, v2;
	v3 =	vmul.f32 v28, v27  }
0x7e0: {  	v38 =	vor.u32 $0x28, v1;
	v37 =	vld.idx.msk [tilespmem:v29+s21+$0x0], $0xffff  }
0x7e1: {  	v39 =	vld.idx.msk [tilespmem:v32+s20+$0x0], $0xffff;
	v2 =	vadd.f32 v3, v2;
	v3 =	vmul.f32 v31, v30  }
0x7e2: {  	v41 =	vor.u32 $0x29, v1;
	v40 =	vld.idx.msk [tilespmem:v32+s21+$0x0], $0xffff  }
0x7e3: {  	v42 =	vld.idx.msk [tilespmem:v35+s20+$0x0], $0xffff;
	v2 =	vadd.f32 v3, v2;
	v3 =	vmul.f32 v34, v33  }
0x7e4: {  	v44 =	vor.u32 $0x2A, v1;
	v43 =	vld.idx.msk [tilespmem:v35+s21+$0x0], $0xffff  }
0x7e5: {  	v45 =	vld.idx.msk [tilespmem:v38+s20+$0x0], $0xffff;
	v2 =	vadd.f32 v3, v2;
	v3 =	vmul.f32 v37, v36  }
0x7e6: {  	v47 =	vor.u32 $0x2B, v1;
	v46 =	vld.idx.msk [tilespmem:v38+s21+$0x0], $0xffff  }
0x7e7: {  	v48 =	vld.idx.msk [tilespmem:v41+s20+$0x0], $0xffff;
	v2 =	vadd.f32 v3, v2;
	v3 =	vmul.f32 v40, v39  }
0x7e8: {  	v50 =	vor.u32 $0x2C, v1;
	v49 =	vld.idx.msk [tilespmem:v41+s21+$0x0], $0xffff  }
0x7e9: {  	v51 =	vld.idx.msk [tilespmem:v44+s20+$0x0], $0xffff;
	v2 =	vadd.f32 v3, v2;
	v3 =	vmul.f32 v43, v42  }
0x7ea: {  	v53 =	vor.u32 $0x2D, v1;
	v52 =	vld.idx.msk [tilespmem:v44+s21+$0x0], $0xffff  }
0x7eb: {  	v54 =	vld.idx.msk [tilespmem:v47+s20+$0x0], $0xffff;
	v2 =	vadd.f32 v3, v2;
	v3 =	vmul.f32 v46, v45  }
0x7ec: {  	v56 =	vor.u32 $0x2E, v1;
	v55 =	vld.idx.msk [tilespmem:v47+s21+$0x0], $0xffff  }
0x7ed: {  	v57 =	vld.idx.msk [tilespmem:v50+s20+$0x0], $0xffff;
	v2 =	vadd.f32 v3, v2;
	v3 =	vmul.f32 v49, v48  }
0x7ee: {  	v59 =	vor.u32 $0x2F, v1;
	v58 =	vld.idx.msk [tilespmem:v50+s21+$0x0], $0xffff  }
0x7ef: {  	v60 =	vld.idx.msk [tilespmem:v53+s20+$0x0], $0xffff;
	v2 =	vadd.f32 v3, v2;
	v3 =	vmul.f32 v52, v51  }
0x7f0: {  	v62 =	vor.u32 $0x30, v1;
	v61 =	vld.idx.msk [tilespmem:v53+s21+$0x0], $0xffff  }
0x7f1: {  	v63 =	vld.idx.msk [tilespmem:v56+s20+$0x0], $0xffff;
	v2 =	vadd.f32 v3, v2;
	v3 =	vmul.f32 v55, v54  }
0x7f2: {  	v17 =	vor.u32 $0x31, v1;
	v16 =	vld.idx.msk [tilespmem:v56+s21+$0x0], $0xffff  }
0x7f3: {  	v18 =	vld.idx.msk [tilespmem:v59+s20+$0x0], $0xffff;
	v2 =	vadd.f32 v3, v2;
	v3 =	vmul.f32 v58, v57  }
0x7f4: {  	v20 =	vor.u32 $0x32, v1;
	v19 =	vld.idx.msk [tilespmem:v59+s21+$0x0], $0xffff  }
0x7f5: {  	v21 =	vld.idx.msk [tilespmem:v62+s20+$0x0], $0xffff;
	v2 =	vadd.f32 v3, v2;
	v3 =	vmul.f32 v61, v60  }
0x7f6: {  	v23 =	vor.u32 $0x33, v1;
	v22 =	vld.idx.msk [tilespmem:v62+s21+$0x0], $0xffff  }
0x7f7: {  	v24 =	vld.idx.msk [tilespmem:v17+s20+$0x0], $0xffff;
	v2 =	vadd.f32 v3, v2;
	v3 =	vmul.f32 v16, v63  }
0x7f8: {  	v26 =	vor.u32 $0x34, v1;
	v25 =	vld.idx.msk [tilespmem:v17+s21+$0x0], $0xffff  }
0x7f9: {  	v27 =	vld.idx.msk [tilespmem:v20+s20+$0x0], $0xffff;
	v2 =	vadd.f32 v3, v2;
	v3 =	vmul.f32 v19, v18  }
0x7fa: {  	v29 =	vor.u32 $0x35, v1;
	v28 =	vld.idx.msk [tilespmem:v20+s21+$0x0], $0xffff  }
0x7fb: {  	v30 =	vld.idx.msk [tilespmem:v23+s20+$0x0], $0xffff;
	v2 =	vadd.f32 v3, v2;
	v3 =	vmul.f32 v22, v21  }
0x7fc: {  	v32 =	vor.u32 $0x36, v1;
	v31 =	vld.idx.msk [tilespmem:v23+s21+$0x0], $0xffff  }
0x7fd: {  	v33 =	vld.idx.msk [tilespmem:v26+s20+$0x0], $0xffff;
	v2 =	vadd.f32 v3, v2;
	v3 =	vmul.f32 v25, v24  }
0x7fe: {  	v35 =	vor.u32 $0x37, v1;
	v34 =	vld.idx.msk [tilespmem:v26+s21+$0x0], $0xffff  }
0x7ff: {  	v36 =	vld.idx.msk [tilespmem:v29+s20+$0x0], $0xffff;
	v2 =	vadd.f32 v3, v2;
	v3 =	vmul.f32 v28, v27  }
0x800: {  	v38 =	vor.u32 $0x38, v1;
	v37 =	vld.idx.msk [tilespmem:v29+s21+$0x0], $0xffff  }
0x801: {  	v39 =	vld.idx.msk [tilespmem:v32+s20+$0x0], $0xffff;
	v2 =	vadd.f32 v3, v2;
	v3 =	vmul.f32 v31, v30  }
0x802: {  	v41 =	vor.u32 $0x39, v1;
	v40 =	vld.idx.msk [tilespmem:v32+s21+$0x0], $0xffff  }
0x803: {  	v42 =	vld.idx.msk [tilespmem:v35+s20+$0x0], $0xffff;
	v2 =	vadd.f32 v3, v2;
	v3 =	vmul.f32 v34, v33  }
0x804: {  	v44 =	vor.u32 $0x3A, v1;
	v43 =	vld.idx.msk [tilespmem:v35+s21+$0x0], $0xffff  }
0x805: {  	v45 =	vld.idx.msk [tilespmem:v38+s20+$0x0], $0xffff;
	v2 =	vadd.f32 v3, v2;
	v3 =	vmul.f32 v37, v36  }
0x806: {  	v47 =	vor.u32 $0x3B, v1;
	v46 =	vld.idx.msk [tilespmem:v38+s21+$0x0], $0xffff  }
0x807: {  	v48 =	vld.idx.msk [tilespmem:v41+s20+$0x0], $0xffff;
	v2 =	vadd.f32 v3, v2;
	v3 =	vmul.f32 v40, v39  }
0x808: {  	v50 =	vor.u32 $0x3C, v1;
	v49 =	vld.idx.msk [tilespmem:v41+s21+$0x0], $0xffff  }
0x809: {  	v51 =	vld.idx.msk [tilespmem:v44+s20+$0x0], $0xffff;
	v2 =	vadd.f32 v3, v2;
	v3 =	vmul.f32 v43, v42  }
0x80a: {  	v53 =	vor.u32 $0x3D, v1;
	v52 =	vld.idx.msk [tilespmem:v44+s21+$0x0], $0xffff  }
0x80b: {  	v54 =	vld.idx.msk [tilespmem:v47+s20+$0x0], $0xffff;
	v2 =	vadd.f32 v3, v2;
	v3 =	vmul.f32 v46, v45  }
0x80c: {  	v56 =	vor.u32 $0x3E, v1;
	v55 =	vld.idx.msk [tilespmem:v47+s21+$0x0], $0xffff  }
0x80d: {  	v57 =	vld.idx.msk [tilespmem:v50+s20+$0x0], $0xffff;
	v2 =	vadd.f32 v3, v2;
	v3 =	vmul.f32 v49, v48  }
0x80e: {  	v59 =	vor.u32 $0x3F, v1;
	v58 =	vld.idx.msk [tilespmem:v50+s21+$0x0], $0xffff  }
0x80f: {  	v60 =	vld.idx.msk [tilespmem:v53+s20+$0x0], $0xffff;
	v2 =	vadd.f32 v3, v2;
	v3 =	vmul.f32 v52, v51  }
0x810: {  	v62 =	vor.u32 $0x40, v1;
	v61 =	vld.idx.msk [tilespmem:v53+s21+$0x0], $0xffff  }
0x811: {  	v63 =	vld.idx.msk [tilespmem:v56+s20+$0x0], $0xffff;
	v2 =	vadd.f32 v3, v2;
	v3 =	vmul.f32 v55, v54  }
0x812: {  	v17 =	vor.u32 $0x41, v1;
	v16 =	vld.idx.msk [tilespmem:v56+s21+$0x0], $0xffff  }
0x813: {  	v18 =	vld.idx.msk [tilespmem:v59+s20+$0x0], $0xffff;
	v2 =	vadd.f32 v3, v2;
	v3 =	vmul.f32 v58, v57  }
0x814: {  	v20 =	vor.u32 $0x42, v1;
	v19 =	vld.idx.msk [tilespmem:v59+s21+$0x0], $0xffff  }
0x815: {  	v21 =	vld.idx.msk [tilespmem:v62+s20+$0x0], $0xffff;
	v2 =	vadd.f32 v3, v2;
	v3 =	vmul.f32 v61, v60  }
0x816: {  	v23 =	vor.u32 $0x43, v1;
	v22 =	vld.idx.msk [tilespmem:v62+s21+$0x0], $0xffff  }
0x817: {  	v24 =	vld.idx.msk [tilespmem:v17+s20+$0x0], $0xffff;
	v2 =	vadd.f32 v3, v2;
	v3 =	vmul.f32 v16, v63  }
0x818: {  	v26 =	vor.u32 $0x44, v1;
	v25 =	vld.idx.msk [tilespmem:v17+s21+$0x0], $0xffff  }
0x819: {  	v27 =	vld.idx.msk [tilespmem:v20+s20+$0x0], $0xffff;
	v2 =	vadd.f32 v3, v2;
	v3 =	vmul.f32 v19, v18  }
0x81a: {  	v29 =	vor.u32 $0x45, v1;
	v28 =	vld.idx.msk [tilespmem:v20+s21+$0x0], $0xffff  }
0x81b: {  	v30 =	vld.idx.msk [tilespmem:v23+s20+$0x0], $0xffff;
	v2 =	vadd.f32 v3, v2;
	v3 =	vmul.f32 v22, v21  }
0x81c: {  	v32 =	vor.u32 $0x46, v1;
	v31 =	vld.idx.msk [tilespmem:v23+s21+$0x0], $0xffff  }
0x81d: {  	v33 =	vld.idx.msk [tilespmem:v26+s20+$0x0], $0xffff;
	v2 =	vadd.f32 v3, v2;
	v3 =	vmul.f32 v25, v24  }
0x81e: {  	v35 =	vor.u32 $0x47, v1;
	v34 =	vld.idx.msk [tilespmem:v26+s21+$0x0], $0xffff  }
0x81f: {  	v36 =	vld.idx.msk [tilespmem:v29+s20+$0x0], $0xffff;
	v2 =	vadd.f32 v3, v2;
	v3 =	vmul.f32 v28, v27  }
0x820: {  	v38 =	vor.u32 $0x48, v1;
	v37 =	vld.idx.msk [tilespmem:v29+s21+$0x0], $0xffff  }
0x821: {  	v39 =	vld.idx.msk [tilespmem:v32+s20+$0x0], $0xffff;
	v2 =	vadd.f32 v3, v2;
	v3 =	vmul.f32 v31, v30  }
0x822: {  	v41 =	vor.u32 $0x49, v1;
	v40 =	vld.idx.msk [tilespmem:v32+s21+$0x0], $0xffff  }
0x823: {  	v42 =	vld.idx.msk [tilespmem:v35+s20+$0x0], $0xffff;
	v2 =	vadd.f32 v3, v2;
	v3 =	vmul.f32 v34, v33  }
0x824: {  	v44 =	vor.u32 $0x4A, v1;
	v43 =	vld.idx.msk [tilespmem:v35+s21+$0x0], $0xffff  }
0x825: {  	v45 =	vld.idx.msk [tilespmem:v38+s20+$0x0], $0xffff;
	v2 =	vadd.f32 v3, v2;
	v3 =	vmul.f32 v37, v36  }
0x826: {  	v47 =	vor.u32 $0x4B, v1;
	v46 =	vld.idx.msk [tilespmem:v38+s21+$0x0], $0xffff  }
0x827: {  	v48 =	vld.idx.msk [tilespmem:v41+s20+$0x0], $0xffff;
	v2 =	vadd.f32 v3, v2;
	v3 =	vmul.f32 v40, v39  }
0x828: {  	v50 =	vor.u32 $0x4C, v1;
	v49 =	vld.idx.msk [tilespmem:v41+s21+$0x0], $0xffff  }
0x829: {  	v51 =	vld.idx.msk [tilespmem:v44+s20+$0x0], $0xffff;
	v2 =	vadd.f32 v3, v2;
	v3 =	vmul.f32 v43, v42  }
0x82a: {  	v53 =	vor.u32 $0x4D, v1;
	v52 =	vld.idx.msk [tilespmem:v44+s21+$0x0], $0xffff  }
0x82b: {  	v54 =	vld.idx.msk [tilespmem:v47+s20+$0x0], $0xffff;
	v2 =	vadd.f32 v3, v2;
	v3 =	vmul.f32 v46, v45  }
0x82c: {  	v56 =	vor.u32 $0x4E, v1;
	v55 =	vld.idx.msk [tilespmem:v47+s21+$0x0], $0xffff  }
0x82d: {  	v57 =	vld.idx.msk [tilespmem:v50+s20+$0x0], $0xffff;
	v2 =	vadd.f32 v3, v2;
	v3 =	vmul.f32 v49, v48  }
0x82e: {  	v59 =	vor.u32 $0x4F, v1;
	v58 =	vld.idx.msk [tilespmem:v50+s21+$0x0], $0xffff  }
0x82f: {  	v60 =	vld.idx.msk [tilespmem:v53+s20+$0x0], $0xffff;
	v2 =	vadd.f32 v3, v2;
	v3 =	vmul.f32 v52, v51  }
0x830: {  	v62 =	vor.u32 $0x50, v1;
	v61 =	vld.idx.msk [tilespmem:v53+s21+$0x0], $0xffff  }
0x831: {  	v63 =	vld.idx.msk [tilespmem:v56+s20+$0x0], $0xffff;
	v2 =	vadd.f32 v3, v2;
	v3 =	vmul.f32 v55, v54  }
0x832: {  	v17 =	vor.u32 $0x51, v1;
	v16 =	vld.idx.msk [tilespmem:v56+s21+$0x0], $0xffff  }
0x833: {  	v18 =	vld.idx.msk [tilespmem:v59+s20+$0x0], $0xffff;
	v2 =	vadd.f32 v3, v2;
	v3 =	vmul.f32 v58, v57  }
0x834: {  	v20 =	vor.u32 $0x52, v1;
	v19 =	vld.idx.msk [tilespmem:v59+s21+$0x0], $0xffff  }
0x835: {  	v21 =	vld.idx.msk [tilespmem:v62+s20+$0x0], $0xffff;
	v2 =	vadd.f32 v3, v2;
	v3 =	vmul.f32 v61, v60  }
0x836: {  	v23 =	vor.u32 $0x53, v1;
	v22 =	vld.idx.msk [tilespmem:v62+s21+$0x0], $0xffff  }
0x837: {  	v24 =	vld.idx.msk [tilespmem:v17+s20+$0x0], $0xffff;
	v2 =	vadd.f32 v3, v2;
	v3 =	vmul.f32 v16, v63  }
0x838: {  	v26 =	vor.u32 $0x54, v1;
	v25 =	vld.idx.msk [tilespmem:v17+s21+$0x0], $0xffff  }
0x839: {  	v27 =	vld.idx.msk [tilespmem:v20+s20+$0x0], $0xffff;
	v2 =	vadd.f32 v3, v2;
	v3 =	vmul.f32 v19, v18  }
0x83a: {  	v29 =	vor.u32 $0x55, v1;
	v28 =	vld.idx.msk [tilespmem:v20+s21+$0x0], $0xffff  }
0x83b: {  	v30 =	vld.idx.msk [tilespmem:v23+s20+$0x0], $0xffff;
	v2 =	vadd.f32 v3, v2;
	v3 =	vmul.f32 v22, v21  }
0x83c: {  	v32 =	vor.u32 $0x56, v1;
	v31 =	vld.idx.msk [tilespmem:v23+s21+$0x0], $0xffff  }
0x83d: {  	v33 =	vld.idx.msk [tilespmem:v26+s20+$0x0], $0xffff;
	v2 =	vadd.f32 v3, v2;
	v3 =	vmul.f32 v25, v24  }
0x83e: {  	v35 =	vor.u32 $0x57, v1;
	v34 =	vld.idx.msk [tilespmem:v26+s21+$0x0], $0xffff  }
0x83f: {  	v36 =	vld.idx.msk [tilespmem:v29+s20+$0x0], $0xffff;
	v2 =	vadd.f32 v3, v2;
	v3 =	vmul.f32 v28, v27  }
0x840: {  	v38 =	vor.u32 $0x58, v1;
	v37 =	vld.idx.msk [tilespmem:v29+s21+$0x0], $0xffff  }
0x841: {  	v39 =	vld.idx.msk [tilespmem:v32+s20+$0x0], $0xffff;
	v2 =	vadd.f32 v3, v2;
	v3 =	vmul.f32 v31, v30  }
0x842: {  	v41 =	vor.u32 $0x59, v1;
	v40 =	vld.idx.msk [tilespmem:v32+s21+$0x0], $0xffff  }
0x843: {  	v42 =	vld.idx.msk [tilespmem:v35+s20+$0x0], $0xffff;
	v2 =	vadd.f32 v3, v2;
	v3 =	vmul.f32 v34, v33  }
0x844: {  	v44 =	vor.u32 $0x5A, v1;
	v43 =	vld.idx.msk [tilespmem:v35+s21+$0x0], $0xffff  }
0x845: {  	v45 =	vld.idx.msk [tilespmem:v38+s20+$0x0], $0xffff;
	v2 =	vadd.f32 v3, v2;
	v3 =	vmul.f32 v37, v36  }
0x846: {  	v47 =	vor.u32 $0x5B, v1;
	v46 =	vld.idx.msk [tilespmem:v38+s21+$0x0], $0xffff  }
0x847: {  	v48 =	vld.idx.msk [tilespmem:v41+s20+$0x0], $0xffff;
	v2 =	vadd.f32 v3, v2;
	v3 =	vmul.f32 v40, v39  }
0x848: {  	v50 =	vor.u32 $0x5C, v1;
	v49 =	vld.idx.msk [tilespmem:v41+s21+$0x0], $0xffff  }
0x849: {  	v51 =	vld.idx.msk [tilespmem:v44+s20+$0x0], $0xffff;
	v2 =	vadd.f32 v3, v2;
	v3 =	vmul.f32 v43, v42  }
0x84a: {  	v53 =	vor.u32 $0x5D, v1;
	v52 =	vld.idx.msk [tilespmem:v44+s21+$0x0], $0xffff  }
0x84b: {  	v54 =	vld.idx.msk [tilespmem:v47+s20+$0x0], $0xffff;
	v2 =	vadd.f32 v3, v2;
	v3 =	vmul.f32 v46, v45  }
0x84c: {  	v56 =	vor.u32 $0x5E, v1;
	v55 =	vld.idx.msk [tilespmem:v47+s21+$0x0], $0xffff  }
0x84d: {  	v57 =	vld.idx.msk [tilespmem:v50+s20+$0x0], $0xffff;
	v2 =	vadd.f32 v3, v2;
	v3 =	vmul.f32 v49, v48  }
0x84e: {  	v59 =	vor.u32 $0x5F, v1;
	v58 =	vld.idx.msk [tilespmem:v50+s21+$0x0], $0xffff  }
0x84f: {  	v60 =	vld.idx.msk [tilespmem:v53+s20+$0x0], $0xffff;
	v2 =	vadd.f32 v3, v2;
	v3 =	vmul.f32 v52, v51  }
0x850: {  	v62 =	vor.u32 $0x60, v1;
	v61 =	vld.idx.msk [tilespmem:v53+s21+$0x0], $0xffff  }
0x851: {  	v63 =	vld.idx.msk [tilespmem:v56+s20+$0x0], $0xffff;
	v2 =	vadd.f32 v3, v2;
	v3 =	vmul.f32 v55, v54  }
0x852: {  	v17 =	vor.u32 $0x61, v1;
	v16 =	vld.idx.msk [tilespmem:v56+s21+$0x0], $0xffff  }
0x853: {  	v18 =	vld.idx.msk [tilespmem:v59+s20+$0x0], $0xffff;
	v2 =	vadd.f32 v3, v2;
	v3 =	vmul.f32 v58, v57  }
0x854: {  	v20 =	vor.u32 $0x62, v1;
	v19 =	vld.idx.msk [tilespmem:v59+s21+$0x0], $0xffff  }
0x855: {  	v21 =	vld.idx.msk [tilespmem:v62+s20+$0x0], $0xffff;
	v2 =	vadd.f32 v3, v2;
	v3 =	vmul.f32 v61, v60  }
0x856: {  	v23 =	vor.u32 $0x63, v1;
	v22 =	vld.idx.msk [tilespmem:v62+s21+$0x0], $0xffff  }
0x857: {  	v24 =	vld.idx.msk [tilespmem:v17+s20+$0x0], $0xffff;
	v2 =	vadd.f32 v3, v2;
	v3 =	vmul.f32 v16, v63  }
0x858: {  	v26 =	vor.u32 $0x64, v1;
	v25 =	vld.idx.msk [tilespmem:v17+s21+$0x0], $0xffff  }
0x859: {  	v27 =	vld.idx.msk [tilespmem:v20+s20+$0x0], $0xffff;
	v2 =	vadd.f32 v3, v2;
	v3 =	vmul.f32 v19, v18  }
0x85a: {  	v29 =	vor.u32 $0x65, v1;
	v28 =	vld.idx.msk [tilespmem:v20+s21+$0x0], $0xffff  }
0x85b: {  	v30 =	vld.idx.msk [tilespmem:v23+s20+$0x0], $0xffff;
	v2 =	vadd.f32 v3, v2;
	v3 =	vmul.f32 v22, v21  }
0x85c: {  	v32 =	vor.u32 $0x66, v1;
	v31 =	vld.idx.msk [tilespmem:v23+s21+$0x0], $0xffff  }
0x85d: {  	v33 =	vld.idx.msk [tilespmem:v26+s20+$0x0], $0xffff;
	v2 =	vadd.f32 v3, v2;
	v3 =	vmul.f32 v25, v24  }
0x85e: {  	v35 =	vor.u32 $0x67, v1;
	v34 =	vld.idx.msk [tilespmem:v26+s21+$0x0], $0xffff  }
0x85f: {  	v36 =	vld.idx.msk [tilespmem:v29+s20+$0x0], $0xffff;
	v2 =	vadd.f32 v3, v2;
	v3 =	vmul.f32 v28, v27  }
0x860: {  	v38 =	vor.u32 $0x68, v1;
	v37 =	vld.idx.msk [tilespmem:v29+s21+$0x0], $0xffff  }
0x861: {  	v39 =	vld.idx.msk [tilespmem:v32+s20+$0x0], $0xffff;
	v2 =	vadd.f32 v3, v2;
	v3 =	vmul.f32 v31, v30  }
0x862: {  	v41 =	vor.u32 $0x69, v1;
	v40 =	vld.idx.msk [tilespmem:v32+s21+$0x0], $0xffff  }
0x863: {  	v42 =	vld.idx.msk [tilespmem:v35+s20+$0x0], $0xffff;
	v2 =	vadd.f32 v3, v2;
	v3 =	vmul.f32 v34, v33  }
0x864: {  	v44 =	vor.u32 $0x6A, v1;
	v43 =	vld.idx.msk [tilespmem:v35+s21+$0x0], $0xffff  }
0x865: {  	v45 =	vld.idx.msk [tilespmem:v38+s20+$0x0], $0xffff;
	v2 =	vadd.f32 v3, v2;
	v3 =	vmul.f32 v37, v36  }
0x866: {  	v47 =	vor.u32 $0x6B, v1;
	v46 =	vld.idx.msk [tilespmem:v38+s21+$0x0], $0xffff  }
0x867: {  	v48 =	vld.idx.msk [tilespmem:v41+s20+$0x0], $0xffff;
	v2 =	vadd.f32 v3, v2;
	v3 =	vmul.f32 v40, v39  }
0x868: {  	v50 =	vor.u32 $0x6C, v1;
	v49 =	vld.idx.msk [tilespmem:v41+s21+$0x0], $0xffff  }
0x869: {  	v51 =	vld.idx.msk [tilespmem:v44+s20+$0x0], $0xffff;
	v2 =	vadd.f32 v3, v2;
	v3 =	vmul.f32 v43, v42  }
0x86a: {  	v53 =	vor.u32 $0x6D, v1;
	v52 =	vld.idx.msk [tilespmem:v44+s21+$0x0], $0xffff  }
0x86b: {  	v54 =	vld.idx.msk [tilespmem:v47+s20+$0x0], $0xffff;
	v2 =	vadd.f32 v3, v2;
	v3 =	vmul.f32 v46, v45  }
0x86c: {  	v56 =	vor.u32 $0x6E, v1;
	v55 =	vld.idx.msk [tilespmem:v47+s21+$0x0], $0xffff  }
0x86d: {  	v57 =	vld.idx.msk [tilespmem:v50+s20+$0x0], $0xffff;
	v2 =	vadd.f32 v3, v2;
	v3 =	vmul.f32 v49, v48  }
0x86e: {  	v59 =	vor.u32 $0x6F, v1;
	v58 =	vld.idx.msk [tilespmem:v50+s21+$0x0], $0xffff  }
0x86f: {  	v60 =	vld.idx.msk [tilespmem:v53+s20+$0x0], $0xffff;
	v2 =	vadd.f32 v3, v2;
	v3 =	vmul.f32 v52, v51  }
0x870: {  	v62 =	vor.u32 $0x70, v1;
	v61 =	vld.idx.msk [tilespmem:v53+s21+$0x0], $0xffff  }
0x871: {  	v63 =	vld.idx.msk [tilespmem:v56+s20+$0x0], $0xffff;
	v2 =	vadd.f32 v3, v2;
	v3 =	vmul.f32 v55, v54  }
0x872: {  	v17 =	vor.u32 $0x71, v1;
	v16 =	vld.idx.msk [tilespmem:v56+s21+$0x0], $0xffff  }
0x873: {  	v18 =	vld.idx.msk [tilespmem:v59+s20+$0x0], $0xffff;
	v2 =	vadd.f32 v3, v2;
	v3 =	vmul.f32 v58, v57  }
0x874: {  	v20 =	vor.u32 $0x72, v1;
	v19 =	vld.idx.msk [tilespmem:v59+s21+$0x0], $0xffff  }
0x875: {  	v21 =	vld.idx.msk [tilespmem:v62+s20+$0x0], $0xffff;
	v2 =	vadd.f32 v3, v2;
	v3 =	vmul.f32 v61, v60  }
0x876: {  	v23 =	vor.u32 $0x73, v1;
	v22 =	vld.idx.msk [tilespmem:v62+s21+$0x0], $0xffff  }
0x877: {  	v24 =	vld.idx.msk [tilespmem:v17+s20+$0x0], $0xffff;
	v2 =	vadd.f32 v3, v2;
	v3 =	vmul.f32 v16, v63  }
0x878: {  	v26 =	vor.u32 $0x74, v1;
	v25 =	vld.idx.msk [tilespmem:v17+s21+$0x0], $0xffff  }
0x879: {  	v27 =	vld.idx.msk [tilespmem:v20+s20+$0x0], $0xffff;
	v2 =	vadd.f32 v3, v2;
	v3 =	vmul.f32 v19, v18  }
0x87a: {  	v29 =	vor.u32 $0x75, v1;
	v28 =	vld.idx.msk [tilespmem:v20+s21+$0x0], $0xffff  }
0x87b: {  	v30 =	vld.idx.msk [tilespmem:v23+s20+$0x0], $0xffff;
	v2 =	vadd.f32 v3, v2;
	v3 =	vmul.f32 v22, v21  }
0x87c: {  	v32 =	vor.u32 $0x76, v1;
	v31 =	vld.idx.msk [tilespmem:v23+s21+$0x0], $0xffff  }
0x87d: {  	v33 =	vld.idx.msk [tilespmem:v26+s20+$0x0], $0xffff;
	v2 =	vadd.f32 v3, v2;
	v3 =	vmul.f32 v25, v24  }
0x87e: {  	v35 =	vor.u32 $0x77, v1;
	v34 =	vld.idx.msk [tilespmem:v26+s21+$0x0], $0xffff  }
0x87f: {  	v36 =	vld.idx.msk [tilespmem:v29+s20+$0x0], $0xffff;
	v2 =	vadd.f32 v3, v2;
	v3 =	vmul.f32 v28, v27  }
0x880: {  	v38 =	vor.u32 $0x78, v1;
	v37 =	vld.idx.msk [tilespmem:v29+s21+$0x0], $0xffff  }
0x881: {  	v39 =	vld.idx.msk [tilespmem:v32+s20+$0x0], $0xffff;
	v2 =	vadd.f32 v3, v2;
	v3 =	vmul.f32 v31, v30  }
0x882: {  	v41 =	vor.u32 $0x79, v1;
	v40 =	vld.idx.msk [tilespmem:v32+s21+$0x0], $0xffff  }
0x883: {  	v42 =	vld.idx.msk [tilespmem:v35+s20+$0x0], $0xffff;
	v2 =	vadd.f32 v3, v2;
	v3 =	vmul.f32 v34, v33  }
0x884: {  	v44 =	vor.u32 $0x7A, v1;
	v43 =	vld.idx.msk [tilespmem:v35+s21+$0x0], $0xffff  }
0x885: {  	v45 =	vld.idx.msk [tilespmem:v38+s20+$0x0], $0xffff;
	v2 =	vadd.f32 v3, v2;
	v3 =	vmul.f32 v37, v36  }
0x886: {  	v47 =	vor.u32 $0x7B, v1;
	v46 =	vld.idx.msk [tilespmem:v38+s21+$0x0], $0xffff  }
0x887: {  	v48 =	vld.idx.msk [tilespmem:v41+s20+$0x0], $0xffff;
	v2 =	vadd.f32 v3, v2;
	v3 =	vmul.f32 v40, v39  }
0x888: {  	v50 =	vor.u32 $0x7C, v1;
	v49 =	vld.idx.msk [tilespmem:v41+s21+$0x0], $0xffff  }
0x889: {  	v51 =	vld.idx.msk [tilespmem:v44+s20+$0x0], $0xffff;
	v2 =	vadd.f32 v3, v2;
	v3 =	vmul.f32 v43, v42  }
0x88a: {  	v53 =	vor.u32 $0x7D, v1;
	v52 =	vld.idx.msk [tilespmem:v44+s21+$0x0], $0xffff  }
0x88b: {  	v54 =	vld.idx.msk [tilespmem:v47+s20+$0x0], $0xffff;
	v2 =	vadd.f32 v3, v2;
	v3 =	vmul.f32 v46, v45  }
0x88c: {  	v56 =	vor.u32 $0x7E, v1;
	v55 =	vld.idx.msk [tilespmem:v47+s21+$0x0], $0xffff  }
0x88d: {  	v57 =	vld.idx.msk [tilespmem:v50+s20+$0x0], $0xffff;
	v2 =	vadd.f32 v3, v2;
	v3 =	vmul.f32 v49, v48  }
0x88e: {  	v1 =	vor.u32 $0x7F, v1;
	v58 =	vld.idx.msk [tilespmem:v50+s21+$0x0], $0xffff  }
0x88f: {  	v59 =	vld.idx.msk [tilespmem:v53+s20+$0x0], $0xffff;
	v2 =	vadd.f32 v3, v2;
	v3 =	vmul.f32 v52, v51  }
0x890: {  	v60 =	vld.idx.msk [tilespmem:v53+s21+$0x0], $0xffff  }
0x891: {  	v62 =	vld.idx.msk [tilespmem:v56+s21+$0x0], $0xffff;
	v2 =	vadd.f32 v3, v2;
	v3 =	vmul.f32 v55, v54  }
0x892: {  	v61 =	vld.idx.msk [tilespmem:v56+s20+$0x0], $0xffff  }
0x893: {  	v63 =	vld.idx.msk [tilespmem:v1+s20+$0x0], $0xffff;
	v2 =	vadd.f32 v3, v2;
	v3 =	vmul.f32 v58, v57  }
0x894: {  	v1 =	vld.idx.msk [tilespmem:v1+s21+$0x0], $0xffff  }
0x895: {  	v2 =	vadd.f32 v3, v2;
	v3 =	vmul.f32 v60, v59;
	_ =	sdelay $0x1  }
0x896: {  	v2 =	vadd.f32 v3, v2;
	v3 =	vmul.f32 v62, v61;
	_ =	sdelay $0x1  }
0x897: {  	v1 =	vmul.f32 v1, v63;
	v2 =	vadd.f32 v3, v2;
	_ =	sdelay $0x1  }
0x898: {  	s24 =	sshll.u32 s24, $0x4;
	v1 =	vadd.f32 v1, v2  }
0x899: {  	s24 =	sand.u32 $0xFF80, s24;
	s25 =	sadd.s32 $0x10, s25  }
.Ltmp10:
0x89a: {  	s24 =	sadd.s32 s24, s10;
	[tilespmem:s25+$0x0] =	vst v1;
	(pc) =	sbr.rel .LBB2_11-.Ltmp10, $4  }
0x89b: {  	[hbm4b:s24+s4] =	stream.linear.scatter [tilespmem:s17], [sflag:$0x3], $0x80, $0x38;
	[tilespmem:$0x10280] =	vst v63  }
0x89c: {  	_ =	swait.ge [sflag:s12], $0x80  }
0x89d: {  	[sflag:s12] =	ssyncset.done $0x0  }
0x89e: {  	[sflag:s12] =	ssyncadd.s32 $0xFFFFFF80  }
.LBB2_13:
0x89f: {  	_ =	sfence.sel $0x180000  }
0x8a0: {  	[bflag:$0x0] =	sbarrier.arrive $0xFFFF  }
0x8a1: {  	p0 =	sne.s32 s2, $0x0;
	_ =	strace $0x90000047  }
0x8a2: {  	s0 =	sadd.s32 @!p0 $0x100000, s0;
	[bflag:$0x2] =	sbarrier.arrive $0xFFFF  }
0x8a3: {  	[sflag:s0] =	ssyncadd.tile.s32 @!p0 $0x1;
	_ =	shalt  }
.Lfunc_end2:
_tile_overlayer_lowered:
.L_overlay_start_2:
0x8a4: {  	(tag) =	ssettag $0x2  }
0x8a5: {  	s0 =	rddreg [dreg:$0x0];
	s2 =	stileid.u32  }
0x8a6: {  	s1 =	rddreg [dreg:$0x1];
	p0 =	sne.s32 s2, $0x0  }
0x8a7: {  	s3 =	rddreg [dreg:$0x2];
	[bflag:$0x3] =	sbarrier.arrive $0xFFFF;
	s2 =	simm.s32 @!p0 $0x1C03  }
0x8a8: {  	[timem:s3], [sflag:s2] =	dma.local @!p0 [hbm:s0], s1  }
0x8a9: {  	s0 =	simm.s32 @!p0 $0x3  }
0x8aa: {  	_ =	swait.ge @!p0 [sflag:s0], s1  }
0x8ab: {  	s1 =	ssub.s32 @!p0 $0x0, s1;
	[sflag:s0] =	ssyncset.done @!p0 $0x0  }
0x8ac: {  	[sflag:s0] =	ssyncadd.s32 @!p0 s1  }
0x8ad: {  	[bflag:$0x3] =	sbarrier.arrive $0xFFFF  }
0x8ae: {  	_ =	shalt  }

</sc_bundles>
